<compile_context>
chip_gen: v7x
topology: tpu7x:2x2x1
jax: 0.10.2.dev20260603
libtpu: 0.0.44.dev20260713+nightly
codegen_flags: <defaults>
</compile_context>

<pallas_src>
import functools

import jax
import jax.numpy as jnp
from jax import lax
from jax.experimental import pallas as pl
from jax.experimental.pallas import tpu as pltpu
from jax.experimental.pallas import tpu_sc as plsc

NUM_EXPERTS = 8
TOP_K = 2
D_MODEL = 1024
D_FF = 512
T = 2048

BT = 256
BM = 256
CAP = 6144
NB = CAP // BM
NW = 32
GPW = CAP // NW
GCH = 32
TPW = T // NW


def _router_body(x_ref, gate_ref, e0_ref, e1_ref, r0_ref, r1_ref,
                 w0_ref, w1_ref, cnt_ref, run_ref):
    i = pl.program_id(0)
    x = x_ref[...]

    logits = jnp.dot(x, gate_ref[...], preferred_element_type=jnp.float32)
    m = jnp.max(logits, axis=-1, keepdims=True)
    ex = jnp.exp(logits - m)
    probs = ex / jnp.sum(ex, axis=-1, keepdims=True)

    idx = lax.broadcasted_iota(jnp.int32, probs.shape, 1)
    m1 = jnp.max(probs, axis=-1, keepdims=True)
    i1 = jnp.min(jnp.where(probs == m1, idx, NUM_EXPERTS), axis=-1, keepdims=True)
    probs2 = jnp.where(idx == i1, -jnp.inf, probs)
    m2 = jnp.max(probs2, axis=-1, keepdims=True)
    i2 = jnp.min(jnp.where(probs2 == m2, idx, NUM_EXPERTS), axis=-1, keepdims=True)

    e0_ref[...] = i1
    e1_ref[...] = i2
    w0_ref[...] = m1
    w1_ref[...] = m2

    lane = lax.broadcasted_iota(jnp.int32, (BT, 128), 1)
    onehot0 = (lane == i1).astype(jnp.float32)
    onehot1 = (lane == i2).astype(jnp.float32)
    mm = onehot0 + onehot1

    row = lax.broadcasted_iota(jnp.int32, (BT, BT), 0)
    col = lax.broadcasted_iota(jnp.int32, (BT, BT), 1)
    tril = (col < row).astype(jnp.float32)
    c_in = jnp.dot(tril, mm, preferred_element_type=jnp.float32)

    @pl.when(i == 0)
    def _():
        run_ref[...] = jnp.zeros((1, 128), jnp.float32)

    ctot = c_in + run_ref[...]
    r0_ref[...] = jnp.sum(jnp.where(onehot0 > 0, ctot, 0.0),
                          axis=1, keepdims=True).astype(jnp.int32)
    r1_ref[...] = jnp.sum(jnp.where(onehot1 > 0, ctot, 0.0),
                          axis=1, keepdims=True).astype(jnp.int32)

    new_run = run_ref[...] + jnp.sum(mm, axis=0, keepdims=True)
    run_ref[...] = new_run
    cnt_ref[...] = new_run.astype(jnp.int32)


def _router(hidden_states, gate_w):
    nT = T // BT
    out_shapes = [
        jax.ShapeDtypeStruct((T, 1), jnp.int32),
        jax.ShapeDtypeStruct((T, 1), jnp.int32),
        jax.ShapeDtypeStruct((T, 1), jnp.int32),
        jax.ShapeDtypeStruct((T, 1), jnp.int32),
        jax.ShapeDtypeStruct((T, 1), jnp.float32),
        jax.ShapeDtypeStruct((T, 1), jnp.float32),
        jax.ShapeDtypeStruct((1, 128), jnp.int32),
    ]
    tok_spec = pl.BlockSpec((BT, 1), lambda i: (i, 0))
    return pl.pallas_call(
        _router_body,
        grid=(nT,),
        in_specs=[
            pl.BlockSpec((BT, D_MODEL), lambda i: (i, 0)),
            pl.BlockSpec((D_MODEL, NUM_EXPERTS), lambda i: (0, 0)),
        ],
        out_specs=[tok_spec, tok_spec, tok_spec, tok_spec, tok_spec, tok_spec,
                   pl.BlockSpec((1, 128), lambda i: (0, 0))],
        out_shape=out_shapes,
        scratch_shapes=[pltpu.VMEM((1, 128), jnp.float32)],
        compiler_params=pltpu.CompilerParams(
            dimension_semantics=("arbitrary",),
        ),
    )(hidden_states, gate_w)


def _meta_body(cnt_ref, e0_ref, e1_ref, r0_ref, r1_ref, w0_ref, w1_ref,
               pos0_ref, pos1_ref, blk_ref, tok_ref, wl_ref):
    b = pl.program_id(0)

    lane1 = lax.broadcasted_iota(jnp.int32, (1, 128), 1)
    cnt = jnp.where(lane1 < NUM_EXPERTS,
                    cnt_ref[...].astype(jnp.float32), 0.0)
    pc = jnp.ceil(cnt * (1.0 / BM)) * BM

    r_i = lax.broadcasted_iota(jnp.int32, (128, 128), 0)
    c_i = lax.broadcasted_iota(jnp.int32, (128, 128), 1)
    ut = (r_i < c_i).astype(jnp.float32)
    offs = jnp.dot(pc, ut, preferred_element_type=jnp.float32)
    ends = offs + pc

    sub = lax.broadcasted_iota(jnp.int32, (128, 128), 0)
    ends_b = jnp.broadcast_to(ends, (128, 128))
    lane2 = lax.broadcasted_iota(jnp.int32, (128, 128), 1)
    cmp = ((ends_b <= (sub * BM).astype(jnp.float32)) &
           (lane2 < NUM_EXPERTS)).astype(jnp.int32)
    blk_ref[...] = jnp.minimum(jnp.sum(cmp, axis=1, keepdims=True),
                               NUM_EXPERTS - 1)

    e0 = e0_ref[...]
    e1 = e1_ref[...]
    lane_t = lax.broadcasted_iota(jnp.int32, (T, 128), 1)
    oh0 = (lane_t == e0).astype(jnp.float32)
    oh1 = (lane_t == e1).astype(jnp.float32)
    pos0 = jnp.sum(oh0 * offs, axis=1, keepdims=True).astype(jnp.int32) + r0_ref[...]
    pos1 = jnp.sum(oh1 * offs, axis=1, keepdims=True).astype(jnp.int32) + r1_ref[...]
    pos0_ref[...] = pos0
    pos1_ref[...] = pos1

    col = lax.broadcasted_iota(jnp.int32, (T, BM), 1) + b * BM
    p0 = (jnp.broadcast_to(pos0, (T, BM)) == col).astype(jnp.float32)
    p1 = (jnp.broadcast_to(pos1, (T, BM)) == col).astype(jnp.float32)
    tv = lax.broadcasted_iota(jnp.int32, (T, 1), 0).astype(jnp.float32)
    dn = (((0,), (0,)), ((), ()))
    tok = lax.dot_general(p0 + p1, tv, dn,
                          preferred_element_type=jnp.float32)
    tok_ref[...] = tok.astype(jnp.int32)
    wl_ref[...] = (
        lax.dot_general(p0, w0_ref[...], dn, preferred_element_type=jnp.float32)
        + lax.dot_general(p1, w1_ref[...], dn, preferred_element_type=jnp.float32))


def _meta(counts, e0, e1, r0, r1, w0, w1):
    full = pl.BlockSpec((T, 1), lambda b: (0, 0))
    return pl.pallas_call(
        _meta_body,
        grid=(NB,),
        in_specs=[pl.BlockSpec((1, 128), lambda b: (0, 0)),
                  full, full, full, full, full, full],
        out_specs=[
            pl.BlockSpec((T, 1), lambda b: (0, 0)),
            pl.BlockSpec((T, 1), lambda b: (0, 0)),
            pl.BlockSpec((128, 1), lambda b: (0, 0)),
            pl.BlockSpec((BM, 1), lambda b: (b, 0)),
            pl.BlockSpec((BM, 1), lambda b: (b, 0)),
        ],
        out_shape=[
            jax.ShapeDtypeStruct((T, 1), jnp.int32),
            jax.ShapeDtypeStruct((T, 1), jnp.int32),
            jax.ShapeDtypeStruct((128, 1), jnp.int32),
            jax.ShapeDtypeStruct((CAP, 1), jnp.int32),
            jax.ShapeDtypeStruct((CAP, 1), jnp.float32),
        ],
        compiler_params=pltpu.CompilerParams(
            dimension_semantics=("arbitrary",),
        ),
    )(counts, e0, e1, r0, r1, w0, w1)


def _sc_gather_body(tok_h, x_h, xs_h, idx0_v, idx1_v, rows0_v, rows1_v,
                    sem0, sem1):
    wid = lax.axis_index("s") * 2 + lax.axis_index("c")
    base = wid * GPW
    idx = (idx0_v, idx1_v)
    rows = (rows0_v, rows1_v)
    sems = (sem0, sem1)
    nch = GPW // GCH
    cps = [None, None]
    for ch in range(nch):
        cur = ch % 2
        b = base + ch * GCH
        pltpu.sync_copy(tok_h.at[pl.ds(b, GCH)], idx[cur])
        cps[cur] = pltpu.async_copy(x_h.at[idx[cur]], rows[cur], sems[cur])
        if ch > 0:
            prev = 1 - cur
            cps[prev].wait()
            pltpu.sync_copy(rows[prev],
                            xs_h.at[pl.ds(base + (ch - 1) * GCH, GCH)])
    last = (nch - 1) % 2
    cps[last].wait()
    pltpu.sync_copy(rows[last], xs_h.at[pl.ds(base + (nch - 1) * GCH, GCH)])


def _sc_gather(tok, x):
    mesh = plsc.VectorSubcoreMesh(core_axis_name="c", subcore_axis_name="s")
    k = functools.partial(
        pl.kernel,
        mesh=mesh,
        out_type=jax.ShapeDtypeStruct((CAP, D_MODEL), jnp.float32),
        scratch_types=[
            pltpu.VMEM((GCH,), jnp.int32),
            pltpu.VMEM((GCH,), jnp.int32),
            pltpu.VMEM((GCH, D_MODEL), jnp.float32),
            pltpu.VMEM((GCH, D_MODEL), jnp.float32),
            pltpu.SemaphoreType.DMA,
            pltpu.SemaphoreType.DMA,
        ],
        compiler_params=pltpu.CompilerParams(needs_layout_passes=False),
    )(_sc_gather_body)
    return k(tok, x)


def _ffn_body(blk_ref, xs_ref, wl_ref, wgu_ref, wdn_ref, ys_ref):
    xb = xs_ref[...].astype(jnp.bfloat16)
    gu = jnp.dot(xb, wgu_ref[0], preferred_element_type=jnp.float32)
    g = gu[:, :D_FF]
    u = gu[:, D_FF:]
    act = (g * lax.logistic(g)) * u * wl_ref[...]
    ys_ref[...] = jnp.dot(act.astype(jnp.bfloat16), wdn_ref[0],
                          preferred_element_type=jnp.float32)


def _grouped_ffn(blk_e, xs2d, wl2d, wgu, wdn):
    grid_spec = pltpu.PrefetchScalarGridSpec(
        num_scalar_prefetch=1,
        grid=(NB,),
        in_specs=[
            pl.BlockSpec((BM, D_MODEL), lambda b, be: (b, 0)),
            pl.BlockSpec((BM, 1), lambda b, be: (b, 0)),
            pl.BlockSpec((1, D_MODEL, 2 * D_FF), lambda b, be: (be[b], 0, 0)),
            pl.BlockSpec((1, D_FF, D_MODEL), lambda b, be: (be[b], 0, 0)),
        ],
        out_specs=pl.BlockSpec((BM, D_MODEL), lambda b, be: (b, 0)),
    )
    return pl.pallas_call(
        _ffn_body,
        grid_spec=grid_spec,
        out_shape=jax.ShapeDtypeStruct((CAP, D_MODEL), jnp.float32),
        compiler_params=pltpu.CompilerParams(
            dimension_semantics=("arbitrary",),
        ),
    )(blk_e, xs2d, wl2d, wgu, wdn)


def _sc_combine_body(ys_h, pos0_h, pos1_h, out_h,
                     p0_v, p1_v, rows0_v, rows1_v, sem0, sem1):
    wid = lax.axis_index("s") * 2 + lax.axis_index("c")
    for ch in range(TPW // GCH):
        b = wid * TPW + ch * GCH
        pltpu.sync_copy(pos0_h.at[pl.ds(b, GCH)], p0_v)
        pltpu.sync_copy(pos1_h.at[pl.ds(b, GCH)], p1_v)
        c0 = pltpu.async_copy(ys_h.at[p0_v], rows0_v, sem0)
        c1 = pltpu.async_copy(ys_h.at[p1_v], rows1_v, sem1)
        c0.wait()
        c1.wait()

        for i in range(GCH):
            def lane_body(j, _2):
                sl = pl.ds(j * 16, 16)
                rows0_v[i, sl] = rows0_v[i, sl] + rows1_v[i, sl]
                return 0
            lax.fori_loop(0, D_MODEL // 16, lane_body, 0)
        pltpu.sync_copy(rows0_v, out_h.at[pl.ds(b, GCH)])


def _sc_combine(ys, pos0, pos1):
    mesh = plsc.VectorSubcoreMesh(core_axis_name="c", subcore_axis_name="s")
    k = functools.partial(
        pl.kernel,
        mesh=mesh,
        out_type=jax.ShapeDtypeStruct((T, D_MODEL), jnp.float32),
        scratch_types=[
            pltpu.VMEM((GCH,), jnp.int32),
            pltpu.VMEM((GCH,), jnp.int32),
            pltpu.VMEM((GCH, D_MODEL), jnp.float32),
            pltpu.VMEM((GCH, D_MODEL), jnp.float32),
            pltpu.SemaphoreType.DMA,
            pltpu.SemaphoreType.DMA,
        ],
        compiler_params=pltpu.CompilerParams(needs_layout_passes=False),
    )(_sc_combine_body)
    return k(ys, pos0, pos1)


def kernel(hidden_states, num_global_tokens, max_num_tokens_per_gpu,
           gate_w, w_gate_up, w_down):
    e0, e1, r0, r1, w0, w1, counts = _router(hidden_states, gate_w)

    pos0, pos1, blk, tok, wl = _meta(counts, e0, e1, r0, r1, w0, w1)

    xs = _sc_gather(tok.reshape(CAP), hidden_states)

    ys = _grouped_ffn(blk.reshape(128)[:NB], xs, wl,
                      w_gate_up.astype(jnp.bfloat16),
                      w_down.astype(jnp.bfloat16))

    return _sc_combine(ys, pos0.reshape(T), pos1.reshape(T))

# --- scband reference (transcript-rebuilt; emitter-appended) ---
"""Pipeline reference for scband-shortcut-mo-edecoder-layer-88235808129203 (READ-ONLY COPY).

The authoritative reference and input builder live on the scoring server;
editing this copy changes nothing except your own understanding.
"""

import jax, jax.numpy as jnp
import numpy as np

NUM_EXPERTS = 8
TOP_K = 2
D_MODEL = 1024
D_FF = 512
T = 2048
ROUTED_SCALING = 1.0


def setup_inputs(seed: int = 0) -> dict:
    key = jax.random.key(seed)
    k1, k2, k3, k4 = jax.random.split(key, 4)
    hidden_states = jax.random.normal(k1, (T, D_MODEL), dtype=jnp.float32)
    # router gate (ReplicatedLinear, fp32 params per router_dtype='float32')
    gate_w = jax.random.normal(k2, (D_MODEL, NUM_EXPERTS), dtype=jnp.float32) * 0.02
    # fused expert weights: gate_up_proj [E, d_model, 2*d_ff], down_proj [E, d_ff, d_model]
    w_gate_up = jax.random.normal(k3, (NUM_EXPERTS, D_MODEL, 2 * D_FF), dtype=jnp.float32) * 0.02
    w_down = jax.random.normal(k4, (NUM_EXPERTS, D_FF, D_MODEL), dtype=jnp.float32) * 0.02
    return {
        "hidden_states": hidden_states,
        "num_global_tokens": T,
        "max_num_tokens_per_gpu": T,
        "gate_w": gate_w,
        "w_gate_up": w_gate_up,
        "w_down": w_down,
    }


def reference(hidden_states, num_global_tokens, max_num_tokens_per_gpu, gate_w, w_gate_up, w_down):
    orig_dtype = hidden_states.dtype
    # router in fp32 (router_dtype == 'float32'), logits cast back to activation dtype
    router_logits = jnp.dot(hidden_states.astype(jnp.float32), gate_w).astype(orig_dtype)
    # FusedMoE with renormalize=False: softmax over all experts, then take top-k weights
    probs = jax.nn.softmax(router_logits, axis=-1)
    top_w, top_i = jax.lax.top_k(probs, TOP_K)                # [T, K], [T, K]
    onehot = jax.nn.one_hot(top_i, NUM_EXPERTS, dtype=probs.dtype)  # [T, K, E]
    combine = jnp.sum(top_w[..., None] * onehot, axis=1)      # [T, E]
    # expert FFN: silu(gate) * up, then down; computed densely per expert, combined by routing weights
    gu = jnp.einsum('td,edf->etf', hidden_states, w_gate_up)  # [E, T, 2*d_ff]
    g, u = jnp.split(gu, 2, axis=-1)
    act = jax.nn.silu(g) * u                                  # SiluAndMul
    out_e = jnp.einsum('etf,efd->etd', act, w_down)           # [E, T, d_model]
    out = jnp.einsum('te,etd->td', combine, out_e) * ROUTED_SCALING
    return out

if __name__ == "__main__":
    import jax
    _d = setup_inputs()
    print(jax.jit(kernel)(*tuple(_d.values())))

</pallas_src>

<mosaic_0001>
#map = affine_map<(d0, d1) -> (0, 0)>
#map1 = affine_map<(d0, d1) -> (0)>
module attributes {stable_mosaic.version = 14 : i64} {
  func.func @_sc_combine_body(%arg0: i32, %arg1: i32, %arg2: memref<6144x1024xf32, #tpu.memory_space<hbm>>, %arg3: memref<2048xi32, #tpu.memory_space<hbm>>, %arg4: memref<2048xi32, #tpu.memory_space<hbm>>, %arg5: memref<2048x1024xf32, #tpu.memory_space<hbm>>, %arg6: memref<32xi32, #tpu.memory_space<vmem>>, %arg7: memref<32xi32, #tpu.memory_space<vmem>>, %arg8: memref<32x1024xf32, #tpu.memory_space<vmem>>, %arg9: memref<32x1024xf32, #tpu.memory_space<vmem>>, %arg10: memref<!tpu.dma_semaphore, #tpu.memory_space<semaphore_mem>>, %arg11: memref<!tpu.dma_semaphore, #tpu.memory_space<semaphore_mem>>) attributes {dimension_semantics = [#tpu.dimension_semantics<core_parallel>, #tpu.dimension_semantics<subcore_parallel>], iteration_bounds = array<i64: 2, 16>, scalar_prefetch = 0 : i64, scratch_operands = 6 : i64, tpu.core_type = #tpu.core_type<sc_vector_subcore>, window_params = [{transform_indices = #map}, {transform_indices = #map1}, {transform_indices = #map1}, {transform_indices = #map}]} {
    %mul3A = arith.constant 2 : i32
    %mul3A_0 = arith.muli %arg1, %mul3A : i32
    %add3A = arith.addi %mul3A_0, %arg0 : i32
    %mul3A_1 = arith.constant 64 : i32
    %mul3A_2 = arith.muli %add3A, %mul3A_1 : i32
    %add3A_3 = arith.constant 0 : i32
    %add3A_4 = arith.addi %mul3A_2, %add3A_3 : i32
    "tpu.region"() ({
      %run_scoped3A = tpu.sem_alloc : memref<!tpu.dma_semaphore, #tpu.memory_space<semaphore_mem>>
      %dma_start3A_478 = tpu.memref_slice %arg3[%add3A_4] : memref<2048xi32, #tpu.memory_space<hbm>> -> memref<32xi32, #tpu.memory_space<hbm>>
      %dma_start3A_479 = tpu.memref_slice %arg3[%add3A_4] : memref<2048xi32, #tpu.memory_space<hbm>> -> memref<32xi32, #tpu.memory_space<hbm>>
      tpu.enqueue_dma source(%dma_start3A_479 : memref<32xi32, #tpu.memory_space<hbm>>) target(%arg6 : memref<32xi32, #tpu.memory_space<vmem>>) target_semaphore(%run_scoped3A : memref<!tpu.dma_semaphore, #tpu.memory_space<semaphore_mem>>)
      %dma_wait3A_480 = tpu.memref_slice %arg3[%add3A_4] : memref<2048xi32, #tpu.memory_space<hbm>> -> memref<32xi32, #tpu.memory_space<hbm>>
      %dma_wait3A_481 = tpu.memref_slice %arg3[%add3A_4] : memref<2048xi32, #tpu.memory_space<hbm>> -> memref<32xi32, #tpu.memory_space<hbm>>
      tpu.wait_dma2 semaphore(%run_scoped3A : memref<!tpu.dma_semaphore, #tpu.memory_space<semaphore_mem>>) src(%dma_wait3A_481 : memref<32xi32, #tpu.memory_space<hbm>>) dst(%arg6 : memref<32xi32, #tpu.memory_space<vmem>>)
      tpu.yield
    }) : () -> ()
    "tpu.region"() ({
      %run_scoped3A = tpu.sem_alloc : memref<!tpu.dma_semaphore, #tpu.memory_space<semaphore_mem>>
      %dma_start3A_478 = tpu.memref_slice %arg4[%add3A_4] : memref<2048xi32, #tpu.memory_space<hbm>> -> memref<32xi32, #tpu.memory_space<hbm>>
      %dma_start3A_479 = tpu.memref_slice %arg4[%add3A_4] : memref<2048xi32, #tpu.memory_space<hbm>> -> memref<32xi32, #tpu.memory_space<hbm>>
      tpu.enqueue_dma source(%dma_start3A_479 : memref<32xi32, #tpu.memory_space<hbm>>) target(%arg7 : memref<32xi32, #tpu.memory_space<vmem>>) target_semaphore(%run_scoped3A : memref<!tpu.dma_semaphore, #tpu.memory_space<semaphore_mem>>)
      %dma_wait3A_480 = tpu.memref_slice %arg4[%add3A_4] : memref<2048xi32, #tpu.memory_space<hbm>> -> memref<32xi32, #tpu.memory_space<hbm>>
      %dma_wait3A_481 = tpu.memref_slice %arg4[%add3A_4] : memref<2048xi32, #tpu.memory_space<hbm>> -> memref<32xi32, #tpu.memory_space<hbm>>
      tpu.wait_dma2 semaphore(%run_scoped3A : memref<!tpu.dma_semaphore, #tpu.memory_space<semaphore_mem>>) src(%dma_wait3A_481 : memref<32xi32, #tpu.memory_space<hbm>>) dst(%arg7 : memref<32xi32, #tpu.memory_space<vmem>>)
      tpu.yield
    }) : () -> ()
    %dma_start3A = arith.constant 0 : i32
    %dma_start3A_5 = arith.constant 0 : i32
    %dma_start3A_6 = tpu.memref_slice %arg2[%dma_start3A, %dma_start3A_5] : memref<6144x1024xf32, #tpu.memory_space<hbm>> -> memref<6144x1024xf32, #tpu.memory_space<hbm>>
    tpu.enqueue_indirect_dma source(%dma_start3A_6 : memref<6144x1024xf32, #tpu.memory_space<hbm>>) target(%arg8 : memref<32x1024xf32, #tpu.memory_space<vmem>>) offsets(%arg6 : memref<32xi32, #tpu.memory_space<vmem>>) semaphore(%arg10 : memref<!tpu.dma_semaphore, #tpu.memory_space<semaphore_mem>>)
    %dma_start3A_7 = arith.constant 0 : i32
    %dma_start3A_8 = arith.constant 0 : i32
    %dma_start3A_9 = tpu.memref_slice %arg2[%dma_start3A_7, %dma_start3A_8] : memref<6144x1024xf32, #tpu.memory_space<hbm>> -> memref<6144x1024xf32, #tpu.memory_space<hbm>>
    tpu.enqueue_indirect_dma source(%dma_start3A_9 : memref<6144x1024xf32, #tpu.memory_space<hbm>>) target(%arg9 : memref<32x1024xf32, #tpu.memory_space<vmem>>) offsets(%arg7 : memref<32xi32, #tpu.memory_space<vmem>>) semaphore(%arg11 : memref<!tpu.dma_semaphore, #tpu.memory_space<semaphore_mem>>)
    %dma_wait3A = arith.constant 0 : i32
    %dma_wait3A_10 = arith.constant 0 : i32
    %dma_wait3A_11 = tpu.memref_slice %arg2[%dma_wait3A, %dma_wait3A_10] : memref<6144x1024xf32, #tpu.memory_space<hbm>> -> memref<6144x1024xf32, #tpu.memory_space<hbm>>
    tpu.wait_indirect_dma semaphore(%arg10 : memref<!tpu.dma_semaphore, #tpu.memory_space<semaphore_mem>>) src(%dma_wait3A_11 : memref<6144x1024xf32, #tpu.memory_space<hbm>>) dst(%arg8 : memref<32x1024xf32, #tpu.memory_space<vmem>>)
    %dma_wait3A_12 = arith.constant 0 : i32
    %dma_wait3A_13 = arith.constant 0 : i32
    %dma_wait3A_14 = tpu.memref_slice %arg2[%dma_wait3A_12, %dma_wait3A_13] : memref<6144x1024xf32, #tpu.memory_space<hbm>> -> memref<6144x1024xf32, #tpu.memory_space<hbm>>
    tpu.wait_indirect_dma semaphore(%arg11 : memref<!tpu.dma_semaphore, #tpu.memory_space<semaphore_mem>>) src(%dma_wait3A_14 : memref<6144x1024xf32, #tpu.memory_space<hbm>>) dst(%arg9 : memref<32x1024xf32, #tpu.memory_space<vmem>>)
    %scan3A = arith.constant 0 : i32
    %scan3A_15 = arith.constant 0 : i32
    %scan3A_16 = arith.constant 64 : i32
    %scan3A_17 = arith.addi %scan3A_15, %scan3A_16 : i32
    %scan3A_18 = arith.constant 1 : i32
    %scan3A_19 = scf.for %scan3A_478 = %scan3A_15 to %scan3A_17 step %scan3A_18 iter_args(%scan3A_479 = %scan3A) -> (i32)  : i32 {
      %mul3A_480 = arith.constant 16 : i32
      %mul3A_481 = arith.muli %scan3A_478, %mul3A_480 : i32
      %get3A = arith.constant 0 : i32
      %get3A_482 = arith.index_cast %get3A : i32 to index
      %get3A_483 = arith.index_cast %mul3A_481 : i32 to index
      %get3A_484 = tpu.vector_load %arg8[%get3A_482, %get3A_483] {strides = array<i32>} : memref<32x1024xf32, #tpu.memory_space<vmem>>, vector<16xf32>,
      %get3A_485 = arith.constant 0 : i32
      %get3A_486 = arith.index_cast %get3A_485 : i32 to index
      %get3A_487 = arith.index_cast %mul3A_481 : i32 to index
      %get3A_488 = tpu.vector_load %arg9[%get3A_486, %get3A_487] {strides = array<i32>} : memref<32x1024xf32, #tpu.memory_space<vmem>>, vector<16xf32>,
      %add3A_489 = arith.addf %get3A_484, %get3A_488 : vector<16xf32>
      %swap3A = arith.constant 0 : i32
      %swap3A_490 = arith.index_cast %swap3A : i32 to index
      %swap3A_491 = arith.index_cast %mul3A_481 : i32 to index
      %swap3A_492 = tpu.vector_load %arg8[%swap3A_490, %swap3A_491] {strides = array<i32>} : memref<32x1024xf32, #tpu.memory_space<vmem>>, vector<16xf32>,
      tpu.vector_store %arg8[%swap3A_490, %swap3A_491], %add3A_489 {strides = array<i32>} : memref<32x1024xf32, #tpu.memory_space<vmem>>, vector<16xf32>,
      %scan3A_493 = arith.constant 0 : i32
      scf.yield %scan3A_493 : i32
    }
    %scan3A_20 = arith.constant 64 : i32
    %scan3A_21 = arith.constant 0 : i32
    %scan3A_22 = arith.constant 0 : i32
    %scan3A_23 = arith.constant 64 : i32
    %scan3A_24 = arith.addi %scan3A_22, %scan3A_23 : i32
    %scan3A_25 = arith.constant 1 : i32
    %scan3A_26 = scf.for %scan3A_478 = %scan3A_22 to %scan3A_24 step %scan3A_25 iter_args(%scan3A_479 = %scan3A_21) -> (i32)  : i32 {
      %mul3A_480 = arith.constant 16 : i32
      %mul3A_481 = arith.muli %scan3A_478, %mul3A_480 : i32
      %get3A = arith.constant 1 : i32
      %get3A_482 = arith.index_cast %get3A : i32 to index
      %get3A_483 = arith.index_cast %mul3A_481 : i32 to index
      %get3A_484 = tpu.vector_load %arg8[%get3A_482, %get3A_483] {strides = array<i32>} : memref<32x1024xf32, #tpu.memory_space<vmem>>, vector<16xf32>,
      %get3A_485 = arith.constant 1 : i32
      %get3A_486 = arith.index_cast %get3A_485 : i32 to index
      %get3A_487 = arith.index_cast %mul3A_481 : i32 to index
      %get3A_488 = tpu.vector_load %arg9[%get3A_486, %get3A_487] {strides = array<i32>} : memref<32x1024xf32, #tpu.memory_space<vmem>>, vector<16xf32>,
      %add3A_489 = arith.addf %get3A_484, %get3A_488 : vector<16xf32>
      %swap3A = arith.constant 1 : i32
      %swap3A_490 = arith.index_cast %swap3A : i32 to index
      %swap3A_491 = arith.index_cast %mul3A_481 : i32 to index
      %swap3A_492 = tpu.vector_load %arg8[%swap3A_490, %swap3A_491] {strides = array<i32>} : memref<32x1024xf32, #tpu.memory_space<vmem>>, vector<16xf32>,
      tpu.vector_store %arg8[%swap3A_490, %swap3A_491], %add3A_489 {strides = array<i32>} : memref<32x1024xf32, #tpu.memory_space<vmem>>, vector<16xf32>,
      %scan3A_493 = arith.constant 0 : i32
      scf.yield %scan3A_493 : i32
    }
    %scan3A_27 = arith.constant 64 : i32
    %scan3A_28 = arith.constant 0 : i32
    %scan3A_29 = arith.constant 0 : i32
    %scan3A_30 = arith.constant 64 : i32
    %scan3A_31 = arith.addi %scan3A_29, %scan3A_30 : i32
    %scan3A_32 = arith.constant 1 : i32
    %scan3A_33 = scf.for %scan3A_478 = %scan3A_29 to %scan3A_31 step %scan3A_32 iter_args(%scan3A_479 = %scan3A_28) -> (i32)  : i32 {
      %mul3A_480 = arith.constant 16 : i32
      %mul3A_481 = arith.muli %scan3A_478, %mul3A_480 : i32
      %get3A = arith.constant 2 : i32
      %get3A_482 = arith.index_cast %get3A : i32 to index
      %get3A_483 = arith.index_cast %mul3A_481 : i32 to index
      %get3A_484 = tpu.vector_load %arg8[%get3A_482, %get3A_483] {strides = array<i32>} : memref<32x1024xf32, #tpu.memory_space<vmem>>, vector<16xf32>,
      %get3A_485 = arith.constant 2 : i32
      %get3A_486 = arith.index_cast %get3A_485 : i32 to index
      %get3A_487 = arith.index_cast %mul3A_481 : i32 to index
      %get3A_488 = tpu.vector_load %arg9[%get3A_486, %get3A_487] {strides = array<i32>} : memref<32x1024xf32, #tpu.memory_space<vmem>>, vector<16xf32>,
      %add3A_489 = arith.addf %get3A_484, %get3A_488 : vector<16xf32>
      %swap3A = arith.constant 2 : i32
      %swap3A_490 = arith.index_cast %swap3A : i32 to index
      %swap3A_491 = arith.index_cast %mul3A_481 : i32 to index
      %swap3A_492 = tpu.vector_load %arg8[%swap3A_490, %swap3A_491] {strides = array<i32>} : memref<32x1024xf32, #tpu.memory_space<vmem>>, vector<16xf32>,
      tpu.vector_store %arg8[%swap3A_490, %swap3A_491], %add3A_489 {strides = array<i32>} : memref<32x1024xf32, #tpu.memory_space<vmem>>, vector<16xf32>,
      %scan3A_493 = arith.constant 0 : i32
      scf.yield %scan3A_493 : i32
    }
    %scan3A_34 = arith.constant 64 : i32
    %scan3A_35 = arith.constant 0 : i32
    %scan3A_36 = arith.constant 0 : i32
    %scan3A_37 = arith.constant 64 : i32
    %scan3A_38 = arith.addi %scan3A_36, %scan3A_37 : i32
    %scan3A_39 = arith.constant 1 : i32
    %scan3A_40 = scf.for %scan3A_478 = %scan3A_36 to %scan3A_38 step %scan3A_39 iter_args(%scan3A_479 = %scan3A_35) -> (i32)  : i32 {
      %mul3A_480 = arith.constant 16 : i32
      %mul3A_481 = arith.muli %scan3A_478, %mul3A_480 : i32
      %get3A = arith.constant 3 : i32
      %get3A_482 = arith.index_cast %get3A : i32 to index
      %get3A_483 = arith.index_cast %mul3A_481 : i32 to index
      %get3A_484 = tpu.vector_load %arg8[%get3A_482, %get3A_483] {strides = array<i32>} : memref<32x1024xf32, #tpu.memory_space<vmem>>, vector<16xf32>,
      %get3A_485 = arith.constant 3 : i32
      %get3A_486 = arith.index_cast %get3A_485 : i32 to index
      %get3A_487 = arith.index_cast %mul3A_481 : i32 to index
      %get3A_488 = tpu.vector_load %arg9[%get3A_486, %get3A_487] {strides = array<i32>} : memref<32x1024xf32, #tpu.memory_space<vmem>>, vector<16xf32>,
      %add3A_489 = arith.addf %get3A_484, %get3A_488 : vector<16xf32>
      %swap3A = arith.constant 3 : i32
      %swap3A_490 = arith.index_cast %swap3A : i32 to index
      %swap3A_491 = arith.index_cast %mul3A_481 : i32 to index
      %swap3A_492 = tpu.vector_load %arg8[%swap3A_490, %swap3A_491] {strides = array<i32>} : memref<32x1024xf32, #tpu.memory_space<vmem>>, vector<16xf32>,
      tpu.vector_store %arg8[%swap3A_490, %swap3A_491], %add3A_489 {strides = array<i32>} : memref<32x1024xf32, #tpu.memory_space<vmem>>, vector<16xf32>,
      %scan3A_493 = arith.constant 0 : i32
      scf.yield %scan3A_493 : i32
    }
    %scan3A_41 = arith.constant 64 : i32
    %scan3A_42 = arith.constant 0 : i32
    %scan3A_43 = arith.constant 0 : i32
    %scan3A_44 = arith.constant 64 : i32
    %scan3A_45 = arith.addi %scan3A_43, %scan3A_44 : i32
    %scan3A_46 = arith.constant 1 : i32
    %scan3A_47 = scf.for %scan3A_478 = %scan3A_43 to %scan3A_45 step %scan3A_46 iter_args(%scan3A_479 = %scan3A_42) -> (i32)  : i32 {
      %mul3A_480 = arith.constant 16 : i32
      %mul3A_481 = arith.muli %scan3A_478, %mul3A_480 : i32
      %get3A = arith.constant 4 : i32
      %get3A_482 = arith.index_cast %get3A : i32 to index
      %get3A_483 = arith.index_cast %mul3A_481 : i32 to index
      %get3A_484 = tpu.vector_load %arg8[%get3A_482, %get3A_483] {strides = array<i32>} : memref<32x1024xf32, #tpu.memory_space<vmem>>, vector<16xf32>,
      %get3A_485 = arith.constant 4 : i32
      %get3A_486 = arith.index_cast %get3A_485 : i32 to index
      %get3A_487 = arith.index_cast %mul3A_481 : i32 to index
      %get3A_488 = tpu.vector_load %arg9[%get3A_486, %get3A_487] {strides = array<i32>} : memref<32x1024xf32, #tpu.memory_space<vmem>>, vector<16xf32>,
      %add3A_489 = arith.addf %get3A_484, %get3A_488 : vector<16xf32>
      %swap3A = arith.constant 4 : i32
      %swap3A_490 = arith.index_cast %swap3A : i32 to index
      %swap3A_491 = arith.index_cast %mul3A_481 : i32 to index
      %swap3A_492 = tpu.vector_load %arg8[%swap3A_490, %swap3A_491] {strides = array<i32>} : memref<32x1024xf32, #tpu.memory_space<vmem>>, vector<16xf32>,
      tpu.vector_store %arg8[%swap3A_490, %swap3A_491], %add3A_489 {strides = array<i32>} : memref<32x1024xf32, #tpu.memory_space<vmem>>, vector<16xf32>,
      %scan3A_493 = arith.constant 0 : i32
      scf.yield %scan3A_493 : i32
    }
    %scan3A_48 = arith.constant 64 : i32
    %scan3A_49 = arith.constant 0 : i32
    %scan3A_50 = arith.constant 0 : i32
    %scan3A_51 = arith.constant 64 : i32
    %scan3A_52 = arith.addi %scan3A_50, %scan3A_51 : i32
    %scan3A_53 = arith.constant 1 : i32
    %scan3A_54 = scf.for %scan3A_478 = %scan3A_50 to %scan3A_52 step %scan3A_53 iter_args(%scan3A_479 = %scan3A_49) -> (i32)  : i32 {
      %mul3A_480 = arith.constant 16 : i32
      %mul3A_481 = arith.muli %scan3A_478, %mul3A_480 : i32
      %get3A = arith.constant 5 : i32
      %get3A_482 = arith.index_cast %get3A : i32 to index
      %get3A_483 = arith.index_cast %mul3A_481 : i32 to index
      %get3A_484 = tpu.vector_load %arg8[%get3A_482, %get3A_483] {strides = array<i32>} : memref<32x1024xf32, #tpu.memory_space<vmem>>, vector<16xf32>,
      %get3A_485 = arith.constant 5 : i32
      %get3A_486 = arith.index_cast %get3A_485 : i32 to index
      %get3A_487 = arith.index_cast %mul3A_481 : i32 to index
      %get3A_488 = tpu.vector_load %arg9[%get3A_486, %get3A_487] {strides = array<i32>} : memref<32x1024xf32, #tpu.memory_space<vmem>>, vector<16xf32>,
      %add3A_489 = arith.addf %get3A_484, %get3A_488 : vector<16xf32>
      %swap3A = arith.constant 5 : i32
      %swap3A_490 = arith.index_cast %swap3A : i32 to index
      %swap3A_491 = arith.index_cast %mul3A_481 : i32 to index
      %swap3A_492 = tpu.vector_load %arg8[%swap3A_490, %swap3A_491] {strides = array<i32>} : memref<32x1024xf32, #tpu.memory_space<vmem>>, vector<16xf32>,
      tpu.vector_store %arg8[%swap3A_490, %swap3A_491], %add3A_489 {strides = array<i32>} : memref<32x1024xf32, #tpu.memory_space<vmem>>, vector<16xf32>,
      %scan3A_493 = arith.constant 0 : i32
      scf.yield %scan3A_493 : i32
    }
    %scan3A_55 = arith.constant 64 : i32
    %scan3A_56 = arith.constant 0 : i32
    %scan3A_57 = arith.constant 0 : i32
    %scan3A_58 = arith.constant 64 : i32
    %scan3A_59 = arith.addi %scan3A_57, %scan3A_58 : i32
    %scan3A_60 = arith.constant 1 : i32
    %scan3A_61 = scf.for %scan3A_478 = %scan3A_57 to %scan3A_59 step %scan3A_60 iter_args(%scan3A_479 = %scan3A_56) -> (i32)  : i32 {
      %mul3A_480 = arith.constant 16 : i32
      %mul3A_481 = arith.muli %scan3A_478, %mul3A_480 : i32
      %get3A = arith.constant 6 : i32
      %get3A_482 = arith.index_cast %get3A : i32 to index
      %get3A_483 = arith.index_cast %mul3A_481 : i32 to index
      %get3A_484 = tpu.vector_load %arg8[%get3A_482, %get3A_483] {strides = array<i32>} : memref<32x1024xf32, #tpu.memory_space<vmem>>, vector<16xf32>,
      %get3A_485 = arith.constant 6 : i32
      %get3A_486 = arith.index_cast %get3A_485 : i32 to index
      %get3A_487 = arith.index_cast %mul3A_481 : i32 to index
      %get3A_488 = tpu.vector_load %arg9[%get3A_486, %get3A_487] {strides = array<i32>} : memref<32x1024xf32, #tpu.memory_space<vmem>>, vector<16xf32>,
      %add3A_489 = arith.addf %get3A_484, %get3A_488 : vector<16xf32>
      %swap3A = arith.constant 6 : i32
      %swap3A_490 = arith.index_cast %swap3A : i32 to index
      %swap3A_491 = arith.index_cast %mul3A_481 : i32 to index
      %swap3A_492 = tpu.vector_load %arg8[%swap3A_490, %swap3A_491] {strides = array<i32>} : memref<32x1024xf32, #tpu.memory_space<vmem>>, vector<16xf32>,
      tpu.vector_store %arg8[%swap3A_490, %swap3A_491], %add3A_489 {strides = array<i32>} : memref<32x1024xf32, #tpu.memory_space<vmem>>, vector<16xf32>,
      %scan3A_493 = arith.constant 0 : i32
      scf.yield %scan3A_493 : i32
    }
    %scan3A_62 = arith.constant 64 : i32
    %scan3A_63 = arith.constant 0 : i32
    %scan3A_64 = arith.constant 0 : i32
    %scan3A_65 = arith.constant 64 : i32
    %scan3A_66 = arith.addi %scan3A_64, %scan3A_65 : i32
    %scan3A_67 = arith.constant 1 : i32
    %scan3A_68 = scf.for %scan3A_478 = %scan3A_64 to %scan3A_66 step %scan3A_67 iter_args(%scan3A_479 = %scan3A_63) -> (i32)  : i32 {
      %mul3A_480 = arith.constant 16 : i32
      %mul3A_481 = arith.muli %scan3A_478, %mul3A_480 : i32
      %get3A = arith.constant 7 : i32
      %get3A_482 = arith.index_cast %get3A : i32 to index
      %get3A_483 = arith.index_cast %mul3A_481 : i32 to index
      %get3A_484 = tpu.vector_load %arg8[%get3A_482, %get3A_483] {strides = array<i32>} : memref<32x1024xf32, #tpu.memory_space<vmem>>, vector<16xf32>,
      %get3A_485 = arith.constant 7 : i32
      %get3A_486 = arith.index_cast %get3A_485 : i32 to index
      %get3A_487 = arith.index_cast %mul3A_481 : i32 to index
      %get3A_488 = tpu.vector_load %arg9[%get3A_486, %get3A_487] {strides = array<i32>} : memref<32x1024xf32, #tpu.memory_space<vmem>>, vector<16xf32>,
      %add3A_489 = arith.addf %get3A_484, %get3A_488 : vector<16xf32>
      %swap3A = arith.constant 7 : i32
      %swap3A_490 = arith.index_cast %swap3A : i32 to index
      %swap3A_491 = arith.index_cast %mul3A_481 : i32 to index
      %swap3A_492 = tpu.vector_load %arg8[%swap3A_490, %swap3A_491] {strides = array<i32>} : memref<32x1024xf32, #tpu.memory_space<vmem>>, vector<16xf32>,
      tpu.vector_store %arg8[%swap3A_490, %swap3A_491], %add3A_489 {strides = array<i32>} : memref<32x1024xf32, #tpu.memory_space<vmem>>, vector<16xf32>,
      %scan3A_493 = arith.constant 0 : i32
      scf.yield %scan3A_493 : i32
    }
    %scan3A_69 = arith.constant 64 : i32
    %scan3A_70 = arith.constant 0 : i32
    %scan3A_71 = arith.constant 0 : i32
    %scan3A_72 = arith.constant 64 : i32
    %scan3A_73 = arith.addi %scan3A_71, %scan3A_72 : i32
    %scan3A_74 = arith.constant 1 : i32
    %scan3A_75 = scf.for %scan3A_478 = %scan3A_71 to %scan3A_73 step %scan3A_74 iter_args(%scan3A_479 = %scan3A_70) -> (i32)  : i32 {
      %mul3A_480 = arith.constant 16 : i32
      %mul3A_481 = arith.muli %scan3A_478, %mul3A_480 : i32
      %get3A = arith.constant 8 : i32
      %get3A_482 = arith.index_cast %get3A : i32 to index
      %get3A_483 = arith.index_cast %mul3A_481 : i32 to index
      %get3A_484 = tpu.vector_load %arg8[%get3A_482, %get3A_483] {strides = array<i32>} : memref<32x1024xf32, #tpu.memory_space<vmem>>, vector<16xf32>,
      %get3A_485 = arith.constant 8 : i32
      %get3A_486 = arith.index_cast %get3A_485 : i32 to index
      %get3A_487 = arith.index_cast %mul3A_481 : i32 to index
      %get3A_488 = tpu.vector_load %arg9[%get3A_486, %get3A_487] {strides = array<i32>} : memref<32x1024xf32, #tpu.memory_space<vmem>>, vector<16xf32>,
      %add3A_489 = arith.addf %get3A_484, %get3A_488 : vector<16xf32>
      %swap3A = arith.constant 8 : i32
      %swap3A_490 = arith.index_cast %swap3A : i32 to index
      %swap3A_491 = arith.index_cast %mul3A_481 : i32 to index
      %swap3A_492 = tpu.vector_load %arg8[%swap3A_490, %swap3A_491] {strides = array<i32>} : memref<32x1024xf32, #tpu.memory_space<vmem>>, vector<16xf32>,
      tpu.vector_store %arg8[%swap3A_490, %swap3A_491], %add3A_489 {strides = array<i32>} : memref<32x1024xf32, #tpu.memory_space<vmem>>, vector<16xf32>,
      %scan3A_493 = arith.constant 0 : i32
      scf.yield %scan3A_493 : i32
    }
    %scan3A_76 = arith.constant 64 : i32
    %scan3A_77 = arith.constant 0 : i32
    %scan3A_78 = arith.constant 0 : i32
    %scan3A_79 = arith.constant 64 : i32
    %scan3A_80 = arith.addi %scan3A_78, %scan3A_79 : i32
    %scan3A_81 = arith.constant 1 : i32
    %scan3A_82 = scf.for %scan3A_478 = %scan3A_78 to %scan3A_80 step %scan3A_81 iter_args(%scan3A_479 = %scan3A_77) -> (i32)  : i32 {
      %mul3A_480 = arith.constant 16 : i32
      %mul3A_481 = arith.muli %scan3A_478, %mul3A_480 : i32
      %get3A = arith.constant 9 : i32
      %get3A_482 = arith.index_cast %get3A : i32 to index
      %get3A_483 = arith.index_cast %mul3A_481 : i32 to index
      %get3A_484 = tpu.vector_load %arg8[%get3A_482, %get3A_483] {strides = array<i32>} : memref<32x1024xf32, #tpu.memory_space<vmem>>, vector<16xf32>,
      %get3A_485 = arith.constant 9 : i32
      %get3A_486 = arith.index_cast %get3A_485 : i32 to index
      %get3A_487 = arith.index_cast %mul3A_481 : i32 to index
      %get3A_488 = tpu.vector_load %arg9[%get3A_486, %get3A_487] {strides = array<i32>} : memref<32x1024xf32, #tpu.memory_space<vmem>>, vector<16xf32>,
      %add3A_489 = arith.addf %get3A_484, %get3A_488 : vector<16xf32>
      %swap3A = arith.constant 9 : i32
      %swap3A_490 = arith.index_cast %swap3A : i32 to index
      %swap3A_491 = arith.index_cast %mul3A_481 : i32 to index
      %swap3A_492 = tpu.vector_load %arg8[%swap3A_490, %swap3A_491] {strides = array<i32>} : memref<32x1024xf32, #tpu.memory_space<vmem>>, vector<16xf32>,
      tpu.vector_store %arg8[%swap3A_490, %swap3A_491], %add3A_489 {strides = array<i32>} : memref<32x1024xf32, #tpu.memory_space<vmem>>, vector<16xf32>,
      %scan3A_493 = arith.constant 0 : i32
      scf.yield %scan3A_493 : i32
    }
    %scan3A_83 = arith.constant 64 : i32
    %scan3A_84 = arith.constant 0 : i32
    %scan3A_85 = arith.constant 0 : i32
    %scan3A_86 = arith.constant 64 : i32
    %scan3A_87 = arith.addi %scan3A_85, %scan3A_86 : i32
    %scan3A_88 = arith.constant 1 : i32
    %scan3A_89 = scf.for %scan3A_478 = %scan3A_85 to %scan3A_87 step %scan3A_88 iter_args(%scan3A_479 = %scan3A_84) -> (i32)  : i32 {
      %mul3A_480 = arith.constant 16 : i32
      %mul3A_481 = arith.muli %scan3A_478, %mul3A_480 : i32
      %get3A = arith.constant 10 : i32
      %get3A_482 = arith.index_cast %get3A : i32 to index
      %get3A_483 = arith.index_cast %mul3A_481 : i32 to index
      %get3A_484 = tpu.vector_load %arg8[%get3A_482, %get3A_483] {strides = array<i32>} : memref<32x1024xf32, #tpu.memory_space<vmem>>, vector<16xf32>,
      %get3A_485 = arith.constant 10 : i32
      %get3A_486 = arith.index_cast %get3A_485 : i32 to index
      %get3A_487 = arith.index_cast %mul3A_481 : i32 to index
      %get3A_488 = tpu.vector_load %arg9[%get3A_486, %get3A_487] {strides = array<i32>} : memref<32x1024xf32, #tpu.memory_space<vmem>>, vector<16xf32>,
      %add3A_489 = arith.addf %get3A_484, %get3A_488 : vector<16xf32>
      %swap3A = arith.constant 10 : i32
      %swap3A_490 = arith.index_cast %swap3A : i32 to index
      %swap3A_491 = arith.index_cast %mul3A_481 : i32 to index
      %swap3A_492 = tpu.vector_load %arg8[%swap3A_490, %swap3A_491] {strides = array<i32>} : memref<32x1024xf32, #tpu.memory_space<vmem>>, vector<16xf32>,
      tpu.vector_store %arg8[%swap3A_490, %swap3A_491], %add3A_489 {strides = array<i32>} : memref<32x1024xf32, #tpu.memory_space<vmem>>, vector<16xf32>,
      %scan3A_493 = arith.constant 0 : i32
      scf.yield %scan3A_493 : i32
    }
    %scan3A_90 = arith.constant 64 : i32
    %scan3A_91 = arith.constant 0 : i32
    %scan3A_92 = arith.constant 0 : i32
    %scan3A_93 = arith.constant 64 : i32
    %scan3A_94 = arith.addi %scan3A_92, %scan3A_93 : i32
    %scan3A_95 = arith.constant 1 : i32
    %scan3A_96 = scf.for %scan3A_478 = %scan3A_92 to %scan3A_94 step %scan3A_95 iter_args(%scan3A_479 = %scan3A_91) -> (i32)  : i32 {
      %mul3A_480 = arith.constant 16 : i32
      %mul3A_481 = arith.muli %scan3A_478, %mul3A_480 : i32
      %get3A = arith.constant 11 : i32
      %get3A_482 = arith.index_cast %get3A : i32 to index
      %get3A_483 = arith.index_cast %mul3A_481 : i32 to index
      %get3A_484 = tpu.vector_load %arg8[%get3A_482, %get3A_483] {strides = array<i32>} : memref<32x1024xf32, #tpu.memory_space<vmem>>, vector<16xf32>,
      %get3A_485 = arith.constant 11 : i32
      %get3A_486 = arith.index_cast %get3A_485 : i32 to index
      %get3A_487 = arith.index_cast %mul3A_481 : i32 to index
      %get3A_488 = tpu.vector_load %arg9[%get3A_486, %get3A_487] {strides = array<i32>} : memref<32x1024xf32, #tpu.memory_space<vmem>>, vector<16xf32>,
      %add3A_489 = arith.addf %get3A_484, %get3A_488 : vector<16xf32>
      %swap3A = arith.constant 11 : i32
      %swap3A_490 = arith.index_cast %swap3A : i32 to index
      %swap3A_491 = arith.index_cast %mul3A_481 : i32 to index
      %swap3A_492 = tpu.vector_load %arg8[%swap3A_490, %swap3A_491] {strides = array<i32>} : memref<32x1024xf32, #tpu.memory_space<vmem>>, vector<16xf32>,
      tpu.vector_store %arg8[%swap3A_490, %swap3A_491], %add3A_489 {strides = array<i32>} : memref<32x1024xf32, #tpu.memory_space<vmem>>, vector<16xf32>,
      %scan3A_493 = arith.constant 0 : i32
      scf.yield %scan3A_493 : i32
    }
    %scan3A_97 = arith.constant 64 : i32
    %scan3A_98 = arith.constant 0 : i32
    %scan3A_99 = arith.constant 0 : i32
    %scan3A_100 = arith.constant 64 : i32
    %scan3A_101 = arith.addi %scan3A_99, %scan3A_100 : i32
    %scan3A_102 = arith.constant 1 : i32
    %scan3A_103 = scf.for %scan3A_478 = %scan3A_99 to %scan3A_101 step %scan3A_102 iter_args(%scan3A_479 = %scan3A_98) -> (i32)  : i32 {
      %mul3A_480 = arith.constant 16 : i32
      %mul3A_481 = arith.muli %scan3A_478, %mul3A_480 : i32
      %get3A = arith.constant 12 : i32
      %get3A_482 = arith.index_cast %get3A : i32 to index
      %get3A_483 = arith.index_cast %mul3A_481 : i32 to index
      %get3A_484 = tpu.vector_load %arg8[%get3A_482, %get3A_483] {strides = array<i32>} : memref<32x1024xf32, #tpu.memory_space<vmem>>, vector<16xf32>,
      %get3A_485 = arith.constant 12 : i32
      %get3A_486 = arith.index_cast %get3A_485 : i32 to index
      %get3A_487 = arith.index_cast %mul3A_481 : i32 to index
      %get3A_488 = tpu.vector_load %arg9[%get3A_486, %get3A_487] {strides = array<i32>} : memref<32x1024xf32, #tpu.memory_space<vmem>>, vector<16xf32>,
      %add3A_489 = arith.addf %get3A_484, %get3A_488 : vector<16xf32>
      %swap3A = arith.constant 12 : i32
      %swap3A_490 = arith.index_cast %swap3A : i32 to index
      %swap3A_491 = arith.index_cast %mul3A_481 : i32 to index
      %swap3A_492 = tpu.vector_load %arg8[%swap3A_490, %swap3A_491] {strides = array<i32>} : memref<32x1024xf32, #tpu.memory_space<vmem>>, vector<16xf32>,
      tpu.vector_store %arg8[%swap3A_490, %swap3A_491], %add3A_489 {strides = array<i32>} : memref<32x1024xf32, #tpu.memory_space<vmem>>, vector<16xf32>,
      %scan3A_493 = arith.constant 0 : i32
      scf.yield %scan3A_493 : i32
    }
    %scan3A_104 = arith.constant 64 : i32
    %scan3A_105 = arith.constant 0 : i32
    %scan3A_106 = arith.constant 0 : i32
    %scan3A_107 = arith.constant 64 : i32
    %scan3A_108 = arith.addi %scan3A_106, %scan3A_107 : i32
    %scan3A_109 = arith.constant 1 : i32
    %scan3A_110 = scf.for %scan3A_478 = %scan3A_106 to %scan3A_108 step %scan3A_109 iter_args(%scan3A_479 = %scan3A_105) -> (i32)  : i32 {
      %mul3A_480 = arith.constant 16 : i32
      %mul3A_481 = arith.muli %scan3A_478, %mul3A_480 : i32
      %get3A = arith.constant 13 : i32
      %get3A_482 = arith.index_cast %get3A : i32 to index
      %get3A_483 = arith.index_cast %mul3A_481 : i32 to index
      %get3A_484 = tpu.vector_load %arg8[%get3A_482, %get3A_483] {strides = array<i32>} : memref<32x1024xf32, #tpu.memory_space<vmem>>, vector<16xf32>,
      %get3A_485 = arith.constant 13 : i32
      %get3A_486 = arith.index_cast %get3A_485 : i32 to index
      %get3A_487 = arith.index_cast %mul3A_481 : i32 to index
      %get3A_488 = tpu.vector_load %arg9[%get3A_486, %get3A_487] {strides = array<i32>} : memref<32x1024xf32, #tpu.memory_space<vmem>>, vector<16xf32>,
      %add3A_489 = arith.addf %get3A_484, %get3A_488 : vector<16xf32>
      %swap3A = arith.constant 13 : i32
      %swap3A_490 = arith.index_cast %swap3A : i32 to index
      %swap3A_491 = arith.index_cast %mul3A_481 : i32 to index
      %swap3A_492 = tpu.vector_load %arg8[%swap3A_490, %swap3A_491] {strides = array<i32>} : memref<32x1024xf32, #tpu.memory_space<vmem>>, vector<16xf32>,
      tpu.vector_store %arg8[%swap3A_490, %swap3A_491], %add3A_489 {strides = array<i32>} : memref<32x1024xf32, #tpu.memory_space<vmem>>, vector<16xf32>,
      %scan3A_493 = arith.constant 0 : i32
      scf.yield %scan3A_493 : i32
    }
    %scan3A_111 = arith.constant 64 : i32
    %scan3A_112 = arith.constant 0 : i32
    %scan3A_113 = arith.constant 0 : i32
    %scan3A_114 = arith.constant 64 : i32
    %scan3A_115 = arith.addi %scan3A_113, %scan3A_114 : i32
    %scan3A_116 = arith.constant 1 : i32
    %scan3A_117 = scf.for %scan3A_478 = %scan3A_113 to %scan3A_115 step %scan3A_116 iter_args(%scan3A_479 = %scan3A_112) -> (i32)  : i32 {
      %mul3A_480 = arith.constant 16 : i32
      %mul3A_481 = arith.muli %scan3A_478, %mul3A_480 : i32
      %get3A = arith.constant 14 : i32
      %get3A_482 = arith.index_cast %get3A : i32 to index
      %get3A_483 = arith.index_cast %mul3A_481 : i32 to index
      %get3A_484 = tpu.vector_load %arg8[%get3A_482, %get3A_483] {strides = array<i32>} : memref<32x1024xf32, #tpu.memory_space<vmem>>, vector<16xf32>,
      %get3A_485 = arith.constant 14 : i32
      %get3A_486 = arith.index_cast %get3A_485 : i32 to index
      %get3A_487 = arith.index_cast %mul3A_481 : i32 to index
      %get3A_488 = tpu.vector_load %arg9[%get3A_486, %get3A_487] {strides = array<i32>} : memref<32x1024xf32, #tpu.memory_space<vmem>>, vector<16xf32>,
      %add3A_489 = arith.addf %get3A_484, %get3A_488 : vector<16xf32>
      %swap3A = arith.constant 14 : i32
      %swap3A_490 = arith.index_cast %swap3A : i32 to index
      %swap3A_491 = arith.index_cast %mul3A_481 : i32 to index
      %swap3A_492 = tpu.vector_load %arg8[%swap3A_490, %swap3A_491] {strides = array<i32>} : memref<32x1024xf32, #tpu.memory_space<vmem>>, vector<16xf32>,
      tpu.vector_store %arg8[%swap3A_490, %swap3A_491], %add3A_489 {strides = array<i32>} : memref<32x1024xf32, #tpu.memory_space<vmem>>, vector<16xf32>,
      %scan3A_493 = arith.constant 0 : i32
      scf.yield %scan3A_493 : i32
    }
    %scan3A_118 = arith.constant 64 : i32
    %scan3A_119 = arith.constant 0 : i32
    %scan3A_120 = arith.constant 0 : i32
    %scan3A_121 = arith.constant 64 : i32
    %scan3A_122 = arith.addi %scan3A_120, %scan3A_121 : i32
    %scan3A_123 = arith.constant 1 : i32
    %scan3A_124 = scf.for %scan3A_478 = %scan3A_120 to %scan3A_122 step %scan3A_123 iter_args(%scan3A_479 = %scan3A_119) -> (i32)  : i32 {
      %mul3A_480 = arith.constant 16 : i32
      %mul3A_481 = arith.muli %scan3A_478, %mul3A_480 : i32
      %get3A = arith.constant 15 : i32
      %get3A_482 = arith.index_cast %get3A : i32 to index
      %get3A_483 = arith.index_cast %mul3A_481 : i32 to index
      %get3A_484 = tpu.vector_load %arg8[%get3A_482, %get3A_483] {strides = array<i32>} : memref<32x1024xf32, #tpu.memory_space<vmem>>, vector<16xf32>,
      %get3A_485 = arith.constant 15 : i32
      %get3A_486 = arith.index_cast %get3A_485 : i32 to index
      %get3A_487 = arith.index_cast %mul3A_481 : i32 to index
      %get3A_488 = tpu.vector_load %arg9[%get3A_486, %get3A_487] {strides = array<i32>} : memref<32x1024xf32, #tpu.memory_space<vmem>>, vector<16xf32>,
      %add3A_489 = arith.addf %get3A_484, %get3A_488 : vector<16xf32>
      %swap3A = arith.constant 15 : i32
      %swap3A_490 = arith.index_cast %swap3A : i32 to index
      %swap3A_491 = arith.index_cast %mul3A_481 : i32 to index
      %swap3A_492 = tpu.vector_load %arg8[%swap3A_490, %swap3A_491] {strides = array<i32>} : memref<32x1024xf32, #tpu.memory_space<vmem>>, vector<16xf32>,
      tpu.vector_store %arg8[%swap3A_490, %swap3A_491], %add3A_489 {strides = array<i32>} : memref<32x1024xf32, #tpu.memory_space<vmem>>, vector<16xf32>,
      %scan3A_493 = arith.constant 0 : i32
      scf.yield %scan3A_493 : i32
    }
    %scan3A_125 = arith.constant 64 : i32
    %scan3A_126 = arith.constant 0 : i32
    %scan3A_127 = arith.constant 0 : i32
    %scan3A_128 = arith.constant 64 : i32
    %scan3A_129 = arith.addi %scan3A_127, %scan3A_128 : i32
    %scan3A_130 = arith.constant 1 : i32
    %scan3A_131 = scf.for %scan3A_478 = %scan3A_127 to %scan3A_129 step %scan3A_130 iter_args(%scan3A_479 = %scan3A_126) -> (i32)  : i32 {
      %mul3A_480 = arith.constant 16 : i32
      %mul3A_481 = arith.muli %scan3A_478, %mul3A_480 : i32
      %get3A = arith.constant 16 : i32
      %get3A_482 = arith.index_cast %get3A : i32 to index
      %get3A_483 = arith.index_cast %mul3A_481 : i32 to index
      %get3A_484 = tpu.vector_load %arg8[%get3A_482, %get3A_483] {strides = array<i32>} : memref<32x1024xf32, #tpu.memory_space<vmem>>, vector<16xf32>,
      %get3A_485 = arith.constant 16 : i32
      %get3A_486 = arith.index_cast %get3A_485 : i32 to index
      %get3A_487 = arith.index_cast %mul3A_481 : i32 to index
      %get3A_488 = tpu.vector_load %arg9[%get3A_486, %get3A_487] {strides = array<i32>} : memref<32x1024xf32, #tpu.memory_space<vmem>>, vector<16xf32>,
      %add3A_489 = arith.addf %get3A_484, %get3A_488 : vector<16xf32>
      %swap3A = arith.constant 16 : i32
      %swap3A_490 = arith.index_cast %swap3A : i32 to index
      %swap3A_491 = arith.index_cast %mul3A_481 : i32 to index
      %swap3A_492 = tpu.vector_load %arg8[%swap3A_490, %swap3A_491] {strides = array<i32>} : memref<32x1024xf32, #tpu.memory_space<vmem>>, vector<16xf32>,
      tpu.vector_store %arg8[%swap3A_490, %swap3A_491], %add3A_489 {strides = array<i32>} : memref<32x1024xf32, #tpu.memory_space<vmem>>, vector<16xf32>,
      %scan3A_493 = arith.constant 0 : i32
      scf.yield %scan3A_493 : i32
    }
    %scan3A_132 = arith.constant 64 : i32
    %scan3A_133 = arith.constant 0 : i32
    %scan3A_134 = arith.constant 0 : i32
    %scan3A_135 = arith.constant 64 : i32
    %scan3A_136 = arith.addi %scan3A_134, %scan3A_135 : i32
    %scan3A_137 = arith.constant 1 : i32
    %scan3A_138 = scf.for %scan3A_478 = %scan3A_134 to %scan3A_136 step %scan3A_137 iter_args(%scan3A_479 = %scan3A_133) -> (i32)  : i32 {
      %mul3A_480 = arith.constant 16 : i32
      %mul3A_481 = arith.muli %scan3A_478, %mul3A_480 : i32
      %get3A = arith.constant 17 : i32
      %get3A_482 = arith.index_cast %get3A : i32 to index
      %get3A_483 = arith.index_cast %mul3A_481 : i32 to index
      %get3A_484 = tpu.vector_load %arg8[%get3A_482, %get3A_483] {strides = array<i32>} : memref<32x1024xf32, #tpu.memory_space<vmem>>, vector<16xf32>,
      %get3A_485 = arith.constant 17 : i32
      %get3A_486 = arith.index_cast %get3A_485 : i32 to index
      %get3A_487 = arith.index_cast %mul3A_481 : i32 to index
      %get3A_488 = tpu.vector_load %arg9[%get3A_486, %get3A_487] {strides = array<i32>} : memref<32x1024xf32, #tpu.memory_space<vmem>>, vector<16xf32>,
      %add3A_489 = arith.addf %get3A_484, %get3A_488 : vector<16xf32>
      %swap3A = arith.constant 17 : i32
      %swap3A_490 = arith.index_cast %swap3A : i32 to index
      %swap3A_491 = arith.index_cast %mul3A_481 : i32 to index
      %swap3A_492 = tpu.vector_load %arg8[%swap3A_490, %swap3A_491] {strides = array<i32>} : memref<32x1024xf32, #tpu.memory_space<vmem>>, vector<16xf32>,
      tpu.vector_store %arg8[%swap3A_490, %swap3A_491], %add3A_489 {strides = array<i32>} : memref<32x1024xf32, #tpu.memory_space<vmem>>, vector<16xf32>,
      %scan3A_493 = arith.constant 0 : i32
      scf.yield %scan3A_493 : i32
    }
    %scan3A_139 = arith.constant 64 : i32
    %scan3A_140 = arith.constant 0 : i32
    %scan3A_141 = arith.constant 0 : i32
    %scan3A_142 = arith.constant 64 : i32
    %scan3A_143 = arith.addi %scan3A_141, %scan3A_142 : i32
    %scan3A_144 = arith.constant 1 : i32
    %scan3A_145 = scf.for %scan3A_478 = %scan3A_141 to %scan3A_143 step %scan3A_144 iter_args(%scan3A_479 = %scan3A_140) -> (i32)  : i32 {
      %mul3A_480 = arith.constant 16 : i32
      %mul3A_481 = arith.muli %scan3A_478, %mul3A_480 : i32
      %get3A = arith.constant 18 : i32
      %get3A_482 = arith.index_cast %get3A : i32 to index
      %get3A_483 = arith.index_cast %mul3A_481 : i32 to index
      %get3A_484 = tpu.vector_load %arg8[%get3A_482, %get3A_483] {strides = array<i32>} : memref<32x1024xf32, #tpu.memory_space<vmem>>, vector<16xf32>,
      %get3A_485 = arith.constant 18 : i32
      %get3A_486 = arith.index_cast %get3A_485 : i32 to index
      %get3A_487 = arith.index_cast %mul3A_481 : i32 to index
      %get3A_488 = tpu.vector_load %arg9[%get3A_486, %get3A_487] {strides = array<i32>} : memref<32x1024xf32, #tpu.memory_space<vmem>>, vector<16xf32>,
      %add3A_489 = arith.addf %get3A_484, %get3A_488 : vector<16xf32>
      %swap3A = arith.constant 18 : i32
      %swap3A_490 = arith.index_cast %swap3A : i32 to index
      %swap3A_491 = arith.index_cast %mul3A_481 : i32 to index
      %swap3A_492 = tpu.vector_load %arg8[%swap3A_490, %swap3A_491] {strides = array<i32>} : memref<32x1024xf32, #tpu.memory_space<vmem>>, vector<16xf32>,
      tpu.vector_store %arg8[%swap3A_490, %swap3A_491], %add3A_489 {strides = array<i32>} : memref<32x1024xf32, #tpu.memory_space<vmem>>, vector<16xf32>,
      %scan3A_493 = arith.constant 0 : i32
      scf.yield %scan3A_493 : i32
    }
    %scan3A_146 = arith.constant 64 : i32
    %scan3A_147 = arith.constant 0 : i32
    %scan3A_148 = arith.constant 0 : i32
    %scan3A_149 = arith.constant 64 : i32
    %scan3A_150 = arith.addi %scan3A_148, %scan3A_149 : i32
    %scan3A_151 = arith.constant 1 : i32
    %scan3A_152 = scf.for %scan3A_478 = %scan3A_148 to %scan3A_150 step %scan3A_151 iter_args(%scan3A_479 = %scan3A_147) -> (i32)  : i32 {
      %mul3A_480 = arith.constant 16 : i32
      %mul3A_481 = arith.muli %scan3A_478, %mul3A_480 : i32
      %get3A = arith.constant 19 : i32
      %get3A_482 = arith.index_cast %get3A : i32 to index
      %get3A_483 = arith.index_cast %mul3A_481 : i32 to index
      %get3A_484 = tpu.vector_load %arg8[%get3A_482, %get3A_483] {strides = array<i32>} : memref<32x1024xf32, #tpu.memory_space<vmem>>, vector<16xf32>,
      %get3A_485 = arith.constant 19 : i32
      %get3A_486 = arith.index_cast %get3A_485 : i32 to index
      %get3A_487 = arith.index_cast %mul3A_481 : i32 to index
      %get3A_488 = tpu.vector_load %arg9[%get3A_486, %get3A_487] {strides = array<i32>} : memref<32x1024xf32, #tpu.memory_space<vmem>>, vector<16xf32>,
      %add3A_489 = arith.addf %get3A_484, %get3A_488 : vector<16xf32>
      %swap3A = arith.constant 19 : i32
      %swap3A_490 = arith.index_cast %swap3A : i32 to index
      %swap3A_491 = arith.index_cast %mul3A_481 : i32 to index
      %swap3A_492 = tpu.vector_load %arg8[%swap3A_490, %swap3A_491] {strides = array<i32>} : memref<32x1024xf32, #tpu.memory_space<vmem>>, vector<16xf32>,
      tpu.vector_store %arg8[%swap3A_490, %swap3A_491], %add3A_489 {strides = array<i32>} : memref<32x1024xf32, #tpu.memory_space<vmem>>, vector<16xf32>,
      %scan3A_493 = arith.constant 0 : i32
      scf.yield %scan3A_493 : i32
    }
    %scan3A_153 = arith.constant 64 : i32
    %scan3A_154 = arith.constant 0 : i32
    %scan3A_155 = arith.constant 0 : i32
    %scan3A_156 = arith.constant 64 : i32
    %scan3A_157 = arith.addi %scan3A_155, %scan3A_156 : i32
    %scan3A_158 = arith.constant 1 : i32
    %scan3A_159 = scf.for %scan3A_478 = %scan3A_155 to %scan3A_157 step %scan3A_158 iter_args(%scan3A_479 = %scan3A_154) -> (i32)  : i32 {
      %mul3A_480 = arith.constant 16 : i32
      %mul3A_481 = arith.muli %scan3A_478, %mul3A_480 : i32
      %get3A = arith.constant 20 : i32
      %get3A_482 = arith.index_cast %get3A : i32 to index
      %get3A_483 = arith.index_cast %mul3A_481 : i32 to index
      %get3A_484 = tpu.vector_load %arg8[%get3A_482, %get3A_483] {strides = array<i32>} : memref<32x1024xf32, #tpu.memory_space<vmem>>, vector<16xf32>,
      %get3A_485 = arith.constant 20 : i32
      %get3A_486 = arith.index_cast %get3A_485 : i32 to index
      %get3A_487 = arith.index_cast %mul3A_481 : i32 to index
      %get3A_488 = tpu.vector_load %arg9[%get3A_486, %get3A_487] {strides = array<i32>} : memref<32x1024xf32, #tpu.memory_space<vmem>>, vector<16xf32>,
      %add3A_489 = arith.addf %get3A_484, %get3A_488 : vector<16xf32>
      %swap3A = arith.constant 20 : i32
      %swap3A_490 = arith.index_cast %swap3A : i32 to index
      %swap3A_491 = arith.index_cast %mul3A_481 : i32 to index
      %swap3A_492 = tpu.vector_load %arg8[%swap3A_490, %swap3A_491] {strides = array<i32>} : memref<32x1024xf32, #tpu.memory_space<vmem>>, vector<16xf32>,
      tpu.vector_store %arg8[%swap3A_490, %swap3A_491], %add3A_489 {strides = array<i32>} : memref<32x1024xf32, #tpu.memory_space<vmem>>, vector<16xf32>,
      %scan3A_493 = arith.constant 0 : i32
      scf.yield %scan3A_493 : i32
    }
    %scan3A_160 = arith.constant 64 : i32
    %scan3A_161 = arith.constant 0 : i32
    %scan3A_162 = arith.constant 0 : i32
    %scan3A_163 = arith.constant 64 : i32
    %scan3A_164 = arith.addi %scan3A_162, %scan3A_163 : i32
    %scan3A_165 = arith.constant 1 : i32
    %scan3A_166 = scf.for %scan3A_478 = %scan3A_162 to %scan3A_164 step %scan3A_165 iter_args(%scan3A_479 = %scan3A_161) -> (i32)  : i32 {
      %mul3A_480 = arith.constant 16 : i32
      %mul3A_481 = arith.muli %scan3A_478, %mul3A_480 : i32
      %get3A = arith.constant 21 : i32
      %get3A_482 = arith.index_cast %get3A : i32 to index
      %get3A_483 = arith.index_cast %mul3A_481 : i32 to index
      %get3A_484 = tpu.vector_load %arg8[%get3A_482, %get3A_483] {strides = array<i32>} : memref<32x1024xf32, #tpu.memory_space<vmem>>, vector<16xf32>,
      %get3A_485 = arith.constant 21 : i32
      %get3A_486 = arith.index_cast %get3A_485 : i32 to index
      %get3A_487 = arith.index_cast %mul3A_481 : i32 to index
      %get3A_488 = tpu.vector_load %arg9[%get3A_486, %get3A_487] {strides = array<i32>} : memref<32x1024xf32, #tpu.memory_space<vmem>>, vector<16xf32>,
      %add3A_489 = arith.addf %get3A_484, %get3A_488 : vector<16xf32>
      %swap3A = arith.constant 21 : i32
      %swap3A_490 = arith.index_cast %swap3A : i32 to index
      %swap3A_491 = arith.index_cast %mul3A_481 : i32 to index
      %swap3A_492 = tpu.vector_load %arg8[%swap3A_490, %swap3A_491] {strides = array<i32>} : memref<32x1024xf32, #tpu.memory_space<vmem>>, vector<16xf32>,
      tpu.vector_store %arg8[%swap3A_490, %swap3A_491], %add3A_489 {strides = array<i32>} : memref<32x1024xf32, #tpu.memory_space<vmem>>, vector<16xf32>,
      %scan3A_493 = arith.constant 0 : i32
      scf.yield %scan3A_493 : i32
    }
    %scan3A_167 = arith.constant 64 : i32
    %scan3A_168 = arith.constant 0 : i32
    %scan3A_169 = arith.constant 0 : i32
    %scan3A_170 = arith.constant 64 : i32
    %scan3A_171 = arith.addi %scan3A_169, %scan3A_170 : i32
    %scan3A_172 = arith.constant 1 : i32
    %scan3A_173 = scf.for %scan3A_478 = %scan3A_169 to %scan3A_171 step %scan3A_172 iter_args(%scan3A_479 = %scan3A_168) -> (i32)  : i32 {
      %mul3A_480 = arith.constant 16 : i32
      %mul3A_481 = arith.muli %scan3A_478, %mul3A_480 : i32
      %get3A = arith.constant 22 : i32
      %get3A_482 = arith.index_cast %get3A : i32 to index
      %get3A_483 = arith.index_cast %mul3A_481 : i32 to index
      %get3A_484 = tpu.vector_load %arg8[%get3A_482, %get3A_483] {strides = array<i32>} : memref<32x1024xf32, #tpu.memory_space<vmem>>, vector<16xf32>,
      %get3A_485 = arith.constant 22 : i32
      %get3A_486 = arith.index_cast %get3A_485 : i32 to index
      %get3A_487 = arith.index_cast %mul3A_481 : i32 to index
      %get3A_488 = tpu.vector_load %arg9[%get3A_486, %get3A_487] {strides = array<i32>} : memref<32x1024xf32, #tpu.memory_space<vmem>>, vector<16xf32>,
      %add3A_489 = arith.addf %get3A_484, %get3A_488 : vector<16xf32>
      %swap3A = arith.constant 22 : i32
      %swap3A_490 = arith.index_cast %swap3A : i32 to index
      %swap3A_491 = arith.index_cast %mul3A_481 : i32 to index
      %swap3A_492 = tpu.vector_load %arg8[%swap3A_490, %swap3A_491] {strides = array<i32>} : memref<32x1024xf32, #tpu.memory_space<vmem>>, vector<16xf32>,
      tpu.vector_store %arg8[%swap3A_490, %swap3A_491], %add3A_489 {strides = array<i32>} : memref<32x1024xf32, #tpu.memory_space<vmem>>, vector<16xf32>,
      %scan3A_493 = arith.constant 0 : i32
      scf.yield %scan3A_493 : i32
    }
    %scan3A_174 = arith.constant 64 : i32
    %scan3A_175 = arith.constant 0 : i32
    %scan3A_176 = arith.constant 0 : i32
    %scan3A_177 = arith.constant 64 : i32
    %scan3A_178 = arith.addi %scan3A_176, %scan3A_177 : i32
    %scan3A_179 = arith.constant 1 : i32
    %scan3A_180 = scf.for %scan3A_478 = %scan3A_176 to %scan3A_178 step %scan3A_179 iter_args(%scan3A_479 = %scan3A_175) -> (i32)  : i32 {
      %mul3A_480 = arith.constant 16 : i32
      %mul3A_481 = arith.muli %scan3A_478, %mul3A_480 : i32
      %get3A = arith.constant 23 : i32
      %get3A_482 = arith.index_cast %get3A : i32 to index
      %get3A_483 = arith.index_cast %mul3A_481 : i32 to index
      %get3A_484 = tpu.vector_load %arg8[%get3A_482, %get3A_483] {strides = array<i32>} : memref<32x1024xf32, #tpu.memory_space<vmem>>, vector<16xf32>,
      %get3A_485 = arith.constant 23 : i32
      %get3A_486 = arith.index_cast %get3A_485 : i32 to index
      %get3A_487 = arith.index_cast %mul3A_481 : i32 to index
      %get3A_488 = tpu.vector_load %arg9[%get3A_486, %get3A_487] {strides = array<i32>} : memref<32x1024xf32, #tpu.memory_space<vmem>>, vector<16xf32>,
      %add3A_489 = arith.addf %get3A_484, %get3A_488 : vector<16xf32>
      %swap3A = arith.constant 23 : i32
      %swap3A_490 = arith.index_cast %swap3A : i32 to index
      %swap3A_491 = arith.index_cast %mul3A_481 : i32 to index
      %swap3A_492 = tpu.vector_load %arg8[%swap3A_490, %swap3A_491] {strides = array<i32>} : memref<32x1024xf32, #tpu.memory_space<vmem>>, vector<16xf32>,
      tpu.vector_store %arg8[%swap3A_490, %swap3A_491], %add3A_489 {strides = array<i32>} : memref<32x1024xf32, #tpu.memory_space<vmem>>, vector<16xf32>,
      %scan3A_493 = arith.constant 0 : i32
      scf.yield %scan3A_493 : i32
    }
    %scan3A_181 = arith.constant 64 : i32
    %scan3A_182 = arith.constant 0 : i32
    %scan3A_183 = arith.constant 0 : i32
    %scan3A_184 = arith.constant 64 : i32
    %scan3A_185 = arith.addi %scan3A_183, %scan3A_184 : i32
    %scan3A_186 = arith.constant 1 : i32
    %scan3A_187 = scf.for %scan3A_478 = %scan3A_183 to %scan3A_185 step %scan3A_186 iter_args(%scan3A_479 = %scan3A_182) -> (i32)  : i32 {
      %mul3A_480 = arith.constant 16 : i32
      %mul3A_481 = arith.muli %scan3A_478, %mul3A_480 : i32
      %get3A = arith.constant 24 : i32
      %get3A_482 = arith.index_cast %get3A : i32 to index
      %get3A_483 = arith.index_cast %mul3A_481 : i32 to index
      %get3A_484 = tpu.vector_load %arg8[%get3A_482, %get3A_483] {strides = array<i32>} : memref<32x1024xf32, #tpu.memory_space<vmem>>, vector<16xf32>,
      %get3A_485 = arith.constant 24 : i32
      %get3A_486 = arith.index_cast %get3A_485 : i32 to index
      %get3A_487 = arith.index_cast %mul3A_481 : i32 to index
      %get3A_488 = tpu.vector_load %arg9[%get3A_486, %get3A_487] {strides = array<i32>} : memref<32x1024xf32, #tpu.memory_space<vmem>>, vector<16xf32>,
      %add3A_489 = arith.addf %get3A_484, %get3A_488 : vector<16xf32>
      %swap3A = arith.constant 24 : i32
      %swap3A_490 = arith.index_cast %swap3A : i32 to index
      %swap3A_491 = arith.index_cast %mul3A_481 : i32 to index
      %swap3A_492 = tpu.vector_load %arg8[%swap3A_490, %swap3A_491] {strides = array<i32>} : memref<32x1024xf32, #tpu.memory_space<vmem>>, vector<16xf32>,
      tpu.vector_store %arg8[%swap3A_490, %swap3A_491], %add3A_489 {strides = array<i32>} : memref<32x1024xf32, #tpu.memory_space<vmem>>, vector<16xf32>,
      %scan3A_493 = arith.constant 0 : i32
      scf.yield %scan3A_493 : i32
    }
    %scan3A_188 = arith.constant 64 : i32
    %scan3A_189 = arith.constant 0 : i32
    %scan3A_190 = arith.constant 0 : i32
    %scan3A_191 = arith.constant 64 : i32
    %scan3A_192 = arith.addi %scan3A_190, %scan3A_191 : i32
    %scan3A_193 = arith.constant 1 : i32
    %scan3A_194 = scf.for %scan3A_478 = %scan3A_190 to %scan3A_192 step %scan3A_193 iter_args(%scan3A_479 = %scan3A_189) -> (i32)  : i32 {
      %mul3A_480 = arith.constant 16 : i32
      %mul3A_481 = arith.muli %scan3A_478, %mul3A_480 : i32
      %get3A = arith.constant 25 : i32
      %get3A_482 = arith.index_cast %get3A : i32 to index
      %get3A_483 = arith.index_cast %mul3A_481 : i32 to index
      %get3A_484 = tpu.vector_load %arg8[%get3A_482, %get3A_483] {strides = array<i32>} : memref<32x1024xf32, #tpu.memory_space<vmem>>, vector<16xf32>,
      %get3A_485 = arith.constant 25 : i32
      %get3A_486 = arith.index_cast %get3A_485 : i32 to index
      %get3A_487 = arith.index_cast %mul3A_481 : i32 to index
      %get3A_488 = tpu.vector_load %arg9[%get3A_486, %get3A_487] {strides = array<i32>} : memref<32x1024xf32, #tpu.memory_space<vmem>>, vector<16xf32>,
      %add3A_489 = arith.addf %get3A_484, %get3A_488 : vector<16xf32>
      %swap3A = arith.constant 25 : i32
      %swap3A_490 = arith.index_cast %swap3A : i32 to index
      %swap3A_491 = arith.index_cast %mul3A_481 : i32 to index
      %swap3A_492 = tpu.vector_load %arg8[%swap3A_490, %swap3A_491] {strides = array<i32>} : memref<32x1024xf32, #tpu.memory_space<vmem>>, vector<16xf32>,
      tpu.vector_store %arg8[%swap3A_490, %swap3A_491], %add3A_489 {strides = array<i32>} : memref<32x1024xf32, #tpu.memory_space<vmem>>, vector<16xf32>,
      %scan3A_493 = arith.constant 0 : i32
      scf.yield %scan3A_493 : i32
    }
    %scan3A_195 = arith.constant 64 : i32
    %scan3A_196 = arith.constant 0 : i32
    %scan3A_197 = arith.constant 0 : i32
    %scan3A_198 = arith.constant 64 : i32
    %scan3A_199 = arith.addi %scan3A_197, %scan3A_198 : i32
    %scan3A_200 = arith.constant 1 : i32
    %scan3A_201 = scf.for %scan3A_478 = %scan3A_197 to %scan3A_199 step %scan3A_200 iter_args(%scan3A_479 = %scan3A_196) -> (i32)  : i32 {
      %mul3A_480 = arith.constant 16 : i32
      %mul3A_481 = arith.muli %scan3A_478, %mul3A_480 : i32
      %get3A = arith.constant 26 : i32
      %get3A_482 = arith.index_cast %get3A : i32 to index
      %get3A_483 = arith.index_cast %mul3A_481 : i32 to index
      %get3A_484 = tpu.vector_load %arg8[%get3A_482, %get3A_483] {strides = array<i32>} : memref<32x1024xf32, #tpu.memory_space<vmem>>, vector<16xf32>,
      %get3A_485 = arith.constant 26 : i32
      %get3A_486 = arith.index_cast %get3A_485 : i32 to index
      %get3A_487 = arith.index_cast %mul3A_481 : i32 to index
      %get3A_488 = tpu.vector_load %arg9[%get3A_486, %get3A_487] {strides = array<i32>} : memref<32x1024xf32, #tpu.memory_space<vmem>>, vector<16xf32>,
      %add3A_489 = arith.addf %get3A_484, %get3A_488 : vector<16xf32>
      %swap3A = arith.constant 26 : i32
      %swap3A_490 = arith.index_cast %swap3A : i32 to index
      %swap3A_491 = arith.index_cast %mul3A_481 : i32 to index
      %swap3A_492 = tpu.vector_load %arg8[%swap3A_490, %swap3A_491] {strides = array<i32>} : memref<32x1024xf32, #tpu.memory_space<vmem>>, vector<16xf32>,
      tpu.vector_store %arg8[%swap3A_490, %swap3A_491], %add3A_489 {strides = array<i32>} : memref<32x1024xf32, #tpu.memory_space<vmem>>, vector<16xf32>,
      %scan3A_493 = arith.constant 0 : i32
      scf.yield %scan3A_493 : i32
    }
    %scan3A_202 = arith.constant 64 : i32
    %scan3A_203 = arith.constant 0 : i32
    %scan3A_204 = arith.constant 0 : i32
    %scan3A_205 = arith.constant 64 : i32
    %scan3A_206 = arith.addi %scan3A_204, %scan3A_205 : i32
    %scan3A_207 = arith.constant 1 : i32
    %scan3A_208 = scf.for %scan3A_478 = %scan3A_204 to %scan3A_206 step %scan3A_207 iter_args(%scan3A_479 = %scan3A_203) -> (i32)  : i32 {
      %mul3A_480 = arith.constant 16 : i32
      %mul3A_481 = arith.muli %scan3A_478, %mul3A_480 : i32
      %get3A = arith.constant 27 : i32
      %get3A_482 = arith.index_cast %get3A : i32 to index
      %get3A_483 = arith.index_cast %mul3A_481 : i32 to index
      %get3A_484 = tpu.vector_load %arg8[%get3A_482, %get3A_483] {strides = array<i32>} : memref<32x1024xf32, #tpu.memory_space<vmem>>, vector<16xf32>,
      %get3A_485 = arith.constant 27 : i32
      %get3A_486 = arith.index_cast %get3A_485 : i32 to index
      %get3A_487 = arith.index_cast %mul3A_481 : i32 to index
      %get3A_488 = tpu.vector_load %arg9[%get3A_486, %get3A_487] {strides = array<i32>} : memref<32x1024xf32, #tpu.memory_space<vmem>>, vector<16xf32>,
      %add3A_489 = arith.addf %get3A_484, %get3A_488 : vector<16xf32>
      %swap3A = arith.constant 27 : i32
      %swap3A_490 = arith.index_cast %swap3A : i32 to index
      %swap3A_491 = arith.index_cast %mul3A_481 : i32 to index
      %swap3A_492 = tpu.vector_load %arg8[%swap3A_490, %swap3A_491] {strides = array<i32>} : memref<32x1024xf32, #tpu.memory_space<vmem>>, vector<16xf32>,
      tpu.vector_store %arg8[%swap3A_490, %swap3A_491], %add3A_489 {strides = array<i32>} : memref<32x1024xf32, #tpu.memory_space<vmem>>, vector<16xf32>,
      %scan3A_493 = arith.constant 0 : i32
      scf.yield %scan3A_493 : i32
    }
    %scan3A_209 = arith.constant 64 : i32
    %scan3A_210 = arith.constant 0 : i32
    %scan3A_211 = arith.constant 0 : i32
    %scan3A_212 = arith.constant 64 : i32
    %scan3A_213 = arith.addi %scan3A_211, %scan3A_212 : i32
    %scan3A_214 = arith.constant 1 : i32
    %scan3A_215 = scf.for %scan3A_478 = %scan3A_211 to %scan3A_213 step %scan3A_214 iter_args(%scan3A_479 = %scan3A_210) -> (i32)  : i32 {
      %mul3A_480 = arith.constant 16 : i32
      %mul3A_481 = arith.muli %scan3A_478, %mul3A_480 : i32
      %get3A = arith.constant 28 : i32
      %get3A_482 = arith.index_cast %get3A : i32 to index
      %get3A_483 = arith.index_cast %mul3A_481 : i32 to index
      %get3A_484 = tpu.vector_load %arg8[%get3A_482, %get3A_483] {strides = array<i32>} : memref<32x1024xf32, #tpu.memory_space<vmem>>, vector<16xf32>,
      %get3A_485 = arith.constant 28 : i32
      %get3A_486 = arith.index_cast %get3A_485 : i32 to index
      %get3A_487 = arith.index_cast %mul3A_481 : i32 to index
      %get3A_488 = tpu.vector_load %arg9[%get3A_486, %get3A_487] {strides = array<i32>} : memref<32x1024xf32, #tpu.memory_space<vmem>>, vector<16xf32>,
      %add3A_489 = arith.addf %get3A_484, %get3A_488 : vector<16xf32>
      %swap3A = arith.constant 28 : i32
      %swap3A_490 = arith.index_cast %swap3A : i32 to index
      %swap3A_491 = arith.index_cast %mul3A_481 : i32 to index
      %swap3A_492 = tpu.vector_load %arg8[%swap3A_490, %swap3A_491] {strides = array<i32>} : memref<32x1024xf32, #tpu.memory_space<vmem>>, vector<16xf32>,
      tpu.vector_store %arg8[%swap3A_490, %swap3A_491], %add3A_489 {strides = array<i32>} : memref<32x1024xf32, #tpu.memory_space<vmem>>, vector<16xf32>,
      %scan3A_493 = arith.constant 0 : i32
      scf.yield %scan3A_493 : i32
    }
    %scan3A_216 = arith.constant 64 : i32
    %scan3A_217 = arith.constant 0 : i32
    %scan3A_218 = arith.constant 0 : i32
    %scan3A_219 = arith.constant 64 : i32
    %scan3A_220 = arith.addi %scan3A_218, %scan3A_219 : i32
    %scan3A_221 = arith.constant 1 : i32
    %scan3A_222 = scf.for %scan3A_478 = %scan3A_218 to %scan3A_220 step %scan3A_221 iter_args(%scan3A_479 = %scan3A_217) -> (i32)  : i32 {
      %mul3A_480 = arith.constant 16 : i32
      %mul3A_481 = arith.muli %scan3A_478, %mul3A_480 : i32
      %get3A = arith.constant 29 : i32
      %get3A_482 = arith.index_cast %get3A : i32 to index
      %get3A_483 = arith.index_cast %mul3A_481 : i32 to index
      %get3A_484 = tpu.vector_load %arg8[%get3A_482, %get3A_483] {strides = array<i32>} : memref<32x1024xf32, #tpu.memory_space<vmem>>, vector<16xf32>,
      %get3A_485 = arith.constant 29 : i32
      %get3A_486 = arith.index_cast %get3A_485 : i32 to index
      %get3A_487 = arith.index_cast %mul3A_481 : i32 to index
      %get3A_488 = tpu.vector_load %arg9[%get3A_486, %get3A_487] {strides = array<i32>} : memref<32x1024xf32, #tpu.memory_space<vmem>>, vector<16xf32>,
      %add3A_489 = arith.addf %get3A_484, %get3A_488 : vector<16xf32>
      %swap3A = arith.constant 29 : i32
      %swap3A_490 = arith.index_cast %swap3A : i32 to index
      %swap3A_491 = arith.index_cast %mul3A_481 : i32 to index
      %swap3A_492 = tpu.vector_load %arg8[%swap3A_490, %swap3A_491] {strides = array<i32>} : memref<32x1024xf32, #tpu.memory_space<vmem>>, vector<16xf32>,
      tpu.vector_store %arg8[%swap3A_490, %swap3A_491], %add3A_489 {strides = array<i32>} : memref<32x1024xf32, #tpu.memory_space<vmem>>, vector<16xf32>,
      %scan3A_493 = arith.constant 0 : i32
      scf.yield %scan3A_493 : i32
    }
    %scan3A_223 = arith.constant 64 : i32
    %scan3A_224 = arith.constant 0 : i32
    %scan3A_225 = arith.constant 0 : i32
    %scan3A_226 = arith.constant 64 : i32
    %scan3A_227 = arith.addi %scan3A_225, %scan3A_226 : i32
    %scan3A_228 = arith.constant 1 : i32
    %scan3A_229 = scf.for %scan3A_478 = %scan3A_225 to %scan3A_227 step %scan3A_228 iter_args(%scan3A_479 = %scan3A_224) -> (i32)  : i32 {
      %mul3A_480 = arith.constant 16 : i32
      %mul3A_481 = arith.muli %scan3A_478, %mul3A_480 : i32
      %get3A = arith.constant 30 : i32
      %get3A_482 = arith.index_cast %get3A : i32 to index
      %get3A_483 = arith.index_cast %mul3A_481 : i32 to index
      %get3A_484 = tpu.vector_load %arg8[%get3A_482, %get3A_483] {strides = array<i32>} : memref<32x1024xf32, #tpu.memory_space<vmem>>, vector<16xf32>,
      %get3A_485 = arith.constant 30 : i32
      %get3A_486 = arith.index_cast %get3A_485 : i32 to index
      %get3A_487 = arith.index_cast %mul3A_481 : i32 to index
      %get3A_488 = tpu.vector_load %arg9[%get3A_486, %get3A_487] {strides = array<i32>} : memref<32x1024xf32, #tpu.memory_space<vmem>>, vector<16xf32>,
      %add3A_489 = arith.addf %get3A_484, %get3A_488 : vector<16xf32>
      %swap3A = arith.constant 30 : i32
      %swap3A_490 = arith.index_cast %swap3A : i32 to index
      %swap3A_491 = arith.index_cast %mul3A_481 : i32 to index
      %swap3A_492 = tpu.vector_load %arg8[%swap3A_490, %swap3A_491] {strides = array<i32>} : memref<32x1024xf32, #tpu.memory_space<vmem>>, vector<16xf32>,
      tpu.vector_store %arg8[%swap3A_490, %swap3A_491], %add3A_489 {strides = array<i32>} : memref<32x1024xf32, #tpu.memory_space<vmem>>, vector<16xf32>,
      %scan3A_493 = arith.constant 0 : i32
      scf.yield %scan3A_493 : i32
    }
    %scan3A_230 = arith.constant 64 : i32
    %scan3A_231 = arith.constant 0 : i32
    %scan3A_232 = arith.constant 0 : i32
    %scan3A_233 = arith.constant 64 : i32
    %scan3A_234 = arith.addi %scan3A_232, %scan3A_233 : i32
    %scan3A_235 = arith.constant 1 : i32
    %scan3A_236 = scf.for %scan3A_478 = %scan3A_232 to %scan3A_234 step %scan3A_235 iter_args(%scan3A_479 = %scan3A_231) -> (i32)  : i32 {
      %mul3A_480 = arith.constant 16 : i32
      %mul3A_481 = arith.muli %scan3A_478, %mul3A_480 : i32
      %get3A = arith.constant 31 : i32
      %get3A_482 = arith.index_cast %get3A : i32 to index
      %get3A_483 = arith.index_cast %mul3A_481 : i32 to index
      %get3A_484 = tpu.vector_load %arg8[%get3A_482, %get3A_483] {strides = array<i32>} : memref<32x1024xf32, #tpu.memory_space<vmem>>, vector<16xf32>,
      %get3A_485 = arith.constant 31 : i32
      %get3A_486 = arith.index_cast %get3A_485 : i32 to index
      %get3A_487 = arith.index_cast %mul3A_481 : i32 to index
      %get3A_488 = tpu.vector_load %arg9[%get3A_486, %get3A_487] {strides = array<i32>} : memref<32x1024xf32, #tpu.memory_space<vmem>>, vector<16xf32>,
      %add3A_489 = arith.addf %get3A_484, %get3A_488 : vector<16xf32>
      %swap3A = arith.constant 31 : i32
      %swap3A_490 = arith.index_cast %swap3A : i32 to index
      %swap3A_491 = arith.index_cast %mul3A_481 : i32 to index
      %swap3A_492 = tpu.vector_load %arg8[%swap3A_490, %swap3A_491] {strides = array<i32>} : memref<32x1024xf32, #tpu.memory_space<vmem>>, vector<16xf32>,
      tpu.vector_store %arg8[%swap3A_490, %swap3A_491], %add3A_489 {strides = array<i32>} : memref<32x1024xf32, #tpu.memory_space<vmem>>, vector<16xf32>,
      %scan3A_493 = arith.constant 0 : i32
      scf.yield %scan3A_493 : i32
    }
    %scan3A_237 = arith.constant 64 : i32
    "tpu.region"() ({
      %run_scoped3A = tpu.sem_alloc : memref<!tpu.dma_semaphore, #tpu.memory_space<semaphore_mem>>
      %dma_start3A_478 = arith.constant 0 : i32
      %dma_start3A_479 = tpu.memref_slice %arg5[%add3A_4, %dma_start3A_478] : memref<2048x1024xf32, #tpu.memory_space<hbm>> -> memref<32x1024xf32, #tpu.memory_space<hbm>>
      %dma_start3A_480 = arith.constant 0 : i32
      %dma_start3A_481 = tpu.memref_slice %arg5[%add3A_4, %dma_start3A_480] : memref<2048x1024xf32, #tpu.memory_space<hbm>> -> memref<32x1024xf32, #tpu.memory_space<hbm>>
      tpu.enqueue_dma source(%arg8 : memref<32x1024xf32, #tpu.memory_space<vmem>>) target(%dma_start3A_481 : memref<32x1024xf32, #tpu.memory_space<hbm>>) target_semaphore(%run_scoped3A : memref<!tpu.dma_semaphore, #tpu.memory_space<semaphore_mem>>)
      %dma_wait3A_482 = arith.constant 0 : i32
      %dma_wait3A_483 = tpu.memref_slice %arg5[%add3A_4, %dma_wait3A_482] : memref<2048x1024xf32, #tpu.memory_space<hbm>> -> memref<32x1024xf32, #tpu.memory_space<hbm>>
      %dma_wait3A_484 = arith.constant 0 : i32
      %dma_wait3A_485 = tpu.memref_slice %arg5[%add3A_4, %dma_wait3A_484] : memref<2048x1024xf32, #tpu.memory_space<hbm>> -> memref<32x1024xf32, #tpu.memory_space<hbm>>
      tpu.wait_dma2 semaphore(%run_scoped3A : memref<!tpu.dma_semaphore, #tpu.memory_space<semaphore_mem>>) src(%arg8 : memref<32x1024xf32, #tpu.memory_space<vmem>>) dst(%dma_wait3A_485 : memref<32x1024xf32, #tpu.memory_space<hbm>>)
      tpu.yield
    }) : () -> ()
    %mul3A_238 = arith.constant 64 : i32
    %mul3A_239 = arith.muli %add3A, %mul3A_238 : i32
    %add3A_240 = arith.constant 32 : i32
    %add3A_241 = arith.addi %mul3A_239, %add3A_240 : i32
    "tpu.region"() ({
      %run_scoped3A = tpu.sem_alloc : memref<!tpu.dma_semaphore, #tpu.memory_space<semaphore_mem>>
      %dma_start3A_478 = tpu.memref_slice %arg3[%add3A_241] : memref<2048xi32, #tpu.memory_space<hbm>> -> memref<32xi32, #tpu.memory_space<hbm>>
      %dma_start3A_479 = tpu.memref_slice %arg3[%add3A_241] : memref<2048xi32, #tpu.memory_space<hbm>> -> memref<32xi32, #tpu.memory_space<hbm>>
      tpu.enqueue_dma source(%dma_start3A_479 : memref<32xi32, #tpu.memory_space<hbm>>) target(%arg6 : memref<32xi32, #tpu.memory_space<vmem>>) target_semaphore(%run_scoped3A : memref<!tpu.dma_semaphore, #tpu.memory_space<semaphore_mem>>)
      %dma_wait3A_480 = tpu.memref_slice %arg3[%add3A_241] : memref<2048xi32, #tpu.memory_space<hbm>> -> memref<32xi32, #tpu.memory_space<hbm>>
      %dma_wait3A_481 = tpu.memref_slice %arg3[%add3A_241] : memref<2048xi32, #tpu.memory_space<hbm>> -> memref<32xi32, #tpu.memory_space<hbm>>
      tpu.wait_dma2 semaphore(%run_scoped3A : memref<!tpu.dma_semaphore, #tpu.memory_space<semaphore_mem>>) src(%dma_wait3A_481 : memref<32xi32, #tpu.memory_space<hbm>>) dst(%arg6 : memref<32xi32, #tpu.memory_space<vmem>>)
      tpu.yield
    }) : () -> ()
    "tpu.region"() ({
      %run_scoped3A = tpu.sem_alloc : memref<!tpu.dma_semaphore, #tpu.memory_space<semaphore_mem>>
      %dma_start3A_478 = tpu.memref_slice %arg4[%add3A_241] : memref<2048xi32, #tpu.memory_space<hbm>> -> memref<32xi32, #tpu.memory_space<hbm>>
      %dma_start3A_479 = tpu.memref_slice %arg4[%add3A_241] : memref<2048xi32, #tpu.memory_space<hbm>> -> memref<32xi32, #tpu.memory_space<hbm>>
      tpu.enqueue_dma source(%dma_start3A_479 : memref<32xi32, #tpu.memory_space<hbm>>) target(%arg7 : memref<32xi32, #tpu.memory_space<vmem>>) target_semaphore(%run_scoped3A : memref<!tpu.dma_semaphore, #tpu.memory_space<semaphore_mem>>)
      %dma_wait3A_480 = tpu.memref_slice %arg4[%add3A_241] : memref<2048xi32, #tpu.memory_space<hbm>> -> memref<32xi32, #tpu.memory_space<hbm>>
      %dma_wait3A_481 = tpu.memref_slice %arg4[%add3A_241] : memref<2048xi32, #tpu.memory_space<hbm>> -> memref<32xi32, #tpu.memory_space<hbm>>
      tpu.wait_dma2 semaphore(%run_scoped3A : memref<!tpu.dma_semaphore, #tpu.memory_space<semaphore_mem>>) src(%dma_wait3A_481 : memref<32xi32, #tpu.memory_space<hbm>>) dst(%arg7 : memref<32xi32, #tpu.memory_space<vmem>>)
      tpu.yield
    }) : () -> ()
    %dma_start3A_242 = arith.constant 0 : i32
    %dma_start3A_243 = arith.constant 0 : i32
    %dma_start3A_244 = tpu.memref_slice %arg2[%dma_start3A_242, %dma_start3A_243] : memref<6144x1024xf32, #tpu.memory_space<hbm>> -> memref<6144x1024xf32, #tpu.memory_space<hbm>>
    tpu.enqueue_indirect_dma source(%dma_start3A_244 : memref<6144x1024xf32, #tpu.memory_space<hbm>>) target(%arg8 : memref<32x1024xf32, #tpu.memory_space<vmem>>) offsets(%arg6 : memref<32xi32, #tpu.memory_space<vmem>>) semaphore(%arg10 : memref<!tpu.dma_semaphore, #tpu.memory_space<semaphore_mem>>)
    %dma_start3A_245 = arith.constant 0 : i32
    %dma_start3A_246 = arith.constant 0 : i32
    %dma_start3A_247 = tpu.memref_slice %arg2[%dma_start3A_245, %dma_start3A_246] : memref<6144x1024xf32, #tpu.memory_space<hbm>> -> memref<6144x1024xf32, #tpu.memory_space<hbm>>
    tpu.enqueue_indirect_dma source(%dma_start3A_247 : memref<6144x1024xf32, #tpu.memory_space<hbm>>) target(%arg9 : memref<32x1024xf32, #tpu.memory_space<vmem>>) offsets(%arg7 : memref<32xi32, #tpu.memory_space<vmem>>) semaphore(%arg11 : memref<!tpu.dma_semaphore, #tpu.memory_space<semaphore_mem>>)
    %dma_wait3A_248 = arith.constant 0 : i32
    %dma_wait3A_249 = arith.constant 0 : i32
    %dma_wait3A_250 = tpu.memref_slice %arg2[%dma_wait3A_248, %dma_wait3A_249] : memref<6144x1024xf32, #tpu.memory_space<hbm>> -> memref<6144x1024xf32, #tpu.memory_space<hbm>>
    tpu.wait_indirect_dma semaphore(%arg10 : memref<!tpu.dma_semaphore, #tpu.memory_space<semaphore_mem>>) src(%dma_wait3A_250 : memref<6144x1024xf32, #tpu.memory_space<hbm>>) dst(%arg8 : memref<32x1024xf32, #tpu.memory_space<vmem>>)
    %dma_wait3A_251 = arith.constant 0 : i32
    %dma_wait3A_252 = arith.constant 0 : i32
    %dma_wait3A_253 = tpu.memref_slice %arg2[%dma_wait3A_251, %dma_wait3A_252] : memref<6144x1024xf32, #tpu.memory_space<hbm>> -> memref<6144x1024xf32, #tpu.memory_space<hbm>>
    tpu.wait_indirect_dma semaphore(%arg11 : memref<!tpu.dma_semaphore, #tpu.memory_space<semaphore_mem>>) src(%dma_wait3A_253 : memref<6144x1024xf32, #tpu.memory_space<hbm>>) dst(%arg9 : memref<32x1024xf32, #tpu.memory_space<vmem>>)
    %scan3A_254 = arith.constant 0 : i32
    %scan3A_255 = arith.constant 0 : i32
    %scan3A_256 = arith.constant 64 : i32
    %scan3A_257 = arith.addi %scan3A_255, %scan3A_256 : i32
    %scan3A_258 = arith.constant 1 : i32
    %scan3A_259 = scf.for %scan3A_478 = %scan3A_255 to %scan3A_257 step %scan3A_258 iter_args(%scan3A_479 = %scan3A_254) -> (i32)  : i32 {
      %mul3A_480 = arith.constant 16 : i32
      %mul3A_481 = arith.muli %scan3A_478, %mul3A_480 : i32
      %get3A = arith.constant 0 : i32
      %get3A_482 = arith.index_cast %get3A : i32 to index
      %get3A_483 = arith.index_cast %mul3A_481 : i32 to index
      %get3A_484 = tpu.vector_load %arg8[%get3A_482, %get3A_483] {strides = array<i32>} : memref<32x1024xf32, #tpu.memory_space<vmem>>, vector<16xf32>,
      %get3A_485 = arith.constant 0 : i32
      %get3A_486 = arith.index_cast %get3A_485 : i32 to index
      %get3A_487 = arith.index_cast %mul3A_481 : i32 to index
      %get3A_488 = tpu.vector_load %arg9[%get3A_486, %get3A_487] {strides = array<i32>} : memref<32x1024xf32, #tpu.memory_space<vmem>>, vector<16xf32>,
      %add3A_489 = arith.addf %get3A_484, %get3A_488 : vector<16xf32>
      %swap3A = arith.constant 0 : i32
      %swap3A_490 = arith.index_cast %swap3A : i32 to index
      %swap3A_491 = arith.index_cast %mul3A_481 : i32 to index
      %swap3A_492 = tpu.vector_load %arg8[%swap3A_490, %swap3A_491] {strides = array<i32>} : memref<32x1024xf32, #tpu.memory_space<vmem>>, vector<16xf32>,
      tpu.vector_store %arg8[%swap3A_490, %swap3A_491], %add3A_489 {strides = array<i32>} : memref<32x1024xf32, #tpu.memory_space<vmem>>, vector<16xf32>,
      %scan3A_493 = arith.constant 0 : i32
      scf.yield %scan3A_493 : i32
    }
    %scan3A_260 = arith.constant 64 : i32
    %scan3A_261 = arith.constant 0 : i32
    %scan3A_262 = arith.constant 0 : i32
    %scan3A_263 = arith.constant 64 : i32
    %scan3A_264 = arith.addi %scan3A_262, %scan3A_263 : i32
    %scan3A_265 = arith.constant 1 : i32
    %scan3A_266 = scf.for %scan3A_478 = %scan3A_262 to %scan3A_264 step %scan3A_265 iter_args(%scan3A_479 = %scan3A_261) -> (i32)  : i32 {
      %mul3A_480 = arith.constant 16 : i32
      %mul3A_481 = arith.muli %scan3A_478, %mul3A_480 : i32
      %get3A = arith.constant 1 : i32
      %get3A_482 = arith.index_cast %get3A : i32 to index
      %get3A_483 = arith.index_cast %mul3A_481 : i32 to index
      %get3A_484 = tpu.vector_load %arg8[%get3A_482, %get3A_483] {strides = array<i32>} : memref<32x1024xf32, #tpu.memory_space<vmem>>, vector<16xf32>,
      %get3A_485 = arith.constant 1 : i32
      %get3A_486 = arith.index_cast %get3A_485 : i32 to index
      %get3A_487 = arith.index_cast %mul3A_481 : i32 to index
      %get3A_488 = tpu.vector_load %arg9[%get3A_486, %get3A_487] {strides = array<i32>} : memref<32x1024xf32, #tpu.memory_space<vmem>>, vector<16xf32>,
      %add3A_489 = arith.addf %get3A_484, %get3A_488 : vector<16xf32>
      %swap3A = arith.constant 1 : i32
      %swap3A_490 = arith.index_cast %swap3A : i32 to index
      %swap3A_491 = arith.index_cast %mul3A_481 : i32 to index
      %swap3A_492 = tpu.vector_load %arg8[%swap3A_490, %swap3A_491] {strides = array<i32>} : memref<32x1024xf32, #tpu.memory_space<vmem>>, vector<16xf32>,
      tpu.vector_store %arg8[%swap3A_490, %swap3A_491], %add3A_489 {strides = array<i32>} : memref<32x1024xf32, #tpu.memory_space<vmem>>, vector<16xf32>,
      %scan3A_493 = arith.constant 0 : i32
      scf.yield %scan3A_493 : i32
    }
    %scan3A_267 = arith.constant 64 : i32
    %scan3A_268 = arith.constant 0 : i32
    %scan3A_269 = arith.constant 0 : i32
    %scan3A_270 = arith.constant 64 : i32
    %scan3A_271 = arith.addi %scan3A_269, %scan3A_270 : i32
    %scan3A_272 = arith.constant 1 : i32
    %scan3A_273 = scf.for %scan3A_478 = %scan3A_269 to %scan3A_271 step %scan3A_272 iter_args(%scan3A_479 = %scan3A_268) -> (i32)  : i32 {
      %mul3A_480 = arith.constant 16 : i32
      %mul3A_481 = arith.muli %scan3A_478, %mul3A_480 : i32
      %get3A = arith.constant 2 : i32
      %get3A_482 = arith.index_cast %get3A : i32 to index
      %get3A_483 = arith.index_cast %mul3A_481 : i32 to index
      %get3A_484 = tpu.vector_load %arg8[%get3A_482, %get3A_483] {strides = array<i32>} : memref<32x1024xf32, #tpu.memory_space<vmem>>, vector<16xf32>,
      %get3A_485 = arith.constant 2 : i32
      %get3A_486 = arith.index_cast %get3A_485 : i32 to index
      %get3A_487 = arith.index_cast %mul3A_481 : i32 to index
      %get3A_488 = tpu.vector_load %arg9[%get3A_486, %get3A_487] {strides = array<i32>} : memref<32x1024xf32, #tpu.memory_space<vmem>>, vector<16xf32>,
      %add3A_489 = arith.addf %get3A_484, %get3A_488 : vector<16xf32>
      %swap3A = arith.constant 2 : i32
      %swap3A_490 = arith.index_cast %swap3A : i32 to index
      %swap3A_491 = arith.index_cast %mul3A_481 : i32 to index
      %swap3A_492 = tpu.vector_load %arg8[%swap3A_490, %swap3A_491] {strides = array<i32>} : memref<32x1024xf32, #tpu.memory_space<vmem>>, vector<16xf32>,
      tpu.vector_store %arg8[%swap3A_490, %swap3A_491], %add3A_489 {strides = array<i32>} : memref<32x1024xf32, #tpu.memory_space<vmem>>, vector<16xf32>,
      %scan3A_493 = arith.constant 0 : i32
      scf.yield %scan3A_493 : i32
    }
    %scan3A_274 = arith.constant 64 : i32
    %scan3A_275 = arith.constant 0 : i32
    %scan3A_276 = arith.constant 0 : i32
    %scan3A_277 = arith.constant 64 : i32
    %scan3A_278 = arith.addi %scan3A_276, %scan3A_277 : i32
    %scan3A_279 = arith.constant 1 : i32
    %scan3A_280 = scf.for %scan3A_478 = %scan3A_276 to %scan3A_278 step %scan3A_279 iter_args(%scan3A_479 = %scan3A_275) -> (i32)  : i32 {
      %mul3A_480 = arith.constant 16 : i32
      %mul3A_481 = arith.muli %scan3A_478, %mul3A_480 : i32
      %get3A = arith.constant 3 : i32
      %get3A_482 = arith.index_cast %get3A : i32 to index
      %get3A_483 = arith.index_cast %mul3A_481 : i32 to index
      %get3A_484 = tpu.vector_load %arg8[%get3A_482, %get3A_483] {strides = array<i32>} : memref<32x1024xf32, #tpu.memory_space<vmem>>, vector<16xf32>,
      %get3A_485 = arith.constant 3 : i32
      %get3A_486 = arith.index_cast %get3A_485 : i32 to index
      %get3A_487 = arith.index_cast %mul3A_481 : i32 to index
      %get3A_488 = tpu.vector_load %arg9[%get3A_486, %get3A_487] {strides = array<i32>} : memref<32x1024xf32, #tpu.memory_space<vmem>>, vector<16xf32>,
      %add3A_489 = arith.addf %get3A_484, %get3A_488 : vector<16xf32>
      %swap3A = arith.constant 3 : i32
      %swap3A_490 = arith.index_cast %swap3A : i32 to index
      %swap3A_491 = arith.index_cast %mul3A_481 : i32 to index
      %swap3A_492 = tpu.vector_load %arg8[%swap3A_490, %swap3A_491] {strides = array<i32>} : memref<32x1024xf32, #tpu.memory_space<vmem>>, vector<16xf32>,
      tpu.vector_store %arg8[%swap3A_490, %swap3A_491], %add3A_489 {strides = array<i32>} : memref<32x1024xf32, #tpu.memory_space<vmem>>, vector<16xf32>,
      %scan3A_493 = arith.constant 0 : i32
      scf.yield %scan3A_493 : i32
    }
    %scan3A_281 = arith.constant 64 : i32
    %scan3A_282 = arith.constant 0 : i32
    %scan3A_283 = arith.constant 0 : i32
    %scan3A_284 = arith.constant 64 : i32
    %scan3A_285 = arith.addi %scan3A_283, %scan3A_284 : i32
    %scan3A_286 = arith.constant 1 : i32
    %scan3A_287 = scf.for %scan3A_478 = %scan3A_283 to %scan3A_285 step %scan3A_286 iter_args(%scan3A_479 = %scan3A_282) -> (i32)  : i32 {
      %mul3A_480 = arith.constant 16 : i32
      %mul3A_481 = arith.muli %scan3A_478, %mul3A_480 : i32
      %get3A = arith.constant 4 : i32
      %get3A_482 = arith.index_cast %get3A : i32 to index
      %get3A_483 = arith.index_cast %mul3A_481 : i32 to index
      %get3A_484 = tpu.vector_load %arg8[%get3A_482, %get3A_483] {strides = array<i32>} : memref<32x1024xf32, #tpu.memory_space<vmem>>, vector<16xf32>,
      %get3A_485 = arith.constant 4 : i32
      %get3A_486 = arith.index_cast %get3A_485 : i32 to index
      %get3A_487 = arith.index_cast %mul3A_481 : i32 to index
      %get3A_488 = tpu.vector_load %arg9[%get3A_486, %get3A_487] {strides = array<i32>} : memref<32x1024xf32, #tpu.memory_space<vmem>>, vector<16xf32>,
      %add3A_489 = arith.addf %get3A_484, %get3A_488 : vector<16xf32>
      %swap3A = arith.constant 4 : i32
      %swap3A_490 = arith.index_cast %swap3A : i32 to index
      %swap3A_491 = arith.index_cast %mul3A_481 : i32 to index
      %swap3A_492 = tpu.vector_load %arg8[%swap3A_490, %swap3A_491] {strides = array<i32>} : memref<32x1024xf32, #tpu.memory_space<vmem>>, vector<16xf32>,
      tpu.vector_store %arg8[%swap3A_490, %swap3A_491], %add3A_489 {strides = array<i32>} : memref<32x1024xf32, #tpu.memory_space<vmem>>, vector<16xf32>,
      %scan3A_493 = arith.constant 0 : i32
      scf.yield %scan3A_493 : i32
    }
    %scan3A_288 = arith.constant 64 : i32
    %scan3A_289 = arith.constant 0 : i32
    %scan3A_290 = arith.constant 0 : i32
    %scan3A_291 = arith.constant 64 : i32
    %scan3A_292 = arith.addi %scan3A_290, %scan3A_291 : i32
    %scan3A_293 = arith.constant 1 : i32
    %scan3A_294 = scf.for %scan3A_478 = %scan3A_290 to %scan3A_292 step %scan3A_293 iter_args(%scan3A_479 = %scan3A_289) -> (i32)  : i32 {
      %mul3A_480 = arith.constant 16 : i32
      %mul3A_481 = arith.muli %scan3A_478, %mul3A_480 : i32
      %get3A = arith.constant 5 : i32
      %get3A_482 = arith.index_cast %get3A : i32 to index
      %get3A_483 = arith.index_cast %mul3A_481 : i32 to index
      %get3A_484 = tpu.vector_load %arg8[%get3A_482, %get3A_483] {strides = array<i32>} : memref<32x1024xf32, #tpu.memory_space<vmem>>, vector<16xf32>,
      %get3A_485 = arith.constant 5 : i32
      %get3A_486 = arith.index_cast %get3A_485 : i32 to index
      %get3A_487 = arith.index_cast %mul3A_481 : i32 to index
      %get3A_488 = tpu.vector_load %arg9[%get3A_486, %get3A_487] {strides = array<i32>} : memref<32x1024xf32, #tpu.memory_space<vmem>>, vector<16xf32>,
      %add3A_489 = arith.addf %get3A_484, %get3A_488 : vector<16xf32>
      %swap3A = arith.constant 5 : i32
      %swap3A_490 = arith.index_cast %swap3A : i32 to index
      %swap3A_491 = arith.index_cast %mul3A_481 : i32 to index
      %swap3A_492 = tpu.vector_load %arg8[%swap3A_490, %swap3A_491] {strides = array<i32>} : memref<32x1024xf32, #tpu.memory_space<vmem>>, vector<16xf32>,
      tpu.vector_store %arg8[%swap3A_490, %swap3A_491], %add3A_489 {strides = array<i32>} : memref<32x1024xf32, #tpu.memory_space<vmem>>, vector<16xf32>,
      %scan3A_493 = arith.constant 0 : i32
      scf.yield %scan3A_493 : i32
    }
    %scan3A_295 = arith.constant 64 : i32
    %scan3A_296 = arith.constant 0 : i32
    %scan3A_297 = arith.constant 0 : i32
    %scan3A_298 = arith.constant 64 : i32
    %scan3A_299 = arith.addi %scan3A_297, %scan3A_298 : i32
    %scan3A_300 = arith.constant 1 : i32
    %scan3A_301 = scf.for %scan3A_478 = %scan3A_297 to %scan3A_299 step %scan3A_300 iter_args(%scan3A_479 = %scan3A_296) -> (i32)  : i32 {
      %mul3A_480 = arith.constant 16 : i32
      %mul3A_481 = arith.muli %scan3A_478, %mul3A_480 : i32
      %get3A = arith.constant 6 : i32
      %get3A_482 = arith.index_cast %get3A : i32 to index
      %get3A_483 = arith.index_cast %mul3A_481 : i32 to index
      %get3A_484 = tpu.vector_load %arg8[%get3A_482, %get3A_483] {strides = array<i32>} : memref<32x1024xf32, #tpu.memory_space<vmem>>, vector<16xf32>,
      %get3A_485 = arith.constant 6 : i32
      %get3A_486 = arith.index_cast %get3A_485 : i32 to index
      %get3A_487 = arith.index_cast %mul3A_481 : i32 to index
      %get3A_488 = tpu.vector_load %arg9[%get3A_486, %get3A_487] {strides = array<i32>} : memref<32x1024xf32, #tpu.memory_space<vmem>>, vector<16xf32>,
      %add3A_489 = arith.addf %get3A_484, %get3A_488 : vector<16xf32>
      %swap3A = arith.constant 6 : i32
      %swap3A_490 = arith.index_cast %swap3A : i32 to index
      %swap3A_491 = arith.index_cast %mul3A_481 : i32 to index
      %swap3A_492 = tpu.vector_load %arg8[%swap3A_490, %swap3A_491] {strides = array<i32>} : memref<32x1024xf32, #tpu.memory_space<vmem>>, vector<16xf32>,
      tpu.vector_store %arg8[%swap3A_490, %swap3A_491], %add3A_489 {strides = array<i32>} : memref<32x1024xf32, #tpu.memory_space<vmem>>, vector<16xf32>,
      %scan3A_493 = arith.constant 0 : i32
      scf.yield %scan3A_493 : i32
    }
    %scan3A_302 = arith.constant 64 : i32
    %scan3A_303 = arith.constant 0 : i32
    %scan3A_304 = arith.constant 0 : i32
    %scan3A_305 = arith.constant 64 : i32
    %scan3A_306 = arith.addi %scan3A_304, %scan3A_305 : i32
    %scan3A_307 = arith.constant 1 : i32
    %scan3A_308 = scf.for %scan3A_478 = %scan3A_304 to %scan3A_306 step %scan3A_307 iter_args(%scan3A_479 = %scan3A_303) -> (i32)  : i32 {
      %mul3A_480 = arith.constant 16 : i32
      %mul3A_481 = arith.muli %scan3A_478, %mul3A_480 : i32
      %get3A = arith.constant 7 : i32
      %get3A_482 = arith.index_cast %get3A : i32 to index
      %get3A_483 = arith.index_cast %mul3A_481 : i32 to index
      %get3A_484 = tpu.vector_load %arg8[%get3A_482, %get3A_483] {strides = array<i32>} : memref<32x1024xf32, #tpu.memory_space<vmem>>, vector<16xf32>,
      %get3A_485 = arith.constant 7 : i32
      %get3A_486 = arith.index_cast %get3A_485 : i32 to index
      %get3A_487 = arith.index_cast %mul3A_481 : i32 to index
      %get3A_488 = tpu.vector_load %arg9[%get3A_486, %get3A_487] {strides = array<i32>} : memref<32x1024xf32, #tpu.memory_space<vmem>>, vector<16xf32>,
      %add3A_489 = arith.addf %get3A_484, %get3A_488 : vector<16xf32>
      %swap3A = arith.constant 7 : i32
      %swap3A_490 = arith.index_cast %swap3A : i32 to index
      %swap3A_491 = arith.index_cast %mul3A_481 : i32 to index
      %swap3A_492 = tpu.vector_load %arg8[%swap3A_490, %swap3A_491] {strides = array<i32>} : memref<32x1024xf32, #tpu.memory_space<vmem>>, vector<16xf32>,
      tpu.vector_store %arg8[%swap3A_490, %swap3A_491], %add3A_489 {strides = array<i32>} : memref<32x1024xf32, #tpu.memory_space<vmem>>, vector<16xf32>,
      %scan3A_493 = arith.constant 0 : i32
      scf.yield %scan3A_493 : i32
    }
    %scan3A_309 = arith.constant 64 : i32
    %scan3A_310 = arith.constant 0 : i32
    %scan3A_311 = arith.constant 0 : i32
    %scan3A_312 = arith.constant 64 : i32
    %scan3A_313 = arith.addi %scan3A_311, %scan3A_312 : i32
    %scan3A_314 = arith.constant 1 : i32
    %scan3A_315 = scf.for %scan3A_478 = %scan3A_311 to %scan3A_313 step %scan3A_314 iter_args(%scan3A_479 = %scan3A_310) -> (i32)  : i32 {
      %mul3A_480 = arith.constant 16 : i32
      %mul3A_481 = arith.muli %scan3A_478, %mul3A_480 : i32
      %get3A = arith.constant 8 : i32
      %get3A_482 = arith.index_cast %get3A : i32 to index
      %get3A_483 = arith.index_cast %mul3A_481 : i32 to index
      %get3A_484 = tpu.vector_load %arg8[%get3A_482, %get3A_483] {strides = array<i32>} : memref<32x1024xf32, #tpu.memory_space<vmem>>, vector<16xf32>,
      %get3A_485 = arith.constant 8 : i32
      %get3A_486 = arith.index_cast %get3A_485 : i32 to index
      %get3A_487 = arith.index_cast %mul3A_481 : i32 to index
      %get3A_488 = tpu.vector_load %arg9[%get3A_486, %get3A_487] {strides = array<i32>} : memref<32x1024xf32, #tpu.memory_space<vmem>>, vector<16xf32>,
      %add3A_489 = arith.addf %get3A_484, %get3A_488 : vector<16xf32>
      %swap3A = arith.constant 8 : i32
      %swap3A_490 = arith.index_cast %swap3A : i32 to index
      %swap3A_491 = arith.index_cast %mul3A_481 : i32 to index
      %swap3A_492 = tpu.vector_load %arg8[%swap3A_490, %swap3A_491] {strides = array<i32>} : memref<32x1024xf32, #tpu.memory_space<vmem>>, vector<16xf32>,
      tpu.vector_store %arg8[%swap3A_490, %swap3A_491], %add3A_489 {strides = array<i32>} : memref<32x1024xf32, #tpu.memory_space<vmem>>, vector<16xf32>,
      %scan3A_493 = arith.constant 0 : i32
      scf.yield %scan3A_493 : i32
    }
    %scan3A_316 = arith.constant 64 : i32
    %scan3A_317 = arith.constant 0 : i32
    %scan3A_318 = arith.constant 0 : i32
    %scan3A_319 = arith.constant 64 : i32
    %scan3A_320 = arith.addi %scan3A_318, %scan3A_319 : i32
    %scan3A_321 = arith.constant 1 : i32
    %scan3A_322 = scf.for %scan3A_478 = %scan3A_318 to %scan3A_320 step %scan3A_321 iter_args(%scan3A_479 = %scan3A_317) -> (i32)  : i32 {
      %mul3A_480 = arith.constant 16 : i32
      %mul3A_481 = arith.muli %scan3A_478, %mul3A_480 : i32
      %get3A = arith.constant 9 : i32
      %get3A_482 = arith.index_cast %get3A : i32 to index
      %get3A_483 = arith.index_cast %mul3A_481 : i32 to index
      %get3A_484 = tpu.vector_load %arg8[%get3A_482, %get3A_483] {strides = array<i32>} : memref<32x1024xf32, #tpu.memory_space<vmem>>, vector<16xf32>,
      %get3A_485 = arith.constant 9 : i32
      %get3A_486 = arith.index_cast %get3A_485 : i32 to index
      %get3A_487 = arith.index_cast %mul3A_481 : i32 to index
      %get3A_488 = tpu.vector_load %arg9[%get3A_486, %get3A_487] {strides = array<i32>} : memref<32x1024xf32, #tpu.memory_space<vmem>>, vector<16xf32>,
      %add3A_489 = arith.addf %get3A_484, %get3A_488 : vector<16xf32>
      %swap3A = arith.constant 9 : i32
      %swap3A_490 = arith.index_cast %swap3A : i32 to index
      %swap3A_491 = arith.index_cast %mul3A_481 : i32 to index
      %swap3A_492 = tpu.vector_load %arg8[%swap3A_490, %swap3A_491] {strides = array<i32>} : memref<32x1024xf32, #tpu.memory_space<vmem>>, vector<16xf32>,
      tpu.vector_store %arg8[%swap3A_490, %swap3A_491], %add3A_489 {strides = array<i32>} : memref<32x1024xf32, #tpu.memory_space<vmem>>, vector<16xf32>,
      %scan3A_493 = arith.constant 0 : i32
      scf.yield %scan3A_493 : i32
    }
    %scan3A_323 = arith.constant 64 : i32
    %scan3A_324 = arith.constant 0 : i32
    %scan3A_325 = arith.constant 0 : i32
    %scan3A_326 = arith.constant 64 : i32
    %scan3A_327 = arith.addi %scan3A_325, %scan3A_326 : i32
    %scan3A_328 = arith.constant 1 : i32
    %scan3A_329 = scf.for %scan3A_478 = %scan3A_325 to %scan3A_327 step %scan3A_328 iter_args(%scan3A_479 = %scan3A_324) -> (i32)  : i32 {
      %mul3A_480 = arith.constant 16 : i32
      %mul3A_481 = arith.muli %scan3A_478, %mul3A_480 : i32
      %get3A = arith.constant 10 : i32
      %get3A_482 = arith.index_cast %get3A : i32 to index
      %get3A_483 = arith.index_cast %mul3A_481 : i32 to index
      %get3A_484 = tpu.vector_load %arg8[%get3A_482, %get3A_483] {strides = array<i32>} : memref<32x1024xf32, #tpu.memory_space<vmem>>, vector<16xf32>,
      %get3A_485 = arith.constant 10 : i32
      %get3A_486 = arith.index_cast %get3A_485 : i32 to index
      %get3A_487 = arith.index_cast %mul3A_481 : i32 to index
      %get3A_488 = tpu.vector_load %arg9[%get3A_486, %get3A_487] {strides = array<i32>} : memref<32x1024xf32, #tpu.memory_space<vmem>>, vector<16xf32>,
      %add3A_489 = arith.addf %get3A_484, %get3A_488 : vector<16xf32>
      %swap3A = arith.constant 10 : i32
      %swap3A_490 = arith.index_cast %swap3A : i32 to index
      %swap3A_491 = arith.index_cast %mul3A_481 : i32 to index
      %swap3A_492 = tpu.vector_load %arg8[%swap3A_490, %swap3A_491] {strides = array<i32>} : memref<32x1024xf32, #tpu.memory_space<vmem>>, vector<16xf32>,
      tpu.vector_store %arg8[%swap3A_490, %swap3A_491], %add3A_489 {strides = array<i32>} : memref<32x1024xf32, #tpu.memory_space<vmem>>, vector<16xf32>,
      %scan3A_493 = arith.constant 0 : i32
      scf.yield %scan3A_493 : i32
    }
    %scan3A_330 = arith.constant 64 : i32
    %scan3A_331 = arith.constant 0 : i32
    %scan3A_332 = arith.constant 0 : i32
    %scan3A_333 = arith.constant 64 : i32
    %scan3A_334 = arith.addi %scan3A_332, %scan3A_333 : i32
    %scan3A_335 = arith.constant 1 : i32
    %scan3A_336 = scf.for %scan3A_478 = %scan3A_332 to %scan3A_334 step %scan3A_335 iter_args(%scan3A_479 = %scan3A_331) -> (i32)  : i32 {
      %mul3A_480 = arith.constant 16 : i32
      %mul3A_481 = arith.muli %scan3A_478, %mul3A_480 : i32
      %get3A = arith.constant 11 : i32
      %get3A_482 = arith.index_cast %get3A : i32 to index
      %get3A_483 = arith.index_cast %mul3A_481 : i32 to index
      %get3A_484 = tpu.vector_load %arg8[%get3A_482, %get3A_483] {strides = array<i32>} : memref<32x1024xf32, #tpu.memory_space<vmem>>, vector<16xf32>,
      %get3A_485 = arith.constant 11 : i32
      %get3A_486 = arith.index_cast %get3A_485 : i32 to index
      %get3A_487 = arith.index_cast %mul3A_481 : i32 to index
      %get3A_488 = tpu.vector_load %arg9[%get3A_486, %get3A_487] {strides = array<i32>} : memref<32x1024xf32, #tpu.memory_space<vmem>>, vector<16xf32>,
      %add3A_489 = arith.addf %get3A_484, %get3A_488 : vector<16xf32>
      %swap3A = arith.constant 11 : i32
      %swap3A_490 = arith.index_cast %swap3A : i32 to index
      %swap3A_491 = arith.index_cast %mul3A_481 : i32 to index
      %swap3A_492 = tpu.vector_load %arg8[%swap3A_490, %swap3A_491] {strides = array<i32>} : memref<32x1024xf32, #tpu.memory_space<vmem>>, vector<16xf32>,
      tpu.vector_store %arg8[%swap3A_490, %swap3A_491], %add3A_489 {strides = array<i32>} : memref<32x1024xf32, #tpu.memory_space<vmem>>, vector<16xf32>,
      %scan3A_493 = arith.constant 0 : i32
      scf.yield %scan3A_493 : i32
    }
    %scan3A_337 = arith.constant 64 : i32
    %scan3A_338 = arith.constant 0 : i32
    %scan3A_339 = arith.constant 0 : i32
    %scan3A_340 = arith.constant 64 : i32
    %scan3A_341 = arith.addi %scan3A_339, %scan3A_340 : i32
    %scan3A_342 = arith.constant 1 : i32
    %scan3A_343 = scf.for %scan3A_478 = %scan3A_339 to %scan3A_341 step %scan3A_342 iter_args(%scan3A_479 = %scan3A_338) -> (i32)  : i32 {
      %mul3A_480 = arith.constant 16 : i32
      %mul3A_481 = arith.muli %scan3A_478, %mul3A_480 : i32
      %get3A = arith.constant 12 : i32
      %get3A_482 = arith.index_cast %get3A : i32 to index
      %get3A_483 = arith.index_cast %mul3A_481 : i32 to index
      %get3A_484 = tpu.vector_load %arg8[%get3A_482, %get3A_483] {strides = array<i32>} : memref<32x1024xf32, #tpu.memory_space<vmem>>, vector<16xf32>,
      %get3A_485 = arith.constant 12 : i32
      %get3A_486 = arith.index_cast %get3A_485 : i32 to index
      %get3A_487 = arith.index_cast %mul3A_481 : i32 to index
      %get3A_488 = tpu.vector_load %arg9[%get3A_486, %get3A_487] {strides = array<i32>} : memref<32x1024xf32, #tpu.memory_space<vmem>>, vector<16xf32>,
      %add3A_489 = arith.addf %get3A_484, %get3A_488 : vector<16xf32>
      %swap3A = arith.constant 12 : i32
      %swap3A_490 = arith.index_cast %swap3A : i32 to index
      %swap3A_491 = arith.index_cast %mul3A_481 : i32 to index
      %swap3A_492 = tpu.vector_load %arg8[%swap3A_490, %swap3A_491] {strides = array<i32>} : memref<32x1024xf32, #tpu.memory_space<vmem>>, vector<16xf32>,
      tpu.vector_store %arg8[%swap3A_490, %swap3A_491], %add3A_489 {strides = array<i32>} : memref<32x1024xf32, #tpu.memory_space<vmem>>, vector<16xf32>,
      %scan3A_493 = arith.constant 0 : i32
      scf.yield %scan3A_493 : i32
    }
    %scan3A_344 = arith.constant 64 : i32
    %scan3A_345 = arith.constant 0 : i32
    %scan3A_346 = arith.constant 0 : i32
    %scan3A_347 = arith.constant 64 : i32
    %scan3A_348 = arith.addi %scan3A_346, %scan3A_347 : i32
    %scan3A_349 = arith.constant 1 : i32
    %scan3A_350 = scf.for %scan3A_478 = %scan3A_346 to %scan3A_348 step %scan3A_349 iter_args(%scan3A_479 = %scan3A_345) -> (i32)  : i32 {
      %mul3A_480 = arith.constant 16 : i32
      %mul3A_481 = arith.muli %scan3A_478, %mul3A_480 : i32
      %get3A = arith.constant 13 : i32
      %get3A_482 = arith.index_cast %get3A : i32 to index
      %get3A_483 = arith.index_cast %mul3A_481 : i32 to index
      %get3A_484 = tpu.vector_load %arg8[%get3A_482, %get3A_483] {strides = array<i32>} : memref<32x1024xf32, #tpu.memory_space<vmem>>, vector<16xf32>,
      %get3A_485 = arith.constant 13 : i32
      %get3A_486 = arith.index_cast %get3A_485 : i32 to index
      %get3A_487 = arith.index_cast %mul3A_481 : i32 to index
      %get3A_488 = tpu.vector_load %arg9[%get3A_486, %get3A_487] {strides = array<i32>} : memref<32x1024xf32, #tpu.memory_space<vmem>>, vector<16xf32>,
      %add3A_489 = arith.addf %get3A_484, %get3A_488 : vector<16xf32>
      %swap3A = arith.constant 13 : i32
      %swap3A_490 = arith.index_cast %swap3A : i32 to index
      %swap3A_491 = arith.index_cast %mul3A_481 : i32 to index
      %swap3A_492 = tpu.vector_load %arg8[%swap3A_490, %swap3A_491] {strides = array<i32>} : memref<32x1024xf32, #tpu.memory_space<vmem>>, vector<16xf32>,
      tpu.vector_store %arg8[%swap3A_490, %swap3A_491], %add3A_489 {strides = array<i32>} : memref<32x1024xf32, #tpu.memory_space<vmem>>, vector<16xf32>,
      %scan3A_493 = arith.constant 0 : i32
      scf.yield %scan3A_493 : i32
    }
    %scan3A_351 = arith.constant 64 : i32
    %scan3A_352 = arith.constant 0 : i32
    %scan3A_353 = arith.constant 0 : i32
    %scan3A_354 = arith.constant 64 : i32
    %scan3A_355 = arith.addi %scan3A_353, %scan3A_354 : i32
    %scan3A_356 = arith.constant 1 : i32
    %scan3A_357 = scf.for %scan3A_478 = %scan3A_353 to %scan3A_355 step %scan3A_356 iter_args(%scan3A_479 = %scan3A_352) -> (i32)  : i32 {
      %mul3A_480 = arith.constant 16 : i32
      %mul3A_481 = arith.muli %scan3A_478, %mul3A_480 : i32
      %get3A = arith.constant 14 : i32
      %get3A_482 = arith.index_cast %get3A : i32 to index
      %get3A_483 = arith.index_cast %mul3A_481 : i32 to index
      %get3A_484 = tpu.vector_load %arg8[%get3A_482, %get3A_483] {strides = array<i32>} : memref<32x1024xf32, #tpu.memory_space<vmem>>, vector<16xf32>,
      %get3A_485 = arith.constant 14 : i32
      %get3A_486 = arith.index_cast %get3A_485 : i32 to index
      %get3A_487 = arith.index_cast %mul3A_481 : i32 to index
      %get3A_488 = tpu.vector_load %arg9[%get3A_486, %get3A_487] {strides = array<i32>} : memref<32x1024xf32, #tpu.memory_space<vmem>>, vector<16xf32>,
      %add3A_489 = arith.addf %get3A_484, %get3A_488 : vector<16xf32>
      %swap3A = arith.constant 14 : i32
      %swap3A_490 = arith.index_cast %swap3A : i32 to index
      %swap3A_491 = arith.index_cast %mul3A_481 : i32 to index
      %swap3A_492 = tpu.vector_load %arg8[%swap3A_490, %swap3A_491] {strides = array<i32>} : memref<32x1024xf32, #tpu.memory_space<vmem>>, vector<16xf32>,
      tpu.vector_store %arg8[%swap3A_490, %swap3A_491], %add3A_489 {strides = array<i32>} : memref<32x1024xf32, #tpu.memory_space<vmem>>, vector<16xf32>,
      %scan3A_493 = arith.constant 0 : i32
      scf.yield %scan3A_493 : i32
    }
    %scan3A_358 = arith.constant 64 : i32
    %scan3A_359 = arith.constant 0 : i32
    %scan3A_360 = arith.constant 0 : i32
    %scan3A_361 = arith.constant 64 : i32
    %scan3A_362 = arith.addi %scan3A_360, %scan3A_361 : i32
    %scan3A_363 = arith.constant 1 : i32
    %scan3A_364 = scf.for %scan3A_478 = %scan3A_360 to %scan3A_362 step %scan3A_363 iter_args(%scan3A_479 = %scan3A_359) -> (i32)  : i32 {
      %mul3A_480 = arith.constant 16 : i32
      %mul3A_481 = arith.muli %scan3A_478, %mul3A_480 : i32
      %get3A = arith.constant 15 : i32
      %get3A_482 = arith.index_cast %get3A : i32 to index
      %get3A_483 = arith.index_cast %mul3A_481 : i32 to index
      %get3A_484 = tpu.vector_load %arg8[%get3A_482, %get3A_483] {strides = array<i32>} : memref<32x1024xf32, #tpu.memory_space<vmem>>, vector<16xf32>,
      %get3A_485 = arith.constant 15 : i32
      %get3A_486 = arith.index_cast %get3A_485 : i32 to index
      %get3A_487 = arith.index_cast %mul3A_481 : i32 to index
      %get3A_488 = tpu.vector_load %arg9[%get3A_486, %get3A_487] {strides = array<i32>} : memref<32x1024xf32, #tpu.memory_space<vmem>>, vector<16xf32>,
      %add3A_489 = arith.addf %get3A_484, %get3A_488 : vector<16xf32>
      %swap3A = arith.constant 15 : i32
      %swap3A_490 = arith.index_cast %swap3A : i32 to index
      %swap3A_491 = arith.index_cast %mul3A_481 : i32 to index
      %swap3A_492 = tpu.vector_load %arg8[%swap3A_490, %swap3A_491] {strides = array<i32>} : memref<32x1024xf32, #tpu.memory_space<vmem>>, vector<16xf32>,
      tpu.vector_store %arg8[%swap3A_490, %swap3A_491], %add3A_489 {strides = array<i32>} : memref<32x1024xf32, #tpu.memory_space<vmem>>, vector<16xf32>,
      %scan3A_493 = arith.constant 0 : i32
      scf.yield %scan3A_493 : i32
    }
    %scan3A_365 = arith.constant 64 : i32
    %scan3A_366 = arith.constant 0 : i32
    %scan3A_367 = arith.constant 0 : i32
    %scan3A_368 = arith.constant 64 : i32
    %scan3A_369 = arith.addi %scan3A_367, %scan3A_368 : i32
    %scan3A_370 = arith.constant 1 : i32
    %scan3A_371 = scf.for %scan3A_478 = %scan3A_367 to %scan3A_369 step %scan3A_370 iter_args(%scan3A_479 = %scan3A_366) -> (i32)  : i32 {
      %mul3A_480 = arith.constant 16 : i32
      %mul3A_481 = arith.muli %scan3A_478, %mul3A_480 : i32
      %get3A = arith.constant 16 : i32
      %get3A_482 = arith.index_cast %get3A : i32 to index
      %get3A_483 = arith.index_cast %mul3A_481 : i32 to index
      %get3A_484 = tpu.vector_load %arg8[%get3A_482, %get3A_483] {strides = array<i32>} : memref<32x1024xf32, #tpu.memory_space<vmem>>, vector<16xf32>,
      %get3A_485 = arith.constant 16 : i32
      %get3A_486 = arith.index_cast %get3A_485 : i32 to index
      %get3A_487 = arith.index_cast %mul3A_481 : i32 to index
      %get3A_488 = tpu.vector_load %arg9[%get3A_486, %get3A_487] {strides = array<i32>} : memref<32x1024xf32, #tpu.memory_space<vmem>>, vector<16xf32>,
      %add3A_489 = arith.addf %get3A_484, %get3A_488 : vector<16xf32>
      %swap3A = arith.constant 16 : i32
      %swap3A_490 = arith.index_cast %swap3A : i32 to index
      %swap3A_491 = arith.index_cast %mul3A_481 : i32 to index
      %swap3A_492 = tpu.vector_load %arg8[%swap3A_490, %swap3A_491] {strides = array<i32>} : memref<32x1024xf32, #tpu.memory_space<vmem>>, vector<16xf32>,
      tpu.vector_store %arg8[%swap3A_490, %swap3A_491], %add3A_489 {strides = array<i32>} : memref<32x1024xf32, #tpu.memory_space<vmem>>, vector<16xf32>,
      %scan3A_493 = arith.constant 0 : i32
      scf.yield %scan3A_493 : i32
    }
    %scan3A_372 = arith.constant 64 : i32
    %scan3A_373 = arith.constant 0 : i32
    %scan3A_374 = arith.constant 0 : i32
    %scan3A_375 = arith.constant 64 : i32
    %scan3A_376 = arith.addi %scan3A_374, %scan3A_375 : i32
    %scan3A_377 = arith.constant 1 : i32
    %scan3A_378 = scf.for %scan3A_478 = %scan3A_374 to %scan3A_376 step %scan3A_377 iter_args(%scan3A_479 = %scan3A_373) -> (i32)  : i32 {
      %mul3A_480 = arith.constant 16 : i32
      %mul3A_481 = arith.muli %scan3A_478, %mul3A_480 : i32
      %get3A = arith.constant 17 : i32
      %get3A_482 = arith.index_cast %get3A : i32 to index
      %get3A_483 = arith.index_cast %mul3A_481 : i32 to index
      %get3A_484 = tpu.vector_load %arg8[%get3A_482, %get3A_483] {strides = array<i32>} : memref<32x1024xf32, #tpu.memory_space<vmem>>, vector<16xf32>,
      %get3A_485 = arith.constant 17 : i32
      %get3A_486 = arith.index_cast %get3A_485 : i32 to index
      %get3A_487 = arith.index_cast %mul3A_481 : i32 to index
      %get3A_488 = tpu.vector_load %arg9[%get3A_486, %get3A_487] {strides = array<i32>} : memref<32x1024xf32, #tpu.memory_space<vmem>>, vector<16xf32>,
      %add3A_489 = arith.addf %get3A_484, %get3A_488 : vector<16xf32>
      %swap3A = arith.constant 17 : i32
      %swap3A_490 = arith.index_cast %swap3A : i32 to index
      %swap3A_491 = arith.index_cast %mul3A_481 : i32 to index
      %swap3A_492 = tpu.vector_load %arg8[%swap3A_490, %swap3A_491] {strides = array<i32>} : memref<32x1024xf32, #tpu.memory_space<vmem>>, vector<16xf32>,
      tpu.vector_store %arg8[%swap3A_490, %swap3A_491], %add3A_489 {strides = array<i32>} : memref<32x1024xf32, #tpu.memory_space<vmem>>, vector<16xf32>,
      %scan3A_493 = arith.constant 0 : i32
      scf.yield %scan3A_493 : i32
    }
    %scan3A_379 = arith.constant 64 : i32
    %scan3A_380 = arith.constant 0 : i32
    %scan3A_381 = arith.constant 0 : i32
    %scan3A_382 = arith.constant 64 : i32
    %scan3A_383 = arith.addi %scan3A_381, %scan3A_382 : i32
    %scan3A_384 = arith.constant 1 : i32
    %scan3A_385 = scf.for %scan3A_478 = %scan3A_381 to %scan3A_383 step %scan3A_384 iter_args(%scan3A_479 = %scan3A_380) -> (i32)  : i32 {
      %mul3A_480 = arith.constant 16 : i32
      %mul3A_481 = arith.muli %scan3A_478, %mul3A_480 : i32
      %get3A = arith.constant 18 : i32
      %get3A_482 = arith.index_cast %get3A : i32 to index
      %get3A_483 = arith.index_cast %mul3A_481 : i32 to index
      %get3A_484 = tpu.vector_load %arg8[%get3A_482, %get3A_483] {strides = array<i32>} : memref<32x1024xf32, #tpu.memory_space<vmem>>, vector<16xf32>,
      %get3A_485 = arith.constant 18 : i32
      %get3A_486 = arith.index_cast %get3A_485 : i32 to index
      %get3A_487 = arith.index_cast %mul3A_481 : i32 to index
      %get3A_488 = tpu.vector_load %arg9[%get3A_486, %get3A_487] {strides = array<i32>} : memref<32x1024xf32, #tpu.memory_space<vmem>>, vector<16xf32>,
      %add3A_489 = arith.addf %get3A_484, %get3A_488 : vector<16xf32>
      %swap3A = arith.constant 18 : i32
      %swap3A_490 = arith.index_cast %swap3A : i32 to index
      %swap3A_491 = arith.index_cast %mul3A_481 : i32 to index
      %swap3A_492 = tpu.vector_load %arg8[%swap3A_490, %swap3A_491] {strides = array<i32>} : memref<32x1024xf32, #tpu.memory_space<vmem>>, vector<16xf32>,
      tpu.vector_store %arg8[%swap3A_490, %swap3A_491], %add3A_489 {strides = array<i32>} : memref<32x1024xf32, #tpu.memory_space<vmem>>, vector<16xf32>,
      %scan3A_493 = arith.constant 0 : i32
      scf.yield %scan3A_493 : i32
    }
    %scan3A_386 = arith.constant 64 : i32
    %scan3A_387 = arith.constant 0 : i32
    %scan3A_388 = arith.constant 0 : i32
    %scan3A_389 = arith.constant 64 : i32
    %scan3A_390 = arith.addi %scan3A_388, %scan3A_389 : i32
    %scan3A_391 = arith.constant 1 : i32
    %scan3A_392 = scf.for %scan3A_478 = %scan3A_388 to %scan3A_390 step %scan3A_391 iter_args(%scan3A_479 = %scan3A_387) -> (i32)  : i32 {
      %mul3A_480 = arith.constant 16 : i32
      %mul3A_481 = arith.muli %scan3A_478, %mul3A_480 : i32
      %get3A = arith.constant 19 : i32
      %get3A_482 = arith.index_cast %get3A : i32 to index
      %get3A_483 = arith.index_cast %mul3A_481 : i32 to index
      %get3A_484 = tpu.vector_load %arg8[%get3A_482, %get3A_483] {strides = array<i32>} : memref<32x1024xf32, #tpu.memory_space<vmem>>, vector<16xf32>,
      %get3A_485 = arith.constant 19 : i32
      %get3A_486 = arith.index_cast %get3A_485 : i32 to index
      %get3A_487 = arith.index_cast %mul3A_481 : i32 to index
      %get3A_488 = tpu.vector_load %arg9[%get3A_486, %get3A_487] {strides = array<i32>} : memref<32x1024xf32, #tpu.memory_space<vmem>>, vector<16xf32>,
      %add3A_489 = arith.addf %get3A_484, %get3A_488 : vector<16xf32>
      %swap3A = arith.constant 19 : i32
      %swap3A_490 = arith.index_cast %swap3A : i32 to index
      %swap3A_491 = arith.index_cast %mul3A_481 : i32 to index
      %swap3A_492 = tpu.vector_load %arg8[%swap3A_490, %swap3A_491] {strides = array<i32>} : memref<32x1024xf32, #tpu.memory_space<vmem>>, vector<16xf32>,
      tpu.vector_store %arg8[%swap3A_490, %swap3A_491], %add3A_489 {strides = array<i32>} : memref<32x1024xf32, #tpu.memory_space<vmem>>, vector<16xf32>,
      %scan3A_493 = arith.constant 0 : i32
      scf.yield %scan3A_493 : i32
    }
    %scan3A_393 = arith.constant 64 : i32
    %scan3A_394 = arith.constant 0 : i32
    %scan3A_395 = arith.constant 0 : i32
    %scan3A_396 = arith.constant 64 : i32
    %scan3A_397 = arith.addi %scan3A_395, %scan3A_396 : i32
    %scan3A_398 = arith.constant 1 : i32
    %scan3A_399 = scf.for %scan3A_478 = %scan3A_395 to %scan3A_397 step %scan3A_398 iter_args(%scan3A_479 = %scan3A_394) -> (i32)  : i32 {
      %mul3A_480 = arith.constant 16 : i32
      %mul3A_481 = arith.muli %scan3A_478, %mul3A_480 : i32
      %get3A = arith.constant 20 : i32
      %get3A_482 = arith.index_cast %get3A : i32 to index
      %get3A_483 = arith.index_cast %mul3A_481 : i32 to index
      %get3A_484 = tpu.vector_load %arg8[%get3A_482, %get3A_483] {strides = array<i32>} : memref<32x1024xf32, #tpu.memory_space<vmem>>, vector<16xf32>,
      %get3A_485 = arith.constant 20 : i32
      %get3A_486 = arith.index_cast %get3A_485 : i32 to index
      %get3A_487 = arith.index_cast %mul3A_481 : i32 to index
      %get3A_488 = tpu.vector_load %arg9[%get3A_486, %get3A_487] {strides = array<i32>} : memref<32x1024xf32, #tpu.memory_space<vmem>>, vector<16xf32>,
      %add3A_489 = arith.addf %get3A_484, %get3A_488 : vector<16xf32>
      %swap3A = arith.constant 20 : i32
      %swap3A_490 = arith.index_cast %swap3A : i32 to index
      %swap3A_491 = arith.index_cast %mul3A_481 : i32 to index
      %swap3A_492 = tpu.vector_load %arg8[%swap3A_490, %swap3A_491] {strides = array<i32>} : memref<32x1024xf32, #tpu.memory_space<vmem>>, vector<16xf32>,
      tpu.vector_store %arg8[%swap3A_490, %swap3A_491], %add3A_489 {strides = array<i32>} : memref<32x1024xf32, #tpu.memory_space<vmem>>, vector<16xf32>,
      %scan3A_493 = arith.constant 0 : i32
      scf.yield %scan3A_493 : i32
    }
    %scan3A_400 = arith.constant 64 : i32
    %scan3A_401 = arith.constant 0 : i32
    %scan3A_402 = arith.constant 0 : i32
    %scan3A_403 = arith.constant 64 : i32
    %scan3A_404 = arith.addi %scan3A_402, %scan3A_403 : i32
    %scan3A_405 = arith.constant 1 : i32
    %scan3A_406 = scf.for %scan3A_478 = %scan3A_402 to %scan3A_404 step %scan3A_405 iter_args(%scan3A_479 = %scan3A_401) -> (i32)  : i32 {
      %mul3A_480 = arith.constant 16 : i32
      %mul3A_481 = arith.muli %scan3A_478, %mul3A_480 : i32
      %get3A = arith.constant 21 : i32
      %get3A_482 = arith.index_cast %get3A : i32 to index
      %get3A_483 = arith.index_cast %mul3A_481 : i32 to index
      %get3A_484 = tpu.vector_load %arg8[%get3A_482, %get3A_483] {strides = array<i32>} : memref<32x1024xf32, #tpu.memory_space<vmem>>, vector<16xf32>,
      %get3A_485 = arith.constant 21 : i32
      %get3A_486 = arith.index_cast %get3A_485 : i32 to index
      %get3A_487 = arith.index_cast %mul3A_481 : i32 to index
      %get3A_488 = tpu.vector_load %arg9[%get3A_486, %get3A_487] {strides = array<i32>} : memref<32x1024xf32, #tpu.memory_space<vmem>>, vector<16xf32>,
      %add3A_489 = arith.addf %get3A_484, %get3A_488 : vector<16xf32>
      %swap3A = arith.constant 21 : i32
      %swap3A_490 = arith.index_cast %swap3A : i32 to index
      %swap3A_491 = arith.index_cast %mul3A_481 : i32 to index
      %swap3A_492 = tpu.vector_load %arg8[%swap3A_490, %swap3A_491] {strides = array<i32>} : memref<32x1024xf32, #tpu.memory_space<vmem>>, vector<16xf32>,
      tpu.vector_store %arg8[%swap3A_490, %swap3A_491], %add3A_489 {strides = array<i32>} : memref<32x1024xf32, #tpu.memory_space<vmem>>, vector<16xf32>,
      %scan3A_493 = arith.constant 0 : i32
      scf.yield %scan3A_493 : i32
    }
    %scan3A_407 = arith.constant 64 : i32
    %scan3A_408 = arith.constant 0 : i32
    %scan3A_409 = arith.constant 0 : i32
    %scan3A_410 = arith.constant 64 : i32
    %scan3A_411 = arith.addi %scan3A_409, %scan3A_410 : i32
    %scan3A_412 = arith.constant 1 : i32
    %scan3A_413 = scf.for %scan3A_478 = %scan3A_409 to %scan3A_411 step %scan3A_412 iter_args(%scan3A_479 = %scan3A_408) -> (i32)  : i32 {
      %mul3A_480 = arith.constant 16 : i32
      %mul3A_481 = arith.muli %scan3A_478, %mul3A_480 : i32
      %get3A = arith.constant 22 : i32
      %get3A_482 = arith.index_cast %get3A : i32 to index
      %get3A_483 = arith.index_cast %mul3A_481 : i32 to index
      %get3A_484 = tpu.vector_load %arg8[%get3A_482, %get3A_483] {strides = array<i32>} : memref<32x1024xf32, #tpu.memory_space<vmem>>, vector<16xf32>,
      %get3A_485 = arith.constant 22 : i32
      %get3A_486 = arith.index_cast %get3A_485 : i32 to index
      %get3A_487 = arith.index_cast %mul3A_481 : i32 to index
      %get3A_488 = tpu.vector_load %arg9[%get3A_486, %get3A_487] {strides = array<i32>} : memref<32x1024xf32, #tpu.memory_space<vmem>>, vector<16xf32>,
      %add3A_489 = arith.addf %get3A_484, %get3A_488 : vector<16xf32>
      %swap3A = arith.constant 22 : i32
      %swap3A_490 = arith.index_cast %swap3A : i32 to index
      %swap3A_491 = arith.index_cast %mul3A_481 : i32 to index
      %swap3A_492 = tpu.vector_load %arg8[%swap3A_490, %swap3A_491] {strides = array<i32>} : memref<32x1024xf32, #tpu.memory_space<vmem>>, vector<16xf32>,
      tpu.vector_store %arg8[%swap3A_490, %swap3A_491], %add3A_489 {strides = array<i32>} : memref<32x1024xf32, #tpu.memory_space<vmem>>, vector<16xf32>,
      %scan3A_493 = arith.constant 0 : i32
      scf.yield %scan3A_493 : i32
    }
    %scan3A_414 = arith.constant 64 : i32
    %scan3A_415 = arith.constant 0 : i32
    %scan3A_416 = arith.constant 0 : i32
    %scan3A_417 = arith.constant 64 : i32
    %scan3A_418 = arith.addi %scan3A_416, %scan3A_417 : i32
    %scan3A_419 = arith.constant 1 : i32
    %scan3A_420 = scf.for %scan3A_478 = %scan3A_416 to %scan3A_418 step %scan3A_419 iter_args(%scan3A_479 = %scan3A_415) -> (i32)  : i32 {
      %mul3A_480 = arith.constant 16 : i32
      %mul3A_481 = arith.muli %scan3A_478, %mul3A_480 : i32
      %get3A = arith.constant 23 : i32
      %get3A_482 = arith.index_cast %get3A : i32 to index
      %get3A_483 = arith.index_cast %mul3A_481 : i32 to index
      %get3A_484 = tpu.vector_load %arg8[%get3A_482, %get3A_483] {strides = array<i32>} : memref<32x1024xf32, #tpu.memory_space<vmem>>, vector<16xf32>,
      %get3A_485 = arith.constant 23 : i32
      %get3A_486 = arith.index_cast %get3A_485 : i32 to index
      %get3A_487 = arith.index_cast %mul3A_481 : i32 to index
      %get3A_488 = tpu.vector_load %arg9[%get3A_486, %get3A_487] {strides = array<i32>} : memref<32x1024xf32, #tpu.memory_space<vmem>>, vector<16xf32>,
      %add3A_489 = arith.addf %get3A_484, %get3A_488 : vector<16xf32>
      %swap3A = arith.constant 23 : i32
      %swap3A_490 = arith.index_cast %swap3A : i32 to index
      %swap3A_491 = arith.index_cast %mul3A_481 : i32 to index
      %swap3A_492 = tpu.vector_load %arg8[%swap3A_490, %swap3A_491] {strides = array<i32>} : memref<32x1024xf32, #tpu.memory_space<vmem>>, vector<16xf32>,
      tpu.vector_store %arg8[%swap3A_490, %swap3A_491], %add3A_489 {strides = array<i32>} : memref<32x1024xf32, #tpu.memory_space<vmem>>, vector<16xf32>,
      %scan3A_493 = arith.constant 0 : i32
      scf.yield %scan3A_493 : i32
    }
    %scan3A_421 = arith.constant 64 : i32
    %scan3A_422 = arith.constant 0 : i32
    %scan3A_423 = arith.constant 0 : i32
    %scan3A_424 = arith.constant 64 : i32
    %scan3A_425 = arith.addi %scan3A_423, %scan3A_424 : i32
    %scan3A_426 = arith.constant 1 : i32
    %scan3A_427 = scf.for %scan3A_478 = %scan3A_423 to %scan3A_425 step %scan3A_426 iter_args(%scan3A_479 = %scan3A_422) -> (i32)  : i32 {
      %mul3A_480 = arith.constant 16 : i32
      %mul3A_481 = arith.muli %scan3A_478, %mul3A_480 : i32
      %get3A = arith.constant 24 : i32
      %get3A_482 = arith.index_cast %get3A : i32 to index
      %get3A_483 = arith.index_cast %mul3A_481 : i32 to index
      %get3A_484 = tpu.vector_load %arg8[%get3A_482, %get3A_483] {strides = array<i32>} : memref<32x1024xf32, #tpu.memory_space<vmem>>, vector<16xf32>,
      %get3A_485 = arith.constant 24 : i32
      %get3A_486 = arith.index_cast %get3A_485 : i32 to index
      %get3A_487 = arith.index_cast %mul3A_481 : i32 to index
      %get3A_488 = tpu.vector_load %arg9[%get3A_486, %get3A_487] {strides = array<i32>} : memref<32x1024xf32, #tpu.memory_space<vmem>>, vector<16xf32>,
      %add3A_489 = arith.addf %get3A_484, %get3A_488 : vector<16xf32>
      %swap3A = arith.constant 24 : i32
      %swap3A_490 = arith.index_cast %swap3A : i32 to index
      %swap3A_491 = arith.index_cast %mul3A_481 : i32 to index
      %swap3A_492 = tpu.vector_load %arg8[%swap3A_490, %swap3A_491] {strides = array<i32>} : memref<32x1024xf32, #tpu.memory_space<vmem>>, vector<16xf32>,
      tpu.vector_store %arg8[%swap3A_490, %swap3A_491], %add3A_489 {strides = array<i32>} : memref<32x1024xf32, #tpu.memory_space<vmem>>, vector<16xf32>,
      %scan3A_493 = arith.constant 0 : i32
      scf.yield %scan3A_493 : i32
    }
    %scan3A_428 = arith.constant 64 : i32
    %scan3A_429 = arith.constant 0 : i32
    %scan3A_430 = arith.constant 0 : i32
    %scan3A_431 = arith.constant 64 : i32
    %scan3A_432 = arith.addi %scan3A_430, %scan3A_431 : i32
    %scan3A_433 = arith.constant 1 : i32
    %scan3A_434 = scf.for %scan3A_478 = %scan3A_430 to %scan3A_432 step %scan3A_433 iter_args(%scan3A_479 = %scan3A_429) -> (i32)  : i32 {
      %mul3A_480 = arith.constant 16 : i32
      %mul3A_481 = arith.muli %scan3A_478, %mul3A_480 : i32
      %get3A = arith.constant 25 : i32
      %get3A_482 = arith.index_cast %get3A : i32 to index
      %get3A_483 = arith.index_cast %mul3A_481 : i32 to index
      %get3A_484 = tpu.vector_load %arg8[%get3A_482, %get3A_483] {strides = array<i32>} : memref<32x1024xf32, #tpu.memory_space<vmem>>, vector<16xf32>,
      %get3A_485 = arith.constant 25 : i32
      %get3A_486 = arith.index_cast %get3A_485 : i32 to index
      %get3A_487 = arith.index_cast %mul3A_481 : i32 to index
      %get3A_488 = tpu.vector_load %arg9[%get3A_486, %get3A_487] {strides = array<i32>} : memref<32x1024xf32, #tpu.memory_space<vmem>>, vector<16xf32>,
      %add3A_489 = arith.addf %get3A_484, %get3A_488 : vector<16xf32>
      %swap3A = arith.constant 25 : i32
      %swap3A_490 = arith.index_cast %swap3A : i32 to index
      %swap3A_491 = arith.index_cast %mul3A_481 : i32 to index
      %swap3A_492 = tpu.vector_load %arg8[%swap3A_490, %swap3A_491] {strides = array<i32>} : memref<32x1024xf32, #tpu.memory_space<vmem>>, vector<16xf32>,
      tpu.vector_store %arg8[%swap3A_490, %swap3A_491], %add3A_489 {strides = array<i32>} : memref<32x1024xf32, #tpu.memory_space<vmem>>, vector<16xf32>,
      %scan3A_493 = arith.constant 0 : i32
      scf.yield %scan3A_493 : i32
    }
    %scan3A_435 = arith.constant 64 : i32
    %scan3A_436 = arith.constant 0 : i32
    %scan3A_437 = arith.constant 0 : i32
    %scan3A_438 = arith.constant 64 : i32
    %scan3A_439 = arith.addi %scan3A_437, %scan3A_438 : i32
    %scan3A_440 = arith.constant 1 : i32
    %scan3A_441 = scf.for %scan3A_478 = %scan3A_437 to %scan3A_439 step %scan3A_440 iter_args(%scan3A_479 = %scan3A_436) -> (i32)  : i32 {
      %mul3A_480 = arith.constant 16 : i32
      %mul3A_481 = arith.muli %scan3A_478, %mul3A_480 : i32
      %get3A = arith.constant 26 : i32
      %get3A_482 = arith.index_cast %get3A : i32 to index
      %get3A_483 = arith.index_cast %mul3A_481 : i32 to index
      %get3A_484 = tpu.vector_load %arg8[%get3A_482, %get3A_483] {strides = array<i32>} : memref<32x1024xf32, #tpu.memory_space<vmem>>, vector<16xf32>,
      %get3A_485 = arith.constant 26 : i32
      %get3A_486 = arith.index_cast %get3A_485 : i32 to index
      %get3A_487 = arith.index_cast %mul3A_481 : i32 to index
      %get3A_488 = tpu.vector_load %arg9[%get3A_486, %get3A_487] {strides = array<i32>} : memref<32x1024xf32, #tpu.memory_space<vmem>>, vector<16xf32>,
      %add3A_489 = arith.addf %get3A_484, %get3A_488 : vector<16xf32>
      %swap3A = arith.constant 26 : i32
      %swap3A_490 = arith.index_cast %swap3A : i32 to index
      %swap3A_491 = arith.index_cast %mul3A_481 : i32 to index
      %swap3A_492 = tpu.vector_load %arg8[%swap3A_490, %swap3A_491] {strides = array<i32>} : memref<32x1024xf32, #tpu.memory_space<vmem>>, vector<16xf32>,
      tpu.vector_store %arg8[%swap3A_490, %swap3A_491], %add3A_489 {strides = array<i32>} : memref<32x1024xf32, #tpu.memory_space<vmem>>, vector<16xf32>,
      %scan3A_493 = arith.constant 0 : i32
      scf.yield %scan3A_493 : i32
    }
    %scan3A_442 = arith.constant 64 : i32
    %scan3A_443 = arith.constant 0 : i32
    %scan3A_444 = arith.constant 0 : i32
    %scan3A_445 = arith.constant 64 : i32
    %scan3A_446 = arith.addi %scan3A_444, %scan3A_445 : i32
    %scan3A_447 = arith.constant 1 : i32
    %scan3A_448 = scf.for %scan3A_478 = %scan3A_444 to %scan3A_446 step %scan3A_447 iter_args(%scan3A_479 = %scan3A_443) -> (i32)  : i32 {
      %mul3A_480 = arith.constant 16 : i32
      %mul3A_481 = arith.muli %scan3A_478, %mul3A_480 : i32
      %get3A = arith.constant 27 : i32
      %get3A_482 = arith.index_cast %get3A : i32 to index
      %get3A_483 = arith.index_cast %mul3A_481 : i32 to index
      %get3A_484 = tpu.vector_load %arg8[%get3A_482, %get3A_483] {strides = array<i32>} : memref<32x1024xf32, #tpu.memory_space<vmem>>, vector<16xf32>,
      %get3A_485 = arith.constant 27 : i32
      %get3A_486 = arith.index_cast %get3A_485 : i32 to index
      %get3A_487 = arith.index_cast %mul3A_481 : i32 to index
      %get3A_488 = tpu.vector_load %arg9[%get3A_486, %get3A_487] {strides = array<i32>} : memref<32x1024xf32, #tpu.memory_space<vmem>>, vector<16xf32>,
      %add3A_489 = arith.addf %get3A_484, %get3A_488 : vector<16xf32>
      %swap3A = arith.constant 27 : i32
      %swap3A_490 = arith.index_cast %swap3A : i32 to index
      %swap3A_491 = arith.index_cast %mul3A_481 : i32 to index
      %swap3A_492 = tpu.vector_load %arg8[%swap3A_490, %swap3A_491] {strides = array<i32>} : memref<32x1024xf32, #tpu.memory_space<vmem>>, vector<16xf32>,
      tpu.vector_store %arg8[%swap3A_490, %swap3A_491], %add3A_489 {strides = array<i32>} : memref<32x1024xf32, #tpu.memory_space<vmem>>, vector<16xf32>,
      %scan3A_493 = arith.constant 0 : i32
      scf.yield %scan3A_493 : i32
    }
    %scan3A_449 = arith.constant 64 : i32
    %scan3A_450 = arith.constant 0 : i32
    %scan3A_451 = arith.constant 0 : i32
    %scan3A_452 = arith.constant 64 : i32
    %scan3A_453 = arith.addi %scan3A_451, %scan3A_452 : i32
    %scan3A_454 = arith.constant 1 : i32
    %scan3A_455 = scf.for %scan3A_478 = %scan3A_451 to %scan3A_453 step %scan3A_454 iter_args(%scan3A_479 = %scan3A_450) -> (i32)  : i32 {
      %mul3A_480 = arith.constant 16 : i32
      %mul3A_481 = arith.muli %scan3A_478, %mul3A_480 : i32
      %get3A = arith.constant 28 : i32
      %get3A_482 = arith.index_cast %get3A : i32 to index
      %get3A_483 = arith.index_cast %mul3A_481 : i32 to index
      %get3A_484 = tpu.vector_load %arg8[%get3A_482, %get3A_483] {strides = array<i32>} : memref<32x1024xf32, #tpu.memory_space<vmem>>, vector<16xf32>,
      %get3A_485 = arith.constant 28 : i32
      %get3A_486 = arith.index_cast %get3A_485 : i32 to index
      %get3A_487 = arith.index_cast %mul3A_481 : i32 to index
      %get3A_488 = tpu.vector_load %arg9[%get3A_486, %get3A_487] {strides = array<i32>} : memref<32x1024xf32, #tpu.memory_space<vmem>>, vector<16xf32>,
      %add3A_489 = arith.addf %get3A_484, %get3A_488 : vector<16xf32>
      %swap3A = arith.constant 28 : i32
      %swap3A_490 = arith.index_cast %swap3A : i32 to index
      %swap3A_491 = arith.index_cast %mul3A_481 : i32 to index
      %swap3A_492 = tpu.vector_load %arg8[%swap3A_490, %swap3A_491] {strides = array<i32>} : memref<32x1024xf32, #tpu.memory_space<vmem>>, vector<16xf32>,
      tpu.vector_store %arg8[%swap3A_490, %swap3A_491], %add3A_489 {strides = array<i32>} : memref<32x1024xf32, #tpu.memory_space<vmem>>, vector<16xf32>,
      %scan3A_493 = arith.constant 0 : i32
      scf.yield %scan3A_493 : i32
    }
    %scan3A_456 = arith.constant 64 : i32
    %scan3A_457 = arith.constant 0 : i32
    %scan3A_458 = arith.constant 0 : i32
    %scan3A_459 = arith.constant 64 : i32
    %scan3A_460 = arith.addi %scan3A_458, %scan3A_459 : i32
    %scan3A_461 = arith.constant 1 : i32
    %scan3A_462 = scf.for %scan3A_478 = %scan3A_458 to %scan3A_460 step %scan3A_461 iter_args(%scan3A_479 = %scan3A_457) -> (i32)  : i32 {
      %mul3A_480 = arith.constant 16 : i32
      %mul3A_481 = arith.muli %scan3A_478, %mul3A_480 : i32
      %get3A = arith.constant 29 : i32
      %get3A_482 = arith.index_cast %get3A : i32 to index
      %get3A_483 = arith.index_cast %mul3A_481 : i32 to index
      %get3A_484 = tpu.vector_load %arg8[%get3A_482, %get3A_483] {strides = array<i32>} : memref<32x1024xf32, #tpu.memory_space<vmem>>, vector<16xf32>,
      %get3A_485 = arith.constant 29 : i32
      %get3A_486 = arith.index_cast %get3A_485 : i32 to index
      %get3A_487 = arith.index_cast %mul3A_481 : i32 to index
      %get3A_488 = tpu.vector_load %arg9[%get3A_486, %get3A_487] {strides = array<i32>} : memref<32x1024xf32, #tpu.memory_space<vmem>>, vector<16xf32>,
      %add3A_489 = arith.addf %get3A_484, %get3A_488 : vector<16xf32>
      %swap3A = arith.constant 29 : i32
      %swap3A_490 = arith.index_cast %swap3A : i32 to index
      %swap3A_491 = arith.index_cast %mul3A_481 : i32 to index
      %swap3A_492 = tpu.vector_load %arg8[%swap3A_490, %swap3A_491] {strides = array<i32>} : memref<32x1024xf32, #tpu.memory_space<vmem>>, vector<16xf32>,
      tpu.vector_store %arg8[%swap3A_490, %swap3A_491], %add3A_489 {strides = array<i32>} : memref<32x1024xf32, #tpu.memory_space<vmem>>, vector<16xf32>,
      %scan3A_493 = arith.constant 0 : i32
      scf.yield %scan3A_493 : i32
    }
    %scan3A_463 = arith.constant 64 : i32
    %scan3A_464 = arith.constant 0 : i32
    %scan3A_465 = arith.constant 0 : i32
    %scan3A_466 = arith.constant 64 : i32
    %scan3A_467 = arith.addi %scan3A_465, %scan3A_466 : i32
    %scan3A_468 = arith.constant 1 : i32
    %scan3A_469 = scf.for %scan3A_478 = %scan3A_465 to %scan3A_467 step %scan3A_468 iter_args(%scan3A_479 = %scan3A_464) -> (i32)  : i32 {
      %mul3A_480 = arith.constant 16 : i32
      %mul3A_481 = arith.muli %scan3A_478, %mul3A_480 : i32
      %get3A = arith.constant 30 : i32
      %get3A_482 = arith.index_cast %get3A : i32 to index
      %get3A_483 = arith.index_cast %mul3A_481 : i32 to index
      %get3A_484 = tpu.vector_load %arg8[%get3A_482, %get3A_483] {strides = array<i32>} : memref<32x1024xf32, #tpu.memory_space<vmem>>, vector<16xf32>,
      %get3A_485 = arith.constant 30 : i32
      %get3A_486 = arith.index_cast %get3A_485 : i32 to index
      %get3A_487 = arith.index_cast %mul3A_481 : i32 to index
      %get3A_488 = tpu.vector_load %arg9[%get3A_486, %get3A_487] {strides = array<i32>} : memref<32x1024xf32, #tpu.memory_space<vmem>>, vector<16xf32>,
      %add3A_489 = arith.addf %get3A_484, %get3A_488 : vector<16xf32>
      %swap3A = arith.constant 30 : i32
      %swap3A_490 = arith.index_cast %swap3A : i32 to index
      %swap3A_491 = arith.index_cast %mul3A_481 : i32 to index
      %swap3A_492 = tpu.vector_load %arg8[%swap3A_490, %swap3A_491] {strides = array<i32>} : memref<32x1024xf32, #tpu.memory_space<vmem>>, vector<16xf32>,
      tpu.vector_store %arg8[%swap3A_490, %swap3A_491], %add3A_489 {strides = array<i32>} : memref<32x1024xf32, #tpu.memory_space<vmem>>, vector<16xf32>,
      %scan3A_493 = arith.constant 0 : i32
      scf.yield %scan3A_493 : i32
    }
    %scan3A_470 = arith.constant 64 : i32
    %scan3A_471 = arith.constant 0 : i32
    %scan3A_472 = arith.constant 0 : i32
    %scan3A_473 = arith.constant 64 : i32
    %scan3A_474 = arith.addi %scan3A_472, %scan3A_473 : i32
    %scan3A_475 = arith.constant 1 : i32
    %scan3A_476 = scf.for %scan3A_478 = %scan3A_472 to %scan3A_474 step %scan3A_475 iter_args(%scan3A_479 = %scan3A_471) -> (i32)  : i32 {
      %mul3A_480 = arith.constant 16 : i32
      %mul3A_481 = arith.muli %scan3A_478, %mul3A_480 : i32
      %get3A = arith.constant 31 : i32
      %get3A_482 = arith.index_cast %get3A : i32 to index
      %get3A_483 = arith.index_cast %mul3A_481 : i32 to index
      %get3A_484 = tpu.vector_load %arg8[%get3A_482, %get3A_483] {strides = array<i32>} : memref<32x1024xf32, #tpu.memory_space<vmem>>, vector<16xf32>,
      %get3A_485 = arith.constant 31 : i32
      %get3A_486 = arith.index_cast %get3A_485 : i32 to index
      %get3A_487 = arith.index_cast %mul3A_481 : i32 to index
      %get3A_488 = tpu.vector_load %arg9[%get3A_486, %get3A_487] {strides = array<i32>} : memref<32x1024xf32, #tpu.memory_space<vmem>>, vector<16xf32>,
      %add3A_489 = arith.addf %get3A_484, %get3A_488 : vector<16xf32>
      %swap3A = arith.constant 31 : i32
      %swap3A_490 = arith.index_cast %swap3A : i32 to index
      %swap3A_491 = arith.index_cast %mul3A_481 : i32 to index
      %swap3A_492 = tpu.vector_load %arg8[%swap3A_490, %swap3A_491] {strides = array<i32>} : memref<32x1024xf32, #tpu.memory_space<vmem>>, vector<16xf32>,
      tpu.vector_store %arg8[%swap3A_490, %swap3A_491], %add3A_489 {strides = array<i32>} : memref<32x1024xf32, #tpu.memory_space<vmem>>, vector<16xf32>,
      %scan3A_493 = arith.constant 0 : i32
      scf.yield %scan3A_493 : i32
    }
    %scan3A_477 = arith.constant 64 : i32
    "tpu.region"() ({
      %run_scoped3A = tpu.sem_alloc : memref<!tpu.dma_semaphore, #tpu.memory_space<semaphore_mem>>
      %dma_start3A_478 = arith.constant 0 : i32
      %dma_start3A_479 = tpu.memref_slice %arg5[%add3A_241, %dma_start3A_478] : memref<2048x1024xf32, #tpu.memory_space<hbm>> -> memref<32x1024xf32, #tpu.memory_space<hbm>>
      %dma_start3A_480 = arith.constant 0 : i32
      %dma_start3A_481 = tpu.memref_slice %arg5[%add3A_241, %dma_start3A_480] : memref<2048x1024xf32, #tpu.memory_space<hbm>> -> memref<32x1024xf32, #tpu.memory_space<hbm>>
      tpu.enqueue_dma source(%arg8 : memref<32x1024xf32, #tpu.memory_space<vmem>>) target(%dma_start3A_481 : memref<32x1024xf32, #tpu.memory_space<hbm>>) target_semaphore(%run_scoped3A : memref<!tpu.dma_semaphore, #tpu.memory_space<semaphore_mem>>)
      %dma_wait3A_482 = arith.constant 0 : i32
      %dma_wait3A_483 = tpu.memref_slice %arg5[%add3A_241, %dma_wait3A_482] : memref<2048x1024xf32, #tpu.memory_space<hbm>> -> memref<32x1024xf32, #tpu.memory_space<hbm>>
      %dma_wait3A_484 = arith.constant 0 : i32
      %dma_wait3A_485 = tpu.memref_slice %arg5[%add3A_241, %dma_wait3A_484] : memref<2048x1024xf32, #tpu.memory_space<hbm>> -> memref<32x1024xf32, #tpu.memory_space<hbm>>
      tpu.wait_dma2 semaphore(%run_scoped3A : memref<!tpu.dma_semaphore, #tpu.memory_space<semaphore_mem>>) src(%arg8 : memref<32x1024xf32, #tpu.memory_space<vmem>>) dst(%dma_wait3A_485 : memref<32x1024xf32, #tpu.memory_space<hbm>>)
      tpu.yield
    }) : () -> ()
    return
  }
}

#map = affine_map<(d0, d1) -> (0)>
#map1 = affine_map<(d0, d1) -> (0, 0)>
module attributes {stable_mosaic.version = 14 : i64} {
  func.func @_sc_gather_body(%arg0: i32, %arg1: i32, %arg2: memref<6144xi32, #tpu.memory_space<hbm>>, %arg3: memref<2048x1024xf32, #tpu.memory_space<hbm>>, %arg4: memref<6144x1024xf32, #tpu.memory_space<hbm>>, %arg5: memref<32xi32, #tpu.memory_space<vmem>>, %arg6: memref<32xi32, #tpu.memory_space<vmem>>, %arg7: memref<32x1024xf32, #tpu.memory_space<vmem>>, %arg8: memref<32x1024xf32, #tpu.memory_space<vmem>>, %arg9: memref<!tpu.dma_semaphore, #tpu.memory_space<semaphore_mem>>, %arg10: memref<!tpu.dma_semaphore, #tpu.memory_space<semaphore_mem>>) attributes {dimension_semantics = [#tpu.dimension_semantics<core_parallel>, #tpu.dimension_semantics<subcore_parallel>], iteration_bounds = array<i64: 2, 16>, scalar_prefetch = 0 : i64, scratch_operands = 6 : i64, tpu.core_type = #tpu.core_type<sc_vector_subcore>, window_params = [{transform_indices = #map}, {transform_indices = #map1}, {transform_indices = #map1}]} {
    %mul3A = arith.constant 2 : i32
    %mul3A_0 = arith.muli %arg1, %mul3A : i32
    %add3A = arith.addi %mul3A_0, %arg0 : i32
    %mul3A_1 = arith.constant 192 : i32
    %mul3A_2 = arith.muli %add3A, %mul3A_1 : i32
    %add3A_3 = arith.constant 0 : i32
    %add3A_4 = arith.addi %mul3A_2, %add3A_3 : i32
    "tpu.region"() ({
      %run_scoped3A = tpu.sem_alloc : memref<!tpu.dma_semaphore, #tpu.memory_space<semaphore_mem>>
      %dma_start3A_61 = tpu.memref_slice %arg2[%add3A_4] : memref<6144xi32, #tpu.memory_space<hbm>> -> memref<32xi32, #tpu.memory_space<hbm>>
      %dma_start3A_62 = tpu.memref_slice %arg2[%add3A_4] : memref<6144xi32, #tpu.memory_space<hbm>> -> memref<32xi32, #tpu.memory_space<hbm>>
      tpu.enqueue_dma source(%dma_start3A_62 : memref<32xi32, #tpu.memory_space<hbm>>) target(%arg5 : memref<32xi32, #tpu.memory_space<vmem>>) target_semaphore(%run_scoped3A : memref<!tpu.dma_semaphore, #tpu.memory_space<semaphore_mem>>)
      %dma_wait3A_63 = tpu.memref_slice %arg2[%add3A_4] : memref<6144xi32, #tpu.memory_space<hbm>> -> memref<32xi32, #tpu.memory_space<hbm>>
      %dma_wait3A_64 = tpu.memref_slice %arg2[%add3A_4] : memref<6144xi32, #tpu.memory_space<hbm>> -> memref<32xi32, #tpu.memory_space<hbm>>
      tpu.wait_dma2 semaphore(%run_scoped3A : memref<!tpu.dma_semaphore, #tpu.memory_space<semaphore_mem>>) src(%dma_wait3A_64 : memref<32xi32, #tpu.memory_space<hbm>>) dst(%arg5 : memref<32xi32, #tpu.memory_space<vmem>>)
      tpu.yield
    }) : () -> ()
    %dma_start3A = arith.constant 0 : i32
    %dma_start3A_5 = arith.constant 0 : i32
    %dma_start3A_6 = tpu.memref_slice %arg3[%dma_start3A, %dma_start3A_5] : memref<2048x1024xf32, #tpu.memory_space<hbm>> -> memref<2048x1024xf32, #tpu.memory_space<hbm>>
    tpu.enqueue_indirect_dma source(%dma_start3A_6 : memref<2048x1024xf32, #tpu.memory_space<hbm>>) target(%arg7 : memref<32x1024xf32, #tpu.memory_space<vmem>>) offsets(%arg5 : memref<32xi32, #tpu.memory_space<vmem>>) semaphore(%arg9 : memref<!tpu.dma_semaphore, #tpu.memory_space<semaphore_mem>>)
    %add3A_7 = arith.constant 32 : i32
    %add3A_8 = arith.addi %mul3A_2, %add3A_7 : i32
    "tpu.region"() ({
      %run_scoped3A = tpu.sem_alloc : memref<!tpu.dma_semaphore, #tpu.memory_space<semaphore_mem>>
      %dma_start3A_61 = tpu.memref_slice %arg2[%add3A_8] : memref<6144xi32, #tpu.memory_space<hbm>> -> memref<32xi32, #tpu.memory_space<hbm>>
      %dma_start3A_62 = tpu.memref_slice %arg2[%add3A_8] : memref<6144xi32, #tpu.memory_space<hbm>> -> memref<32xi32, #tpu.memory_space<hbm>>
      tpu.enqueue_dma source(%dma_start3A_62 : memref<32xi32, #tpu.memory_space<hbm>>) target(%arg6 : memref<32xi32, #tpu.memory_space<vmem>>) target_semaphore(%run_scoped3A : memref<!tpu.dma_semaphore, #tpu.memory_space<semaphore_mem>>)
      %dma_wait3A_63 = tpu.memref_slice %arg2[%add3A_8] : memref<6144xi32, #tpu.memory_space<hbm>> -> memref<32xi32, #tpu.memory_space<hbm>>
      %dma_wait3A_64 = tpu.memref_slice %arg2[%add3A_8] : memref<6144xi32, #tpu.memory_space<hbm>> -> memref<32xi32, #tpu.memory_space<hbm>>
      tpu.wait_dma2 semaphore(%run_scoped3A : memref<!tpu.dma_semaphore, #tpu.memory_space<semaphore_mem>>) src(%dma_wait3A_64 : memref<32xi32, #tpu.memory_space<hbm>>) dst(%arg6 : memref<32xi32, #tpu.memory_space<vmem>>)
      tpu.yield
    }) : () -> ()
    %dma_start3A_9 = arith.constant 0 : i32
    %dma_start3A_10 = arith.constant 0 : i32
    %dma_start3A_11 = tpu.memref_slice %arg3[%dma_start3A_9, %dma_start3A_10] : memref<2048x1024xf32, #tpu.memory_space<hbm>> -> memref<2048x1024xf32, #tpu.memory_space<hbm>>
    tpu.enqueue_indirect_dma source(%dma_start3A_11 : memref<2048x1024xf32, #tpu.memory_space<hbm>>) target(%arg8 : memref<32x1024xf32, #tpu.memory_space<vmem>>) offsets(%arg6 : memref<32xi32, #tpu.memory_space<vmem>>) semaphore(%arg10 : memref<!tpu.dma_semaphore, #tpu.memory_space<semaphore_mem>>)
    %dma_wait3A = arith.constant 0 : i32
    %dma_wait3A_12 = arith.constant 0 : i32
    %dma_wait3A_13 = tpu.memref_slice %arg3[%dma_wait3A, %dma_wait3A_12] : memref<2048x1024xf32, #tpu.memory_space<hbm>> -> memref<2048x1024xf32, #tpu.memory_space<hbm>>
    tpu.wait_indirect_dma semaphore(%arg9 : memref<!tpu.dma_semaphore, #tpu.memory_space<semaphore_mem>>) src(%dma_wait3A_13 : memref<2048x1024xf32, #tpu.memory_space<hbm>>) dst(%arg7 : memref<32x1024xf32, #tpu.memory_space<vmem>>)
    %add3A_14 = arith.constant 0 : i32
    %add3A_15 = arith.addi %mul3A_2, %add3A_14 : i32
    "tpu.region"() ({
      %run_scoped3A = tpu.sem_alloc : memref<!tpu.dma_semaphore, #tpu.memory_space<semaphore_mem>>
      %dma_start3A_61 = arith.constant 0 : i32
      %dma_start3A_62 = tpu.memref_slice %arg4[%add3A_15, %dma_start3A_61] : memref<6144x1024xf32, #tpu.memory_space<hbm>> -> memref<32x1024xf32, #tpu.memory_space<hbm>>
      %dma_start3A_63 = arith.constant 0 : i32
      %dma_start3A_64 = tpu.memref_slice %arg4[%add3A_15, %dma_start3A_63] : memref<6144x1024xf32, #tpu.memory_space<hbm>> -> memref<32x1024xf32, #tpu.memory_space<hbm>>
      tpu.enqueue_dma source(%arg7 : memref<32x1024xf32, #tpu.memory_space<vmem>>) target(%dma_start3A_64 : memref<32x1024xf32, #tpu.memory_space<hbm>>) target_semaphore(%run_scoped3A : memref<!tpu.dma_semaphore, #tpu.memory_space<semaphore_mem>>)
      %dma_wait3A_65 = arith.constant 0 : i32
      %dma_wait3A_66 = tpu.memref_slice %arg4[%add3A_15, %dma_wait3A_65] : memref<6144x1024xf32, #tpu.memory_space<hbm>> -> memref<32x1024xf32, #tpu.memory_space<hbm>>
      %dma_wait3A_67 = arith.constant 0 : i32
      %dma_wait3A_68 = tpu.memref_slice %arg4[%add3A_15, %dma_wait3A_67] : memref<6144x1024xf32, #tpu.memory_space<hbm>> -> memref<32x1024xf32, #tpu.memory_space<hbm>>
      tpu.wait_dma2 semaphore(%run_scoped3A : memref<!tpu.dma_semaphore, #tpu.memory_space<semaphore_mem>>) src(%arg7 : memref<32x1024xf32, #tpu.memory_space<vmem>>) dst(%dma_wait3A_68 : memref<32x1024xf32, #tpu.memory_space<hbm>>)
      tpu.yield
    }) : () -> ()
    %add3A_16 = arith.constant 64 : i32
    %add3A_17 = arith.addi %mul3A_2, %add3A_16 : i32
    "tpu.region"() ({
      %run_scoped3A = tpu.sem_alloc : memref<!tpu.dma_semaphore, #tpu.memory_space<semaphore_mem>>
      %dma_start3A_61 = tpu.memref_slice %arg2[%add3A_17] : memref<6144xi32, #tpu.memory_space<hbm>> -> memref<32xi32, #tpu.memory_space<hbm>>
      %dma_start3A_62 = tpu.memref_slice %arg2[%add3A_17] : memref<6144xi32, #tpu.memory_space<hbm>> -> memref<32xi32, #tpu.memory_space<hbm>>
      tpu.enqueue_dma source(%dma_start3A_62 : memref<32xi32, #tpu.memory_space<hbm>>) target(%arg5 : memref<32xi32, #tpu.memory_space<vmem>>) target_semaphore(%run_scoped3A : memref<!tpu.dma_semaphore, #tpu.memory_space<semaphore_mem>>)
      %dma_wait3A_63 = tpu.memref_slice %arg2[%add3A_17] : memref<6144xi32, #tpu.memory_space<hbm>> -> memref<32xi32, #tpu.memory_space<hbm>>
      %dma_wait3A_64 = tpu.memref_slice %arg2[%add3A_17] : memref<6144xi32, #tpu.memory_space<hbm>> -> memref<32xi32, #tpu.memory_space<hbm>>
      tpu.wait_dma2 semaphore(%run_scoped3A : memref<!tpu.dma_semaphore, #tpu.memory_space<semaphore_mem>>) src(%dma_wait3A_64 : memref<32xi32, #tpu.memory_space<hbm>>) dst(%arg5 : memref<32xi32, #tpu.memory_space<vmem>>)
      tpu.yield
    }) : () -> ()
    %dma_start3A_18 = arith.constant 0 : i32
    %dma_start3A_19 = arith.constant 0 : i32
    %dma_start3A_20 = tpu.memref_slice %arg3[%dma_start3A_18, %dma_start3A_19] : memref<2048x1024xf32, #tpu.memory_space<hbm>> -> memref<2048x1024xf32, #tpu.memory_space<hbm>>
    tpu.enqueue_indirect_dma source(%dma_start3A_20 : memref<2048x1024xf32, #tpu.memory_space<hbm>>) target(%arg7 : memref<32x1024xf32, #tpu.memory_space<vmem>>) offsets(%arg5 : memref<32xi32, #tpu.memory_space<vmem>>) semaphore(%arg9 : memref<!tpu.dma_semaphore, #tpu.memory_space<semaphore_mem>>)
    %dma_wait3A_21 = arith.constant 0 : i32
    %dma_wait3A_22 = arith.constant 0 : i32
    %dma_wait3A_23 = tpu.memref_slice %arg3[%dma_wait3A_21, %dma_wait3A_22] : memref<2048x1024xf32, #tpu.memory_space<hbm>> -> memref<2048x1024xf32, #tpu.memory_space<hbm>>
    tpu.wait_indirect_dma semaphore(%arg10 : memref<!tpu.dma_semaphore, #tpu.memory_space<semaphore_mem>>) src(%dma_wait3A_23 : memref<2048x1024xf32, #tpu.memory_space<hbm>>) dst(%arg8 : memref<32x1024xf32, #tpu.memory_space<vmem>>)
    %add3A_24 = arith.constant 32 : i32
    %add3A_25 = arith.addi %mul3A_2, %add3A_24 : i32
    "tpu.region"() ({
      %run_scoped3A = tpu.sem_alloc : memref<!tpu.dma_semaphore, #tpu.memory_space<semaphore_mem>>
      %dma_start3A_61 = arith.constant 0 : i32
      %dma_start3A_62 = tpu.memref_slice %arg4[%add3A_25, %dma_start3A_61] : memref<6144x1024xf32, #tpu.memory_space<hbm>> -> memref<32x1024xf32, #tpu.memory_space<hbm>>
      %dma_start3A_63 = arith.constant 0 : i32
      %dma_start3A_64 = tpu.memref_slice %arg4[%add3A_25, %dma_start3A_63] : memref<6144x1024xf32, #tpu.memory_space<hbm>> -> memref<32x1024xf32, #tpu.memory_space<hbm>>
      tpu.enqueue_dma source(%arg8 : memref<32x1024xf32, #tpu.memory_space<vmem>>) target(%dma_start3A_64 : memref<32x1024xf32, #tpu.memory_space<hbm>>) target_semaphore(%run_scoped3A : memref<!tpu.dma_semaphore, #tpu.memory_space<semaphore_mem>>)
      %dma_wait3A_65 = arith.constant 0 : i32
      %dma_wait3A_66 = tpu.memref_slice %arg4[%add3A_25, %dma_wait3A_65] : memref<6144x1024xf32, #tpu.memory_space<hbm>> -> memref<32x1024xf32, #tpu.memory_space<hbm>>
      %dma_wait3A_67 = arith.constant 0 : i32
      %dma_wait3A_68 = tpu.memref_slice %arg4[%add3A_25, %dma_wait3A_67] : memref<6144x1024xf32, #tpu.memory_space<hbm>> -> memref<32x1024xf32, #tpu.memory_space<hbm>>
      tpu.wait_dma2 semaphore(%run_scoped3A : memref<!tpu.dma_semaphore, #tpu.memory_space<semaphore_mem>>) src(%arg8 : memref<32x1024xf32, #tpu.memory_space<vmem>>) dst(%dma_wait3A_68 : memref<32x1024xf32, #tpu.memory_space<hbm>>)
      tpu.yield
    }) : () -> ()
    %add3A_26 = arith.constant 96 : i32
    %add3A_27 = arith.addi %mul3A_2, %add3A_26 : i32
    "tpu.region"() ({
      %run_scoped3A = tpu.sem_alloc : memref<!tpu.dma_semaphore, #tpu.memory_space<semaphore_mem>>
      %dma_start3A_61 = tpu.memref_slice %arg2[%add3A_27] : memref<6144xi32, #tpu.memory_space<hbm>> -> memref<32xi32, #tpu.memory_space<hbm>>
      %dma_start3A_62 = tpu.memref_slice %arg2[%add3A_27] : memref<6144xi32, #tpu.memory_space<hbm>> -> memref<32xi32, #tpu.memory_space<hbm>>
      tpu.enqueue_dma source(%dma_start3A_62 : memref<32xi32, #tpu.memory_space<hbm>>) target(%arg6 : memref<32xi32, #tpu.memory_space<vmem>>) target_semaphore(%run_scoped3A : memref<!tpu.dma_semaphore, #tpu.memory_space<semaphore_mem>>)
      %dma_wait3A_63 = tpu.memref_slice %arg2[%add3A_27] : memref<6144xi32, #tpu.memory_space<hbm>> -> memref<32xi32, #tpu.memory_space<hbm>>
      %dma_wait3A_64 = tpu.memref_slice %arg2[%add3A_27] : memref<6144xi32, #tpu.memory_space<hbm>> -> memref<32xi32, #tpu.memory_space<hbm>>
      tpu.wait_dma2 semaphore(%run_scoped3A : memref<!tpu.dma_semaphore, #tpu.memory_space<semaphore_mem>>) src(%dma_wait3A_64 : memref<32xi32, #tpu.memory_space<hbm>>) dst(%arg6 : memref<32xi32, #tpu.memory_space<vmem>>)
      tpu.yield
    }) : () -> ()
    %dma_start3A_28 = arith.constant 0 : i32
    %dma_start3A_29 = arith.constant 0 : i32
    %dma_start3A_30 = tpu.memref_slice %arg3[%dma_start3A_28, %dma_start3A_29] : memref<2048x1024xf32, #tpu.memory_space<hbm>> -> memref<2048x1024xf32, #tpu.memory_space<hbm>>
    tpu.enqueue_indirect_dma source(%dma_start3A_30 : memref<2048x1024xf32, #tpu.memory_space<hbm>>) target(%arg8 : memref<32x1024xf32, #tpu.memory_space<vmem>>) offsets(%arg6 : memref<32xi32, #tpu.memory_space<vmem>>) semaphore(%arg10 : memref<!tpu.dma_semaphore, #tpu.memory_space<semaphore_mem>>)
    %dma_wait3A_31 = arith.constant 0 : i32
    %dma_wait3A_32 = arith.constant 0 : i32
    %dma_wait3A_33 = tpu.memref_slice %arg3[%dma_wait3A_31, %dma_wait3A_32] : memref<2048x1024xf32, #tpu.memory_space<hbm>> -> memref<2048x1024xf32, #tpu.memory_space<hbm>>
    tpu.wait_indirect_dma semaphore(%arg9 : memref<!tpu.dma_semaphore, #tpu.memory_space<semaphore_mem>>) src(%dma_wait3A_33 : memref<2048x1024xf32, #tpu.memory_space<hbm>>) dst(%arg7 : memref<32x1024xf32, #tpu.memory_space<vmem>>)
    %add3A_34 = arith.constant 64 : i32
    %add3A_35 = arith.addi %mul3A_2, %add3A_34 : i32
    "tpu.region"() ({
      %run_scoped3A = tpu.sem_alloc : memref<!tpu.dma_semaphore, #tpu.memory_space<semaphore_mem>>
      %dma_start3A_61 = arith.constant 0 : i32
      %dma_start3A_62 = tpu.memref_slice %arg4[%add3A_35, %dma_start3A_61] : memref<6144x1024xf32, #tpu.memory_space<hbm>> -> memref<32x1024xf32, #tpu.memory_space<hbm>>
      %dma_start3A_63 = arith.constant 0 : i32
      %dma_start3A_64 = tpu.memref_slice %arg4[%add3A_35, %dma_start3A_63] : memref<6144x1024xf32, #tpu.memory_space<hbm>> -> memref<32x1024xf32, #tpu.memory_space<hbm>>
      tpu.enqueue_dma source(%arg7 : memref<32x1024xf32, #tpu.memory_space<vmem>>) target(%dma_start3A_64 : memref<32x1024xf32, #tpu.memory_space<hbm>>) target_semaphore(%run_scoped3A : memref<!tpu.dma_semaphore, #tpu.memory_space<semaphore_mem>>)
      %dma_wait3A_65 = arith.constant 0 : i32
      %dma_wait3A_66 = tpu.memref_slice %arg4[%add3A_35, %dma_wait3A_65] : memref<6144x1024xf32, #tpu.memory_space<hbm>> -> memref<32x1024xf32, #tpu.memory_space<hbm>>
      %dma_wait3A_67 = arith.constant 0 : i32
      %dma_wait3A_68 = tpu.memref_slice %arg4[%add3A_35, %dma_wait3A_67] : memref<6144x1024xf32, #tpu.memory_space<hbm>> -> memref<32x1024xf32, #tpu.memory_space<hbm>>
      tpu.wait_dma2 semaphore(%run_scoped3A : memref<!tpu.dma_semaphore, #tpu.memory_space<semaphore_mem>>) src(%arg7 : memref<32x1024xf32, #tpu.memory_space<vmem>>) dst(%dma_wait3A_68 : memref<32x1024xf32, #tpu.memory_space<hbm>>)
      tpu.yield
    }) : () -> ()
    %add3A_36 = arith.constant 128 : i32
    %add3A_37 = arith.addi %mul3A_2, %add3A_36 : i32
    "tpu.region"() ({
      %run_scoped3A = tpu.sem_alloc : memref<!tpu.dma_semaphore, #tpu.memory_space<semaphore_mem>>
      %dma_start3A_61 = tpu.memref_slice %arg2[%add3A_37] : memref<6144xi32, #tpu.memory_space<hbm>> -> memref<32xi32, #tpu.memory_space<hbm>>
      %dma_start3A_62 = tpu.memref_slice %arg2[%add3A_37] : memref<6144xi32, #tpu.memory_space<hbm>> -> memref<32xi32, #tpu.memory_space<hbm>>
      tpu.enqueue_dma source(%dma_start3A_62 : memref<32xi32, #tpu.memory_space<hbm>>) target(%arg5 : memref<32xi32, #tpu.memory_space<vmem>>) target_semaphore(%run_scoped3A : memref<!tpu.dma_semaphore, #tpu.memory_space<semaphore_mem>>)
      %dma_wait3A_63 = tpu.memref_slice %arg2[%add3A_37] : memref<6144xi32, #tpu.memory_space<hbm>> -> memref<32xi32, #tpu.memory_space<hbm>>
      %dma_wait3A_64 = tpu.memref_slice %arg2[%add3A_37] : memref<6144xi32, #tpu.memory_space<hbm>> -> memref<32xi32, #tpu.memory_space<hbm>>
      tpu.wait_dma2 semaphore(%run_scoped3A : memref<!tpu.dma_semaphore, #tpu.memory_space<semaphore_mem>>) src(%dma_wait3A_64 : memref<32xi32, #tpu.memory_space<hbm>>) dst(%arg5 : memref<32xi32, #tpu.memory_space<vmem>>)
      tpu.yield
    }) : () -> ()
    %dma_start3A_38 = arith.constant 0 : i32
    %dma_start3A_39 = arith.constant 0 : i32
    %dma_start3A_40 = tpu.memref_slice %arg3[%dma_start3A_38, %dma_start3A_39] : memref<2048x1024xf32, #tpu.memory_space<hbm>> -> memref<2048x1024xf32, #tpu.memory_space<hbm>>
    tpu.enqueue_indirect_dma source(%dma_start3A_40 : memref<2048x1024xf32, #tpu.memory_space<hbm>>) target(%arg7 : memref<32x1024xf32, #tpu.memory_space<vmem>>) offsets(%arg5 : memref<32xi32, #tpu.memory_space<vmem>>) semaphore(%arg9 : memref<!tpu.dma_semaphore, #tpu.memory_space<semaphore_mem>>)
    %dma_wait3A_41 = arith.constant 0 : i32
    %dma_wait3A_42 = arith.constant 0 : i32
    %dma_wait3A_43 = tpu.memref_slice %arg3[%dma_wait3A_41, %dma_wait3A_42] : memref<2048x1024xf32, #tpu.memory_space<hbm>> -> memref<2048x1024xf32, #tpu.memory_space<hbm>>
    tpu.wait_indirect_dma semaphore(%arg10 : memref<!tpu.dma_semaphore, #tpu.memory_space<semaphore_mem>>) src(%dma_wait3A_43 : memref<2048x1024xf32, #tpu.memory_space<hbm>>) dst(%arg8 : memref<32x1024xf32, #tpu.memory_space<vmem>>)
    %add3A_44 = arith.constant 96 : i32
    %add3A_45 = arith.addi %mul3A_2, %add3A_44 : i32
    "tpu.region"() ({
      %run_scoped3A = tpu.sem_alloc : memref<!tpu.dma_semaphore, #tpu.memory_space<semaphore_mem>>
      %dma_start3A_61 = arith.constant 0 : i32
      %dma_start3A_62 = tpu.memref_slice %arg4[%add3A_45, %dma_start3A_61] : memref<6144x1024xf32, #tpu.memory_space<hbm>> -> memref<32x1024xf32, #tpu.memory_space<hbm>>
      %dma_start3A_63 = arith.constant 0 : i32
      %dma_start3A_64 = tpu.memref_slice %arg4[%add3A_45, %dma_start3A_63] : memref<6144x1024xf32, #tpu.memory_space<hbm>> -> memref<32x1024xf32, #tpu.memory_space<hbm>>
      tpu.enqueue_dma source(%arg8 : memref<32x1024xf32, #tpu.memory_space<vmem>>) target(%dma_start3A_64 : memref<32x1024xf32, #tpu.memory_space<hbm>>) target_semaphore(%run_scoped3A : memref<!tpu.dma_semaphore, #tpu.memory_space<semaphore_mem>>)
      %dma_wait3A_65 = arith.constant 0 : i32
      %dma_wait3A_66 = tpu.memref_slice %arg4[%add3A_45, %dma_wait3A_65] : memref<6144x1024xf32, #tpu.memory_space<hbm>> -> memref<32x1024xf32, #tpu.memory_space<hbm>>
      %dma_wait3A_67 = arith.constant 0 : i32
      %dma_wait3A_68 = tpu.memref_slice %arg4[%add3A_45, %dma_wait3A_67] : memref<6144x1024xf32, #tpu.memory_space<hbm>> -> memref<32x1024xf32, #tpu.memory_space<hbm>>
      tpu.wait_dma2 semaphore(%run_scoped3A : memref<!tpu.dma_semaphore, #tpu.memory_space<semaphore_mem>>) src(%arg8 : memref<32x1024xf32, #tpu.memory_space<vmem>>) dst(%dma_wait3A_68 : memref<32x1024xf32, #tpu.memory_space<hbm>>)
      tpu.yield
    }) : () -> ()
    %add3A_46 = arith.constant 160 : i32
    %add3A_47 = arith.addi %mul3A_2, %add3A_46 : i32
    "tpu.region"() ({
      %run_scoped3A = tpu.sem_alloc : memref<!tpu.dma_semaphore, #tpu.memory_space<semaphore_mem>>
      %dma_start3A_61 = tpu.memref_slice %arg2[%add3A_47] : memref<6144xi32, #tpu.memory_space<hbm>> -> memref<32xi32, #tpu.memory_space<hbm>>
      %dma_start3A_62 = tpu.memref_slice %arg2[%add3A_47] : memref<6144xi32, #tpu.memory_space<hbm>> -> memref<32xi32, #tpu.memory_space<hbm>>
      tpu.enqueue_dma source(%dma_start3A_62 : memref<32xi32, #tpu.memory_space<hbm>>) target(%arg6 : memref<32xi32, #tpu.memory_space<vmem>>) target_semaphore(%run_scoped3A : memref<!tpu.dma_semaphore, #tpu.memory_space<semaphore_mem>>)
      %dma_wait3A_63 = tpu.memref_slice %arg2[%add3A_47] : memref<6144xi32, #tpu.memory_space<hbm>> -> memref<32xi32, #tpu.memory_space<hbm>>
      %dma_wait3A_64 = tpu.memref_slice %arg2[%add3A_47] : memref<6144xi32, #tpu.memory_space<hbm>> -> memref<32xi32, #tpu.memory_space<hbm>>
      tpu.wait_dma2 semaphore(%run_scoped3A : memref<!tpu.dma_semaphore, #tpu.memory_space<semaphore_mem>>) src(%dma_wait3A_64 : memref<32xi32, #tpu.memory_space<hbm>>) dst(%arg6 : memref<32xi32, #tpu.memory_space<vmem>>)
      tpu.yield
    }) : () -> ()
    %dma_start3A_48 = arith.constant 0 : i32
    %dma_start3A_49 = arith.constant 0 : i32
    %dma_start3A_50 = tpu.memref_slice %arg3[%dma_start3A_48, %dma_start3A_49] : memref<2048x1024xf32, #tpu.memory_space<hbm>> -> memref<2048x1024xf32, #tpu.memory_space<hbm>>
    tpu.enqueue_indirect_dma source(%dma_start3A_50 : memref<2048x1024xf32, #tpu.memory_space<hbm>>) target(%arg8 : memref<32x1024xf32, #tpu.memory_space<vmem>>) offsets(%arg6 : memref<32xi32, #tpu.memory_space<vmem>>) semaphore(%arg10 : memref<!tpu.dma_semaphore, #tpu.memory_space<semaphore_mem>>)
    %dma_wait3A_51 = arith.constant 0 : i32
    %dma_wait3A_52 = arith.constant 0 : i32
    %dma_wait3A_53 = tpu.memref_slice %arg3[%dma_wait3A_51, %dma_wait3A_52] : memref<2048x1024xf32, #tpu.memory_space<hbm>> -> memref<2048x1024xf32, #tpu.memory_space<hbm>>
    tpu.wait_indirect_dma semaphore(%arg9 : memref<!tpu.dma_semaphore, #tpu.memory_space<semaphore_mem>>) src(%dma_wait3A_53 : memref<2048x1024xf32, #tpu.memory_space<hbm>>) dst(%arg7 : memref<32x1024xf32, #tpu.memory_space<vmem>>)
    %add3A_54 = arith.constant 128 : i32
    %add3A_55 = arith.addi %mul3A_2, %add3A_54 : i32
    "tpu.region"() ({
      %run_scoped3A = tpu.sem_alloc : memref<!tpu.dma_semaphore, #tpu.memory_space<semaphore_mem>>
      %dma_start3A_61 = arith.constant 0 : i32
      %dma_start3A_62 = tpu.memref_slice %arg4[%add3A_55, %dma_start3A_61] : memref<6144x1024xf32, #tpu.memory_space<hbm>> -> memref<32x1024xf32, #tpu.memory_space<hbm>>
      %dma_start3A_63 = arith.constant 0 : i32
      %dma_start3A_64 = tpu.memref_slice %arg4[%add3A_55, %dma_start3A_63] : memref<6144x1024xf32, #tpu.memory_space<hbm>> -> memref<32x1024xf32, #tpu.memory_space<hbm>>
      tpu.enqueue_dma source(%arg7 : memref<32x1024xf32, #tpu.memory_space<vmem>>) target(%dma_start3A_64 : memref<32x1024xf32, #tpu.memory_space<hbm>>) target_semaphore(%run_scoped3A : memref<!tpu.dma_semaphore, #tpu.memory_space<semaphore_mem>>)
      %dma_wait3A_65 = arith.constant 0 : i32
      %dma_wait3A_66 = tpu.memref_slice %arg4[%add3A_55, %dma_wait3A_65] : memref<6144x1024xf32, #tpu.memory_space<hbm>> -> memref<32x1024xf32, #tpu.memory_space<hbm>>
      %dma_wait3A_67 = arith.constant 0 : i32
      %dma_wait3A_68 = tpu.memref_slice %arg4[%add3A_55, %dma_wait3A_67] : memref<6144x1024xf32, #tpu.memory_space<hbm>> -> memref<32x1024xf32, #tpu.memory_space<hbm>>
      tpu.wait_dma2 semaphore(%run_scoped3A : memref<!tpu.dma_semaphore, #tpu.memory_space<semaphore_mem>>) src(%arg7 : memref<32x1024xf32, #tpu.memory_space<vmem>>) dst(%dma_wait3A_68 : memref<32x1024xf32, #tpu.memory_space<hbm>>)
      tpu.yield
    }) : () -> ()
    %dma_wait3A_56 = arith.constant 0 : i32
    %dma_wait3A_57 = arith.constant 0 : i32
    %dma_wait3A_58 = tpu.memref_slice %arg3[%dma_wait3A_56, %dma_wait3A_57] : memref<2048x1024xf32, #tpu.memory_space<hbm>> -> memref<2048x1024xf32, #tpu.memory_space<hbm>>
    tpu.wait_indirect_dma semaphore(%arg10 : memref<!tpu.dma_semaphore, #tpu.memory_space<semaphore_mem>>) src(%dma_wait3A_58 : memref<2048x1024xf32, #tpu.memory_space<hbm>>) dst(%arg8 : memref<32x1024xf32, #tpu.memory_space<vmem>>)
    %add3A_59 = arith.constant 160 : i32
    %add3A_60 = arith.addi %mul3A_2, %add3A_59 : i32
    "tpu.region"() ({
      %run_scoped3A = tpu.sem_alloc : memref<!tpu.dma_semaphore, #tpu.memory_space<semaphore_mem>>
      %dma_start3A_61 = arith.constant 0 : i32
      %dma_start3A_62 = tpu.memref_slice %arg4[%add3A_60, %dma_start3A_61] : memref<6144x1024xf32, #tpu.memory_space<hbm>> -> memref<32x1024xf32, #tpu.memory_space<hbm>>
      %dma_start3A_63 = arith.constant 0 : i32
      %dma_start3A_64 = tpu.memref_slice %arg4[%add3A_60, %dma_start3A_63] : memref<6144x1024xf32, #tpu.memory_space<hbm>> -> memref<32x1024xf32, #tpu.memory_space<hbm>>
      tpu.enqueue_dma source(%arg8 : memref<32x1024xf32, #tpu.memory_space<vmem>>) target(%dma_start3A_64 : memref<32x1024xf32, #tpu.memory_space<hbm>>) target_semaphore(%run_scoped3A : memref<!tpu.dma_semaphore, #tpu.memory_space<semaphore_mem>>)
      %dma_wait3A_65 = arith.constant 0 : i32
      %dma_wait3A_66 = tpu.memref_slice %arg4[%add3A_60, %dma_wait3A_65] : memref<6144x1024xf32, #tpu.memory_space<hbm>> -> memref<32x1024xf32, #tpu.memory_space<hbm>>
      %dma_wait3A_67 = arith.constant 0 : i32
      %dma_wait3A_68 = tpu.memref_slice %arg4[%add3A_60, %dma_wait3A_67] : memref<6144x1024xf32, #tpu.memory_space<hbm>> -> memref<32x1024xf32, #tpu.memory_space<hbm>>
      tpu.wait_dma2 semaphore(%run_scoped3A : memref<!tpu.dma_semaphore, #tpu.memory_space<semaphore_mem>>) src(%arg8 : memref<32x1024xf32, #tpu.memory_space<vmem>>) dst(%dma_wait3A_68 : memref<32x1024xf32, #tpu.memory_space<hbm>>)
      tpu.yield
    }) : () -> ()
    return
  }
}

module attributes {stable_mosaic.version = 14 : i64} {
  func.func @_router_body(%arg0: i32, %arg1: memref<256x1024xf32, #tpu.memory_space<vmem>>, %arg2: memref<1024x8xf32, #tpu.memory_space<vmem>>, %arg3: memref<256x1xi32, #tpu.memory_space<vmem>>, %arg4: memref<256x1xi32, #tpu.memory_space<vmem>>, %arg5: memref<256x1xi32, #tpu.memory_space<vmem>>, %arg6: memref<256x1xi32, #tpu.memory_space<vmem>>, %arg7: memref<256x1xf32, #tpu.memory_space<vmem>>, %arg8: memref<256x1xf32, #tpu.memory_space<vmem>>, %arg9: memref<1x128xi32, #tpu.memory_space<vmem>>, %arg10: memref<1x128xf32, #tpu.memory_space<vmem>>) attributes {dimension_semantics = [#tpu.dimension_semantics<arbitrary>], iteration_bounds = array<i64: 8>, scalar_prefetch = 0 : i64, scratch_operands = 1 : i64, tpu.core_type = #tpu.core_type<tc>, window_params = [{transform_indices = @transform_0, window_bounds = array<i64: 256, 1024>}, {pipeline_mode = #tpu.pipeline_mode<synchronous>, transform_indices = @transform_1, window_bounds = array<i64: 1024, 8>}, {transform_indices = @transform_2, window_bounds = array<i64: 256, 1>}, {transform_indices = @transform_3, window_bounds = array<i64: 256, 1>}, {transform_indices = @transform_4, window_bounds = array<i64: 256, 1>}, {transform_indices = @transform_5, window_bounds = array<i64: 256, 1>}, {transform_indices = @transform_6, window_bounds = array<i64: 256, 1>}, {transform_indices = @transform_7, window_bounds = array<i64: 256, 1>}, {pipeline_mode = #tpu.pipeline_mode<synchronous>, transform_indices = @transform_8, window_bounds = array<i64: 1, 128>}]} {
    %get3A = arith.constant 0 : index
    %get3A_0 = arith.constant 0 : index
    %get3A_1 = vector.load %arg1[%get3A, %get3A_0] : memref<256x1024xf32, #tpu.memory_space<vmem>>, vector<256x1024xf32>
    %get3A_2 = arith.constant 0 : index
    %get3A_3 = arith.constant 0 : index
    %get3A_4 = vector.load %arg2[%get3A_2, %get3A_3] : memref<1024x8xf32, #tpu.memory_space<vmem>>, vector<1024x8xf32>
    %dot_general3A = arith.constant dense<0.000000e+00> : vector<256x8xf32>
    %dot_general3A_5 = tpu.matmul %get3A_1, %get3A_4, %dot_general3A {dimension_numbers = #tpu.dot_dimension_numbers<[1], [0], [0], [1], [0, 0, 1, 1], [], []>, transpose_lhs_hint = false} : vector<256x1024xf32>, vector<1024x8xf32>, vector<256x8xf32> -> vector<256x8xf32>
    %reduce_max3A = arith.constant dense<0xFF800000> : vector<256xf32>
    %reduce_max3A_6 = vector.multi_reduction <maximumf>, %dot_general3A_5, %reduce_max3A [1] : vector<256x8xf32> to vector<256xf32>
    %broadcast_in_dim3A = vector.shape_cast %reduce_max3A_6 : vector<256xf32> to vector<256x1xf32>
    %sub3A = vector.broadcast %broadcast_in_dim3A : vector<256x1xf32> to vector<256x8xf32>
    %sub3A_7 = arith.subf %dot_general3A_5, %sub3A : vector<256x8xf32>
    %exp3A = math.exp %sub3A_7 : vector<256x8xf32>
    %reduce_sum3A = arith.constant dense<0.000000e+00> : vector<256xf32>
    %reduce_sum3A_8 = vector.multi_reduction <add>, %exp3A, %reduce_sum3A [1] : vector<256x8xf32> to vector<256xf32>
    %broadcast_in_dim3A_9 = vector.shape_cast %reduce_sum3A_8 : vector<256xf32> to vector<256x1xf32>
    %div3A = vector.broadcast %broadcast_in_dim3A_9 : vector<256x1xf32> to vector<256x8xf32>
    %div3A_10 = arith.divf %exp3A, %div3A : vector<256x8xf32>
    %iota3A = tpu.iota {dimensions = array<i32: 1>} : vector<256x8xi32>
    %reduce_max3A_11 = arith.constant dense<0xFF800000> : vector<256xf32>
    %reduce_max3A_12 = vector.multi_reduction <maximumf>, %div3A_10, %reduce_max3A_11 [1] : vector<256x8xf32> to vector<256xf32>
    %broadcast_in_dim3A_13 = vector.shape_cast %reduce_max3A_12 : vector<256xf32> to vector<256x1xf32>
    %eq3A = vector.broadcast %broadcast_in_dim3A_13 : vector<256x1xf32> to vector<256x8xf32>
    %eq3A_14 = arith.cmpf oeq, %div3A_10, %eq3A : vector<256x8xf32>
    %jit3A = arith.constant 8 : i32
    %broadcast_in_dim3A_15 = vector.broadcast %jit3A : i32 to vector<256x8xi32>
    %select_n3A = arith.select %eq3A_14, %iota3A, %broadcast_in_dim3A_15 : vector<256x8xi1>, vector<256x8xi32>
    %reduce_min3A = arith.constant dense<2147483647> : vector<256xi32>
    %reduce_min3A_16 = vector.multi_reduction <minsi>, %select_n3A, %reduce_min3A [1] : vector<256x8xi32> to vector<256xi32>
    %broadcast_in_dim3A_17 = vector.shape_cast %reduce_min3A_16 : vector<256xi32> to vector<256x1xi32>
    %eq3A_18 = vector.broadcast %broadcast_in_dim3A_17 : vector<256x1xi32> to vector<256x8xi32>
    %eq3A_19 = arith.cmpi eq, %iota3A, %eq3A_18 : vector<256x8xi32>
    %jit3A_20 = arith.constant 0xFF800000 : f32
    %broadcast_in_dim3A_21 = vector.broadcast %jit3A_20 : f32 to vector<256x8xf32>
    %select_n3A_22 = arith.select %eq3A_19, %broadcast_in_dim3A_21, %div3A_10 : vector<256x8xi1>, vector<256x8xf32>
    %reduce_max3A_23 = arith.constant dense<0xFF800000> : vector<256xf32>
    %reduce_max3A_24 = vector.multi_reduction <maximumf>, %select_n3A_22, %reduce_max3A_23 [1] : vector<256x8xf32> to vector<256xf32>
    %broadcast_in_dim3A_25 = vector.shape_cast %reduce_max3A_24 : vector<256xf32> to vector<256x1xf32>
    %eq3A_26 = vector.broadcast %broadcast_in_dim3A_25 : vector<256x1xf32> to vector<256x8xf32>
    %eq3A_27 = arith.cmpf oeq, %select_n3A_22, %eq3A_26 : vector<256x8xf32>
    %jit3A_28 = arith.constant 8 : i32
    %broadcast_in_dim3A_29 = vector.broadcast %jit3A_28 : i32 to vector<256x8xi32>
    %select_n3A_30 = arith.select %eq3A_27, %iota3A, %broadcast_in_dim3A_29 : vector<256x8xi1>, vector<256x8xi32>
    %reduce_min3A_31 = arith.constant dense<2147483647> : vector<256xi32>
    %reduce_min3A_32 = vector.multi_reduction <minsi>, %select_n3A_30, %reduce_min3A_31 [1] : vector<256x8xi32> to vector<256xi32>
    %broadcast_in_dim3A_33 = vector.shape_cast %reduce_min3A_32 : vector<256xi32> to vector<256x1xi32>
    %swap3A = arith.constant 0 : index
    %swap3A_34 = arith.constant 0 : index
    %swap3A_35 = vector.load %arg3[%swap3A, %swap3A_34] : memref<256x1xi32, #tpu.memory_space<vmem>>, vector<256x1xi32>
    tpu.vector_store %arg3[%swap3A, %swap3A_34], %broadcast_in_dim3A_17 {strides = array<i32>} : memref<256x1xi32, #tpu.memory_space<vmem>>, vector<256x1xi32>,
    %swap3A_36 = arith.constant 0 : index
    %swap3A_37 = arith.constant 0 : index
    %swap3A_38 = vector.load %arg4[%swap3A_36, %swap3A_37] : memref<256x1xi32, #tpu.memory_space<vmem>>, vector<256x1xi32>
    tpu.vector_store %arg4[%swap3A_36, %swap3A_37], %broadcast_in_dim3A_33 {strides = array<i32>} : memref<256x1xi32, #tpu.memory_space<vmem>>, vector<256x1xi32>,
    %swap3A_39 = arith.constant 0 : index
    %swap3A_40 = arith.constant 0 : index
    %swap3A_41 = vector.load %arg7[%swap3A_39, %swap3A_40] : memref<256x1xf32, #tpu.memory_space<vmem>>, vector<256x1xf32>
    tpu.vector_store %arg7[%swap3A_39, %swap3A_40], %broadcast_in_dim3A_13 {strides = array<i32>} : memref<256x1xf32, #tpu.memory_space<vmem>>, vector<256x1xf32>,
    %swap3A_42 = arith.constant 0 : index
    %swap3A_43 = arith.constant 0 : index
    %swap3A_44 = vector.load %arg8[%swap3A_42, %swap3A_43] : memref<256x1xf32, #tpu.memory_space<vmem>>, vector<256x1xf32>
    tpu.vector_store %arg8[%swap3A_42, %swap3A_43], %broadcast_in_dim3A_25 {strides = array<i32>} : memref<256x1xf32, #tpu.memory_space<vmem>>, vector<256x1xf32>,
    %iota3A_45 = tpu.iota {dimensions = array<i32: 1>} : vector<256x128xi32>
    %eq3A_46 = vector.broadcast %broadcast_in_dim3A_17 : vector<256x1xi32> to vector<256x128xi32>
    %eq3A_47 = arith.cmpi eq, %iota3A_45, %eq3A_46 : vector<256x128xi32>
    %convert_element_type3A = arith.extui %eq3A_47 : vector<256x128xi1> to vector<256x128xi32>
    %convert_element_type3A_48 = arith.sitofp %convert_element_type3A : vector<256x128xi32> to vector<256x128xf32>
    %eq3A_49 = vector.broadcast %broadcast_in_dim3A_33 : vector<256x1xi32> to vector<256x128xi32>
    %eq3A_50 = arith.cmpi eq, %iota3A_45, %eq3A_49 : vector<256x128xi32>
    %convert_element_type3A_51 = arith.extui %eq3A_50 : vector<256x128xi1> to vector<256x128xi32>
    %convert_element_type3A_52 = arith.sitofp %convert_element_type3A_51 : vector<256x128xi32> to vector<256x128xf32>
    %add3A = arith.addf %convert_element_type3A_48, %convert_element_type3A_52 : vector<256x128xf32>
    %iota3A_53 = tpu.iota {dimensions = array<i32: 0>} : vector<256x256xi32>
    %iota3A_54 = tpu.iota {dimensions = array<i32: 1>} : vector<256x256xi32>
    %lt3A = arith.cmpi slt, %iota3A_54, %iota3A_53 : vector<256x256xi32>
    %convert_element_type3A_55 = arith.extui %lt3A : vector<256x256xi1> to vector<256x256xi32>
    %convert_element_type3A_56 = arith.sitofp %convert_element_type3A_55 : vector<256x256xi32> to vector<256x256xf32>
    %dot_general3A_57 = arith.constant dense<0.000000e+00> : vector<256x128xf32>
    %dot_general3A_58 = tpu.matmul %convert_element_type3A_56, %add3A, %dot_general3A_57 {dimension_numbers = #tpu.dot_dimension_numbers<[1], [0], [0], [1], [0, 0, 1, 1], [], []>, transpose_lhs_hint = false} : vector<256x256xf32>, vector<256x128xf32>, vector<256x128xf32> -> vector<256x128xf32>
    %eq3A_59 = arith.constant 0 : i32
    %eq3A_60 = arith.cmpi eq, %arg0, %eq3A_59 : i32
    %convert_element_type3A_61 = arith.extui %eq3A_60 : i1 to i32
    %cond3A = arith.constant 0 : i32
    %cond3A_62 = arith.cmpi ne, %convert_element_type3A_61, %cond3A : i32
    scf.if %cond3A_62 {
      %broadcast_in_dim3A_107 = arith.constant 0.000000e+00 : f32
      %broadcast_in_dim3A_108 = vector.broadcast %broadcast_in_dim3A_107 : f32 to vector<1x128xf32>
      %swap3A_109 = arith.constant 0 : index
      %swap3A_110 = arith.constant 0 : index
      %swap3A_111 = vector.load %arg10[%swap3A_109, %swap3A_110] : memref<1x128xf32, #tpu.memory_space<vmem>>, vector<1x128xf32>
      tpu.vector_store %arg10[%swap3A_109, %swap3A_110], %broadcast_in_dim3A_108 {strides = array<i32>} : memref<1x128xf32, #tpu.memory_space<vmem>>, vector<1x128xf32>,
    } else {
    }
    %get3A_63 = arith.constant 0 : index
    %get3A_64 = arith.constant 0 : index
    %get3A_65 = vector.load %arg10[%get3A_63, %get3A_64] : memref<1x128xf32, #tpu.memory_space<vmem>>, vector<1x128xf32>
    %add3A_66 = vector.broadcast %get3A_65 : vector<1x128xf32> to vector<256x128xf32>
    %add3A_67 = arith.addf %dot_general3A_58, %add3A_66 : vector<256x128xf32>
    %gt3A = arith.constant 0.000000e+00 : f32
    %gt3A_68 = vector.broadcast %gt3A : f32 to vector<256x128xf32>
    %gt3A_69 = arith.cmpf ogt, %convert_element_type3A_48, %gt3A_68 : vector<256x128xf32>
    %jit3A_70 = arith.constant 0.000000e+00 : f32
    %broadcast_in_dim3A_71 = vector.broadcast %jit3A_70 : f32 to vector<256x128xf32>
    %select_n3A_72 = arith.select %gt3A_69, %add3A_67, %broadcast_in_dim3A_71 : vector<256x128xi1>, vector<256x128xf32>
    %reduce_sum3A_73 = arith.constant dense<0.000000e+00> : vector<256xf32>
    %reduce_sum3A_74 = vector.multi_reduction <add>, %select_n3A_72, %reduce_sum3A_73 [1] : vector<256x128xf32> to vector<256xf32>
    %broadcast_in_dim3A_75 = vector.shape_cast %reduce_sum3A_74 : vector<256xf32> to vector<256x1xf32>
    %convert_element_type3A_76 = arith.fptosi %broadcast_in_dim3A_75 : vector<256x1xf32> to vector<256x1xi32>
    %swap3A_77 = arith.constant 0 : index
    %swap3A_78 = arith.constant 0 : index
    %swap3A_79 = vector.load %arg5[%swap3A_77, %swap3A_78] : memref<256x1xi32, #tpu.memory_space<vmem>>, vector<256x1xi32>
    tpu.vector_store %arg5[%swap3A_77, %swap3A_78], %convert_element_type3A_76 {strides = array<i32>} : memref<256x1xi32, #tpu.memory_space<vmem>>, vector<256x1xi32>,
    %gt3A_80 = arith.constant 0.000000e+00 : f32
    %gt3A_81 = vector.broadcast %gt3A_80 : f32 to vector<256x128xf32>
    %gt3A_82 = arith.cmpf ogt, %convert_element_type3A_52, %gt3A_81 : vector<256x128xf32>
    %jit3A_83 = arith.constant 0.000000e+00 : f32
    %broadcast_in_dim3A_84 = vector.broadcast %jit3A_83 : f32 to vector<256x128xf32>
    %select_n3A_85 = arith.select %gt3A_82, %add3A_67, %broadcast_in_dim3A_84 : vector<256x128xi1>, vector<256x128xf32>
    %reduce_sum3A_86 = arith.constant dense<0.000000e+00> : vector<256xf32>
    %reduce_sum3A_87 = vector.multi_reduction <add>, %select_n3A_85, %reduce_sum3A_86 [1] : vector<256x128xf32> to vector<256xf32>
    %broadcast_in_dim3A_88 = vector.shape_cast %reduce_sum3A_87 : vector<256xf32> to vector<256x1xf32>
    %convert_element_type3A_89 = arith.fptosi %broadcast_in_dim3A_88 : vector<256x1xf32> to vector<256x1xi32>
    %swap3A_90 = arith.constant 0 : index
    %swap3A_91 = arith.constant 0 : index
    %swap3A_92 = vector.load %arg6[%swap3A_90, %swap3A_91] : memref<256x1xi32, #tpu.memory_space<vmem>>, vector<256x1xi32>
    tpu.vector_store %arg6[%swap3A_90, %swap3A_91], %convert_element_type3A_89 {strides = array<i32>} : memref<256x1xi32, #tpu.memory_space<vmem>>, vector<256x1xi32>,
    %get3A_93 = arith.constant 0 : index
    %get3A_94 = arith.constant 0 : index
    %get3A_95 = vector.load %arg10[%get3A_93, %get3A_94] : memref<1x128xf32, #tpu.memory_space<vmem>>, vector<1x128xf32>
    %reduce_sum3A_96 = arith.constant dense<0.000000e+00> : vector<128xf32>
    %reduce_sum3A_97 = vector.multi_reduction <add>, %add3A, %reduce_sum3A_96 [0] : vector<256x128xf32> to vector<128xf32>
    %broadcast_in_dim3A_98 = vector.shape_cast %reduce_sum3A_97 : vector<128xf32> to vector<1x128xf32>
    %add3A_99 = arith.addf %get3A_95, %broadcast_in_dim3A_98 : vector<1x128xf32>
    %swap3A_100 = arith.constant 0 : index
    %swap3A_101 = arith.constant 0 : index
    %swap3A_102 = vector.load %arg10[%swap3A_100, %swap3A_101] : memref<1x128xf32, #tpu.memory_space<vmem>>, vector<1x128xf32>
    tpu.vector_store %arg10[%swap3A_100, %swap3A_101], %add3A_99 {strides = array<i32>} : memref<1x128xf32, #tpu.memory_space<vmem>>, vector<1x128xf32>,
    %convert_element_type3A_103 = arith.fptosi %add3A_99 : vector<1x128xf32> to vector<1x128xi32>
    %swap3A_104 = arith.constant 0 : index
    %swap3A_105 = arith.constant 0 : index
    %swap3A_106 = vector.load %arg9[%swap3A_104, %swap3A_105] : memref<1x128xi32, #tpu.memory_space<vmem>>, vector<1x128xi32>
    tpu.vector_store %arg9[%swap3A_104, %swap3A_105], %convert_element_type3A_103 {strides = array<i32>} : memref<1x128xi32, #tpu.memory_space<vmem>>, vector<1x128xi32>,
    return
  }
  func.func @transform_0(%arg0: i32) -> (i32, i32) {
    %c0_i32 = arith.constant 0 : i32
    %c0_i32_0 = arith.constant 0 : i32
    return %arg0, %c0_i32 : i32, i32
  }
  func.func @transform_1(%arg0: i32) -> (i32, i32) {
    %c0_i32 = arith.constant 0 : i32
    %c0_i32_0 = arith.constant 0 : i32
    %c0_i32_1 = arith.constant 0 : i32
    return %c0_i32, %c0_i32_0 : i32, i32
  }
  func.func @transform_2(%arg0: i32) -> (i32, i32) {
    %c0_i32 = arith.constant 0 : i32
    %c0_i32_0 = arith.constant 0 : i32
    return %arg0, %c0_i32 : i32, i32
  }
  func.func @transform_3(%arg0: i32) -> (i32, i32) {
    %c0_i32 = arith.constant 0 : i32
    %c0_i32_0 = arith.constant 0 : i32
    return %arg0, %c0_i32 : i32, i32
  }
  func.func @transform_4(%arg0: i32) -> (i32, i32) {
    %c0_i32 = arith.constant 0 : i32
    %c0_i32_0 = arith.constant 0 : i32
    return %arg0, %c0_i32 : i32, i32
  }
  func.func @transform_5(%arg0: i32) -> (i32, i32) {
    %c0_i32 = arith.constant 0 : i32
    %c0_i32_0 = arith.constant 0 : i32
    return %arg0, %c0_i32 : i32, i32
  }
  func.func @transform_6(%arg0: i32) -> (i32, i32) {
    %c0_i32 = arith.constant 0 : i32
    %c0_i32_0 = arith.constant 0 : i32
    return %arg0, %c0_i32 : i32, i32
  }
  func.func @transform_7(%arg0: i32) -> (i32, i32) {
    %c0_i32 = arith.constant 0 : i32
    %c0_i32_0 = arith.constant 0 : i32
    return %arg0, %c0_i32 : i32, i32
  }
  func.func @transform_8(%arg0: i32) -> (i32, i32) {
    %c0_i32 = arith.constant 0 : i32
    %c0_i32_0 = arith.constant 0 : i32
    %c0_i32_1 = arith.constant 0 : i32
    return %c0_i32, %c0_i32_0 : i32, i32
  }
}

module attributes {stable_mosaic.version = 14 : i64} {
  func.func @_meta_body(%arg0: i32, %arg1: memref<1x128xi32, #tpu.memory_space<vmem>>, %arg2: memref<2048x1xi32, #tpu.memory_space<vmem>>, %arg3: memref<2048x1xi32, #tpu.memory_space<vmem>>, %arg4: memref<2048x1xi32, #tpu.memory_space<vmem>>, %arg5: memref<2048x1xi32, #tpu.memory_space<vmem>>, %arg6: memref<2048x1xf32, #tpu.memory_space<vmem>>, %arg7: memref<2048x1xf32, #tpu.memory_space<vmem>>, %arg8: memref<2048x1xi32, #tpu.memory_space<vmem>>, %arg9: memref<2048x1xi32, #tpu.memory_space<vmem>>, %arg10: memref<128x1xi32, #tpu.memory_space<vmem>>, %arg11: memref<256x1xi32, #tpu.memory_space<vmem>>, %arg12: memref<256x1xf32, #tpu.memory_space<vmem>>) attributes {dimension_semantics = [#tpu.dimension_semantics<arbitrary>], iteration_bounds = array<i64: 24>, scalar_prefetch = 0 : i64, scratch_operands = 0 : i64, tpu.core_type = #tpu.core_type<tc>, window_params = [{pipeline_mode = #tpu.pipeline_mode<synchronous>, transform_indices = @transform_0, window_bounds = array<i64: 1, 128>}, {pipeline_mode = #tpu.pipeline_mode<synchronous>, transform_indices = @transform_1, window_bounds = array<i64: 2048, 1>}, {pipeline_mode = #tpu.pipeline_mode<synchronous>, transform_indices = @transform_2, window_bounds = array<i64: 2048, 1>}, {pipeline_mode = #tpu.pipeline_mode<synchronous>, transform_indices = @transform_3, window_bounds = array<i64: 2048, 1>}, {pipeline_mode = #tpu.pipeline_mode<synchronous>, transform_indices = @transform_4, window_bounds = array<i64: 2048, 1>}, {pipeline_mode = #tpu.pipeline_mode<synchronous>, transform_indices = @transform_5, window_bounds = array<i64: 2048, 1>}, {pipeline_mode = #tpu.pipeline_mode<synchronous>, transform_indices = @transform_6, window_bounds = array<i64: 2048, 1>}, {pipeline_mode = #tpu.pipeline_mode<synchronous>, transform_indices = @transform_7, window_bounds = array<i64: 2048, 1>}, {pipeline_mode = #tpu.pipeline_mode<synchronous>, transform_indices = @transform_8, window_bounds = array<i64: 2048, 1>}, {pipeline_mode = #tpu.pipeline_mode<synchronous>, transform_indices = @transform_9, window_bounds = array<i64: 128, 1>}, {transform_indices = @transform_10, window_bounds = array<i64: 256, 1>}, {transform_indices = @transform_11, window_bounds = array<i64: 256, 1>}]} {
    %iota3A = tpu.iota {dimensions = array<i32: 1>} : vector<1x128xi32>
    %lt3A = arith.constant 8 : i32
    %lt3A_0 = vector.broadcast %lt3A : i32 to vector<1x128xi32>
    %lt3A_1 = arith.cmpi slt, %iota3A, %lt3A_0 : vector<1x128xi32>
    %get3A = arith.constant 0 : index
    %get3A_2 = arith.constant 0 : index
    %get3A_3 = vector.load %arg1[%get3A, %get3A_2] : memref<1x128xi32, #tpu.memory_space<vmem>>, vector<1x128xi32>
    %convert_element_type3A = arith.sitofp %get3A_3 : vector<1x128xi32> to vector<1x128xf32>
    %jit3A = arith.constant 0.000000e+00 : f32
    %broadcast_in_dim3A = vector.broadcast %jit3A : f32 to vector<1x128xf32>
    %select_n3A = arith.select %lt3A_1, %convert_element_type3A, %broadcast_in_dim3A : vector<1x128xi1>, vector<1x128xf32>
    %mul3A = arith.constant 3.906250e-03 : f32
    %mul3A_4 = vector.broadcast %mul3A : f32 to vector<1x128xf32>
    %mul3A_5 = arith.mulf %select_n3A, %mul3A_4 : vector<1x128xf32>
    %ceil3A = math.ceil %mul3A_5 : vector<1x128xf32>
    %mul3A_6 = arith.constant 2.560000e+02 : f32
    %mul3A_7 = vector.broadcast %mul3A_6 : f32 to vector<1x128xf32>
    %mul3A_8 = arith.mulf %ceil3A, %mul3A_7 : vector<1x128xf32>
    %iota3A_9 = tpu.iota {dimensions = array<i32: 0>} : vector<128x128xi32>
    %iota3A_10 = tpu.iota {dimensions = array<i32: 1>} : vector<128x128xi32>
    %lt3A_11 = arith.cmpi slt, %iota3A_9, %iota3A_10 : vector<128x128xi32>
    %convert_element_type3A_12 = arith.extui %lt3A_11 : vector<128x128xi1> to vector<128x128xi32>
    %convert_element_type3A_13 = arith.sitofp %convert_element_type3A_12 : vector<128x128xi32> to vector<128x128xf32>
    %dot_general3A = arith.constant dense<0.000000e+00> : vector<1x128xf32>
    %dot_general3A_14 = tpu.matmul %mul3A_8, %convert_element_type3A_13, %dot_general3A {dimension_numbers = #tpu.dot_dimension_numbers<[1], [0], [0], [1], [0, 0, 1, 1], [], []>, transpose_lhs_hint = false} : vector<1x128xf32>, vector<128x128xf32>, vector<1x128xf32> -> vector<1x128xf32>
    %add3A = arith.addf %dot_general3A_14, %mul3A_8 : vector<1x128xf32>
    %iota3A_15 = tpu.iota {dimensions = array<i32: 0>} : vector<128x128xi32>
    %broadcast_in_dim3A_16 = vector.shape_cast %add3A : vector<1x128xf32> to vector<1x128xf32>
    %broadcast_in_dim3A_17 = vector.broadcast %broadcast_in_dim3A_16 : vector<1x128xf32> to vector<128x128xf32>
    %iota3A_18 = tpu.iota {dimensions = array<i32: 1>} : vector<128x128xi32>
    %mul3A_19 = arith.constant 256 : i32
    %mul3A_20 = vector.broadcast %mul3A_19 : i32 to vector<128x128xi32>
    %mul3A_21 = arith.muli %iota3A_15, %mul3A_20 : vector<128x128xi32>
    %convert_element_type3A_22 = arith.sitofp %mul3A_21 : vector<128x128xi32> to vector<128x128xf32>
    %le3A = arith.cmpf ole, %broadcast_in_dim3A_17, %convert_element_type3A_22 : vector<128x128xf32>
    %lt3A_23 = arith.constant 8 : i32
    %lt3A_24 = vector.broadcast %lt3A_23 : i32 to vector<128x128xi32>
    %lt3A_25 = arith.cmpi slt, %iota3A_18, %lt3A_24 : vector<128x128xi32>
    %and3A = arith.andi %le3A, %lt3A_25 : vector<128x128xi1>
    %convert_element_type3A_26 = arith.extui %and3A : vector<128x128xi1> to vector<128x128xi32>
    %reduce_sum3A = arith.constant dense<0> : vector<128xi32>
    %reduce_sum3A_27 = vector.multi_reduction <add>, %convert_element_type3A_26, %reduce_sum3A [1] : vector<128x128xi32> to vector<128xi32>
    %broadcast_in_dim3A_28 = vector.shape_cast %reduce_sum3A_27 : vector<128xi32> to vector<128x1xi32>
    %min3A = arith.constant 7 : i32
    %min3A_29 = vector.broadcast %min3A : i32 to vector<128x1xi32>
    %min3A_30 = arith.minsi %broadcast_in_dim3A_28, %min3A_29 : vector<128x1xi32>
    %swap3A = arith.constant 0 : index
    %swap3A_31 = arith.constant 0 : index
    %swap3A_32 = vector.load %arg10[%swap3A, %swap3A_31] : memref<128x1xi32, #tpu.memory_space<vmem>>, vector<128x1xi32>
    tpu.vector_store %arg10[%swap3A, %swap3A_31], %min3A_30 {strides = array<i32>} : memref<128x1xi32, #tpu.memory_space<vmem>>, vector<128x1xi32>,
    %get3A_33 = arith.constant 0 : index
    %get3A_34 = arith.constant 0 : index
    %get3A_35 = vector.load %arg2[%get3A_33, %get3A_34] : memref<2048x1xi32, #tpu.memory_space<vmem>>, vector<2048x1xi32>
    %get3A_36 = arith.constant 0 : index
    %get3A_37 = arith.constant 0 : index
    %get3A_38 = vector.load %arg3[%get3A_36, %get3A_37] : memref<2048x1xi32, #tpu.memory_space<vmem>>, vector<2048x1xi32>
    %iota3A_39 = tpu.iota {dimensions = array<i32: 1>} : vector<2048x128xi32>
    %eq3A = vector.broadcast %get3A_35 : vector<2048x1xi32> to vector<2048x128xi32>
    %eq3A_40 = arith.cmpi eq, %iota3A_39, %eq3A : vector<2048x128xi32>
    %convert_element_type3A_41 = arith.extui %eq3A_40 : vector<2048x128xi1> to vector<2048x128xi32>
    %convert_element_type3A_42 = arith.sitofp %convert_element_type3A_41 : vector<2048x128xi32> to vector<2048x128xf32>
    %eq3A_43 = vector.broadcast %get3A_38 : vector<2048x1xi32> to vector<2048x128xi32>
    %eq3A_44 = arith.cmpi eq, %iota3A_39, %eq3A_43 : vector<2048x128xi32>
    %convert_element_type3A_45 = arith.extui %eq3A_44 : vector<2048x128xi1> to vector<2048x128xi32>
    %convert_element_type3A_46 = arith.sitofp %convert_element_type3A_45 : vector<2048x128xi32> to vector<2048x128xf32>
    %mul3A_47 = vector.broadcast %dot_general3A_14 : vector<1x128xf32> to vector<2048x128xf32>
    %mul3A_48 = arith.mulf %convert_element_type3A_42, %mul3A_47 : vector<2048x128xf32>
    %reduce_sum3A_49 = arith.constant dense<0.000000e+00> : vector<2048xf32>
    %reduce_sum3A_50 = vector.multi_reduction <add>, %mul3A_48, %reduce_sum3A_49 [1] : vector<2048x128xf32> to vector<2048xf32>
    %broadcast_in_dim3A_51 = vector.shape_cast %reduce_sum3A_50 : vector<2048xf32> to vector<2048x1xf32>
    %convert_element_type3A_52 = arith.fptosi %broadcast_in_dim3A_51 : vector<2048x1xf32> to vector<2048x1xi32>
    %get3A_53 = arith.constant 0 : index
    %get3A_54 = arith.constant 0 : index
    %get3A_55 = vector.load %arg4[%get3A_53, %get3A_54] : memref<2048x1xi32, #tpu.memory_space<vmem>>, vector<2048x1xi32>
    %add3A_56 = arith.addi %convert_element_type3A_52, %get3A_55 : vector<2048x1xi32>
    %mul3A_57 = vector.broadcast %dot_general3A_14 : vector<1x128xf32> to vector<2048x128xf32>
    %mul3A_58 = arith.mulf %convert_element_type3A_46, %mul3A_57 : vector<2048x128xf32>
    %reduce_sum3A_59 = arith.constant dense<0.000000e+00> : vector<2048xf32>
    %reduce_sum3A_60 = vector.multi_reduction <add>, %mul3A_58, %reduce_sum3A_59 [1] : vector<2048x128xf32> to vector<2048xf32>
    %broadcast_in_dim3A_61 = vector.shape_cast %reduce_sum3A_60 : vector<2048xf32> to vector<2048x1xf32>
    %convert_element_type3A_62 = arith.fptosi %broadcast_in_dim3A_61 : vector<2048x1xf32> to vector<2048x1xi32>
    %get3A_63 = arith.constant 0 : index
    %get3A_64 = arith.constant 0 : index
    %get3A_65 = vector.load %arg5[%get3A_63, %get3A_64] : memref<2048x1xi32, #tpu.memory_space<vmem>>, vector<2048x1xi32>
    %add3A_66 = arith.addi %convert_element_type3A_62, %get3A_65 : vector<2048x1xi32>
    %swap3A_67 = arith.constant 0 : index
    %swap3A_68 = arith.constant 0 : index
    %swap3A_69 = vector.load %arg8[%swap3A_67, %swap3A_68] : memref<2048x1xi32, #tpu.memory_space<vmem>>, vector<2048x1xi32>
    tpu.vector_store %arg8[%swap3A_67, %swap3A_68], %add3A_56 {strides = array<i32>} : memref<2048x1xi32, #tpu.memory_space<vmem>>, vector<2048x1xi32>,
    %swap3A_70 = arith.constant 0 : index
    %swap3A_71 = arith.constant 0 : index
    %swap3A_72 = vector.load %arg9[%swap3A_70, %swap3A_71] : memref<2048x1xi32, #tpu.memory_space<vmem>>, vector<2048x1xi32>
    tpu.vector_store %arg9[%swap3A_70, %swap3A_71], %add3A_66 {strides = array<i32>} : memref<2048x1xi32, #tpu.memory_space<vmem>>, vector<2048x1xi32>,
    %iota3A_73 = tpu.iota {dimensions = array<i32: 1>} : vector<2048x256xi32>
    %mul3A_74 = arith.constant 256 : i32
    %mul3A_75 = arith.muli %arg0, %mul3A_74 : i32
    %add3A_76 = vector.broadcast %mul3A_75 : i32 to vector<2048x256xi32>
    %add3A_77 = arith.addi %iota3A_73, %add3A_76 : vector<2048x256xi32>
    %broadcast_in_dim3A_78 = vector.shape_cast %add3A_56 : vector<2048x1xi32> to vector<2048x1xi32>
    %broadcast_in_dim3A_79 = vector.broadcast %broadcast_in_dim3A_78 : vector<2048x1xi32> to vector<2048x256xi32>
    %eq3A_80 = arith.cmpi eq, %broadcast_in_dim3A_79, %add3A_77 : vector<2048x256xi32>
    %convert_element_type3A_81 = arith.extui %eq3A_80 : vector<2048x256xi1> to vector<2048x256xi32>
    %convert_element_type3A_82 = arith.sitofp %convert_element_type3A_81 : vector<2048x256xi32> to vector<2048x256xf32>
    %broadcast_in_dim3A_83 = vector.shape_cast %add3A_66 : vector<2048x1xi32> to vector<2048x1xi32>
    %broadcast_in_dim3A_84 = vector.broadcast %broadcast_in_dim3A_83 : vector<2048x1xi32> to vector<2048x256xi32>
    %eq3A_85 = arith.cmpi eq, %broadcast_in_dim3A_84, %add3A_77 : vector<2048x256xi32>
    %convert_element_type3A_86 = arith.extui %eq3A_85 : vector<2048x256xi1> to vector<2048x256xi32>
    %convert_element_type3A_87 = arith.sitofp %convert_element_type3A_86 : vector<2048x256xi32> to vector<2048x256xf32>
    %iota3A_88 = tpu.iota {dimensions = array<i32: 0>} : vector<2048x1xi32>
    %convert_element_type3A_89 = arith.sitofp %iota3A_88 : vector<2048x1xi32> to vector<2048x1xf32>
    %add3A_90 = arith.addf %convert_element_type3A_82, %convert_element_type3A_87 : vector<2048x256xf32>
    %dot_general3A_91 = arith.constant dense<0.000000e+00> : vector<256x1xf32>
    %dot_general3A_92 = tpu.matmul %add3A_90, %convert_element_type3A_89, %dot_general3A_91 {dimension_numbers = #tpu.dot_dimension_numbers<[0], [0], [1], [1], [0, 1, 1, 1], [], []>, transpose_lhs_hint = false} : vector<2048x256xf32>, vector<2048x1xf32>, vector<256x1xf32> -> vector<256x1xf32>
    %convert_element_type3A_93 = arith.fptosi %dot_general3A_92 : vector<256x1xf32> to vector<256x1xi32>
    %swap3A_94 = arith.constant 0 : index
    %swap3A_95 = arith.constant 0 : index
    %swap3A_96 = vector.load %arg11[%swap3A_94, %swap3A_95] : memref<256x1xi32, #tpu.memory_space<vmem>>, vector<256x1xi32>
    tpu.vector_store %arg11[%swap3A_94, %swap3A_95], %convert_element_type3A_93 {strides = array<i32>} : memref<256x1xi32, #tpu.memory_space<vmem>>, vector<256x1xi32>,
    %get3A_97 = arith.constant 0 : index
    %get3A_98 = arith.constant 0 : index
    %get3A_99 = vector.load %arg6[%get3A_97, %get3A_98] : memref<2048x1xf32, #tpu.memory_space<vmem>>, vector<2048x1xf32>
    %dot_general3A_100 = arith.constant dense<0.000000e+00> : vector<256x1xf32>
    %dot_general3A_101 = tpu.matmul %convert_element_type3A_82, %get3A_99, %dot_general3A_100 {dimension_numbers = #tpu.dot_dimension_numbers<[0], [0], [1], [1], [0, 1, 1, 1], [], []>, transpose_lhs_hint = false} : vector<2048x256xf32>, vector<2048x1xf32>, vector<256x1xf32> -> vector<256x1xf32>
    %get3A_102 = arith.constant 0 : index
    %get3A_103 = arith.constant 0 : index
    %get3A_104 = vector.load %arg7[%get3A_102, %get3A_103] : memref<2048x1xf32, #tpu.memory_space<vmem>>, vector<2048x1xf32>
    %dot_general3A_105 = arith.constant dense<0.000000e+00> : vector<256x1xf32>
    %dot_general3A_106 = tpu.matmul %convert_element_type3A_87, %get3A_104, %dot_general3A_105 {dimension_numbers = #tpu.dot_dimension_numbers<[0], [0], [1], [1], [0, 1, 1, 1], [], []>, transpose_lhs_hint = false} : vector<2048x256xf32>, vector<2048x1xf32>, vector<256x1xf32> -> vector<256x1xf32>
    %add3A_107 = arith.addf %dot_general3A_101, %dot_general3A_106 : vector<256x1xf32>
    %swap3A_108 = arith.constant 0 : index
    %swap3A_109 = arith.constant 0 : index
    %swap3A_110 = vector.load %arg12[%swap3A_108, %swap3A_109] : memref<256x1xf32, #tpu.memory_space<vmem>>, vector<256x1xf32>
    tpu.vector_store %arg12[%swap3A_108, %swap3A_109], %add3A_107 {strides = array<i32>} : memref<256x1xf32, #tpu.memory_space<vmem>>, vector<256x1xf32>,
    return
  }
  func.func @transform_0(%arg0: i32) -> (i32, i32) {
    %c0_i32 = arith.constant 0 : i32
    %c0_i32_0 = arith.constant 0 : i32
    %c0_i32_1 = arith.constant 0 : i32
    return %c0_i32, %c0_i32_0 : i32, i32
  }
  func.func @transform_1(%arg0: i32) -> (i32, i32) {
    %c0_i32 = arith.constant 0 : i32
    %c0_i32_0 = arith.constant 0 : i32
    %c0_i32_1 = arith.constant 0 : i32
    return %c0_i32, %c0_i32_0 : i32, i32
  }
  func.func @transform_2(%arg0: i32) -> (i32, i32) {
    %c0_i32 = arith.constant 0 : i32
    %c0_i32_0 = arith.constant 0 : i32
    %c0_i32_1 = arith.constant 0 : i32
    return %c0_i32, %c0_i32_0 : i32, i32
  }
  func.func @transform_3(%arg0: i32) -> (i32, i32) {
    %c0_i32 = arith.constant 0 : i32
    %c0_i32_0 = arith.constant 0 : i32
    %c0_i32_1 = arith.constant 0 : i32
    return %c0_i32, %c0_i32_0 : i32, i32
  }
  func.func @transform_4(%arg0: i32) -> (i32, i32) {
    %c0_i32 = arith.constant 0 : i32
    %c0_i32_0 = arith.constant 0 : i32
    %c0_i32_1 = arith.constant 0 : i32
    return %c0_i32, %c0_i32_0 : i32, i32
  }
  func.func @transform_5(%arg0: i32) -> (i32, i32) {
    %c0_i32 = arith.constant 0 : i32
    %c0_i32_0 = arith.constant 0 : i32
    %c0_i32_1 = arith.constant 0 : i32
    return %c0_i32, %c0_i32_0 : i32, i32
  }
  func.func @transform_6(%arg0: i32) -> (i32, i32) {
    %c0_i32 = arith.constant 0 : i32
    %c0_i32_0 = arith.constant 0 : i32
    %c0_i32_1 = arith.constant 0 : i32
    return %c0_i32, %c0_i32_0 : i32, i32
  }
  func.func @transform_7(%arg0: i32) -> (i32, i32) {
    %c0_i32 = arith.constant 0 : i32
    %c0_i32_0 = arith.constant 0 : i32
    %c0_i32_1 = arith.constant 0 : i32
    return %c0_i32, %c0_i32_0 : i32, i32
  }
  func.func @transform_8(%arg0: i32) -> (i32, i32) {
    %c0_i32 = arith.constant 0 : i32
    %c0_i32_0 = arith.constant 0 : i32
    %c0_i32_1 = arith.constant 0 : i32
    return %c0_i32, %c0_i32_0 : i32, i32
  }
  func.func @transform_9(%arg0: i32) -> (i32, i32) {
    %c0_i32 = arith.constant 0 : i32
    %c0_i32_0 = arith.constant 0 : i32
    %c0_i32_1 = arith.constant 0 : i32
    return %c0_i32, %c0_i32_0 : i32, i32
  }
  func.func @transform_10(%arg0: i32) -> (i32, i32) {
    %c0_i32 = arith.constant 0 : i32
    %c0_i32_0 = arith.constant 0 : i32
    return %arg0, %c0_i32 : i32, i32
  }
  func.func @transform_11(%arg0: i32) -> (i32, i32) {
    %c0_i32 = arith.constant 0 : i32
    %c0_i32_0 = arith.constant 0 : i32
    return %arg0, %c0_i32 : i32, i32
  }
}

module attributes {stable_mosaic.version = 14 : i64} {
  func.func @_ffn_body(%arg0: i32, %arg1: memref<24xi32, #tpu.memory_space<smem>>, %arg2: memref<256x1024xf32, #tpu.memory_space<vmem>>, %arg3: memref<256x1xf32, #tpu.memory_space<vmem>>, %arg4: memref<1x1024x1024xbf16, #tpu.memory_space<vmem>>, %arg5: memref<1x512x1024xbf16, #tpu.memory_space<vmem>>, %arg6: memref<256x1024xf32, #tpu.memory_space<vmem>>) attributes {dimension_semantics = [#tpu.dimension_semantics<arbitrary>], iteration_bounds = array<i64: 24>, scalar_prefetch = 1 : i64, scratch_operands = 0 : i64, tpu.core_type = #tpu.core_type<tc>, window_params = [{transform_indices = @transform_0, window_bounds = array<i64: 256, 1024>}, {transform_indices = @transform_1, window_bounds = array<i64: 256, 1>}, {transform_indices = @transform_2, window_bounds = array<i64: 1, 1024, 1024>}, {transform_indices = @transform_3, window_bounds = array<i64: 1, 512, 1024>}, {transform_indices = @transform_4, window_bounds = array<i64: 256, 1024>}]} {
    %get3A = arith.constant 0 : index
    %get3A_0 = arith.constant 0 : index
    %get3A_1 = vector.load %arg2[%get3A, %get3A_0] : memref<256x1024xf32, #tpu.memory_space<vmem>>, vector<256x1024xf32>
    %convert_element_type3A = arith.truncf %get3A_1 : vector<256x1024xf32> to vector<256x1024xbf16>
    %get3A_2 = arith.constant 0 : index
    %get3A_3 = arith.constant 0 : index
    %get3A_4 = arith.constant 0 : index
    %get3A_5 = vector.load %arg4[%get3A_2, %get3A_3, %get3A_4] : memref<1x1024x1024xbf16, #tpu.memory_space<vmem>>, vector<1x1024x1024xbf16>
    %get3A_6 = vector.shape_cast %get3A_5 : vector<1x1024x1024xbf16> to vector<1024x1024xbf16>
    %dot_general3A = arith.constant dense<0.000000e+00> : vector<256x1024xf32>
    %dot_general3A_7 = tpu.matmul %convert_element_type3A, %get3A_6, %dot_general3A {dimension_numbers = #tpu.dot_dimension_numbers<[1], [0], [0], [1], [0, 0, 1, 1], [], []>, transpose_lhs_hint = false} : vector<256x1024xbf16>, vector<1024x1024xbf16>, vector<256x1024xf32> -> vector<256x1024xf32>
    %slice3A = vector.extract_strided_slice %dot_general3A_7 {offsets = [0, 0], sizes = [256, 512], strides = [1, 1]} : vector<256x1024xf32> to vector<256x512xf32>
    %slice3A_8 = vector.extract_strided_slice %dot_general3A_7 {offsets = [0, 512], sizes = [256, 512], strides = [1, 1]} : vector<256x1024xf32> to vector<256x512xf32>
    %logistic3A = arith.negf %slice3A : vector<256x512xf32>
    %logistic3A_9 = math.exp %logistic3A : vector<256x512xf32>
    %logistic3A_10 = arith.constant 1.000000e+00 : f32
    %logistic3A_11 = vector.broadcast %logistic3A_10 : f32 to vector<256x512xf32>
    %logistic3A_12 = arith.addf %logistic3A_11, %logistic3A_9 : vector<256x512xf32>
    %logistic3A_13 = arith.divf %logistic3A_11, %logistic3A_12 : vector<256x512xf32>
    %mul3A = arith.mulf %slice3A, %logistic3A_13 : vector<256x512xf32>
    %mul3A_14 = arith.mulf %mul3A, %slice3A_8 : vector<256x512xf32>
    %get3A_15 = arith.constant 0 : index
    %get3A_16 = arith.constant 0 : index
    %get3A_17 = vector.load %arg3[%get3A_15, %get3A_16] : memref<256x1xf32, #tpu.memory_space<vmem>>, vector<256x1xf32>
    %mul3A_18 = vector.broadcast %get3A_17 : vector<256x1xf32> to vector<256x512xf32>
    %mul3A_19 = arith.mulf %mul3A_14, %mul3A_18 : vector<256x512xf32>
    %convert_element_type3A_20 = arith.truncf %mul3A_19 : vector<256x512xf32> to vector<256x512xbf16>
    %get3A_21 = arith.constant 0 : index
    %get3A_22 = arith.constant 0 : index
    %get3A_23 = arith.constant 0 : index
    %get3A_24 = vector.load %arg5[%get3A_21, %get3A_22, %get3A_23] : memref<1x512x1024xbf16, #tpu.memory_space<vmem>>, vector<1x512x1024xbf16>
    %get3A_25 = vector.shape_cast %get3A_24 : vector<1x512x1024xbf16> to vector<512x1024xbf16>
    %dot_general3A_26 = arith.constant dense<0.000000e+00> : vector<256x1024xf32>
    %dot_general3A_27 = tpu.matmul %convert_element_type3A_20, %get3A_25, %dot_general3A_26 {dimension_numbers = #tpu.dot_dimension_numbers<[1], [0], [0], [1], [0, 0, 1, 1], [], []>, transpose_lhs_hint = false} : vector<256x512xbf16>, vector<512x1024xbf16>, vector<256x1024xf32> -> vector<256x1024xf32>
    %swap3A = arith.constant 0 : index
    %swap3A_28 = arith.constant 0 : index
    %swap3A_29 = vector.load %arg6[%swap3A, %swap3A_28] : memref<256x1024xf32, #tpu.memory_space<vmem>>, vector<256x1024xf32>
    tpu.vector_store %arg6[%swap3A, %swap3A_28], %dot_general3A_27 {strides = array<i32>} : memref<256x1024xf32, #tpu.memory_space<vmem>>, vector<256x1024xf32>,
    return
  }
  func.func @transform_0(%arg0: i32, %arg1: memref<24xi32, #tpu.memory_space<smem>>) -> (i32, i32) {
    %c0_i32 = arith.constant 0 : i32
    %c0_i32_0 = arith.constant 0 : i32
    return %arg0, %c0_i32 : i32, i32
  }
  func.func @transform_1(%arg0: i32, %arg1: memref<24xi32, #tpu.memory_space<smem>>) -> (i32, i32) {
    %c0_i32 = arith.constant 0 : i32
    %c0_i32_0 = arith.constant 0 : i32
    return %arg0, %c0_i32 : i32, i32
  }
  func.func @transform_2(%arg0: i32, %arg1: memref<24xi32, #tpu.memory_space<smem>>) -> (i32, i32, i32) {
    %get3A = arith.index_cast %arg0 : i32 to index
    %get3A_0 = memref.load %arg1[%get3A] : memref<24xi32, #tpu.memory_space<smem>>
    %c0_i32 = arith.constant 0 : i32
    %c0_i32_1 = arith.constant 0 : i32
    %c0_i32_2 = arith.constant 0 : i32
    return %get3A_0, %c0_i32, %c0_i32_1 : i32, i32, i32
  }
  func.func @transform_3(%arg0: i32, %arg1: memref<24xi32, #tpu.memory_space<smem>>) -> (i32, i32, i32) {
    %get3A = arith.index_cast %arg0 : i32 to index
    %get3A_0 = memref.load %arg1[%get3A] : memref<24xi32, #tpu.memory_space<smem>>
    %c0_i32 = arith.constant 0 : i32
    %c0_i32_1 = arith.constant 0 : i32
    %c0_i32_2 = arith.constant 0 : i32
    return %get3A_0, %c0_i32, %c0_i32_1 : i32, i32, i32
  }
  func.func @transform_4(%arg0: i32, %arg1: memref<24xi32, #tpu.memory_space<smem>>) -> (i32, i32) {
    %c0_i32 = arith.constant 0 : i32
    %c0_i32_0 = arith.constant 0 : i32
    return %arg0, %c0_i32 : i32, i32
  }
}

</mosaic_0001>

<sc_bundles>
// kernel: kernel.10.cloned.1.call-start
scs
__scs_entry_jumppad:
0x0: {  	(pc) =	sbr.rel $0x88, $3  }
0x1: {  	(tag) =	ssettag $0x0;
	lr =	simm.s32 $0x1  }
0x2: {  	[smem:$0x3F9D] =	sst lr;
	_ =	strace $0xD0000000  }
0x3: {  	_ = 	snop  }
0x4: {  	_ = 	snop  }
0x5: {  	_ = 	snop  }
0x6: {  	_ = 	snop  }
0x7: {  	_ = 	snop  }
__scs_overlays_trampoline_lowered:
0x8: {  	[smem:$0x3FAC] =	sst s0  }
0x9: {  	[smem:$0x3FAD] =	sst s1  }
0xa: {  	[smem:$0x3FAE] =	sst s2  }
0xb: {  	[smem:$0x3FAF] =	sst s3  }
0xc: {  	[smem:$0x3FB0] =	sst s4  }
0xd: {  	[smem:$0x3FB1] =	sst s5  }
0xe: {  	[smem:$0x3FB2] =	sst s6  }
0xf: {  	[smem:$0x3FB3] =	sst s7  }
0x10: {  	[smem:$0x3FB4] =	sst s8  }
0x11: {  	[smem:$0x3FB5] =	sst s9;
	s0 =	simm.s32 @!p0 $0x0  }
0x12: {  	s1 =	sld [smem:$0x3F9B];
	s0 =	simm.s32 @p0 $0x1  }
0x13: {  	[smem:$0x3FB6] =	sst s0;
	s0 =	simm.s32 @!p1 $0x0  }
0x14: {  	s2 =	sld [smem:$0x3F9A];
	s0 =	simm.s32 @p1 $0x1  }
0x15: {  	[smem:$0x3FB7] =	sst s0;
	s0 =	simm.s32 @!p2 $0x0  }
0x16: {  	s3 =	sld [smem:$0x3FDB];
	s0 =	simm.s32 @p2 $0x1  }
0x17: {  	s4 =	simm.s32 $0x1BF5;
	[smem:$0x3FB9] =	sst s0  }
0x18: {  	s0 =	sld [smem:$0x3F9C];
	_ =	swait.ge [sflag:s4], $0x0  }
0x19: {  	s7 =	sld [smem:$0x3F9D]  }
0x1a: {  	s8 =	sadd.s32 $0xFFFFE003, lr  }
0x1b: {  	s9 =	sadd.s32 $0xFFFFFEF7, lr;
	s5 =	simm.s32 $0xFFFFFFFF;
	p2 =	slt.u32 s8, $0xFFFFF086  }
0x1c: {  	p1 =	slt.u32 s9, $0xF7A;
	s5 =	simm.s32 @!p2 $0x0  }
0x1d: {  	s5 =	simm.s32 @p1 $0x1;
	p0 =	seq.s32 s7, s2  }
0x1e: {  	s7 =	smul.u32 @!p0 $0xF7A, s2;
	p2 =	seq.s32 @!p0 s5, $0x0  }
0x1f: {  	s9 =	smul.u32 $0xF7A, s1;
	s8 =	simm.s32 @!p0 $0x1BF5;
	p2 =	por !p2, p0  }
0x20: {  	[sflag:s8] =	ssyncset.s32 @!p0 $0xFFFFF086;
	s6 =	sadd.s32 @!p0 s3, s7;
	s7 =	simm.s32 @!p0 $0x108  }
0x21: {  	s3 =	sadd.s32 s3, s9;
	s6 =	sadd.s32 @!p0 $0x88, s6;
	s7 =	simm.s32 @p2 $0x1082  }
0x22: {  	[simem:s7], [sflag:s8] =	dma.local @!p0 [hbm:s6], $0xF7A  }
0x23: {  	s9 =	sor.u32 $0xD0000000, s2;
	s6 =	simm.s32 $0x108;
	_ =	swait.ge @!p0 [sflag:s8], $0x0  }
0x24: {  	s3 =	sadd.s32 $0x88, s3;
	s6 =	simm.s32 @!p1 $0x1082;
	[sflag:s4] =	ssyncset.s32 $0xFFFFF086  }
0x25: {  	[simem:s6], [sflag:s4] =	dma.local [hbm:s3], $0xF7A  }
0x26: {  	[smem:$0x3F9D] =	sst s1;
	(tag) =	ssettag s2;
	_ =	strace s9  }
0x27: {  	s1 =	sld [smem:$0x3FAD]  }
0x28: {  	s2 =	sld [smem:$0x3FAE]  }
0x29: {  	s4 =	sld [smem:$0x3FB0]  }
0x2a: {  	p0 =	seq.s32 s5, $0x0;
	s5 =	sld [smem:$0x3FB1]  }
0x2b: {  	s6 =	sld [smem:$0x3FB2]  }
0x2c: {  	s7 =	sld [smem:$0x3FB3]  }
0x2d: {  	s3 =	simm.s32 $0x108;
	s8 =	sld [smem:$0x3FB4]  }
0x2e: {  	s3 =	simm.s32 @!p0 $0x1082;
	s9 =	sld [smem:$0x3FB5]  }
0x2f: {  	lr =	sadd.s32 s0, s3;
	s0 =	sld [smem:$0x3FAC]  }
0x30: {  	s3 =	sld [smem:$0x3FAF]  }
0x31: {  	[smem:$0x3FB8] =	sst s10  }
0x32: {  	s10 =	sld [smem:$0x3FB6];
	_ =	sdelay $0x3  }
0x33: {  	p0 =	seq.s32 s10, $0x1;
	s10 =	sld [smem:$0x3FB8];
	_ =	sdelay $0x3  }
0x34: {  	[smem:$0x3FB8] =	sst s10  }
0x35: {  	s10 =	sld [smem:$0x3FB7];
	_ =	sdelay $0x3  }
0x36: {  	p1 =	seq.s32 s10, $0x1;
	s10 =	sld [smem:$0x3FB8];
	_ =	sdelay $0x3  }
0x37: {  	[smem:$0x3FB8] =	sst s10  }
0x38: {  	s10 =	sld [smem:$0x3FB9]  }
0x39: {  	_ = 	snop;
	(pc) =	sbr.ind lr, $3  }
0x3a: {  	_ = 	snop  }
0x3b: {  	_ = 	snop  }
0x3c: {  	p2 =	seq.s32 s10, $0x1;
	s10 =	sld [smem:$0x3FB8]  }
0x3d: {  	_ =	shalt  }
0x3e: {  	_ =	shalt  }
0x3f: {  	_ =	shalt  }
0x40: {  	_ =	shalt  }
0x41: {  	_ =	shalt  }
0x42: {  	_ =	shalt  }
0x43: {  	_ =	shalt  }
0x44: {  	_ =	shalt  }
0x45: {  	_ =	shalt  }
0x46: {  	_ =	shalt  }
0x47: {  	_ =	shalt  }
0x48: {  	_ =	shalt  }
0x49: {  	_ =	shalt  }
0x4a: {  	_ =	shalt  }
0x4b: {  	_ =	shalt  }
0x4c: {  	_ =	shalt  }
0x4d: {  	_ =	shalt  }
0x4e: {  	_ =	shalt  }
0x4f: {  	_ =	shalt  }
0x50: {  	_ =	shalt  }
0x51: {  	_ =	shalt  }
0x52: {  	_ =	shalt  }
0x53: {  	_ =	shalt  }
0x54: {  	_ =	shalt  }
0x55: {  	_ =	shalt  }
0x56: {  	_ =	shalt  }
0x57: {  	_ =	shalt  }
0x58: {  	_ =	shalt  }
0x59: {  	_ =	shalt  }
0x5a: {  	_ =	shalt  }
0x5b: {  	_ =	shalt  }
0x5c: {  	_ =	shalt  }
0x5d: {  	_ =	shalt  }
0x5e: {  	_ =	shalt  }
0x5f: {  	_ =	shalt  }
0x60: {  	_ =	shalt  }
0x61: {  	_ =	shalt  }
0x62: {  	_ =	shalt  }
0x63: {  	_ =	shalt  }
0x64: {  	_ =	shalt  }
0x65: {  	_ =	shalt  }
0x66: {  	_ =	shalt  }
0x67: {  	_ =	shalt  }
0x68: {  	_ =	shalt  }
0x69: {  	_ =	shalt  }
0x6a: {  	_ =	shalt  }
0x6b: {  	_ =	shalt  }
0x6c: {  	_ =	shalt  }
0x6d: {  	_ =	shalt  }
0x6e: {  	_ =	shalt  }
0x6f: {  	_ =	shalt  }
0x70: {  	_ =	shalt  }
0x71: {  	_ =	shalt  }
0x72: {  	_ =	shalt  }
0x73: {  	_ =	shalt  }
0x74: {  	_ =	shalt  }
0x75: {  	_ =	shalt  }
0x76: {  	_ =	shalt  }
0x77: {  	_ =	shalt  }
0x78: {  	_ =	shalt  }
0x79: {  	_ =	shalt  }
0x7a: {  	_ =	shalt  }
0x7b: {  	_ =	shalt  }
0x7c: {  	_ =	shalt  }
0x7d: {  	_ =	shalt  }
0x7e: {  	_ =	shalt  }
0x7f: {  	_ =	shalt  }
0x80: {  	_ =	shalt  }
0x81: {  	_ =	shalt  }
0x82: {  	_ =	shalt  }
0x83: {  	_ =	shalt  }
0x84: {  	_ =	shalt  }
0x85: {  	_ =	shalt  }
0x86: {  	_ =	shalt  }
0x87: {  	_ =	shalt  }
.Lfunc_end0:
.L_simem_size_0:
called_computation.1_lowered:
.L_overlay_start_0:
0x88: {  	s2 =	sld [smem:$0x3FD9]  }
0x89: {  	s3 =	sld [smem:$0x3FFE];
	_ =	sdelay $0x1  }
0x8a: {  	s1 =	srdreg.scid  }
0x8b: {  	s0 =	sand.u32 $0x1, s1  }
0x8c: {  	s17 =	sshll.u32 s0, $0xA;
	s2 =	sadd.s32 s3, s2  }
0x8d: {  	s2 =	sadd.s32 s2, s17  }
0x8e: {  	[smem:$0x3FC4] =	sst s2  }
0x8f: {  	_ = 	snop  }
0x90: {  	s2 =	sld [smem:$0x3FD0];
	(tm) =	ssettm $0x1  }
0x91: {  	s18 =	sld [smem:$0x3FFB];
	_ =	sdelay $0x3  }
0x92: {  	_ =	strace s18  }
0x93: {  	s3 =	sld [smem:$0x3FFC];
	_ =	sdelay $0x3  }
0x94: {  	_ =	strace s3  }
0x95: {  	s3 =	sld [smem:$0x3FFD];
	_ =	sdelay $0x3  }
0x96: {  	_ =	strace s3  }
0x97: {  	_ =	strace $0x8FFFFFFF  }
0x98: {  	s19 =	sld [smem:$0x3FDB];
	_ =	sdelay $0x1  }
0x99: {  	s4 =	simm.s32 $_scs_section_size  }
0x9a: {  	s5 =	simm.s32 $_size__tile_overlayer_lowered;
	s6 =	simm.s32 $_tile_overlayer_lowered  }
0x9b: {  	s22 =	simm.s32 $0x1BFF;
	s21 =	sshll.u32 s6, $0x1;
	s3 =	sadd.s32 s4, s19  }
0x9c: {  	s7 =	simm.s32 $0x0;
	s20 =	sshll.u32 s5, $0x1;
	s5 =	sadd.s32 s21, s3  }
0x9d: {  	[timem:s7], [sflag:s22] =	dma.local [hbm:s5], s20  }
0x9e: {  	_ =	swait.ge [sflag:s22], s20  }
0x9f: {  	s4 =	ssub.s32 $0x0, s20;
	[sflag:s22] =	ssyncset.done $0x0  }
0xa0: {  	[sflag:s22] =	ssyncadd.s32 s4;
	_ =	sdelay $0x1  }
0xa1: {  	s23 =	simm.s32 $0x1B8B  }
0xa2: {  	_ =	swait.ge [sflag:s23], $0x1  }
0xa3: {  	[sflag:s23] =	ssyncset.done $0x0  }
0xa4: {  	s25 =	simm.s32 $0x1B8E;
	s24 =	sld [smem:$0x3FFE];
	[sflag:s23] =	ssyncadd.s32 $0xFFFFFFFF  }
0xa5: {  	s26 =	simm.s32 $execute0_lowered;
	[smem:$0x3FD2] =	sst s25  }
0xa6: {  	s5 =	sshll.u32 s26, $0x1;
	_ =	strace $0x80000049;
	[dreg:$0x1] =	wrdreg $0xFFFFFFFF  }
0xa7: {  	s28 =	simm.s32 $_size_execute0_lowered;
	s3 =	sadd.s32 s3, s5;
	[dreg:$0x0] =	wrdreg $0x0  }
0xa8: {  	s5 =	sshll.u32 s28, $0x1;
	[dreg:$0x2] =	wrdreg s3  }
0xa9: {  	[dreg:$0x3] =	wrdreg s5  }
0xaa: {  	[dreg:$0x4] =	wrdreg $0xC0  }
0xab: {  	_ =	task [dreg:s7], $0x5FFFF  }
0xac: {  	[dreg:$0x1] =	wrdreg $0xFFFFFFFF  }
0xad: {  	[dreg:$0x0] =	wrdreg $0x60  }
0xae: {  	[dreg:$0x2] =	wrdreg s24  }
0xaf: {  	[dreg:$0x3] =	wrdreg s2  }
0xb0: {  	[dreg:$0x4] =	wrdreg $0x9  }
0xb1: {  	_ =	task.clear_ibuf [dreg:s7], $0x5FFFF;
	_ =	strace $0x90000049  }
0xb2: {  	s29 =	simm.s32 $0x9;
	_ =	strace $0x8000004B  }
0xb3: {  	_ =	swait.ge [sflag:s29], $0x1  }
0xb4: {  	[sflag:s29] =	ssyncadd.s32 $0xFFFFFFFF  }
0xb5: {  	_ =	strace $0x9000004B  }
0xb6: {  	_ =	sfence  }
0xb7: {  	s30 =	sld [smem:$0x0];
	_ =	sdelay $0x2  }
0xb8: {  	s31 =	sshll.u32 s1, $0xD;
	s1 =	sshrl.u32 s1, $0x2  }
0xb9: {  	s3 =	sand.u32 $0x4000, s31;
	s1 =	sadd.s32 s1, s30  }
0xba: {  	s0 =	sor.u32 s3, s0;
	s1 =	sshll.u32 s1, $0x11  }
0xbb: {  	s0 =	sor.u32 s1, s0  }
0xbc: {  	s0 =	sadd.s32 $0x8F2B, s0  }
0xbd: {  	[sflag:s0] =	ssyncadd.remote.s32 $0x1  }
0xbe: {  	_ =	sfence.sel $0xFFFF  }
0xbf: {  	[dreg:$0x0] =	wrdreg $0xFFFFFFFF;
	(pc) =	sbr.abs _section_cstart, $3  }
0xc0: {  	[dreg:$0x1] =	wrdreg $0xFFFFFFFF  }
0xc1: {  	_ =	task.clear_ibuf [dreg:s7], $0x2FFFF;
	_ =	strace $0x9FFFFFFF  }
0xc2: {  	(tm) =	ssettm $0x7FFFFFFF  }
0xc3: {  	_ =	shalt  }
tec
execute0_lowered:
.L_overlay_start_1:
0x0: {  	(tag) =	ssettag $0x1  }
0x1: {  	s0 =	rddreg [dreg:$0x0]  }
0x2: {  	s2 =	rddreg [dreg:$0x1]  }
0x3: {  	s1 =	simm.s32 $0x0;
	s4 =	srdreg.scid;
	s6 =	stileid.u32  }
0x4: {  	s14 =	simm.s32 $0x3;
	s16 =	simm.s32 $0x100;
	s28 =	simm.s32 $0xE100  }
0x5: {  	s29 =	simm.s32 $0xE900;
	s30 =	simm.s32 $0xF100;
	s31 =	simm.s32 $0xF900  }
0x6: {  	s15 =	simm.s32 $0x0;
	[smem:$0x7FF] =	sst s1;
	s3 =	sadd.s32 $0x140C00, s0  }
0x7: {  	s4 =	sand.u32 $0x1, s4;
	s6 =	sshll.u32 s6, $0x7;
	s10 =	sadd.s32 $0xC0800, s0  }
0x8: {  	s11 =	sadd.s32 $0xC0A00, s0;
	s5 =	ssub.s32 $0x2, s4;
	s4 =	sshll.u32 s4, $0x6  }
0x9: {  	_ =	strace $0x8000004A;
	s7 =	sshrl.u32 s5, $0x1;
	s8 =	sor.u32 s4, s6  }
0xa: {  	s6 =	sadd.s32 $0x140D00, s0;
	s13 =	ssub.s32 s5, s7;
	s24 =	sshrl.u32 s8, $0x3  }
0xb: {  	s7 =	sadd.s32 $0x140E00, s0;
	s9 =	sshll.u32 s8, $0x7;
	s12 =	sor.u32 $0x20, s8  }
0xc: {  	s8 =	sadd.s32 $0x140F00, s0;
	s0 =	simm.s32 $0x1;
	s4 =	sadd.s32 s10, s24  }
0xd: {  	s5 =	sadd.s32 s11, s24;
	s9 =	sadd.s32 s2, s9;
	s25 =	sshrl.u32 s12, $0x3  }
0xe: {  	v2 =	vlaneseq.u32;
	s26 =	sshll.u32 s12, $0x7;
	s13 =	smax.u32 s13, $0x1;
	s24 =	simm.s32 $0x80  }
0xf: {  	vm0 =	vmmov $0xffff;
	v1 =	vshrl.u32 v2, $0x3;
	s10 =	sadd.s32 s10, s25;
	s11 =	sadd.s32 s11, s25;
	s12 =	sadd.s32 s2, s26  }
0x10: {  	v0 =	vand.u32 $0x7, v2;
	v2 =	vor.u32 $0x8, v2;
	v1 =	vmul.u32 $0x8, v1;
	s25 =	simm.s32 $0xD100;
	s26 =	simm.s32 $0xD900;
	s2 =	simm.s32 $0x2  }
.LBB2_1:
0x11: {  	[tilespmem:s1], [sflag:$0x3] =	stream.linear.gather [hbm4b:s4+s1], $0x20, $0x38;
	[tilespmem:$0x10100] =	vst v63  }
0x12: {  	_ =	swait.ge [sflag:s14], $0x20  }
0x13: {  	[sflag:s14] =	ssyncset.done $0x0  }
0x14: {  	[sflag:s14] =	ssyncadd.s32 $0xFFFFFFE0  }
0x15: {  	[tilespmem:s24], [sflag:$0x3] =	stream.linear.gather [hbm4b:s5+s1], $0x20, $0x38;
	[tilespmem:$0x10100] =	vst v63  }
0x16: {  	_ =	swait.ge [sflag:s14], $0x20  }
0x17: {  	[sflag:s14] =	ssyncset.done $0x0  }
0x18: {  	[sflag:s14] =	ssyncadd.s32 $0xFFFFFFE0  }
0x19: {  	v3 =	vld [tilespmem:$0x0];
	_ =	sdelay $0x4  }
0x1a: {  	v4 =	vshll.u32 v3, $0x3  }
0x1b: {  	v3 =	vand.u32 $0x7, v3;
	v4 =	vand.u32 $0xFFFFFFC0, v4  }
0x1c: {  	v3 =	vor.u32 v3, v4  }
0x1d: {  	v4 =	vperm.xlane v3, v0;
	_ =	sdelay $0x1  }
0x1e: {  	v4 =	vadd.s32 v1, v4;
	_ =	sdelay $0x4  }
0x1f: {  	[tilespmem:s16], [sflag:$0x1] =	stream.indirect_vreg.gather [hbm4b:s3+s1], $0x80, v4, vm0, $0xb8;
	[tilespmem:$0x10100] =	vst v63  }
0x20: {  	s17 =	simm.s32 $0x900;
	v3 =	vperm.xlane v3, v2  }
0x21: {  	[tilespmem:s17], [sflag:$0x1] =	stream.indirect_vreg.gather [hbm4b:s6+s1], $0x80, v4, vm0, $0xb8;
	[tilespmem:$0x10100] =	vst v63  }
0x22: {  	s23 =	simm.s32 $0x1100;
	v3 =	vadd.s32 v1, v3  }
0x23: {  	[tilespmem:s23], [sflag:$0x1] =	stream.indirect_vreg.gather [hbm4b:s7+s1], $0x80, v4, vm0, $0xb8;
	[tilespmem:$0x10100] =	vst v63  }
0x24: {  	s18 =	simm.s32 $0x1900  }
0x25: {  	[tilespmem:s18], [sflag:$0x1] =	stream.indirect_vreg.gather [hbm4b:s8+s1], $0x80, v4, vm0, $0xb8;
	[tilespmem:$0x10100] =	vst v63  }
0x26: {  	s19 =	simm.s32 $0x2100  }
0x27: {  	[tilespmem:s19], [sflag:$0x1] =	stream.indirect_vreg.gather [hbm4b:s3+s1], $0x80, v3, vm0, $0xb8;
	[tilespmem:$0x10100] =	vst v63  }
0x28: {  	s20 =	simm.s32 $0x2900  }
0x29: {  	[tilespmem:s20], [sflag:$0x1] =	stream.indirect_vreg.gather [hbm4b:s6+s1], $0x80, v3, vm0, $0xb8;
	[tilespmem:$0x10100] =	vst v63  }
0x2a: {  	s21 =	simm.s32 $0x3100  }
0x2b: {  	[tilespmem:s21], [sflag:$0x1] =	stream.indirect_vreg.gather [hbm4b:s7+s1], $0x80, v3, vm0, $0xb8;
	[tilespmem:$0x10100] =	vst v63  }
0x2c: {  	s22 =	simm.s32 $0x3900  }
0x2d: {  	[tilespmem:s22], [sflag:$0x1] =	stream.indirect_vreg.gather [hbm4b:s8+s1], $0x80, v3, vm0, $0xb8;
	[tilespmem:$0x10100] =	vst v63  }
0x2e: {  	v3 =	vld [tilespmem:$0x10];
	_ =	sdelay $0x4  }
0x2f: {  	v4 =	vshll.u32 v3, $0x3  }
0x30: {  	v3 =	vand.u32 $0x7, v3;
	v4 =	vand.u32 $0xFFFFFFC0, v4  }
0x31: {  	v3 =	vor.u32 v3, v4  }
0x32: {  	v4 =	vperm.xlane v3, v0;
	_ =	sdelay $0x1  }
0x33: {  	v4 =	vadd.s32 v1, v4;
	_ =	sdelay $0x3  }
0x34: {  	s23 =	simm.s32 $0x4100  }
0x35: {  	[tilespmem:s23], [sflag:$0x1] =	stream.indirect_vreg.gather [hbm4b:s3+s1], $0x80, v4, vm0, $0xb8;
	[tilespmem:$0x10100] =	vst v63  }
0x36: {  	s18 =	simm.s32 $0x4900;
	v3 =	vperm.xlane v3, v2  }
0x37: {  	[tilespmem:s18], [sflag:$0x1] =	stream.indirect_vreg.gather [hbm4b:s6+s1], $0x80, v4, vm0, $0xb8;
	[tilespmem:$0x10100] =	vst v63  }
0x38: {  	s19 =	simm.s32 $0x5100;
	v3 =	vadd.s32 v1, v3  }
0x39: {  	[tilespmem:s19], [sflag:$0x1] =	stream.indirect_vreg.gather [hbm4b:s7+s1], $0x80, v4, vm0, $0xb8;
	[tilespmem:$0x10100] =	vst v63  }
0x3a: {  	s20 =	simm.s32 $0x5900  }
0x3b: {  	[tilespmem:s20], [sflag:$0x1] =	stream.indirect_vreg.gather [hbm4b:s8+s1], $0x80, v4, vm0, $0xb8;
	[tilespmem:$0x10100] =	vst v63  }
0x3c: {  	s21 =	simm.s32 $0x6100  }
0x3d: {  	[tilespmem:s21], [sflag:$0x1] =	stream.indirect_vreg.gather [hbm4b:s3+s1], $0x80, v3, vm0, $0xb8;
	[tilespmem:$0x10100] =	vst v63  }
0x3e: {  	s22 =	simm.s32 $0x6900  }
0x3f: {  	[tilespmem:s22], [sflag:$0x1] =	stream.indirect_vreg.gather [hbm4b:s6+s1], $0x80, v3, vm0, $0xb8;
	[tilespmem:$0x10100] =	vst v63  }
0x40: {  	s23 =	simm.s32 $0x7100  }
0x41: {  	[tilespmem:s23], [sflag:$0x1] =	stream.indirect_vreg.gather [hbm4b:s7+s1], $0x80, v3, vm0, $0xb8;
	[tilespmem:$0x10100] =	vst v63  }
0x42: {  	s18 =	simm.s32 $0x7900  }
0x43: {  	[tilespmem:s18], [sflag:$0x1] =	stream.indirect_vreg.gather [hbm4b:s8+s1], $0x80, v3, vm0, $0xb8;
	[tilespmem:$0x10100] =	vst v63  }
0x44: {  	v3 =	vld [tilespmem:$0x80];
	_ =	sdelay $0x4  }
0x45: {  	v4 =	vshll.u32 v3, $0x3  }
0x46: {  	v3 =	vand.u32 $0x7, v3;
	v4 =	vand.u32 $0xFFFFFFC0, v4  }
0x47: {  	v3 =	vor.u32 v3, v4  }
0x48: {  	v4 =	vperm.xlane v3, v0;
	_ =	sdelay $0x1  }
0x49: {  	v4 =	vadd.s32 v1, v4;
	_ =	sdelay $0x3  }
0x4a: {  	s19 =	simm.s32 $0x8100  }
0x4b: {  	[tilespmem:s19], [sflag:$0x2] =	stream.indirect_vreg.gather [hbm4b:s3+s1], $0x80, v4, vm0, $0xb8;
	[tilespmem:$0x10100] =	vst v63  }
0x4c: {  	s20 =	simm.s32 $0x8900;
	v3 =	vperm.xlane v3, v2  }
0x4d: {  	[tilespmem:s20], [sflag:$0x2] =	stream.indirect_vreg.gather [hbm4b:s6+s1], $0x80, v4, vm0, $0xb8;
	[tilespmem:$0x10100] =	vst v63  }
0x4e: {  	s21 =	simm.s32 $0x9100;
	v3 =	vadd.s32 v1, v3  }
0x4f: {  	[tilespmem:s21], [sflag:$0x2] =	stream.indirect_vreg.gather [hbm4b:s7+s1], $0x80, v4, vm0, $0xb8;
	[tilespmem:$0x10100] =	vst v63  }
0x50: {  	s22 =	simm.s32 $0x9900  }
0x51: {  	[tilespmem:s22], [sflag:$0x2] =	stream.indirect_vreg.gather [hbm4b:s8+s1], $0x80, v4, vm0, $0xb8;
	[tilespmem:$0x10100] =	vst v63  }
0x52: {  	s23 =	simm.s32 $0xA100  }
0x53: {  	[tilespmem:s23], [sflag:$0x2] =	stream.indirect_vreg.gather [hbm4b:s3+s1], $0x80, v3, vm0, $0xb8;
	[tilespmem:$0x10100] =	vst v63  }
0x54: {  	s18 =	simm.s32 $0xA900  }
0x55: {  	[tilespmem:s18], [sflag:$0x2] =	stream.indirect_vreg.gather [hbm4b:s6+s1], $0x80, v3, vm0, $0xb8;
	[tilespmem:$0x10100] =	vst v63  }
0x56: {  	s19 =	simm.s32 $0xB100  }
0x57: {  	[tilespmem:s19], [sflag:$0x2] =	stream.indirect_vreg.gather [hbm4b:s7+s1], $0x80, v3, vm0, $0xb8;
	[tilespmem:$0x10100] =	vst v63  }
0x58: {  	s20 =	simm.s32 $0xB900  }
0x59: {  	[tilespmem:s20], [sflag:$0x2] =	stream.indirect_vreg.gather [hbm4b:s8+s1], $0x80, v3, vm0, $0xb8;
	[tilespmem:$0x10100] =	vst v63  }
0x5a: {  	v3 =	vld [tilespmem:$0x90];
	_ =	sdelay $0x4  }
0x5b: {  	v4 =	vshll.u32 v3, $0x3  }
0x5c: {  	v3 =	vand.u32 $0x7, v3;
	v4 =	vand.u32 $0xFFFFFFC0, v4  }
0x5d: {  	v3 =	vor.u32 v3, v4  }
0x5e: {  	v4 =	vperm.xlane v3, v0;
	_ =	sdelay $0x1  }
0x5f: {  	v4 =	vadd.s32 v1, v4;
	_ =	sdelay $0x3  }
0x60: {  	s21 =	simm.s32 $0xC100  }
0x61: {  	[tilespmem:s21], [sflag:$0x2] =	stream.indirect_vreg.gather [hbm4b:s3+s1], $0x80, v4, vm0, $0xb8;
	[tilespmem:$0x10100] =	vst v63  }
0x62: {  	s22 =	simm.s32 $0xC900;
	v3 =	vperm.xlane v3, v2  }
0x63: {  	[tilespmem:s22], [sflag:$0x2] =	stream.indirect_vreg.gather [hbm4b:s6+s1], $0x80, v4, vm0, $0xb8;
	[tilespmem:$0x10100] =	vst v63  }
0x64: {  	v3 =	vadd.s32 v1, v3  }
0x65: {  	[tilespmem:s25], [sflag:$0x2] =	stream.indirect_vreg.gather [hbm4b:s7+s1], $0x80, v4, vm0, $0xb8;
	[tilespmem:$0x10100] =	vst v63  }
0x66: {  	_ = 	snop  }
0x67: {  	[tilespmem:s26], [sflag:$0x2] =	stream.indirect_vreg.gather [hbm4b:s8+s1], $0x80, v4, vm0, $0xb8;
	[tilespmem:$0x10100] =	vst v63  }
0x68: {  	_ = 	snop  }
0x69: {  	[tilespmem:s28], [sflag:$0x2] =	stream.indirect_vreg.gather [hbm4b:s3+s1], $0x80, v3, vm0, $0xb8;
	[tilespmem:$0x10100] =	vst v63  }
0x6a: {  	_ = 	snop  }
0x6b: {  	[tilespmem:s29], [sflag:$0x2] =	stream.indirect_vreg.gather [hbm4b:s6+s1], $0x80, v3, vm0, $0xb8;
	[tilespmem:$0x10100] =	vst v63  }
0x6c: {  	_ = 	snop  }
0x6d: {  	[tilespmem:s30], [sflag:$0x2] =	stream.indirect_vreg.gather [hbm4b:s7+s1], $0x80, v3, vm0, $0xb8;
	[tilespmem:$0x10100] =	vst v63  }
0x6e: {  	_ = 	snop  }
0x6f: {  	[tilespmem:s31], [sflag:$0x2] =	stream.indirect_vreg.gather [hbm4b:s8+s1], $0x80, v3, vm0, $0xb8;
	[tilespmem:$0x10100] =	vst v63  }
0x70: {  	_ =	swait.ge [sflag:s0], $0x8000  }
0x71: {  	[sflag:s0] =	ssyncset.done $0x0  }
0x72: {  	[sflag:s0] =	ssyncadd.s32 $0xFFFF8000  }
0x73: {  	_ =	swait.ge [sflag:s2], $0x8000  }
0x74: {  	s23 =	sand.u32 $0x70, s1;
	s18 =	sand.u32 $0x1C00, s1;
	[sflag:s2] =	ssyncset.done $0x0  }
0x75: {  	s17 =	sor.u32 s23, s18;
	[sflag:s2] =	ssyncadd.s32 $0xFFFF8000  }
0x76: {  	v3 =	vld [tilespmem:s17+$0x8100]  }
0x77: {  	v4 =	vld [tilespmem:s17+$0x100];
	_ =	sdelay $0x3  }
0x78: {  	s18 =	simm.s32 $0x80;
	s19 =	simm.s32 $0x10  }
0x79: {  	s19 =	sand.u32 $0x70, s19;
	s20 =	sand.u32 $0x1C00, s18;
	v3 =	vadd.f32 v3, v4  }
0x7a: {  	s20 =	sor.u32 s19, s20;
	s19 =	simm.s32 $0x20  }
.LBB2_2:
0x7b: {  	p0 =	sne.s32 s19, $0x3F0;
	v4 =	vld [tilespmem:s20+$0x8100];
	[tilespmem:s17+$0x100] =	vst v3;
	s17 =	smov.u32 s20  }
0x7c: {  	v3 =	vld [tilespmem:s17+$0x100];
	_ =	sdelay $0x1  }
.Ltmp0:
0x7d: {  	(pc) =	sbr.rel @p0 .LBB2_2-.Ltmp0, $4  }
0x7e: {  	_ = 	snop  }
0x7f: {  	s18 =	sadd.s32 $0x80, s18  }
0x80: {  	s20 =	sand.u32 $0x70, s19;
	s21 =	sand.u32 $0x1C00, s18;
	v3 =	vadd.f32 v4, v3  }
0x81: {  	s19 =	sadd.s32 $0x10, s19;
	s20 =	sor.u32 s20, s21  }
0x82: {  	v4 =	vld [tilespmem:s20+$0x8100];
	[tilespmem:s17+$0x100] =	vst v3  }
0x83: {  	v3 =	vld [tilespmem:s20+$0x100];
	_ =	sdelay $0x4  }
0x84: {  	s21 =	simm.s32 $0x0;
	v3 =	vadd.f32 v4, v3  }
0x85: {  	s18 =	sand.u32 $0x70, s21;
	s17 =	sand.u32 $0x1C00, s21  }
0x86: {  	s17 =	sor.u32 s17, s18;
	[tilespmem:s20+$0x100] =	vst v3  }
0x87: {  	v3 =	vld [tilespmem:s17+$0x8180]  }
0x88: {  	v4 =	vld [tilespmem:s17+$0x180];
	_ =	sdelay $0x3  }
0x89: {  	s22 =	simm.s32 $0x10;
	s19 =	simm.s32 $0x80  }
0x8a: {  	s23 =	sand.u32 $0x1C00, s19;
	s18 =	sand.u32 $0x70, s22;
	v3 =	vadd.f32 v3, v4  }
0x8b: {  	s21 =	simm.s32 $0x20;
	s22 =	sor.u32 s23, s18;
	s20 =	smov.u32 s17  }
.LBB2_4:
0x8c: {  	p0 =	sne.s32 s21, $0x3F0;
	v4 =	vld [tilespmem:s22+$0x8180];
	[tilespmem:s20+$0x180] =	vst v3;
	s20 =	smov.u32 s22  }
0x8d: {  	v3 =	vld [tilespmem:s20+$0x180];
	_ =	sdelay $0x1  }
.Ltmp1:
0x8e: {  	(pc) =	sbr.rel @p0 .LBB2_4-.Ltmp1, $4  }
0x8f: {  	_ = 	snop  }
0x90: {  	s19 =	sadd.s32 $0x80, s19  }
0x91: {  	s22 =	sand.u32 $0x70, s21;
	s23 =	sand.u32 $0x1C00, s19;
	v3 =	vadd.f32 v4, v3  }
0x92: {  	s21 =	sadd.s32 $0x10, s21;
	s22 =	sor.u32 s23, s22  }
0x93: {  	v4 =	vld [tilespmem:s22+$0x8180];
	[tilespmem:s20+$0x180] =	vst v3  }
0x94: {  	v3 =	vld [tilespmem:s22+$0x180];
	_ =	sdelay $0x4  }
0x95: {  	v3 =	vadd.f32 v4, v3;
	_ =	sdelay $0x1  }
0x96: {  	[tilespmem:s22+$0x180] =	vst v3  }
0x97: {  	v3 =	vld [tilespmem:s17+$0x8200]  }
0x98: {  	v4 =	vld [tilespmem:s17+$0x200];
	_ =	sdelay $0x3  }
0x99: {  	s19 =	simm.s32 $0x80  }
0x9a: {  	s23 =	sand.u32 $0x1C00, s19;
	v3 =	vadd.f32 v3, v4  }
0x9b: {  	s20 =	sor.u32 s23, s18;
	s18 =	simm.s32 $0x20  }
.LBB2_6:
0x9c: {  	p0 =	sne.s32 s18, $0x3F0;
	v4 =	vld [tilespmem:s20+$0x8200];
	[tilespmem:s17+$0x200] =	vst v3;
	s17 =	smov.u32 s20  }
0x9d: {  	v3 =	vld [tilespmem:s17+$0x200];
	_ =	sdelay $0x1  }
.Ltmp2:
0x9e: {  	(pc) =	sbr.rel @p0 .LBB2_6-.Ltmp2, $4  }
0x9f: {  	_ = 	snop  }
0xa0: {  	s19 =	sadd.s32 $0x80, s19  }
0xa1: {  	s20 =	sand.u32 $0x70, s18;
	s21 =	sand.u32 $0x1C00, s19;
	v3 =	vadd.f32 v4, v3  }
0xa2: {  	s18 =	sadd.s32 $0x10, s18;
	s20 =	sor.u32 s21, s20  }
0xa3: {  	v4 =	vld [tilespmem:s20+$0x8200];
	[tilespmem:s17+$0x200] =	vst v3  }
0xa4: {  	v3 =	vld [tilespmem:s20+$0x200];
	_ =	sdelay $0x4  }
0xa5: {  	s21 =	simm.s32 $0x0;
	v3 =	vadd.f32 v4, v3  }
0xa6: {  	s18 =	sand.u32 $0x70, s21;
	s17 =	sand.u32 $0x1C00, s21  }
0xa7: {  	s17 =	sor.u32 s17, s18;
	[tilespmem:s20+$0x200] =	vst v3  }
0xa8: {  	v3 =	vld [tilespmem:s17+$0x8280]  }
0xa9: {  	v4 =	vld [tilespmem:s17+$0x280];
	_ =	sdelay $0x3  }
0xaa: {  	s22 =	simm.s32 $0x10;
	s19 =	simm.s32 $0x80  }
0xab: {  	s23 =	sand.u32 $0x1C00, s19;
	s18 =	sand.u32 $0x70, s22;
	v3 =	vadd.f32 v3, v4  }
0xac: {  	s21 =	simm.s32 $0x20;
	s22 =	sor.u32 s23, s18;
	s20 =	smov.u32 s17  }
.LBB2_8:
0xad: {  	p0 =	sne.s32 s21, $0x3F0;
	v4 =	vld [tilespmem:s22+$0x8280];
	[tilespmem:s20+$0x280] =	vst v3;
	s20 =	smov.u32 s22  }
0xae: {  	v3 =	vld [tilespmem:s20+$0x280];
	_ =	sdelay $0x1  }
.Ltmp3:
0xaf: {  	(pc) =	sbr.rel @p0 .LBB2_8-.Ltmp3, $4  }
0xb0: {  	_ = 	snop  }
0xb1: {  	s19 =	sadd.s32 $0x80, s19  }
0xb2: {  	s22 =	sand.u32 $0x70, s21;
	s23 =	sand.u32 $0x1C00, s19;
	v3 =	vadd.f32 v4, v3  }
0xb3: {  	s21 =	sadd.s32 $0x10, s21;
	s22 =	sor.u32 s23, s22  }
0xb4: {  	v4 =	vld [tilespmem:s22+$0x8280];
	[tilespmem:s20+$0x280] =	vst v3  }
0xb5: {  	v3 =	vld [tilespmem:s22+$0x280];
	_ =	sdelay $0x4  }
0xb6: {  	v3 =	vadd.f32 v4, v3;
	_ =	sdelay $0x1  }
0xb7: {  	[tilespmem:s22+$0x280] =	vst v3  }
0xb8: {  	v3 =	vld [tilespmem:s17+$0x8300]  }
0xb9: {  	v4 =	vld [tilespmem:s17+$0x300];
	_ =	sdelay $0x3  }
0xba: {  	s19 =	simm.s32 $0x80  }
0xbb: {  	s23 =	sand.u32 $0x1C00, s19;
	v3 =	vadd.f32 v3, v4  }
0xbc: {  	s20 =	sor.u32 s23, s18;
	s18 =	simm.s32 $0x20  }
.LBB2_10:
0xbd: {  	p0 =	sne.s32 s18, $0x3F0;
	v4 =	vld [tilespmem:s20+$0x8300];
	[tilespmem:s17+$0x300] =	vst v3;
	s17 =	smov.u32 s20  }
0xbe: {  	v3 =	vld [tilespmem:s17+$0x300];
	_ =	sdelay $0x1  }
.Ltmp4:
0xbf: {  	(pc) =	sbr.rel @p0 .LBB2_10-.Ltmp4, $4  }
0xc0: {  	_ = 	snop  }
0xc1: {  	s19 =	sadd.s32 $0x80, s19  }
0xc2: {  	s20 =	sand.u32 $0x70, s18;
	s21 =	sand.u32 $0x1C00, s19;
	v3 =	vadd.f32 v4, v3  }
0xc3: {  	s18 =	sadd.s32 $0x10, s18;
	s20 =	sor.u32 s21, s20  }
0xc4: {  	v4 =	vld [tilespmem:s20+$0x8300];
	[tilespmem:s17+$0x300] =	vst v3  }
0xc5: {  	v3 =	vld [tilespmem:s20+$0x300];
	_ =	sdelay $0x4  }
0xc6: {  	s21 =	simm.s32 $0x0;
	v3 =	vadd.f32 v4, v3  }
0xc7: {  	s18 =	sand.u32 $0x70, s21;
	s17 =	sand.u32 $0x1C00, s21  }
0xc8: {  	s17 =	sor.u32 s17, s18;
	[tilespmem:s20+$0x300] =	vst v3  }
0xc9: {  	v3 =	vld [tilespmem:s17+$0x8380]  }
0xca: {  	v4 =	vld [tilespmem:s17+$0x380];
	_ =	sdelay $0x3  }
0xcb: {  	s22 =	simm.s32 $0x10;
	s19 =	simm.s32 $0x80  }
0xcc: {  	s23 =	sand.u32 $0x1C00, s19;
	s18 =	sand.u32 $0x70, s22;
	v3 =	vadd.f32 v3, v4  }
0xcd: {  	s21 =	simm.s32 $0x20;
	s22 =	sor.u32 s23, s18;
	s20 =	smov.u32 s17  }
.LBB2_12:
0xce: {  	p0 =	sne.s32 s21, $0x3F0;
	v4 =	vld [tilespmem:s22+$0x8380];
	[tilespmem:s20+$0x380] =	vst v3;
	s20 =	smov.u32 s22  }
0xcf: {  	v3 =	vld [tilespmem:s20+$0x380];
	_ =	sdelay $0x1  }
.Ltmp5:
0xd0: {  	(pc) =	sbr.rel @p0 .LBB2_12-.Ltmp5, $4  }
0xd1: {  	_ = 	snop  }
0xd2: {  	s19 =	sadd.s32 $0x80, s19  }
0xd3: {  	s22 =	sand.u32 $0x70, s21;
	s23 =	sand.u32 $0x1C00, s19;
	v3 =	vadd.f32 v4, v3  }
0xd4: {  	s21 =	sadd.s32 $0x10, s21;
	s22 =	sor.u32 s23, s22  }
0xd5: {  	v4 =	vld [tilespmem:s22+$0x8380];
	[tilespmem:s20+$0x380] =	vst v3  }
0xd6: {  	v3 =	vld [tilespmem:s22+$0x380];
	_ =	sdelay $0x4  }
0xd7: {  	v3 =	vadd.f32 v4, v3;
	_ =	sdelay $0x1  }
0xd8: {  	[tilespmem:s22+$0x380] =	vst v3  }
0xd9: {  	v3 =	vld [tilespmem:s17+$0x8400]  }
0xda: {  	v4 =	vld [tilespmem:s17+$0x400];
	_ =	sdelay $0x3  }
0xdb: {  	s19 =	simm.s32 $0x80  }
0xdc: {  	s23 =	sand.u32 $0x1C00, s19;
	v3 =	vadd.f32 v3, v4  }
0xdd: {  	s20 =	sor.u32 s23, s18;
	s18 =	simm.s32 $0x20  }
.LBB2_14:
0xde: {  	p0 =	sne.s32 s18, $0x3F0;
	v4 =	vld [tilespmem:s20+$0x8400];
	[tilespmem:s17+$0x400] =	vst v3;
	s17 =	smov.u32 s20  }
0xdf: {  	v3 =	vld [tilespmem:s17+$0x400];
	_ =	sdelay $0x1  }
.Ltmp6:
0xe0: {  	(pc) =	sbr.rel @p0 .LBB2_14-.Ltmp6, $4  }
0xe1: {  	_ = 	snop  }
0xe2: {  	s19 =	sadd.s32 $0x80, s19  }
0xe3: {  	s20 =	sand.u32 $0x70, s18;
	s21 =	sand.u32 $0x1C00, s19;
	v3 =	vadd.f32 v4, v3  }
0xe4: {  	s18 =	sadd.s32 $0x10, s18;
	s20 =	sor.u32 s21, s20  }
0xe5: {  	v4 =	vld [tilespmem:s20+$0x8400];
	[tilespmem:s17+$0x400] =	vst v3  }
0xe6: {  	v3 =	vld [tilespmem:s20+$0x400];
	_ =	sdelay $0x4  }
0xe7: {  	s17 =	simm.s32 $0x0;
	v3 =	vadd.f32 v4, v3  }
0xe8: {  	s18 =	sor.u32 s17, s17  }
0xe9: {  	s19 =	sor.u32 $0x380, s18;
	[tilespmem:s20+$0x400] =	vst v3  }
0xea: {  	v3 =	vld [tilespmem:s19+$0x8100]  }
0xeb: {  	v4 =	vld [tilespmem:s19+$0x100];
	_ =	sdelay $0x3  }
0xec: {  	s18 =	simm.s32 $0x10;
	s20 =	simm.s32 $0x80  }
0xed: {  	s21 =	sor.u32 s20, s18;
	v3 =	vadd.f32 v3, v4  }
0xee: {  	s22 =	sor.u32 $0x380, s21;
	s21 =	simm.s32 $0x20  }
.LBB2_16:
0xef: {  	p0 =	sne.s32 s21, $0x3F0;
	v4 =	vld [tilespmem:s22+$0x8100];
	[tilespmem:s19+$0x100] =	vst v3;
	s19 =	smov.u32 s22  }
0xf0: {  	v3 =	vld [tilespmem:s19+$0x100];
	_ =	sdelay $0x1  }
.Ltmp7:
0xf1: {  	(pc) =	sbr.rel @p0 .LBB2_16-.Ltmp7, $4  }
0xf2: {  	_ = 	snop  }
0xf3: {  	s20 =	sadd.s32 $0x80, s20  }
0xf4: {  	s22 =	sor.u32 s20, s21;
	v3 =	vadd.f32 v4, v3  }
0xf5: {  	s21 =	sadd.s32 $0x10, s21;
	s22 =	sor.u32 $0x380, s22  }
0xf6: {  	v4 =	vld [tilespmem:s22+$0x8100];
	[tilespmem:s19+$0x100] =	vst v3  }
0xf7: {  	v3 =	vld [tilespmem:s22+$0x100];
	_ =	sdelay $0x4  }
0xf8: {  	v3 =	vadd.f32 v4, v3  }
0xf9: {  	s21 =	sand.u32 $0x70, s17;
	s23 =	sand.u32 $0x1C00, s17  }
0xfa: {  	s17 =	sor.u32 s23, s21;
	[tilespmem:s22+$0x100] =	vst v3  }
0xfb: {  	v3 =	vld [tilespmem:s17+$0xA100]  }
0xfc: {  	v4 =	vld [tilespmem:s17+$0x2100];
	_ =	sdelay $0x3  }
0xfd: {  	s19 =	simm.s32 $0x80  }
0xfe: {  	s18 =	sand.u32 $0x70, s18;
	s20 =	sand.u32 $0x1C00, s19;
	v3 =	vadd.f32 v3, v4  }
0xff: {  	s20 =	sor.u32 s20, s18;
	s18 =	simm.s32 $0x20  }
.LBB2_18:
0x100: {  	p0 =	sne.s32 s18, $0x3F0;
	v4 =	vld [tilespmem:s20+$0xA100];
	[tilespmem:s17+$0x2100] =	vst v3;
	s17 =	smov.u32 s20  }
0x101: {  	v3 =	vld [tilespmem:s17+$0x2100];
	_ =	sdelay $0x1  }
.Ltmp8:
0x102: {  	(pc) =	sbr.rel @p0 .LBB2_18-.Ltmp8, $4  }
0x103: {  	_ = 	snop  }
0x104: {  	s19 =	sadd.s32 $0x80, s19  }
0x105: {  	s20 =	sand.u32 $0x70, s18;
	s21 =	sand.u32 $0x1C00, s19;
	v3 =	vadd.f32 v4, v3  }
0x106: {  	s18 =	sadd.s32 $0x10, s18;
	s20 =	sor.u32 s21, s20  }
0x107: {  	v4 =	vld [tilespmem:s20+$0xA100];
	[tilespmem:s17+$0x2100] =	vst v3  }
0x108: {  	v3 =	vld [tilespmem:s20+$0x2100];
	_ =	sdelay $0x4  }
0x109: {  	s21 =	simm.s32 $0x0;
	v3 =	vadd.f32 v4, v3  }
0x10a: {  	s18 =	sand.u32 $0x70, s21;
	s17 =	sand.u32 $0x1C00, s21  }
0x10b: {  	s17 =	sor.u32 s17, s18;
	[tilespmem:s20+$0x2100] =	vst v3  }
0x10c: {  	v3 =	vld [tilespmem:s17+$0xA180]  }
0x10d: {  	v4 =	vld [tilespmem:s17+$0x2180];
	_ =	sdelay $0x3  }
0x10e: {  	s22 =	simm.s32 $0x10;
	s19 =	simm.s32 $0x80  }
0x10f: {  	s23 =	sand.u32 $0x1C00, s19;
	s18 =	sand.u32 $0x70, s22;
	v3 =	vadd.f32 v3, v4  }
0x110: {  	s21 =	simm.s32 $0x20;
	s22 =	sor.u32 s23, s18;
	s20 =	smov.u32 s17  }
.LBB2_20:
0x111: {  	p0 =	sne.s32 s21, $0x3F0;
	v4 =	vld [tilespmem:s22+$0xA180];
	[tilespmem:s20+$0x2180] =	vst v3;
	s20 =	smov.u32 s22  }
0x112: {  	v3 =	vld [tilespmem:s20+$0x2180];
	_ =	sdelay $0x1  }
.Ltmp9:
0x113: {  	(pc) =	sbr.rel @p0 .LBB2_20-.Ltmp9, $4  }
0x114: {  	_ = 	snop  }
0x115: {  	s19 =	sadd.s32 $0x80, s19  }
0x116: {  	s22 =	sand.u32 $0x70, s21;
	s23 =	sand.u32 $0x1C00, s19;
	v3 =	vadd.f32 v4, v3  }
0x117: {  	s21 =	sadd.s32 $0x10, s21;
	s22 =	sor.u32 s23, s22  }
0x118: {  	v4 =	vld [tilespmem:s22+$0xA180];
	[tilespmem:s20+$0x2180] =	vst v3  }
0x119: {  	v3 =	vld [tilespmem:s22+$0x2180];
	_ =	sdelay $0x4  }
0x11a: {  	v3 =	vadd.f32 v4, v3;
	_ =	sdelay $0x1  }
0x11b: {  	[tilespmem:s22+$0x2180] =	vst v3  }
0x11c: {  	v3 =	vld [tilespmem:s17+$0xA200]  }
0x11d: {  	v4 =	vld [tilespmem:s17+$0x2200];
	_ =	sdelay $0x3  }
0x11e: {  	s19 =	simm.s32 $0x80  }
0x11f: {  	s23 =	sand.u32 $0x1C00, s19;
	v3 =	vadd.f32 v3, v4  }
0x120: {  	s20 =	sor.u32 s23, s18;
	s18 =	simm.s32 $0x20  }
.LBB2_22:
0x121: {  	p0 =	sne.s32 s18, $0x3F0;
	v4 =	vld [tilespmem:s20+$0xA200];
	[tilespmem:s17+$0x2200] =	vst v3;
	s17 =	smov.u32 s20  }
0x122: {  	v3 =	vld [tilespmem:s17+$0x2200];
	_ =	sdelay $0x1  }
.Ltmp10:
0x123: {  	(pc) =	sbr.rel @p0 .LBB2_22-.Ltmp10, $4  }
0x124: {  	_ = 	snop  }
0x125: {  	s19 =	sadd.s32 $0x80, s19  }
0x126: {  	s20 =	sand.u32 $0x70, s18;
	s21 =	sand.u32 $0x1C00, s19;
	v3 =	vadd.f32 v4, v3  }
0x127: {  	s18 =	sadd.s32 $0x10, s18;
	s20 =	sor.u32 s21, s20  }
0x128: {  	v4 =	vld [tilespmem:s20+$0xA200];
	[tilespmem:s17+$0x2200] =	vst v3  }
0x129: {  	v3 =	vld [tilespmem:s20+$0x2200];
	_ =	sdelay $0x4  }
0x12a: {  	s21 =	simm.s32 $0x0;
	v3 =	vadd.f32 v4, v3  }
0x12b: {  	s18 =	sand.u32 $0x70, s21;
	s17 =	sand.u32 $0x1C00, s21  }
0x12c: {  	s17 =	sor.u32 s17, s18;
	[tilespmem:s20+$0x2200] =	vst v3  }
0x12d: {  	v3 =	vld [tilespmem:s17+$0xA280]  }
0x12e: {  	v4 =	vld [tilespmem:s17+$0x2280];
	_ =	sdelay $0x3  }
0x12f: {  	s22 =	simm.s32 $0x10;
	s19 =	simm.s32 $0x80  }
0x130: {  	s23 =	sand.u32 $0x1C00, s19;
	s18 =	sand.u32 $0x70, s22;
	v3 =	vadd.f32 v3, v4  }
0x131: {  	s21 =	simm.s32 $0x20;
	s22 =	sor.u32 s23, s18;
	s20 =	smov.u32 s17  }
.LBB2_24:
0x132: {  	p0 =	sne.s32 s21, $0x3F0;
	v4 =	vld [tilespmem:s22+$0xA280];
	[tilespmem:s20+$0x2280] =	vst v3;
	s20 =	smov.u32 s22  }
0x133: {  	v3 =	vld [tilespmem:s20+$0x2280];
	_ =	sdelay $0x1  }
.Ltmp11:
0x134: {  	(pc) =	sbr.rel @p0 .LBB2_24-.Ltmp11, $4  }
0x135: {  	_ = 	snop  }
0x136: {  	s19 =	sadd.s32 $0x80, s19  }
0x137: {  	s22 =	sand.u32 $0x70, s21;
	s23 =	sand.u32 $0x1C00, s19;
	v3 =	vadd.f32 v4, v3  }
0x138: {  	s21 =	sadd.s32 $0x10, s21;
	s22 =	sor.u32 s23, s22  }
0x139: {  	v4 =	vld [tilespmem:s22+$0xA280];
	[tilespmem:s20+$0x2280] =	vst v3  }
0x13a: {  	v3 =	vld [tilespmem:s22+$0x2280];
	_ =	sdelay $0x4  }
0x13b: {  	v3 =	vadd.f32 v4, v3;
	_ =	sdelay $0x1  }
0x13c: {  	[tilespmem:s22+$0x2280] =	vst v3  }
0x13d: {  	v3 =	vld [tilespmem:s17+$0xA300]  }
0x13e: {  	v4 =	vld [tilespmem:s17+$0x2300];
	_ =	sdelay $0x3  }
0x13f: {  	s19 =	simm.s32 $0x80  }
0x140: {  	s23 =	sand.u32 $0x1C00, s19;
	v3 =	vadd.f32 v3, v4  }
0x141: {  	s20 =	sor.u32 s23, s18;
	s18 =	simm.s32 $0x20  }
.LBB2_26:
0x142: {  	p0 =	sne.s32 s18, $0x3F0;
	v4 =	vld [tilespmem:s20+$0xA300];
	[tilespmem:s17+$0x2300] =	vst v3;
	s17 =	smov.u32 s20  }
0x143: {  	v3 =	vld [tilespmem:s17+$0x2300];
	_ =	sdelay $0x1  }
.Ltmp12:
0x144: {  	(pc) =	sbr.rel @p0 .LBB2_26-.Ltmp12, $4  }
0x145: {  	_ = 	snop  }
0x146: {  	s19 =	sadd.s32 $0x80, s19  }
0x147: {  	s20 =	sand.u32 $0x70, s18;
	s21 =	sand.u32 $0x1C00, s19;
	v3 =	vadd.f32 v4, v3  }
0x148: {  	s18 =	sadd.s32 $0x10, s18;
	s20 =	sor.u32 s21, s20  }
0x149: {  	v4 =	vld [tilespmem:s20+$0xA300];
	[tilespmem:s17+$0x2300] =	vst v3  }
0x14a: {  	v3 =	vld [tilespmem:s20+$0x2300];
	_ =	sdelay $0x4  }
0x14b: {  	s21 =	simm.s32 $0x0;
	v3 =	vadd.f32 v4, v3  }
0x14c: {  	s18 =	sand.u32 $0x70, s21;
	s17 =	sand.u32 $0x1C00, s21  }
0x14d: {  	s17 =	sor.u32 s17, s18;
	[tilespmem:s20+$0x2300] =	vst v3  }
0x14e: {  	v3 =	vld [tilespmem:s17+$0xA380]  }
0x14f: {  	v4 =	vld [tilespmem:s17+$0x2380];
	_ =	sdelay $0x3  }
0x150: {  	s22 =	simm.s32 $0x10;
	s19 =	simm.s32 $0x80  }
0x151: {  	s23 =	sand.u32 $0x1C00, s19;
	s18 =	sand.u32 $0x70, s22;
	v3 =	vadd.f32 v3, v4  }
0x152: {  	s21 =	simm.s32 $0x20;
	s22 =	sor.u32 s23, s18;
	s20 =	smov.u32 s17  }
.LBB2_28:
0x153: {  	p0 =	sne.s32 s21, $0x3F0;
	v4 =	vld [tilespmem:s22+$0xA380];
	[tilespmem:s20+$0x2380] =	vst v3;
	s20 =	smov.u32 s22  }
0x154: {  	v3 =	vld [tilespmem:s20+$0x2380];
	_ =	sdelay $0x1  }
.Ltmp13:
0x155: {  	(pc) =	sbr.rel @p0 .LBB2_28-.Ltmp13, $4  }
0x156: {  	_ = 	snop  }
0x157: {  	s19 =	sadd.s32 $0x80, s19  }
0x158: {  	s22 =	sand.u32 $0x70, s21;
	s23 =	sand.u32 $0x1C00, s19;
	v3 =	vadd.f32 v4, v3  }
0x159: {  	s21 =	sadd.s32 $0x10, s21;
	s22 =	sor.u32 s23, s22  }
0x15a: {  	v4 =	vld [tilespmem:s22+$0xA380];
	[tilespmem:s20+$0x2380] =	vst v3  }
0x15b: {  	v3 =	vld [tilespmem:s22+$0x2380];
	_ =	sdelay $0x4  }
0x15c: {  	v3 =	vadd.f32 v4, v3;
	_ =	sdelay $0x1  }
0x15d: {  	[tilespmem:s22+$0x2380] =	vst v3  }
0x15e: {  	v3 =	vld [tilespmem:s17+$0xA400]  }
0x15f: {  	v4 =	vld [tilespmem:s17+$0x2400];
	_ =	sdelay $0x3  }
0x160: {  	s19 =	simm.s32 $0x80  }
0x161: {  	s23 =	sand.u32 $0x1C00, s19;
	v3 =	vadd.f32 v3, v4  }
0x162: {  	s20 =	sor.u32 s23, s18;
	s18 =	simm.s32 $0x20  }
.LBB2_30:
0x163: {  	p0 =	sne.s32 s18, $0x3F0;
	v4 =	vld [tilespmem:s20+$0xA400];
	[tilespmem:s17+$0x2400] =	vst v3;
	s17 =	smov.u32 s20  }
0x164: {  	v3 =	vld [tilespmem:s17+$0x2400];
	_ =	sdelay $0x1  }
.Ltmp14:
0x165: {  	(pc) =	sbr.rel @p0 .LBB2_30-.Ltmp14, $4  }
0x166: {  	_ = 	snop  }
0x167: {  	s19 =	sadd.s32 $0x80, s19  }
0x168: {  	s20 =	sand.u32 $0x70, s18;
	s21 =	sand.u32 $0x1C00, s19;
	v3 =	vadd.f32 v4, v3  }
0x169: {  	s18 =	sadd.s32 $0x10, s18;
	s20 =	sor.u32 s21, s20  }
0x16a: {  	v4 =	vld [tilespmem:s20+$0xA400];
	[tilespmem:s17+$0x2400] =	vst v3  }
0x16b: {  	v3 =	vld [tilespmem:s20+$0x2400];
	_ =	sdelay $0x4  }
0x16c: {  	s17 =	simm.s32 $0x0;
	v3 =	vadd.f32 v4, v3  }
0x16d: {  	s18 =	sor.u32 s17, s17  }
0x16e: {  	s19 =	sor.u32 $0x2380, s18;
	[tilespmem:s20+$0x2400] =	vst v3  }
0x16f: {  	v3 =	vld [tilespmem:s19+$0x8100]  }
0x170: {  	v4 =	vld [tilespmem:s19+$0x100];
	_ =	sdelay $0x3  }
0x171: {  	s18 =	simm.s32 $0x10;
	s20 =	simm.s32 $0x80  }
0x172: {  	s21 =	sor.u32 s20, s18;
	v3 =	vadd.f32 v3, v4  }
0x173: {  	s22 =	sor.u32 $0x2380, s21;
	s21 =	simm.s32 $0x20  }
.LBB2_32:
0x174: {  	p0 =	sne.s32 s21, $0x3F0;
	v4 =	vld [tilespmem:s22+$0x8100];
	[tilespmem:s19+$0x100] =	vst v3;
	s19 =	smov.u32 s22  }
0x175: {  	v3 =	vld [tilespmem:s19+$0x100];
	_ =	sdelay $0x1  }
.Ltmp15:
0x176: {  	(pc) =	sbr.rel @p0 .LBB2_32-.Ltmp15, $4  }
0x177: {  	_ = 	snop  }
0x178: {  	s20 =	sadd.s32 $0x80, s20  }
0x179: {  	s22 =	sor.u32 s20, s21;
	v3 =	vadd.f32 v4, v3  }
0x17a: {  	s21 =	sadd.s32 $0x10, s21;
	s22 =	sor.u32 $0x2380, s22  }
0x17b: {  	v4 =	vld [tilespmem:s22+$0x8100];
	[tilespmem:s19+$0x100] =	vst v3  }
0x17c: {  	v3 =	vld [tilespmem:s22+$0x100];
	_ =	sdelay $0x4  }
0x17d: {  	v3 =	vadd.f32 v4, v3  }
0x17e: {  	s21 =	sand.u32 $0x70, s17;
	s23 =	sand.u32 $0x1C00, s17  }
0x17f: {  	s17 =	sor.u32 s23, s21;
	[tilespmem:s22+$0x100] =	vst v3  }
0x180: {  	v3 =	vld [tilespmem:s17+$0xC100]  }
0x181: {  	v4 =	vld [tilespmem:s17+$0x4100];
	_ =	sdelay $0x3  }
0x182: {  	s19 =	simm.s32 $0x80  }
0x183: {  	s18 =	sand.u32 $0x70, s18;
	s20 =	sand.u32 $0x1C00, s19;
	v3 =	vadd.f32 v3, v4  }
0x184: {  	s20 =	sor.u32 s20, s18;
	s18 =	simm.s32 $0x20  }
.LBB2_34:
0x185: {  	p0 =	sne.s32 s18, $0x3F0;
	v4 =	vld [tilespmem:s20+$0xC100];
	[tilespmem:s17+$0x4100] =	vst v3;
	s17 =	smov.u32 s20  }
0x186: {  	v3 =	vld [tilespmem:s17+$0x4100];
	_ =	sdelay $0x1  }
.Ltmp16:
0x187: {  	(pc) =	sbr.rel @p0 .LBB2_34-.Ltmp16, $4  }
0x188: {  	_ = 	snop  }
0x189: {  	s19 =	sadd.s32 $0x80, s19  }
0x18a: {  	s20 =	sand.u32 $0x70, s18;
	s21 =	sand.u32 $0x1C00, s19;
	v3 =	vadd.f32 v4, v3  }
0x18b: {  	s18 =	sadd.s32 $0x10, s18;
	s20 =	sor.u32 s21, s20  }
0x18c: {  	v4 =	vld [tilespmem:s20+$0xC100];
	[tilespmem:s17+$0x4100] =	vst v3  }
0x18d: {  	v3 =	vld [tilespmem:s20+$0x4100];
	_ =	sdelay $0x4  }
0x18e: {  	s21 =	simm.s32 $0x0;
	v3 =	vadd.f32 v4, v3  }
0x18f: {  	s18 =	sand.u32 $0x70, s21;
	s17 =	sand.u32 $0x1C00, s21  }
0x190: {  	s17 =	sor.u32 s17, s18;
	[tilespmem:s20+$0x4100] =	vst v3  }
0x191: {  	v3 =	vld [tilespmem:s17+$0xC180]  }
0x192: {  	v4 =	vld [tilespmem:s17+$0x4180];
	_ =	sdelay $0x3  }
0x193: {  	s22 =	simm.s32 $0x10;
	s19 =	simm.s32 $0x80  }
0x194: {  	s23 =	sand.u32 $0x1C00, s19;
	s18 =	sand.u32 $0x70, s22;
	v3 =	vadd.f32 v3, v4  }
0x195: {  	s21 =	simm.s32 $0x20;
	s22 =	sor.u32 s23, s18;
	s20 =	smov.u32 s17  }
.LBB2_36:
0x196: {  	p0 =	sne.s32 s21, $0x3F0;
	v4 =	vld [tilespmem:s22+$0xC180];
	[tilespmem:s20+$0x4180] =	vst v3;
	s20 =	smov.u32 s22  }
0x197: {  	v3 =	vld [tilespmem:s20+$0x4180];
	_ =	sdelay $0x1  }
.Ltmp17:
0x198: {  	(pc) =	sbr.rel @p0 .LBB2_36-.Ltmp17, $4  }
0x199: {  	_ = 	snop  }
0x19a: {  	s19 =	sadd.s32 $0x80, s19  }
0x19b: {  	s22 =	sand.u32 $0x70, s21;
	s23 =	sand.u32 $0x1C00, s19;
	v3 =	vadd.f32 v4, v3  }
0x19c: {  	s21 =	sadd.s32 $0x10, s21;
	s22 =	sor.u32 s23, s22  }
0x19d: {  	v4 =	vld [tilespmem:s22+$0xC180];
	[tilespmem:s20+$0x4180] =	vst v3  }
0x19e: {  	v3 =	vld [tilespmem:s22+$0x4180];
	_ =	sdelay $0x4  }
0x19f: {  	v3 =	vadd.f32 v4, v3;
	_ =	sdelay $0x1  }
0x1a0: {  	[tilespmem:s22+$0x4180] =	vst v3  }
0x1a1: {  	v3 =	vld [tilespmem:s17+$0xC200]  }
0x1a2: {  	v4 =	vld [tilespmem:s17+$0x4200];
	_ =	sdelay $0x3  }
0x1a3: {  	s19 =	simm.s32 $0x80  }
0x1a4: {  	s23 =	sand.u32 $0x1C00, s19;
	v3 =	vadd.f32 v3, v4  }
0x1a5: {  	s20 =	sor.u32 s23, s18;
	s18 =	simm.s32 $0x20  }
.LBB2_38:
0x1a6: {  	p0 =	sne.s32 s18, $0x3F0;
	v4 =	vld [tilespmem:s20+$0xC200];
	[tilespmem:s17+$0x4200] =	vst v3;
	s17 =	smov.u32 s20  }
0x1a7: {  	v3 =	vld [tilespmem:s17+$0x4200];
	_ =	sdelay $0x1  }
.Ltmp18:
0x1a8: {  	(pc) =	sbr.rel @p0 .LBB2_38-.Ltmp18, $4  }
0x1a9: {  	_ = 	snop  }
0x1aa: {  	s19 =	sadd.s32 $0x80, s19  }
0x1ab: {  	s20 =	sand.u32 $0x70, s18;
	s21 =	sand.u32 $0x1C00, s19;
	v3 =	vadd.f32 v4, v3  }
0x1ac: {  	s18 =	sadd.s32 $0x10, s18;
	s20 =	sor.u32 s21, s20  }
0x1ad: {  	v4 =	vld [tilespmem:s20+$0xC200];
	[tilespmem:s17+$0x4200] =	vst v3  }
0x1ae: {  	v3 =	vld [tilespmem:s20+$0x4200];
	_ =	sdelay $0x4  }
0x1af: {  	s21 =	simm.s32 $0x0;
	v3 =	vadd.f32 v4, v3  }
0x1b0: {  	s18 =	sand.u32 $0x70, s21;
	s17 =	sand.u32 $0x1C00, s21  }
0x1b1: {  	s17 =	sor.u32 s17, s18;
	[tilespmem:s20+$0x4200] =	vst v3  }
0x1b2: {  	v3 =	vld [tilespmem:s17+$0xC280]  }
0x1b3: {  	v4 =	vld [tilespmem:s17+$0x4280];
	_ =	sdelay $0x3  }
0x1b4: {  	s22 =	simm.s32 $0x10;
	s19 =	simm.s32 $0x80  }
0x1b5: {  	s23 =	sand.u32 $0x1C00, s19;
	s18 =	sand.u32 $0x70, s22;
	v3 =	vadd.f32 v3, v4  }
0x1b6: {  	s21 =	simm.s32 $0x20;
	s22 =	sor.u32 s23, s18;
	s20 =	smov.u32 s17  }
.LBB2_40:
0x1b7: {  	p0 =	sne.s32 s21, $0x3F0;
	v4 =	vld [tilespmem:s22+$0xC280];
	[tilespmem:s20+$0x4280] =	vst v3;
	s20 =	smov.u32 s22  }
0x1b8: {  	v3 =	vld [tilespmem:s20+$0x4280];
	_ =	sdelay $0x1  }
.Ltmp19:
0x1b9: {  	(pc) =	sbr.rel @p0 .LBB2_40-.Ltmp19, $4  }
0x1ba: {  	_ = 	snop  }
0x1bb: {  	s19 =	sadd.s32 $0x80, s19  }
0x1bc: {  	s22 =	sand.u32 $0x70, s21;
	s23 =	sand.u32 $0x1C00, s19;
	v3 =	vadd.f32 v4, v3  }
0x1bd: {  	s21 =	sadd.s32 $0x10, s21;
	s22 =	sor.u32 s23, s22  }
0x1be: {  	v4 =	vld [tilespmem:s22+$0xC280];
	[tilespmem:s20+$0x4280] =	vst v3  }
0x1bf: {  	v3 =	vld [tilespmem:s22+$0x4280];
	_ =	sdelay $0x4  }
0x1c0: {  	v3 =	vadd.f32 v4, v3;
	_ =	sdelay $0x1  }
0x1c1: {  	[tilespmem:s22+$0x4280] =	vst v3  }
0x1c2: {  	v3 =	vld [tilespmem:s17+$0xC300]  }
0x1c3: {  	v4 =	vld [tilespmem:s17+$0x4300];
	_ =	sdelay $0x3  }
0x1c4: {  	s19 =	simm.s32 $0x80  }
0x1c5: {  	s23 =	sand.u32 $0x1C00, s19;
	v3 =	vadd.f32 v3, v4  }
0x1c6: {  	s20 =	sor.u32 s23, s18;
	s18 =	simm.s32 $0x20  }
.LBB2_42:
0x1c7: {  	p0 =	sne.s32 s18, $0x3F0;
	v4 =	vld [tilespmem:s20+$0xC300];
	[tilespmem:s17+$0x4300] =	vst v3;
	s17 =	smov.u32 s20  }
0x1c8: {  	v3 =	vld [tilespmem:s17+$0x4300];
	_ =	sdelay $0x1  }
.Ltmp20:
0x1c9: {  	(pc) =	sbr.rel @p0 .LBB2_42-.Ltmp20, $4  }
0x1ca: {  	_ = 	snop  }
0x1cb: {  	s19 =	sadd.s32 $0x80, s19  }
0x1cc: {  	s20 =	sand.u32 $0x70, s18;
	s21 =	sand.u32 $0x1C00, s19;
	v3 =	vadd.f32 v4, v3  }
0x1cd: {  	s18 =	sadd.s32 $0x10, s18;
	s20 =	sor.u32 s21, s20  }
0x1ce: {  	v4 =	vld [tilespmem:s20+$0xC300];
	[tilespmem:s17+$0x4300] =	vst v3  }
0x1cf: {  	v3 =	vld [tilespmem:s20+$0x4300];
	_ =	sdelay $0x4  }
0x1d0: {  	s21 =	simm.s32 $0x0;
	v3 =	vadd.f32 v4, v3  }
0x1d1: {  	s18 =	sand.u32 $0x70, s21;
	s17 =	sand.u32 $0x1C00, s21  }
0x1d2: {  	s17 =	sor.u32 s17, s18;
	[tilespmem:s20+$0x4300] =	vst v3  }
0x1d3: {  	v3 =	vld [tilespmem:s17+$0xC380]  }
0x1d4: {  	v4 =	vld [tilespmem:s17+$0x4380];
	_ =	sdelay $0x3  }
0x1d5: {  	s22 =	simm.s32 $0x10;
	s19 =	simm.s32 $0x80  }
0x1d6: {  	s23 =	sand.u32 $0x1C00, s19;
	s18 =	sand.u32 $0x70, s22;
	v3 =	vadd.f32 v3, v4  }
0x1d7: {  	s21 =	simm.s32 $0x20;
	s22 =	sor.u32 s23, s18;
	s20 =	smov.u32 s17  }
.LBB2_44:
0x1d8: {  	p0 =	sne.s32 s21, $0x3F0;
	v4 =	vld [tilespmem:s22+$0xC380];
	[tilespmem:s20+$0x4380] =	vst v3;
	s20 =	smov.u32 s22  }
0x1d9: {  	v3 =	vld [tilespmem:s20+$0x4380];
	_ =	sdelay $0x1  }
.Ltmp21:
0x1da: {  	(pc) =	sbr.rel @p0 .LBB2_44-.Ltmp21, $4  }
0x1db: {  	_ = 	snop  }
0x1dc: {  	s19 =	sadd.s32 $0x80, s19  }
0x1dd: {  	s22 =	sand.u32 $0x70, s21;
	s23 =	sand.u32 $0x1C00, s19;
	v3 =	vadd.f32 v4, v3  }
0x1de: {  	s21 =	sadd.s32 $0x10, s21;
	s22 =	sor.u32 s23, s22  }
0x1df: {  	v4 =	vld [tilespmem:s22+$0xC380];
	[tilespmem:s20+$0x4380] =	vst v3  }
0x1e0: {  	v3 =	vld [tilespmem:s22+$0x4380];
	_ =	sdelay $0x4  }
0x1e1: {  	v3 =	vadd.f32 v4, v3;
	_ =	sdelay $0x1  }
0x1e2: {  	[tilespmem:s22+$0x4380] =	vst v3  }
0x1e3: {  	v3 =	vld [tilespmem:s17+$0xC400]  }
0x1e4: {  	v4 =	vld [tilespmem:s17+$0x4400];
	_ =	sdelay $0x3  }
0x1e5: {  	s19 =	simm.s32 $0x80  }
0x1e6: {  	s23 =	sand.u32 $0x1C00, s19;
	v3 =	vadd.f32 v3, v4  }
0x1e7: {  	s20 =	sor.u32 s23, s18;
	s18 =	simm.s32 $0x20  }
.LBB2_46:
0x1e8: {  	p0 =	sne.s32 s18, $0x3F0;
	v4 =	vld [tilespmem:s20+$0xC400];
	[tilespmem:s17+$0x4400] =	vst v3;
	s17 =	smov.u32 s20  }
0x1e9: {  	v3 =	vld [tilespmem:s17+$0x4400];
	_ =	sdelay $0x1  }
.Ltmp22:
0x1ea: {  	(pc) =	sbr.rel @p0 .LBB2_46-.Ltmp22, $4  }
0x1eb: {  	_ = 	snop  }
0x1ec: {  	s19 =	sadd.s32 $0x80, s19  }
0x1ed: {  	s20 =	sand.u32 $0x70, s18;
	s21 =	sand.u32 $0x1C00, s19;
	v3 =	vadd.f32 v4, v3  }
0x1ee: {  	s18 =	sadd.s32 $0x10, s18;
	s20 =	sor.u32 s21, s20  }
0x1ef: {  	v4 =	vld [tilespmem:s20+$0xC400];
	[tilespmem:s17+$0x4400] =	vst v3  }
0x1f0: {  	v3 =	vld [tilespmem:s20+$0x4400];
	_ =	sdelay $0x4  }
0x1f1: {  	s17 =	simm.s32 $0x0;
	v3 =	vadd.f32 v4, v3  }
0x1f2: {  	s18 =	sor.u32 s17, s17  }
0x1f3: {  	s19 =	sor.u32 $0x4380, s18;
	[tilespmem:s20+$0x4400] =	vst v3  }
0x1f4: {  	v3 =	vld [tilespmem:s19+$0x8100]  }
0x1f5: {  	v4 =	vld [tilespmem:s19+$0x100];
	_ =	sdelay $0x3  }
0x1f6: {  	s18 =	simm.s32 $0x10;
	s20 =	simm.s32 $0x80  }
0x1f7: {  	s21 =	sor.u32 s20, s18;
	v3 =	vadd.f32 v3, v4  }
0x1f8: {  	s22 =	sor.u32 $0x4380, s21;
	s21 =	simm.s32 $0x20  }
.LBB2_48:
0x1f9: {  	p0 =	sne.s32 s21, $0x3F0;
	v4 =	vld [tilespmem:s22+$0x8100];
	[tilespmem:s19+$0x100] =	vst v3;
	s19 =	smov.u32 s22  }
0x1fa: {  	v3 =	vld [tilespmem:s19+$0x100];
	_ =	sdelay $0x1  }
.Ltmp23:
0x1fb: {  	(pc) =	sbr.rel @p0 .LBB2_48-.Ltmp23, $4  }
0x1fc: {  	_ = 	snop  }
0x1fd: {  	s20 =	sadd.s32 $0x80, s20  }
0x1fe: {  	s22 =	sor.u32 s20, s21;
	v3 =	vadd.f32 v4, v3  }
0x1ff: {  	s21 =	sadd.s32 $0x10, s21;
	s22 =	sor.u32 $0x4380, s22  }
0x200: {  	v4 =	vld [tilespmem:s22+$0x8100];
	[tilespmem:s19+$0x100] =	vst v3  }
0x201: {  	v3 =	vld [tilespmem:s22+$0x100];
	_ =	sdelay $0x4  }
0x202: {  	v3 =	vadd.f32 v4, v3  }
0x203: {  	s21 =	sand.u32 $0x70, s17;
	s23 =	sand.u32 $0x1C00, s17  }
0x204: {  	s17 =	sor.u32 s23, s21;
	[tilespmem:s22+$0x100] =	vst v3  }
0x205: {  	v3 =	vld [tilespmem:s17+$0xE100]  }
0x206: {  	v4 =	vld [tilespmem:s17+$0x6100];
	_ =	sdelay $0x3  }
0x207: {  	s19 =	simm.s32 $0x80  }
0x208: {  	s18 =	sand.u32 $0x70, s18;
	s20 =	sand.u32 $0x1C00, s19;
	v3 =	vadd.f32 v3, v4  }
0x209: {  	s20 =	sor.u32 s20, s18;
	s18 =	simm.s32 $0x20  }
.LBB2_50:
0x20a: {  	p0 =	sne.s32 s18, $0x3F0;
	v4 =	vld [tilespmem:s20+$0xE100];
	[tilespmem:s17+$0x6100] =	vst v3;
	s17 =	smov.u32 s20  }
0x20b: {  	v3 =	vld [tilespmem:s17+$0x6100];
	_ =	sdelay $0x1  }
.Ltmp24:
0x20c: {  	(pc) =	sbr.rel @p0 .LBB2_50-.Ltmp24, $4  }
0x20d: {  	_ = 	snop  }
0x20e: {  	s19 =	sadd.s32 $0x80, s19  }
0x20f: {  	s20 =	sand.u32 $0x70, s18;
	s21 =	sand.u32 $0x1C00, s19;
	v3 =	vadd.f32 v4, v3  }
0x210: {  	s18 =	sadd.s32 $0x10, s18;
	s20 =	sor.u32 s21, s20  }
0x211: {  	v4 =	vld [tilespmem:s20+$0xE100];
	[tilespmem:s17+$0x6100] =	vst v3  }
0x212: {  	v3 =	vld [tilespmem:s20+$0x6100];
	_ =	sdelay $0x4  }
0x213: {  	s21 =	simm.s32 $0x0;
	v3 =	vadd.f32 v4, v3  }
0x214: {  	s18 =	sand.u32 $0x70, s21;
	s17 =	sand.u32 $0x1C00, s21  }
0x215: {  	s17 =	sor.u32 s17, s18;
	[tilespmem:s20+$0x6100] =	vst v3  }
0x216: {  	v3 =	vld [tilespmem:s17+$0xE180]  }
0x217: {  	v4 =	vld [tilespmem:s17+$0x6180];
	_ =	sdelay $0x3  }
0x218: {  	s22 =	simm.s32 $0x10;
	s19 =	simm.s32 $0x80  }
0x219: {  	s23 =	sand.u32 $0x1C00, s19;
	s18 =	sand.u32 $0x70, s22;
	v3 =	vadd.f32 v3, v4  }
0x21a: {  	s21 =	simm.s32 $0x20;
	s22 =	sor.u32 s23, s18;
	s20 =	smov.u32 s17  }
.LBB2_52:
0x21b: {  	p0 =	sne.s32 s21, $0x3F0;
	v4 =	vld [tilespmem:s22+$0xE180];
	[tilespmem:s20+$0x6180] =	vst v3;
	s20 =	smov.u32 s22  }
0x21c: {  	v3 =	vld [tilespmem:s20+$0x6180];
	_ =	sdelay $0x1  }
.Ltmp25:
0x21d: {  	(pc) =	sbr.rel @p0 .LBB2_52-.Ltmp25, $4  }
0x21e: {  	_ = 	snop  }
0x21f: {  	s19 =	sadd.s32 $0x80, s19  }
0x220: {  	s22 =	sand.u32 $0x70, s21;
	s23 =	sand.u32 $0x1C00, s19;
	v3 =	vadd.f32 v4, v3  }
0x221: {  	s21 =	sadd.s32 $0x10, s21;
	s22 =	sor.u32 s23, s22  }
0x222: {  	v4 =	vld [tilespmem:s22+$0xE180];
	[tilespmem:s20+$0x6180] =	vst v3  }
0x223: {  	v3 =	vld [tilespmem:s22+$0x6180];
	_ =	sdelay $0x4  }
0x224: {  	v3 =	vadd.f32 v4, v3;
	_ =	sdelay $0x1  }
0x225: {  	[tilespmem:s22+$0x6180] =	vst v3  }
0x226: {  	v3 =	vld [tilespmem:s17+$0xE200]  }
0x227: {  	v4 =	vld [tilespmem:s17+$0x6200];
	_ =	sdelay $0x3  }
0x228: {  	s19 =	simm.s32 $0x80  }
0x229: {  	s23 =	sand.u32 $0x1C00, s19;
	v3 =	vadd.f32 v3, v4  }
0x22a: {  	s20 =	sor.u32 s23, s18;
	s18 =	simm.s32 $0x20  }
.LBB2_54:
0x22b: {  	p0 =	sne.s32 s18, $0x3F0;
	v4 =	vld [tilespmem:s20+$0xE200];
	[tilespmem:s17+$0x6200] =	vst v3;
	s17 =	smov.u32 s20  }
0x22c: {  	v3 =	vld [tilespmem:s17+$0x6200];
	_ =	sdelay $0x1  }
.Ltmp26:
0x22d: {  	(pc) =	sbr.rel @p0 .LBB2_54-.Ltmp26, $4  }
0x22e: {  	_ = 	snop  }
0x22f: {  	s19 =	sadd.s32 $0x80, s19  }
0x230: {  	s20 =	sand.u32 $0x70, s18;
	s21 =	sand.u32 $0x1C00, s19;
	v3 =	vadd.f32 v4, v3  }
0x231: {  	s18 =	sadd.s32 $0x10, s18;
	s20 =	sor.u32 s21, s20  }
0x232: {  	v4 =	vld [tilespmem:s20+$0xE200];
	[tilespmem:s17+$0x6200] =	vst v3  }
0x233: {  	v3 =	vld [tilespmem:s20+$0x6200];
	_ =	sdelay $0x4  }
0x234: {  	s21 =	simm.s32 $0x0;
	v3 =	vadd.f32 v4, v3  }
0x235: {  	s18 =	sand.u32 $0x70, s21;
	s17 =	sand.u32 $0x1C00, s21  }
0x236: {  	s17 =	sor.u32 s17, s18;
	[tilespmem:s20+$0x6200] =	vst v3  }
0x237: {  	v3 =	vld [tilespmem:s17+$0xE280]  }
0x238: {  	v4 =	vld [tilespmem:s17+$0x6280];
	_ =	sdelay $0x3  }
0x239: {  	s22 =	simm.s32 $0x10;
	s19 =	simm.s32 $0x80  }
0x23a: {  	s23 =	sand.u32 $0x1C00, s19;
	s18 =	sand.u32 $0x70, s22;
	v3 =	vadd.f32 v3, v4  }
0x23b: {  	s21 =	simm.s32 $0x20;
	s22 =	sor.u32 s23, s18;
	s20 =	smov.u32 s17  }
.LBB2_56:
0x23c: {  	p0 =	sne.s32 s21, $0x3F0;
	v4 =	vld [tilespmem:s22+$0xE280];
	[tilespmem:s20+$0x6280] =	vst v3;
	s20 =	smov.u32 s22  }
0x23d: {  	v3 =	vld [tilespmem:s20+$0x6280];
	_ =	sdelay $0x1  }
.Ltmp27:
0x23e: {  	(pc) =	sbr.rel @p0 .LBB2_56-.Ltmp27, $4  }
0x23f: {  	_ = 	snop  }
0x240: {  	s19 =	sadd.s32 $0x80, s19  }
0x241: {  	s22 =	sand.u32 $0x70, s21;
	s23 =	sand.u32 $0x1C00, s19;
	v3 =	vadd.f32 v4, v3  }
0x242: {  	s21 =	sadd.s32 $0x10, s21;
	s22 =	sor.u32 s23, s22  }
0x243: {  	v4 =	vld [tilespmem:s22+$0xE280];
	[tilespmem:s20+$0x6280] =	vst v3  }
0x244: {  	v3 =	vld [tilespmem:s22+$0x6280];
	_ =	sdelay $0x4  }
0x245: {  	v3 =	vadd.f32 v4, v3;
	_ =	sdelay $0x1  }
0x246: {  	[tilespmem:s22+$0x6280] =	vst v3  }
0x247: {  	v3 =	vld [tilespmem:s17+$0xE300]  }
0x248: {  	v4 =	vld [tilespmem:s17+$0x6300];
	_ =	sdelay $0x3  }
0x249: {  	s19 =	simm.s32 $0x80  }
0x24a: {  	s23 =	sand.u32 $0x1C00, s19;
	v3 =	vadd.f32 v3, v4  }
0x24b: {  	s20 =	sor.u32 s23, s18;
	s18 =	simm.s32 $0x20  }
.LBB2_58:
0x24c: {  	p0 =	sne.s32 s18, $0x3F0;
	v4 =	vld [tilespmem:s20+$0xE300];
	[tilespmem:s17+$0x6300] =	vst v3;
	s17 =	smov.u32 s20  }
0x24d: {  	v3 =	vld [tilespmem:s17+$0x6300];
	_ =	sdelay $0x1  }
.Ltmp28:
0x24e: {  	(pc) =	sbr.rel @p0 .LBB2_58-.Ltmp28, $4  }
0x24f: {  	_ = 	snop  }
0x250: {  	s19 =	sadd.s32 $0x80, s19  }
0x251: {  	s20 =	sand.u32 $0x70, s18;
	s21 =	sand.u32 $0x1C00, s19;
	v3 =	vadd.f32 v4, v3  }
0x252: {  	s18 =	sadd.s32 $0x10, s18;
	s20 =	sor.u32 s21, s20  }
0x253: {  	v4 =	vld [tilespmem:s20+$0xE300];
	[tilespmem:s17+$0x6300] =	vst v3  }
0x254: {  	v3 =	vld [tilespmem:s20+$0x6300];
	_ =	sdelay $0x4  }
0x255: {  	s21 =	simm.s32 $0x0;
	v3 =	vadd.f32 v4, v3  }
0x256: {  	s18 =	sand.u32 $0x70, s21;
	s17 =	sand.u32 $0x1C00, s21  }
0x257: {  	s17 =	sor.u32 s17, s18;
	[tilespmem:s20+$0x6300] =	vst v3  }
0x258: {  	v3 =	vld [tilespmem:s17+$0xE380]  }
0x259: {  	v4 =	vld [tilespmem:s17+$0x6380];
	_ =	sdelay $0x3  }
0x25a: {  	s22 =	simm.s32 $0x10;
	s19 =	simm.s32 $0x80  }
0x25b: {  	s23 =	sand.u32 $0x1C00, s19;
	s18 =	sand.u32 $0x70, s22;
	v3 =	vadd.f32 v3, v4  }
0x25c: {  	s21 =	simm.s32 $0x20;
	s22 =	sor.u32 s23, s18;
	s20 =	smov.u32 s17  }
.LBB2_60:
0x25d: {  	p0 =	sne.s32 s21, $0x3F0;
	v4 =	vld [tilespmem:s22+$0xE380];
	[tilespmem:s20+$0x6380] =	vst v3;
	s20 =	smov.u32 s22  }
0x25e: {  	v3 =	vld [tilespmem:s20+$0x6380];
	_ =	sdelay $0x1  }
.Ltmp29:
0x25f: {  	(pc) =	sbr.rel @p0 .LBB2_60-.Ltmp29, $4  }
0x260: {  	_ = 	snop  }
0x261: {  	s19 =	sadd.s32 $0x80, s19  }
0x262: {  	s22 =	sand.u32 $0x70, s21;
	s23 =	sand.u32 $0x1C00, s19;
	v3 =	vadd.f32 v4, v3  }
0x263: {  	s21 =	sadd.s32 $0x10, s21;
	s22 =	sor.u32 s23, s22  }
0x264: {  	v4 =	vld [tilespmem:s22+$0xE380];
	[tilespmem:s20+$0x6380] =	vst v3  }
0x265: {  	v3 =	vld [tilespmem:s22+$0x6380];
	_ =	sdelay $0x4  }
0x266: {  	v3 =	vadd.f32 v4, v3;
	_ =	sdelay $0x1  }
0x267: {  	[tilespmem:s22+$0x6380] =	vst v3  }
0x268: {  	v3 =	vld [tilespmem:s17+$0xE400]  }
0x269: {  	v4 =	vld [tilespmem:s17+$0x6400];
	_ =	sdelay $0x3  }
0x26a: {  	s19 =	simm.s32 $0x80  }
0x26b: {  	s23 =	sand.u32 $0x1C00, s19;
	v3 =	vadd.f32 v3, v4  }
0x26c: {  	s20 =	sor.u32 s23, s18;
	s18 =	simm.s32 $0x20  }
.LBB2_62:
0x26d: {  	p0 =	sne.s32 s18, $0x3F0;
	v4 =	vld [tilespmem:s20+$0xE400];
	[tilespmem:s17+$0x6400] =	vst v3;
	s17 =	smov.u32 s20  }
0x26e: {  	v3 =	vld [tilespmem:s17+$0x6400];
	_ =	sdelay $0x1  }
.Ltmp30:
0x26f: {  	(pc) =	sbr.rel @p0 .LBB2_62-.Ltmp30, $4  }
0x270: {  	_ = 	snop  }
0x271: {  	s19 =	sadd.s32 $0x80, s19  }
0x272: {  	s20 =	sand.u32 $0x70, s18;
	s21 =	sand.u32 $0x1C00, s19;
	v3 =	vadd.f32 v4, v3  }
0x273: {  	s18 =	sadd.s32 $0x10, s18;
	s20 =	sor.u32 s21, s20  }
0x274: {  	v4 =	vld [tilespmem:s20+$0xE400];
	[tilespmem:s17+$0x6400] =	vst v3  }
0x275: {  	v3 =	vld [tilespmem:s20+$0x6400];
	_ =	sdelay $0x4  }
0x276: {  	s23 =	simm.s32 $0x0;
	v3 =	vadd.f32 v4, v3  }
0x277: {  	s17 =	sor.u32 s23, s23  }
0x278: {  	s17 =	sor.u32 $0x6380, s17;
	[tilespmem:s20+$0x6400] =	vst v3  }
0x279: {  	v3 =	vld [tilespmem:s17+$0x8100]  }
0x27a: {  	v4 =	vld [tilespmem:s17+$0x100];
	_ =	sdelay $0x3  }
0x27b: {  	s19 =	simm.s32 $0x10;
	s18 =	simm.s32 $0x80  }
0x27c: {  	s19 =	sor.u32 s18, s19;
	v3 =	vadd.f32 v3, v4  }
0x27d: {  	s20 =	sor.u32 $0x6380, s19;
	s19 =	simm.s32 $0x20  }
.LBB2_64:
0x27e: {  	p0 =	sne.s32 s19, $0x3F0;
	v4 =	vld [tilespmem:s20+$0x8100];
	[tilespmem:s17+$0x100] =	vst v3;
	s17 =	smov.u32 s20  }
0x27f: {  	v3 =	vld [tilespmem:s17+$0x100];
	_ =	sdelay $0x1  }
.Ltmp31:
0x280: {  	(pc) =	sbr.rel @p0 .LBB2_64-.Ltmp31, $4  }
0x281: {  	_ = 	snop  }
0x282: {  	s18 =	sadd.s32 $0x80, s18  }
0x283: {  	s20 =	sor.u32 s18, s19;
	v3 =	vadd.f32 v4, v3  }
0x284: {  	s19 =	sadd.s32 $0x10, s19;
	s20 =	sor.u32 $0x6380, s20  }
0x285: {  	v4 =	vld [tilespmem:s20+$0x8100];
	[tilespmem:s17+$0x100] =	vst v3  }
0x286: {  	v3 =	vld [tilespmem:s20+$0x100];
	_ =	sdelay $0x4  }
0x287: {  	v3 =	vadd.f32 v4, v3;
	_ =	sdelay $0x1  }
0x288: {  	s17 =	simm.s32 $0x0;
	[tilespmem:s20+$0x100] =	vst v3  }
0x289: {  	[hbm4b:s9+s17] =	stream.linear.scatter [tilespmem:s16], [sflag:$0x3], $0x8000, $0x38;
	[tilespmem:$0x10100] =	vst v63  }
0x28a: {  	_ =	swait.ge [sflag:s14], $0x8000  }
0x28b: {  	[sflag:s14] =	ssyncset.done $0x0  }
0x28c: {  	[sflag:s14] =	ssyncadd.s32 $0xFFFF8000  }
0x28d: {  	[tilespmem:s17], [sflag:$0x3] =	stream.linear.gather [hbm4b:s10+s17], $0x20, $0x38;
	[tilespmem:$0x10100] =	vst v63  }
0x28e: {  	_ =	swait.ge [sflag:s14], $0x20  }
0x28f: {  	[sflag:s14] =	ssyncset.done $0x0  }
0x290: {  	[sflag:s14] =	ssyncadd.s32 $0xFFFFFFE0  }
0x291: {  	[tilespmem:s24], [sflag:$0x3] =	stream.linear.gather [hbm4b:s11+s17], $0x20, $0x38;
	[tilespmem:$0x10100] =	vst v63  }
0x292: {  	_ =	swait.ge [sflag:s14], $0x20  }
0x293: {  	[sflag:s14] =	ssyncset.done $0x0  }
0x294: {  	[sflag:s14] =	ssyncadd.s32 $0xFFFFFFE0  }
0x295: {  	v3 =	vld [tilespmem:$0x0];
	_ =	sdelay $0x4  }
0x296: {  	v4 =	vshll.u32 v3, $0x3  }
0x297: {  	v3 =	vand.u32 $0x7, v3;
	v4 =	vand.u32 $0xFFFFFFC0, v4  }
0x298: {  	v3 =	vor.u32 v3, v4  }
0x299: {  	v4 =	vperm.xlane v3, v0;
	_ =	sdelay $0x1  }
0x29a: {  	v4 =	vadd.s32 v1, v4;
	_ =	sdelay $0x4  }
0x29b: {  	[tilespmem:s16], [sflag:$0x1] =	stream.indirect_vreg.gather [hbm4b:s3+s17], $0x80, v4, vm0, $0xb8;
	[tilespmem:$0x10100] =	vst v63  }
0x29c: {  	s18 =	simm.s32 $0x900;
	v3 =	vperm.xlane v3, v2  }
0x29d: {  	[tilespmem:s18], [sflag:$0x1] =	stream.indirect_vreg.gather [hbm4b:s6+s17], $0x80, v4, vm0, $0xb8;
	[tilespmem:$0x10100] =	vst v63  }
0x29e: {  	s19 =	simm.s32 $0x1100;
	v3 =	vadd.s32 v1, v3  }
0x29f: {  	[tilespmem:s19], [sflag:$0x1] =	stream.indirect_vreg.gather [hbm4b:s7+s17], $0x80, v4, vm0, $0xb8;
	[tilespmem:$0x10100] =	vst v63  }
0x2a0: {  	s20 =	simm.s32 $0x1900  }
0x2a1: {  	[tilespmem:s20], [sflag:$0x1] =	stream.indirect_vreg.gather [hbm4b:s8+s17], $0x80, v4, vm0, $0xb8;
	[tilespmem:$0x10100] =	vst v63  }
0x2a2: {  	s21 =	simm.s32 $0x2100  }
0x2a3: {  	[tilespmem:s21], [sflag:$0x1] =	stream.indirect_vreg.gather [hbm4b:s3+s17], $0x80, v3, vm0, $0xb8;
	[tilespmem:$0x10100] =	vst v63  }
0x2a4: {  	s22 =	simm.s32 $0x2900  }
0x2a5: {  	[tilespmem:s22], [sflag:$0x1] =	stream.indirect_vreg.gather [hbm4b:s6+s17], $0x80, v3, vm0, $0xb8;
	[tilespmem:$0x10100] =	vst v63  }
0x2a6: {  	s23 =	simm.s32 $0x3100  }
0x2a7: {  	[tilespmem:s23], [sflag:$0x1] =	stream.indirect_vreg.gather [hbm4b:s7+s17], $0x80, v3, vm0, $0xb8;
	[tilespmem:$0x10100] =	vst v63  }
0x2a8: {  	s24 =	simm.s32 $0x3900  }
0x2a9: {  	[tilespmem:s24], [sflag:$0x1] =	stream.indirect_vreg.gather [hbm4b:s8+s17], $0x80, v3, vm0, $0xb8;
	[tilespmem:$0x10100] =	vst v63  }
0x2aa: {  	v3 =	vld [tilespmem:$0x10];
	_ =	sdelay $0x4  }
0x2ab: {  	v4 =	vshll.u32 v3, $0x3  }
0x2ac: {  	v3 =	vand.u32 $0x7, v3;
	v4 =	vand.u32 $0xFFFFFFC0, v4  }
0x2ad: {  	v3 =	vor.u32 v3, v4  }
0x2ae: {  	v4 =	vperm.xlane v3, v0;
	_ =	sdelay $0x1  }
0x2af: {  	v4 =	vadd.s32 v1, v4;
	_ =	sdelay $0x3  }
0x2b0: {  	s19 =	simm.s32 $0x4100  }
0x2b1: {  	[tilespmem:s19], [sflag:$0x1] =	stream.indirect_vreg.gather [hbm4b:s3+s17], $0x80, v4, vm0, $0xb8;
	[tilespmem:$0x10100] =	vst v63  }
0x2b2: {  	s20 =	simm.s32 $0x4900;
	v3 =	vperm.xlane v3, v2  }
0x2b3: {  	[tilespmem:s20], [sflag:$0x1] =	stream.indirect_vreg.gather [hbm4b:s6+s17], $0x80, v4, vm0, $0xb8;
	[tilespmem:$0x10100] =	vst v63  }
0x2b4: {  	s21 =	simm.s32 $0x5100;
	v3 =	vadd.s32 v1, v3  }
0x2b5: {  	[tilespmem:s21], [sflag:$0x1] =	stream.indirect_vreg.gather [hbm4b:s7+s17], $0x80, v4, vm0, $0xb8;
	[tilespmem:$0x10100] =	vst v63  }
0x2b6: {  	s22 =	simm.s32 $0x5900  }
0x2b7: {  	[tilespmem:s22], [sflag:$0x1] =	stream.indirect_vreg.gather [hbm4b:s8+s17], $0x80, v4, vm0, $0xb8;
	[tilespmem:$0x10100] =	vst v63  }
0x2b8: {  	s23 =	simm.s32 $0x6100  }
0x2b9: {  	[tilespmem:s23], [sflag:$0x1] =	stream.indirect_vreg.gather [hbm4b:s3+s17], $0x80, v3, vm0, $0xb8;
	[tilespmem:$0x10100] =	vst v63  }
0x2ba: {  	s24 =	simm.s32 $0x6900  }
0x2bb: {  	[tilespmem:s24], [sflag:$0x1] =	stream.indirect_vreg.gather [hbm4b:s6+s17], $0x80, v3, vm0, $0xb8;
	[tilespmem:$0x10100] =	vst v63  }
0x2bc: {  	s19 =	simm.s32 $0x7100  }
0x2bd: {  	[tilespmem:s19], [sflag:$0x1] =	stream.indirect_vreg.gather [hbm4b:s7+s17], $0x80, v3, vm0, $0xb8;
	[tilespmem:$0x10100] =	vst v63  }
0x2be: {  	s20 =	simm.s32 $0x7900  }
0x2bf: {  	[tilespmem:s20], [sflag:$0x1] =	stream.indirect_vreg.gather [hbm4b:s8+s17], $0x80, v3, vm0, $0xb8;
	[tilespmem:$0x10100] =	vst v63  }
0x2c0: {  	v3 =	vld [tilespmem:$0x80];
	_ =	sdelay $0x4  }
0x2c1: {  	v4 =	vshll.u32 v3, $0x3  }
0x2c2: {  	v3 =	vand.u32 $0x7, v3;
	v4 =	vand.u32 $0xFFFFFFC0, v4  }
0x2c3: {  	v3 =	vor.u32 v3, v4  }
0x2c4: {  	v4 =	vperm.xlane v3, v0;
	_ =	sdelay $0x1  }
0x2c5: {  	v4 =	vadd.s32 v1, v4;
	_ =	sdelay $0x3  }
0x2c6: {  	s21 =	simm.s32 $0x8100  }
0x2c7: {  	[tilespmem:s21], [sflag:$0x2] =	stream.indirect_vreg.gather [hbm4b:s3+s17], $0x80, v4, vm0, $0xb8;
	[tilespmem:$0x10100] =	vst v63  }
0x2c8: {  	s22 =	simm.s32 $0x8900;
	v3 =	vperm.xlane v3, v2  }
0x2c9: {  	[tilespmem:s22], [sflag:$0x2] =	stream.indirect_vreg.gather [hbm4b:s6+s17], $0x80, v4, vm0, $0xb8;
	[tilespmem:$0x10100] =	vst v63  }
0x2ca: {  	s23 =	simm.s32 $0x9100;
	v3 =	vadd.s32 v1, v3  }
0x2cb: {  	[tilespmem:s23], [sflag:$0x2] =	stream.indirect_vreg.gather [hbm4b:s7+s17], $0x80, v4, vm0, $0xb8;
	[tilespmem:$0x10100] =	vst v63  }
0x2cc: {  	s24 =	simm.s32 $0x9900  }
0x2cd: {  	[tilespmem:s24], [sflag:$0x2] =	stream.indirect_vreg.gather [hbm4b:s8+s17], $0x80, v4, vm0, $0xb8;
	[tilespmem:$0x10100] =	vst v63  }
0x2ce: {  	s19 =	simm.s32 $0xA100  }
0x2cf: {  	[tilespmem:s19], [sflag:$0x2] =	stream.indirect_vreg.gather [hbm4b:s3+s17], $0x80, v3, vm0, $0xb8;
	[tilespmem:$0x10100] =	vst v63  }
0x2d0: {  	s20 =	simm.s32 $0xA900  }
0x2d1: {  	[tilespmem:s20], [sflag:$0x2] =	stream.indirect_vreg.gather [hbm4b:s6+s17], $0x80, v3, vm0, $0xb8;
	[tilespmem:$0x10100] =	vst v63  }
0x2d2: {  	s21 =	simm.s32 $0xB100  }
0x2d3: {  	[tilespmem:s21], [sflag:$0x2] =	stream.indirect_vreg.gather [hbm4b:s7+s17], $0x80, v3, vm0, $0xb8;
	[tilespmem:$0x10100] =	vst v63  }
0x2d4: {  	s22 =	simm.s32 $0xB900  }
0x2d5: {  	[tilespmem:s22], [sflag:$0x2] =	stream.indirect_vreg.gather [hbm4b:s8+s17], $0x80, v3, vm0, $0xb8;
	[tilespmem:$0x10100] =	vst v63  }
0x2d6: {  	v3 =	vld [tilespmem:$0x90];
	_ =	sdelay $0x4  }
0x2d7: {  	v4 =	vshll.u32 v3, $0x3  }
0x2d8: {  	v3 =	vand.u32 $0x7, v3;
	v4 =	vand.u32 $0xFFFFFFC0, v4  }
0x2d9: {  	v3 =	vor.u32 v3, v4  }
0x2da: {  	v4 =	vperm.xlane v3, v0;
	_ =	sdelay $0x1  }
0x2db: {  	v4 =	vadd.s32 v1, v4;
	_ =	sdelay $0x3  }
0x2dc: {  	s23 =	simm.s32 $0xC100  }
0x2dd: {  	[tilespmem:s23], [sflag:$0x2] =	stream.indirect_vreg.gather [hbm4b:s3+s17], $0x80, v4, vm0, $0xb8;
	[tilespmem:$0x10100] =	vst v63  }
0x2de: {  	s24 =	simm.s32 $0xC900;
	v3 =	vperm.xlane v3, v2  }
0x2df: {  	[tilespmem:s24], [sflag:$0x2] =	stream.indirect_vreg.gather [hbm4b:s6+s17], $0x80, v4, vm0, $0xb8;
	[tilespmem:$0x10100] =	vst v63  }
0x2e0: {  	v3 =	vadd.s32 v1, v3  }
0x2e1: {  	[tilespmem:s25], [sflag:$0x2] =	stream.indirect_vreg.gather [hbm4b:s7+s17], $0x80, v4, vm0, $0xb8;
	[tilespmem:$0x10100] =	vst v63  }
0x2e2: {  	_ = 	snop  }
0x2e3: {  	[tilespmem:s26], [sflag:$0x2] =	stream.indirect_vreg.gather [hbm4b:s8+s17], $0x80, v4, vm0, $0xb8;
	[tilespmem:$0x10100] =	vst v63  }
0x2e4: {  	_ = 	snop  }
0x2e5: {  	[tilespmem:s28], [sflag:$0x2] =	stream.indirect_vreg.gather [hbm4b:s3+s17], $0x80, v3, vm0, $0xb8;
	[tilespmem:$0x10100] =	vst v63  }
0x2e6: {  	_ = 	snop  }
0x2e7: {  	[tilespmem:s29], [sflag:$0x2] =	stream.indirect_vreg.gather [hbm4b:s6+s17], $0x80, v3, vm0, $0xb8;
	[tilespmem:$0x10100] =	vst v63  }
0x2e8: {  	_ = 	snop  }
0x2e9: {  	[tilespmem:s30], [sflag:$0x2] =	stream.indirect_vreg.gather [hbm4b:s7+s17], $0x80, v3, vm0, $0xb8;
	[tilespmem:$0x10100] =	vst v63  }
0x2ea: {  	_ = 	snop  }
0x2eb: {  	[tilespmem:s31], [sflag:$0x2] =	stream.indirect_vreg.gather [hbm4b:s8+s17], $0x80, v3, vm0, $0xb8;
	[tilespmem:$0x10100] =	vst v63  }
0x2ec: {  	_ =	swait.ge [sflag:s0], $0x8000  }
0x2ed: {  	[sflag:s0] =	ssyncset.done $0x0  }
0x2ee: {  	[sflag:s0] =	ssyncadd.s32 $0xFFFF8000  }
0x2ef: {  	_ =	swait.ge [sflag:s2], $0x8000  }
0x2f0: {  	s18 =	sand.u32 $0x70, s17;
	s17 =	sand.u32 $0x1C00, s17;
	[sflag:s2] =	ssyncset.done $0x0  }
0x2f1: {  	s20 =	sor.u32 s18, s17;
	[sflag:s2] =	ssyncadd.s32 $0xFFFF8000  }
0x2f2: {  	v3 =	vld [tilespmem:s20+$0x8100]  }
0x2f3: {  	v4 =	vld [tilespmem:s20+$0x100];
	_ =	sdelay $0x3  }
0x2f4: {  	s19 =	simm.s32 $0x10;
	s21 =	simm.s32 $0x80  }
0x2f5: {  	s19 =	sand.u32 $0x70, s19;
	s22 =	sand.u32 $0x1C00, s21;
	v3 =	vadd.f32 v3, v4  }
0x2f6: {  	s23 =	sor.u32 s19, s22;
	s22 =	simm.s32 $0x20  }
.LBB2_66:
0x2f7: {  	p0 =	sne.s32 s22, $0x3F0;
	v4 =	vld [tilespmem:s23+$0x8100];
	[tilespmem:s20+$0x100] =	vst v3;
	s20 =	smov.u32 s23  }
0x2f8: {  	v3 =	vld [tilespmem:s20+$0x100];
	_ =	sdelay $0x1  }
.Ltmp32:
0x2f9: {  	(pc) =	sbr.rel @p0 .LBB2_66-.Ltmp32, $4  }
0x2fa: {  	_ = 	snop  }
0x2fb: {  	s21 =	sadd.s32 $0x80, s21  }
0x2fc: {  	s23 =	sand.u32 $0x70, s22;
	s24 =	sand.u32 $0x1C00, s21;
	v3 =	vadd.f32 v4, v3  }
0x2fd: {  	s22 =	sadd.s32 $0x10, s22;
	s23 =	sor.u32 s23, s24  }
0x2fe: {  	v4 =	vld [tilespmem:s23+$0x8100];
	[tilespmem:s20+$0x100] =	vst v3  }
0x2ff: {  	v3 =	vld [tilespmem:s23+$0x100];
	_ =	sdelay $0x4  }
0x300: {  	v3 =	vadd.f32 v4, v3;
	_ =	sdelay $0x1  }
0x301: {  	s17 =	sor.u32 s17, s18;
	[tilespmem:s23+$0x100] =	vst v3  }
0x302: {  	v3 =	vld [tilespmem:s17+$0x8180]  }
0x303: {  	v4 =	vld [tilespmem:s17+$0x180];
	_ =	sdelay $0x3  }
0x304: {  	s18 =	simm.s32 $0x80  }
0x305: {  	s24 =	sand.u32 $0x1C00, s18;
	v3 =	vadd.f32 v3, v4  }
0x306: {  	s20 =	sor.u32 s24, s19;
	s19 =	simm.s32 $0x20  }
.LBB2_68:
0x307: {  	p0 =	sne.s32 s19, $0x3F0;
	v4 =	vld [tilespmem:s20+$0x8180];
	[tilespmem:s17+$0x180] =	vst v3;
	s17 =	smov.u32 s20  }
0x308: {  	v3 =	vld [tilespmem:s17+$0x180];
	_ =	sdelay $0x1  }
.Ltmp33:
0x309: {  	(pc) =	sbr.rel @p0 .LBB2_68-.Ltmp33, $4  }
0x30a: {  	_ = 	snop  }
0x30b: {  	s18 =	sadd.s32 $0x80, s18  }
0x30c: {  	s20 =	sand.u32 $0x70, s19;
	s21 =	sand.u32 $0x1C00, s18;
	v3 =	vadd.f32 v4, v3  }
0x30d: {  	s19 =	sadd.s32 $0x10, s19;
	s20 =	sor.u32 s21, s20  }
0x30e: {  	v4 =	vld [tilespmem:s20+$0x8180];
	[tilespmem:s17+$0x180] =	vst v3  }
0x30f: {  	v3 =	vld [tilespmem:s20+$0x180];
	_ =	sdelay $0x4  }
0x310: {  	s22 =	simm.s32 $0x0;
	v3 =	vadd.f32 v4, v3  }
0x311: {  	s18 =	sand.u32 $0x70, s22;
	s17 =	sand.u32 $0x1C00, s22  }
0x312: {  	s17 =	sor.u32 s17, s18;
	[tilespmem:s20+$0x180] =	vst v3  }
0x313: {  	v3 =	vld [tilespmem:s17+$0x8200]  }
0x314: {  	v4 =	vld [tilespmem:s17+$0x200];
	_ =	sdelay $0x3  }
0x315: {  	s23 =	simm.s32 $0x10;
	s19 =	simm.s32 $0x80  }
0x316: {  	s24 =	sand.u32 $0x1C00, s19;
	s18 =	sand.u32 $0x70, s23;
	v3 =	vadd.f32 v3, v4  }
0x317: {  	s21 =	simm.s32 $0x20;
	s22 =	sor.u32 s24, s18;
	s20 =	smov.u32 s17  }
.LBB2_70:
0x318: {  	p0 =	sne.s32 s21, $0x3F0;
	v4 =	vld [tilespmem:s22+$0x8200];
	[tilespmem:s20+$0x200] =	vst v3;
	s20 =	smov.u32 s22  }
0x319: {  	v3 =	vld [tilespmem:s20+$0x200];
	_ =	sdelay $0x1  }
.Ltmp34:
0x31a: {  	(pc) =	sbr.rel @p0 .LBB2_70-.Ltmp34, $4  }
0x31b: {  	_ = 	snop  }
0x31c: {  	s19 =	sadd.s32 $0x80, s19  }
0x31d: {  	s22 =	sand.u32 $0x70, s21;
	s23 =	sand.u32 $0x1C00, s19;
	v3 =	vadd.f32 v4, v3  }
0x31e: {  	s21 =	sadd.s32 $0x10, s21;
	s22 =	sor.u32 s23, s22  }
0x31f: {  	v4 =	vld [tilespmem:s22+$0x8200];
	[tilespmem:s20+$0x200] =	vst v3  }
0x320: {  	v3 =	vld [tilespmem:s22+$0x200];
	_ =	sdelay $0x4  }
0x321: {  	v3 =	vadd.f32 v4, v3;
	_ =	sdelay $0x1  }
0x322: {  	[tilespmem:s22+$0x200] =	vst v3  }
0x323: {  	v3 =	vld [tilespmem:s17+$0x8280]  }
0x324: {  	v4 =	vld [tilespmem:s17+$0x280];
	_ =	sdelay $0x3  }
0x325: {  	s19 =	simm.s32 $0x80  }
0x326: {  	s24 =	sand.u32 $0x1C00, s19;
	v3 =	vadd.f32 v3, v4  }
0x327: {  	s20 =	sor.u32 s24, s18;
	s18 =	simm.s32 $0x20  }
.LBB2_72:
0x328: {  	p0 =	sne.s32 s18, $0x3F0;
	v4 =	vld [tilespmem:s20+$0x8280];
	[tilespmem:s17+$0x280] =	vst v3;
	s17 =	smov.u32 s20  }
0x329: {  	v3 =	vld [tilespmem:s17+$0x280];
	_ =	sdelay $0x1  }
.Ltmp35:
0x32a: {  	(pc) =	sbr.rel @p0 .LBB2_72-.Ltmp35, $4  }
0x32b: {  	_ = 	snop  }
0x32c: {  	s19 =	sadd.s32 $0x80, s19  }
0x32d: {  	s20 =	sand.u32 $0x70, s18;
	s21 =	sand.u32 $0x1C00, s19;
	v3 =	vadd.f32 v4, v3  }
0x32e: {  	s18 =	sadd.s32 $0x10, s18;
	s20 =	sor.u32 s21, s20  }
0x32f: {  	v4 =	vld [tilespmem:s20+$0x8280];
	[tilespmem:s17+$0x280] =	vst v3  }
0x330: {  	v3 =	vld [tilespmem:s20+$0x280];
	_ =	sdelay $0x4  }
0x331: {  	s22 =	simm.s32 $0x0;
	v3 =	vadd.f32 v4, v3  }
0x332: {  	s18 =	sand.u32 $0x70, s22;
	s17 =	sand.u32 $0x1C00, s22  }
0x333: {  	s17 =	sor.u32 s17, s18;
	[tilespmem:s20+$0x280] =	vst v3  }
0x334: {  	v3 =	vld [tilespmem:s17+$0x8300]  }
0x335: {  	v4 =	vld [tilespmem:s17+$0x300];
	_ =	sdelay $0x3  }
0x336: {  	s23 =	simm.s32 $0x10;
	s19 =	simm.s32 $0x80  }
0x337: {  	s21 =	simm.s32 $0x20;
	s24 =	sand.u32 $0x1C00, s19;
	s18 =	sand.u32 $0x70, s23;
	v3 =	vadd.f32 v3, v4  }
0x338: {  	s22 =	sor.u32 s24, s18;
	s24 =	simm.s32 $0x80;
	s20 =	smov.u32 s17  }
.LBB2_74:
0x339: {  	p0 =	sne.s32 s21, $0x3F0;
	v4 =	vld [tilespmem:s22+$0x8300];
	[tilespmem:s20+$0x300] =	vst v3;
	s20 =	smov.u32 s22  }
0x33a: {  	v3 =	vld [tilespmem:s20+$0x300];
	_ =	sdelay $0x1  }
.Ltmp36:
0x33b: {  	(pc) =	sbr.rel @p0 .LBB2_74-.Ltmp36, $4  }
0x33c: {  	_ = 	snop  }
0x33d: {  	s19 =	sadd.s32 $0x80, s19  }
0x33e: {  	s22 =	sand.u32 $0x70, s21;
	s23 =	sand.u32 $0x1C00, s19;
	v3 =	vadd.f32 v4, v3  }
0x33f: {  	s21 =	sadd.s32 $0x10, s21;
	s22 =	sor.u32 s23, s22  }
0x340: {  	v4 =	vld [tilespmem:s22+$0x8300];
	[tilespmem:s20+$0x300] =	vst v3  }
0x341: {  	v3 =	vld [tilespmem:s22+$0x300];
	_ =	sdelay $0x4  }
0x342: {  	v3 =	vadd.f32 v4, v3;
	_ =	sdelay $0x1  }
0x343: {  	[tilespmem:s22+$0x300] =	vst v3  }
0x344: {  	v3 =	vld [tilespmem:s17+$0x8380]  }
0x345: {  	v4 =	vld [tilespmem:s17+$0x380];
	_ =	sdelay $0x3  }
0x346: {  	s19 =	simm.s32 $0x80  }
0x347: {  	s23 =	sand.u32 $0x1C00, s19;
	v3 =	vadd.f32 v3, v4  }
0x348: {  	s20 =	sor.u32 s23, s18;
	s18 =	simm.s32 $0x20  }
.LBB2_76:
0x349: {  	p0 =	sne.s32 s18, $0x3F0;
	v4 =	vld [tilespmem:s20+$0x8380];
	[tilespmem:s17+$0x380] =	vst v3;
	s17 =	smov.u32 s20  }
0x34a: {  	v3 =	vld [tilespmem:s17+$0x380];
	_ =	sdelay $0x1  }
.Ltmp37:
0x34b: {  	(pc) =	sbr.rel @p0 .LBB2_76-.Ltmp37, $4  }
0x34c: {  	_ = 	snop  }
0x34d: {  	s19 =	sadd.s32 $0x80, s19  }
0x34e: {  	s20 =	sand.u32 $0x70, s18;
	s21 =	sand.u32 $0x1C00, s19;
	v3 =	vadd.f32 v4, v3  }
0x34f: {  	s18 =	sadd.s32 $0x10, s18;
	s20 =	sor.u32 s21, s20  }
0x350: {  	v4 =	vld [tilespmem:s20+$0x8380];
	[tilespmem:s17+$0x380] =	vst v3  }
0x351: {  	v3 =	vld [tilespmem:s20+$0x380];
	_ =	sdelay $0x4  }
0x352: {  	s17 =	simm.s32 $0x0;
	v3 =	vadd.f32 v4, v3  }
0x353: {  	s18 =	sand.u32 $0x70, s17;
	s19 =	sand.u32 $0x1C00, s17  }
0x354: {  	s19 =	sor.u32 s19, s18;
	[tilespmem:s20+$0x380] =	vst v3  }
0x355: {  	v3 =	vld [tilespmem:s19+$0x8400]  }
0x356: {  	v4 =	vld [tilespmem:s19+$0x400];
	_ =	sdelay $0x3  }
0x357: {  	s18 =	simm.s32 $0x10;
	s20 =	simm.s32 $0x80  }
0x358: {  	s21 =	sand.u32 $0x70, s18;
	s22 =	sand.u32 $0x1C00, s20;
	v3 =	vadd.f32 v3, v4  }
0x359: {  	s22 =	sor.u32 s22, s21;
	s21 =	simm.s32 $0x20  }
.LBB2_78:
0x35a: {  	p0 =	sne.s32 s21, $0x3F0;
	v4 =	vld [tilespmem:s22+$0x8400];
	[tilespmem:s19+$0x400] =	vst v3;
	s19 =	smov.u32 s22  }
0x35b: {  	v3 =	vld [tilespmem:s19+$0x400];
	_ =	sdelay $0x1  }
.Ltmp38:
0x35c: {  	(pc) =	sbr.rel @p0 .LBB2_78-.Ltmp38, $4  }
0x35d: {  	_ = 	snop  }
0x35e: {  	s20 =	sadd.s32 $0x80, s20  }
0x35f: {  	s22 =	sand.u32 $0x70, s21;
	s23 =	sand.u32 $0x1C00, s20;
	v3 =	vadd.f32 v4, v3  }
0x360: {  	s21 =	sadd.s32 $0x10, s21;
	s22 =	sor.u32 s23, s22  }
0x361: {  	v4 =	vld [tilespmem:s22+$0x8400];
	[tilespmem:s19+$0x400] =	vst v3  }
0x362: {  	v3 =	vld [tilespmem:s22+$0x400];
	_ =	sdelay $0x4  }
0x363: {  	v3 =	vadd.f32 v4, v3  }
0x364: {  	s17 =	sor.u32 s17, s17  }
0x365: {  	s17 =	sor.u32 $0x380, s17;
	[tilespmem:s22+$0x400] =	vst v3  }
0x366: {  	v3 =	vld [tilespmem:s17+$0x8100]  }
0x367: {  	v4 =	vld [tilespmem:s17+$0x100];
	_ =	sdelay $0x3  }
0x368: {  	s19 =	simm.s32 $0x80  }
0x369: {  	s18 =	sor.u32 s19, s18;
	v3 =	vadd.f32 v3, v4  }
0x36a: {  	s20 =	sor.u32 $0x380, s18;
	s18 =	simm.s32 $0x20  }
.LBB2_80:
0x36b: {  	p0 =	sne.s32 s18, $0x3F0;
	v4 =	vld [tilespmem:s20+$0x8100];
	[tilespmem:s17+$0x100] =	vst v3;
	s17 =	smov.u32 s20  }
0x36c: {  	v3 =	vld [tilespmem:s17+$0x100];
	_ =	sdelay $0x1  }
.Ltmp39:
0x36d: {  	(pc) =	sbr.rel @p0 .LBB2_80-.Ltmp39, $4  }
0x36e: {  	_ = 	snop  }
0x36f: {  	s19 =	sadd.s32 $0x80, s19  }
0x370: {  	s20 =	sor.u32 s19, s18;
	v3 =	vadd.f32 v4, v3  }
0x371: {  	s18 =	sadd.s32 $0x10, s18;
	s20 =	sor.u32 $0x380, s20  }
0x372: {  	v4 =	vld [tilespmem:s20+$0x8100];
	[tilespmem:s17+$0x100] =	vst v3  }
0x373: {  	v3 =	vld [tilespmem:s20+$0x100];
	_ =	sdelay $0x4  }
0x374: {  	s21 =	simm.s32 $0x0;
	v3 =	vadd.f32 v4, v3  }
0x375: {  	s18 =	sand.u32 $0x70, s21;
	s17 =	sand.u32 $0x1C00, s21  }
0x376: {  	s17 =	sor.u32 s17, s18;
	[tilespmem:s20+$0x100] =	vst v3  }
0x377: {  	v3 =	vld [tilespmem:s17+$0xA100]  }
0x378: {  	v4 =	vld [tilespmem:s17+$0x2100];
	_ =	sdelay $0x3  }
0x379: {  	s22 =	simm.s32 $0x10;
	s19 =	simm.s32 $0x80  }
0x37a: {  	s23 =	sand.u32 $0x1C00, s19;
	s18 =	sand.u32 $0x70, s22;
	v3 =	vadd.f32 v3, v4  }
0x37b: {  	s21 =	simm.s32 $0x20;
	s22 =	sor.u32 s23, s18;
	s20 =	smov.u32 s17  }
.LBB2_82:
0x37c: {  	p0 =	sne.s32 s21, $0x3F0;
	v4 =	vld [tilespmem:s22+$0xA100];
	[tilespmem:s20+$0x2100] =	vst v3;
	s20 =	smov.u32 s22  }
0x37d: {  	v3 =	vld [tilespmem:s20+$0x2100];
	_ =	sdelay $0x1  }
.Ltmp40:
0x37e: {  	(pc) =	sbr.rel @p0 .LBB2_82-.Ltmp40, $4  }
0x37f: {  	_ = 	snop  }
0x380: {  	s19 =	sadd.s32 $0x80, s19  }
0x381: {  	s22 =	sand.u32 $0x70, s21;
	s23 =	sand.u32 $0x1C00, s19;
	v3 =	vadd.f32 v4, v3  }
0x382: {  	s21 =	sadd.s32 $0x10, s21;
	s22 =	sor.u32 s23, s22  }
0x383: {  	v4 =	vld [tilespmem:s22+$0xA100];
	[tilespmem:s20+$0x2100] =	vst v3  }
0x384: {  	v3 =	vld [tilespmem:s22+$0x2100];
	_ =	sdelay $0x4  }
0x385: {  	v3 =	vadd.f32 v4, v3;
	_ =	sdelay $0x1  }
0x386: {  	[tilespmem:s22+$0x2100] =	vst v3  }
0x387: {  	v3 =	vld [tilespmem:s17+$0xA180]  }
0x388: {  	v4 =	vld [tilespmem:s17+$0x2180];
	_ =	sdelay $0x3  }
0x389: {  	s19 =	simm.s32 $0x80  }
0x38a: {  	s23 =	sand.u32 $0x1C00, s19;
	v3 =	vadd.f32 v3, v4  }
0x38b: {  	s20 =	sor.u32 s23, s18;
	s18 =	simm.s32 $0x20  }
.LBB2_84:
0x38c: {  	p0 =	sne.s32 s18, $0x3F0;
	v4 =	vld [tilespmem:s20+$0xA180];
	[tilespmem:s17+$0x2180] =	vst v3;
	s17 =	smov.u32 s20  }
0x38d: {  	v3 =	vld [tilespmem:s17+$0x2180];
	_ =	sdelay $0x1  }
.Ltmp41:
0x38e: {  	(pc) =	sbr.rel @p0 .LBB2_84-.Ltmp41, $4  }
0x38f: {  	_ = 	snop  }
0x390: {  	s19 =	sadd.s32 $0x80, s19  }
0x391: {  	s20 =	sand.u32 $0x70, s18;
	s21 =	sand.u32 $0x1C00, s19;
	v3 =	vadd.f32 v4, v3  }
0x392: {  	s18 =	sadd.s32 $0x10, s18;
	s20 =	sor.u32 s21, s20  }
0x393: {  	v4 =	vld [tilespmem:s20+$0xA180];
	[tilespmem:s17+$0x2180] =	vst v3  }
0x394: {  	v3 =	vld [tilespmem:s20+$0x2180];
	_ =	sdelay $0x4  }
0x395: {  	s21 =	simm.s32 $0x0;
	v3 =	vadd.f32 v4, v3  }
0x396: {  	s18 =	sand.u32 $0x70, s21;
	s17 =	sand.u32 $0x1C00, s21  }
0x397: {  	s17 =	sor.u32 s17, s18;
	[tilespmem:s20+$0x2180] =	vst v3  }
0x398: {  	v3 =	vld [tilespmem:s17+$0xA200]  }
0x399: {  	v4 =	vld [tilespmem:s17+$0x2200];
	_ =	sdelay $0x3  }
0x39a: {  	s22 =	simm.s32 $0x10;
	s19 =	simm.s32 $0x80  }
0x39b: {  	s23 =	sand.u32 $0x1C00, s19;
	s18 =	sand.u32 $0x70, s22;
	v3 =	vadd.f32 v3, v4  }
0x39c: {  	s21 =	simm.s32 $0x20;
	s22 =	sor.u32 s23, s18;
	s20 =	smov.u32 s17  }
.LBB2_86:
0x39d: {  	p0 =	sne.s32 s21, $0x3F0;
	v4 =	vld [tilespmem:s22+$0xA200];
	[tilespmem:s20+$0x2200] =	vst v3;
	s20 =	smov.u32 s22  }
0x39e: {  	v3 =	vld [tilespmem:s20+$0x2200];
	_ =	sdelay $0x1  }
.Ltmp42:
0x39f: {  	(pc) =	sbr.rel @p0 .LBB2_86-.Ltmp42, $4  }
0x3a0: {  	_ = 	snop  }
0x3a1: {  	s19 =	sadd.s32 $0x80, s19  }
0x3a2: {  	s22 =	sand.u32 $0x70, s21;
	s23 =	sand.u32 $0x1C00, s19;
	v3 =	vadd.f32 v4, v3  }
0x3a3: {  	s21 =	sadd.s32 $0x10, s21;
	s22 =	sor.u32 s23, s22  }
0x3a4: {  	v4 =	vld [tilespmem:s22+$0xA200];
	[tilespmem:s20+$0x2200] =	vst v3  }
0x3a5: {  	v3 =	vld [tilespmem:s22+$0x2200];
	_ =	sdelay $0x4  }
0x3a6: {  	v3 =	vadd.f32 v4, v3;
	_ =	sdelay $0x1  }
0x3a7: {  	[tilespmem:s22+$0x2200] =	vst v3  }
0x3a8: {  	v3 =	vld [tilespmem:s17+$0xA280]  }
0x3a9: {  	v4 =	vld [tilespmem:s17+$0x2280];
	_ =	sdelay $0x3  }
0x3aa: {  	s19 =	simm.s32 $0x80  }
0x3ab: {  	s23 =	sand.u32 $0x1C00, s19;
	v3 =	vadd.f32 v3, v4  }
0x3ac: {  	s20 =	sor.u32 s23, s18;
	s18 =	simm.s32 $0x20  }
.LBB2_88:
0x3ad: {  	p0 =	sne.s32 s18, $0x3F0;
	v4 =	vld [tilespmem:s20+$0xA280];
	[tilespmem:s17+$0x2280] =	vst v3;
	s17 =	smov.u32 s20  }
0x3ae: {  	v3 =	vld [tilespmem:s17+$0x2280];
	_ =	sdelay $0x1  }
.Ltmp43:
0x3af: {  	(pc) =	sbr.rel @p0 .LBB2_88-.Ltmp43, $4  }
0x3b0: {  	_ = 	snop  }
0x3b1: {  	s19 =	sadd.s32 $0x80, s19  }
0x3b2: {  	s20 =	sand.u32 $0x70, s18;
	s21 =	sand.u32 $0x1C00, s19;
	v3 =	vadd.f32 v4, v3  }
0x3b3: {  	s18 =	sadd.s32 $0x10, s18;
	s20 =	sor.u32 s21, s20  }
0x3b4: {  	v4 =	vld [tilespmem:s20+$0xA280];
	[tilespmem:s17+$0x2280] =	vst v3  }
0x3b5: {  	v3 =	vld [tilespmem:s20+$0x2280];
	_ =	sdelay $0x4  }
0x3b6: {  	s21 =	simm.s32 $0x0;
	v3 =	vadd.f32 v4, v3  }
0x3b7: {  	s18 =	sand.u32 $0x70, s21;
	s17 =	sand.u32 $0x1C00, s21  }
0x3b8: {  	s17 =	sor.u32 s17, s18;
	[tilespmem:s20+$0x2280] =	vst v3  }
0x3b9: {  	v3 =	vld [tilespmem:s17+$0xA300]  }
0x3ba: {  	v4 =	vld [tilespmem:s17+$0x2300];
	_ =	sdelay $0x3  }
0x3bb: {  	s22 =	simm.s32 $0x10;
	s19 =	simm.s32 $0x80  }
0x3bc: {  	s23 =	sand.u32 $0x1C00, s19;
	s18 =	sand.u32 $0x70, s22;
	v3 =	vadd.f32 v3, v4  }
0x3bd: {  	s21 =	simm.s32 $0x20;
	s22 =	sor.u32 s23, s18;
	s20 =	smov.u32 s17  }
.LBB2_90:
0x3be: {  	p0 =	sne.s32 s21, $0x3F0;
	v4 =	vld [tilespmem:s22+$0xA300];
	[tilespmem:s20+$0x2300] =	vst v3;
	s20 =	smov.u32 s22  }
0x3bf: {  	v3 =	vld [tilespmem:s20+$0x2300];
	_ =	sdelay $0x1  }
.Ltmp44:
0x3c0: {  	(pc) =	sbr.rel @p0 .LBB2_90-.Ltmp44, $4  }
0x3c1: {  	_ = 	snop  }
0x3c2: {  	s19 =	sadd.s32 $0x80, s19  }
0x3c3: {  	s22 =	sand.u32 $0x70, s21;
	s23 =	sand.u32 $0x1C00, s19;
	v3 =	vadd.f32 v4, v3  }
0x3c4: {  	s21 =	sadd.s32 $0x10, s21;
	s22 =	sor.u32 s23, s22  }
0x3c5: {  	v4 =	vld [tilespmem:s22+$0xA300];
	[tilespmem:s20+$0x2300] =	vst v3  }
0x3c6: {  	v3 =	vld [tilespmem:s22+$0x2300];
	_ =	sdelay $0x4  }
0x3c7: {  	v3 =	vadd.f32 v4, v3;
	_ =	sdelay $0x1  }
0x3c8: {  	[tilespmem:s22+$0x2300] =	vst v3  }
0x3c9: {  	v3 =	vld [tilespmem:s17+$0xA380]  }
0x3ca: {  	v4 =	vld [tilespmem:s17+$0x2380];
	_ =	sdelay $0x3  }
0x3cb: {  	s19 =	simm.s32 $0x80  }
0x3cc: {  	s23 =	sand.u32 $0x1C00, s19;
	v3 =	vadd.f32 v3, v4  }
0x3cd: {  	s20 =	sor.u32 s23, s18;
	s18 =	simm.s32 $0x20  }
.LBB2_92:
0x3ce: {  	p0 =	sne.s32 s18, $0x3F0;
	v4 =	vld [tilespmem:s20+$0xA380];
	[tilespmem:s17+$0x2380] =	vst v3;
	s17 =	smov.u32 s20  }
0x3cf: {  	v3 =	vld [tilespmem:s17+$0x2380];
	_ =	sdelay $0x1  }
.Ltmp45:
0x3d0: {  	(pc) =	sbr.rel @p0 .LBB2_92-.Ltmp45, $4  }
0x3d1: {  	_ = 	snop  }
0x3d2: {  	s19 =	sadd.s32 $0x80, s19  }
0x3d3: {  	s20 =	sand.u32 $0x70, s18;
	s21 =	sand.u32 $0x1C00, s19;
	v3 =	vadd.f32 v4, v3  }
0x3d4: {  	s18 =	sadd.s32 $0x10, s18;
	s20 =	sor.u32 s21, s20  }
0x3d5: {  	v4 =	vld [tilespmem:s20+$0xA380];
	[tilespmem:s17+$0x2380] =	vst v3  }
0x3d6: {  	v3 =	vld [tilespmem:s20+$0x2380];
	_ =	sdelay $0x4  }
0x3d7: {  	s17 =	simm.s32 $0x0;
	v3 =	vadd.f32 v4, v3  }
0x3d8: {  	s18 =	sand.u32 $0x70, s17;
	s19 =	sand.u32 $0x1C00, s17  }
0x3d9: {  	s19 =	sor.u32 s19, s18;
	[tilespmem:s20+$0x2380] =	vst v3  }
0x3da: {  	v3 =	vld [tilespmem:s19+$0xA400]  }
0x3db: {  	v4 =	vld [tilespmem:s19+$0x2400];
	_ =	sdelay $0x3  }
0x3dc: {  	s18 =	simm.s32 $0x10;
	s20 =	simm.s32 $0x80  }
0x3dd: {  	s21 =	sand.u32 $0x70, s18;
	s22 =	sand.u32 $0x1C00, s20;
	v3 =	vadd.f32 v3, v4  }
0x3de: {  	s22 =	sor.u32 s22, s21;
	s21 =	simm.s32 $0x20  }
.LBB2_94:
0x3df: {  	p0 =	sne.s32 s21, $0x3F0;
	v4 =	vld [tilespmem:s22+$0xA400];
	[tilespmem:s19+$0x2400] =	vst v3;
	s19 =	smov.u32 s22  }
0x3e0: {  	v3 =	vld [tilespmem:s19+$0x2400];
	_ =	sdelay $0x1  }
.Ltmp46:
0x3e1: {  	(pc) =	sbr.rel @p0 .LBB2_94-.Ltmp46, $4  }
0x3e2: {  	_ = 	snop  }
0x3e3: {  	s20 =	sadd.s32 $0x80, s20  }
0x3e4: {  	s22 =	sand.u32 $0x70, s21;
	s23 =	sand.u32 $0x1C00, s20;
	v3 =	vadd.f32 v4, v3  }
0x3e5: {  	s21 =	sadd.s32 $0x10, s21;
	s22 =	sor.u32 s23, s22  }
0x3e6: {  	v4 =	vld [tilespmem:s22+$0xA400];
	[tilespmem:s19+$0x2400] =	vst v3  }
0x3e7: {  	v3 =	vld [tilespmem:s22+$0x2400];
	_ =	sdelay $0x4  }
0x3e8: {  	v3 =	vadd.f32 v4, v3  }
0x3e9: {  	s17 =	sor.u32 s17, s17  }
0x3ea: {  	s17 =	sor.u32 $0x2380, s17;
	[tilespmem:s22+$0x2400] =	vst v3  }
0x3eb: {  	v3 =	vld [tilespmem:s17+$0x8100]  }
0x3ec: {  	v4 =	vld [tilespmem:s17+$0x100];
	_ =	sdelay $0x3  }
0x3ed: {  	s19 =	simm.s32 $0x80  }
0x3ee: {  	s18 =	sor.u32 s19, s18;
	v3 =	vadd.f32 v3, v4  }
0x3ef: {  	s20 =	sor.u32 $0x2380, s18;
	s18 =	simm.s32 $0x20  }
.LBB2_96:
0x3f0: {  	p0 =	sne.s32 s18, $0x3F0;
	v4 =	vld [tilespmem:s20+$0x8100];
	[tilespmem:s17+$0x100] =	vst v3;
	s17 =	smov.u32 s20  }
0x3f1: {  	v3 =	vld [tilespmem:s17+$0x100];
	_ =	sdelay $0x1  }
.Ltmp47:
0x3f2: {  	(pc) =	sbr.rel @p0 .LBB2_96-.Ltmp47, $4  }
0x3f3: {  	_ = 	snop  }
0x3f4: {  	s19 =	sadd.s32 $0x80, s19  }
0x3f5: {  	s20 =	sor.u32 s19, s18;
	v3 =	vadd.f32 v4, v3  }
0x3f6: {  	s18 =	sadd.s32 $0x10, s18;
	s20 =	sor.u32 $0x2380, s20  }
0x3f7: {  	v4 =	vld [tilespmem:s20+$0x8100];
	[tilespmem:s17+$0x100] =	vst v3  }
0x3f8: {  	v3 =	vld [tilespmem:s20+$0x100];
	_ =	sdelay $0x4  }
0x3f9: {  	s21 =	simm.s32 $0x0;
	v3 =	vadd.f32 v4, v3  }
0x3fa: {  	s18 =	sand.u32 $0x70, s21;
	s17 =	sand.u32 $0x1C00, s21  }
0x3fb: {  	s17 =	sor.u32 s17, s18;
	[tilespmem:s20+$0x100] =	vst v3  }
0x3fc: {  	v3 =	vld [tilespmem:s17+$0xC100]  }
0x3fd: {  	v4 =	vld [tilespmem:s17+$0x4100];
	_ =	sdelay $0x3  }
0x3fe: {  	s22 =	simm.s32 $0x10;
	s19 =	simm.s32 $0x80  }
0x3ff: {  	s23 =	sand.u32 $0x1C00, s19;
	s18 =	sand.u32 $0x70, s22;
	v3 =	vadd.f32 v3, v4  }
0x400: {  	s21 =	simm.s32 $0x20;
	s22 =	sor.u32 s23, s18;
	s20 =	smov.u32 s17  }
.LBB2_98:
0x401: {  	p0 =	sne.s32 s21, $0x3F0;
	v4 =	vld [tilespmem:s22+$0xC100];
	[tilespmem:s20+$0x4100] =	vst v3;
	s20 =	smov.u32 s22  }
0x402: {  	v3 =	vld [tilespmem:s20+$0x4100];
	_ =	sdelay $0x1  }
.Ltmp48:
0x403: {  	(pc) =	sbr.rel @p0 .LBB2_98-.Ltmp48, $4  }
0x404: {  	_ = 	snop  }
0x405: {  	s19 =	sadd.s32 $0x80, s19  }
0x406: {  	s22 =	sand.u32 $0x70, s21;
	s23 =	sand.u32 $0x1C00, s19;
	v3 =	vadd.f32 v4, v3  }
0x407: {  	s21 =	sadd.s32 $0x10, s21;
	s22 =	sor.u32 s23, s22  }
0x408: {  	v4 =	vld [tilespmem:s22+$0xC100];
	[tilespmem:s20+$0x4100] =	vst v3  }
0x409: {  	v3 =	vld [tilespmem:s22+$0x4100];
	_ =	sdelay $0x4  }
0x40a: {  	v3 =	vadd.f32 v4, v3;
	_ =	sdelay $0x1  }
0x40b: {  	[tilespmem:s22+$0x4100] =	vst v3  }
0x40c: {  	v3 =	vld [tilespmem:s17+$0xC180]  }
0x40d: {  	v4 =	vld [tilespmem:s17+$0x4180];
	_ =	sdelay $0x3  }
0x40e: {  	s19 =	simm.s32 $0x80  }
0x40f: {  	s23 =	sand.u32 $0x1C00, s19;
	v3 =	vadd.f32 v3, v4  }
0x410: {  	s20 =	sor.u32 s23, s18;
	s18 =	simm.s32 $0x20  }
.LBB2_100:
0x411: {  	p0 =	sne.s32 s18, $0x3F0;
	v4 =	vld [tilespmem:s20+$0xC180];
	[tilespmem:s17+$0x4180] =	vst v3;
	s17 =	smov.u32 s20  }
0x412: {  	v3 =	vld [tilespmem:s17+$0x4180];
	_ =	sdelay $0x1  }
.Ltmp49:
0x413: {  	(pc) =	sbr.rel @p0 .LBB2_100-.Ltmp49, $4  }
0x414: {  	_ = 	snop  }
0x415: {  	s19 =	sadd.s32 $0x80, s19  }
0x416: {  	s20 =	sand.u32 $0x70, s18;
	s21 =	sand.u32 $0x1C00, s19;
	v3 =	vadd.f32 v4, v3  }
0x417: {  	s18 =	sadd.s32 $0x10, s18;
	s20 =	sor.u32 s21, s20  }
0x418: {  	v4 =	vld [tilespmem:s20+$0xC180];
	[tilespmem:s17+$0x4180] =	vst v3  }
0x419: {  	v3 =	vld [tilespmem:s20+$0x4180];
	_ =	sdelay $0x4  }
0x41a: {  	s21 =	simm.s32 $0x0;
	v3 =	vadd.f32 v4, v3  }
0x41b: {  	s18 =	sand.u32 $0x70, s21;
	s17 =	sand.u32 $0x1C00, s21  }
0x41c: {  	s17 =	sor.u32 s17, s18;
	[tilespmem:s20+$0x4180] =	vst v3  }
0x41d: {  	v3 =	vld [tilespmem:s17+$0xC200]  }
0x41e: {  	v4 =	vld [tilespmem:s17+$0x4200];
	_ =	sdelay $0x3  }
0x41f: {  	s22 =	simm.s32 $0x10;
	s19 =	simm.s32 $0x80  }
0x420: {  	s23 =	sand.u32 $0x1C00, s19;
	s18 =	sand.u32 $0x70, s22;
	v3 =	vadd.f32 v3, v4  }
0x421: {  	s21 =	simm.s32 $0x20;
	s22 =	sor.u32 s23, s18;
	s20 =	smov.u32 s17  }
.LBB2_102:
0x422: {  	p0 =	sne.s32 s21, $0x3F0;
	v4 =	vld [tilespmem:s22+$0xC200];
	[tilespmem:s20+$0x4200] =	vst v3;
	s20 =	smov.u32 s22  }
0x423: {  	v3 =	vld [tilespmem:s20+$0x4200];
	_ =	sdelay $0x1  }
.Ltmp50:
0x424: {  	(pc) =	sbr.rel @p0 .LBB2_102-.Ltmp50, $4  }
0x425: {  	_ = 	snop  }
0x426: {  	s19 =	sadd.s32 $0x80, s19  }
0x427: {  	s22 =	sand.u32 $0x70, s21;
	s23 =	sand.u32 $0x1C00, s19;
	v3 =	vadd.f32 v4, v3  }
0x428: {  	s21 =	sadd.s32 $0x10, s21;
	s22 =	sor.u32 s23, s22  }
0x429: {  	v4 =	vld [tilespmem:s22+$0xC200];
	[tilespmem:s20+$0x4200] =	vst v3  }
0x42a: {  	v3 =	vld [tilespmem:s22+$0x4200];
	_ =	sdelay $0x4  }
0x42b: {  	v3 =	vadd.f32 v4, v3;
	_ =	sdelay $0x1  }
0x42c: {  	[tilespmem:s22+$0x4200] =	vst v3  }
0x42d: {  	v3 =	vld [tilespmem:s17+$0xC280]  }
0x42e: {  	v4 =	vld [tilespmem:s17+$0x4280];
	_ =	sdelay $0x3  }
0x42f: {  	s19 =	simm.s32 $0x80  }
0x430: {  	s23 =	sand.u32 $0x1C00, s19;
	v3 =	vadd.f32 v3, v4  }
0x431: {  	s20 =	sor.u32 s23, s18;
	s18 =	simm.s32 $0x20  }
.LBB2_104:
0x432: {  	p0 =	sne.s32 s18, $0x3F0;
	v4 =	vld [tilespmem:s20+$0xC280];
	[tilespmem:s17+$0x4280] =	vst v3;
	s17 =	smov.u32 s20  }
0x433: {  	v3 =	vld [tilespmem:s17+$0x4280];
	_ =	sdelay $0x1  }
.Ltmp51:
0x434: {  	(pc) =	sbr.rel @p0 .LBB2_104-.Ltmp51, $4  }
0x435: {  	_ = 	snop  }
0x436: {  	s19 =	sadd.s32 $0x80, s19  }
0x437: {  	s20 =	sand.u32 $0x70, s18;
	s21 =	sand.u32 $0x1C00, s19;
	v3 =	vadd.f32 v4, v3  }
0x438: {  	s18 =	sadd.s32 $0x10, s18;
	s20 =	sor.u32 s21, s20  }
0x439: {  	v4 =	vld [tilespmem:s20+$0xC280];
	[tilespmem:s17+$0x4280] =	vst v3  }
0x43a: {  	v3 =	vld [tilespmem:s20+$0x4280];
	_ =	sdelay $0x4  }
0x43b: {  	s21 =	simm.s32 $0x0;
	v3 =	vadd.f32 v4, v3  }
0x43c: {  	s18 =	sand.u32 $0x70, s21;
	s17 =	sand.u32 $0x1C00, s21  }
0x43d: {  	s17 =	sor.u32 s17, s18;
	[tilespmem:s20+$0x4280] =	vst v3  }
0x43e: {  	v3 =	vld [tilespmem:s17+$0xC300]  }
0x43f: {  	v4 =	vld [tilespmem:s17+$0x4300];
	_ =	sdelay $0x3  }
0x440: {  	s22 =	simm.s32 $0x10;
	s19 =	simm.s32 $0x80  }
0x441: {  	s23 =	sand.u32 $0x1C00, s19;
	s18 =	sand.u32 $0x70, s22;
	v3 =	vadd.f32 v3, v4  }
0x442: {  	s21 =	simm.s32 $0x20;
	s22 =	sor.u32 s23, s18;
	s20 =	smov.u32 s17  }
.LBB2_106:
0x443: {  	p0 =	sne.s32 s21, $0x3F0;
	v4 =	vld [tilespmem:s22+$0xC300];
	[tilespmem:s20+$0x4300] =	vst v3;
	s20 =	smov.u32 s22  }
0x444: {  	v3 =	vld [tilespmem:s20+$0x4300];
	_ =	sdelay $0x1  }
.Ltmp52:
0x445: {  	(pc) =	sbr.rel @p0 .LBB2_106-.Ltmp52, $4  }
0x446: {  	_ = 	snop  }
0x447: {  	s19 =	sadd.s32 $0x80, s19  }
0x448: {  	s22 =	sand.u32 $0x70, s21;
	s23 =	sand.u32 $0x1C00, s19;
	v3 =	vadd.f32 v4, v3  }
0x449: {  	s21 =	sadd.s32 $0x10, s21;
	s22 =	sor.u32 s23, s22  }
0x44a: {  	v4 =	vld [tilespmem:s22+$0xC300];
	[tilespmem:s20+$0x4300] =	vst v3  }
0x44b: {  	v3 =	vld [tilespmem:s22+$0x4300];
	_ =	sdelay $0x4  }
0x44c: {  	v3 =	vadd.f32 v4, v3;
	_ =	sdelay $0x1  }
0x44d: {  	[tilespmem:s22+$0x4300] =	vst v3  }
0x44e: {  	v3 =	vld [tilespmem:s17+$0xC380]  }
0x44f: {  	v4 =	vld [tilespmem:s17+$0x4380];
	_ =	sdelay $0x3  }
0x450: {  	s19 =	simm.s32 $0x80  }
0x451: {  	s23 =	sand.u32 $0x1C00, s19;
	v3 =	vadd.f32 v3, v4  }
0x452: {  	s20 =	sor.u32 s23, s18;
	s18 =	simm.s32 $0x20  }
.LBB2_108:
0x453: {  	p0 =	sne.s32 s18, $0x3F0;
	v4 =	vld [tilespmem:s20+$0xC380];
	[tilespmem:s17+$0x4380] =	vst v3;
	s17 =	smov.u32 s20  }
0x454: {  	v3 =	vld [tilespmem:s17+$0x4380];
	_ =	sdelay $0x1  }
.Ltmp53:
0x455: {  	(pc) =	sbr.rel @p0 .LBB2_108-.Ltmp53, $4  }
0x456: {  	_ = 	snop  }
0x457: {  	s19 =	sadd.s32 $0x80, s19  }
0x458: {  	s20 =	sand.u32 $0x70, s18;
	s21 =	sand.u32 $0x1C00, s19;
	v3 =	vadd.f32 v4, v3  }
0x459: {  	s18 =	sadd.s32 $0x10, s18;
	s20 =	sor.u32 s21, s20  }
0x45a: {  	v4 =	vld [tilespmem:s20+$0xC380];
	[tilespmem:s17+$0x4380] =	vst v3  }
0x45b: {  	v3 =	vld [tilespmem:s20+$0x4380];
	_ =	sdelay $0x4  }
0x45c: {  	s17 =	simm.s32 $0x0;
	v3 =	vadd.f32 v4, v3  }
0x45d: {  	s18 =	sand.u32 $0x70, s17;
	s19 =	sand.u32 $0x1C00, s17  }
0x45e: {  	s19 =	sor.u32 s19, s18;
	[tilespmem:s20+$0x4380] =	vst v3  }
0x45f: {  	v3 =	vld [tilespmem:s19+$0xC400]  }
0x460: {  	v4 =	vld [tilespmem:s19+$0x4400];
	_ =	sdelay $0x3  }
0x461: {  	s18 =	simm.s32 $0x10;
	s20 =	simm.s32 $0x80  }
0x462: {  	s21 =	sand.u32 $0x70, s18;
	s22 =	sand.u32 $0x1C00, s20;
	v3 =	vadd.f32 v3, v4  }
0x463: {  	s22 =	sor.u32 s22, s21;
	s21 =	simm.s32 $0x20  }
.LBB2_110:
0x464: {  	p0 =	sne.s32 s21, $0x3F0;
	v4 =	vld [tilespmem:s22+$0xC400];
	[tilespmem:s19+$0x4400] =	vst v3;
	s19 =	smov.u32 s22  }
0x465: {  	v3 =	vld [tilespmem:s19+$0x4400];
	_ =	sdelay $0x1  }
.Ltmp54:
0x466: {  	(pc) =	sbr.rel @p0 .LBB2_110-.Ltmp54, $4  }
0x467: {  	_ = 	snop  }
0x468: {  	s20 =	sadd.s32 $0x80, s20  }
0x469: {  	s22 =	sand.u32 $0x70, s21;
	s23 =	sand.u32 $0x1C00, s20;
	v3 =	vadd.f32 v4, v3  }
0x46a: {  	s21 =	sadd.s32 $0x10, s21;
	s22 =	sor.u32 s23, s22  }
0x46b: {  	v4 =	vld [tilespmem:s22+$0xC400];
	[tilespmem:s19+$0x4400] =	vst v3  }
0x46c: {  	v3 =	vld [tilespmem:s22+$0x4400];
	_ =	sdelay $0x4  }
0x46d: {  	v3 =	vadd.f32 v4, v3  }
0x46e: {  	s17 =	sor.u32 s17, s17  }
0x46f: {  	s17 =	sor.u32 $0x4380, s17;
	[tilespmem:s22+$0x4400] =	vst v3  }
0x470: {  	v3 =	vld [tilespmem:s17+$0x8100]  }
0x471: {  	v4 =	vld [tilespmem:s17+$0x100];
	_ =	sdelay $0x3  }
0x472: {  	s19 =	simm.s32 $0x80  }
0x473: {  	s18 =	sor.u32 s19, s18;
	v3 =	vadd.f32 v3, v4  }
0x474: {  	s20 =	sor.u32 $0x4380, s18;
	s18 =	simm.s32 $0x20  }
.LBB2_112:
0x475: {  	p0 =	sne.s32 s18, $0x3F0;
	v4 =	vld [tilespmem:s20+$0x8100];
	[tilespmem:s17+$0x100] =	vst v3;
	s17 =	smov.u32 s20  }
0x476: {  	v3 =	vld [tilespmem:s17+$0x100];
	_ =	sdelay $0x1  }
.Ltmp55:
0x477: {  	(pc) =	sbr.rel @p0 .LBB2_112-.Ltmp55, $4  }
0x478: {  	_ = 	snop  }
0x479: {  	s19 =	sadd.s32 $0x80, s19  }
0x47a: {  	s20 =	sor.u32 s19, s18;
	v3 =	vadd.f32 v4, v3  }
0x47b: {  	s18 =	sadd.s32 $0x10, s18;
	s20 =	sor.u32 $0x4380, s20  }
0x47c: {  	v4 =	vld [tilespmem:s20+$0x8100];
	[tilespmem:s17+$0x100] =	vst v3  }
0x47d: {  	v3 =	vld [tilespmem:s20+$0x100];
	_ =	sdelay $0x4  }
0x47e: {  	s21 =	simm.s32 $0x0;
	v3 =	vadd.f32 v4, v3  }
0x47f: {  	s18 =	sand.u32 $0x70, s21;
	s17 =	sand.u32 $0x1C00, s21  }
0x480: {  	s17 =	sor.u32 s17, s18;
	[tilespmem:s20+$0x100] =	vst v3  }
0x481: {  	v3 =	vld [tilespmem:s17+$0xE100]  }
0x482: {  	v4 =	vld [tilespmem:s17+$0x6100];
	_ =	sdelay $0x3  }
0x483: {  	s22 =	simm.s32 $0x10;
	s19 =	simm.s32 $0x80  }
0x484: {  	s23 =	sand.u32 $0x1C00, s19;
	s18 =	sand.u32 $0x70, s22;
	v3 =	vadd.f32 v3, v4  }
0x485: {  	s21 =	simm.s32 $0x20;
	s22 =	sor.u32 s23, s18;
	s20 =	smov.u32 s17  }
.LBB2_114:
0x486: {  	p0 =	sne.s32 s21, $0x3F0;
	v4 =	vld [tilespmem:s22+$0xE100];
	[tilespmem:s20+$0x6100] =	vst v3;
	s20 =	smov.u32 s22  }
0x487: {  	v3 =	vld [tilespmem:s20+$0x6100];
	_ =	sdelay $0x1  }
.Ltmp56:
0x488: {  	(pc) =	sbr.rel @p0 .LBB2_114-.Ltmp56, $4  }
0x489: {  	_ = 	snop  }
0x48a: {  	s19 =	sadd.s32 $0x80, s19  }
0x48b: {  	s22 =	sand.u32 $0x70, s21;
	s23 =	sand.u32 $0x1C00, s19;
	v3 =	vadd.f32 v4, v3  }
0x48c: {  	s21 =	sadd.s32 $0x10, s21;
	s22 =	sor.u32 s23, s22  }
0x48d: {  	v4 =	vld [tilespmem:s22+$0xE100];
	[tilespmem:s20+$0x6100] =	vst v3  }
0x48e: {  	v3 =	vld [tilespmem:s22+$0x6100];
	_ =	sdelay $0x4  }
0x48f: {  	v3 =	vadd.f32 v4, v3;
	_ =	sdelay $0x1  }
0x490: {  	[tilespmem:s22+$0x6100] =	vst v3  }
0x491: {  	v3 =	vld [tilespmem:s17+$0xE180]  }
0x492: {  	v4 =	vld [tilespmem:s17+$0x6180];
	_ =	sdelay $0x3  }
0x493: {  	s19 =	simm.s32 $0x80  }
0x494: {  	s23 =	sand.u32 $0x1C00, s19;
	v3 =	vadd.f32 v3, v4  }
0x495: {  	s20 =	sor.u32 s23, s18;
	s18 =	simm.s32 $0x20  }
.LBB2_116:
0x496: {  	p0 =	sne.s32 s18, $0x3F0;
	v4 =	vld [tilespmem:s20+$0xE180];
	[tilespmem:s17+$0x6180] =	vst v3;
	s17 =	smov.u32 s20  }
0x497: {  	v3 =	vld [tilespmem:s17+$0x6180];
	_ =	sdelay $0x1  }
.Ltmp57:
0x498: {  	(pc) =	sbr.rel @p0 .LBB2_116-.Ltmp57, $4  }
0x499: {  	_ = 	snop  }
0x49a: {  	s19 =	sadd.s32 $0x80, s19  }
0x49b: {  	s20 =	sand.u32 $0x70, s18;
	s21 =	sand.u32 $0x1C00, s19;
	v3 =	vadd.f32 v4, v3  }
0x49c: {  	s18 =	sadd.s32 $0x10, s18;
	s20 =	sor.u32 s21, s20  }
0x49d: {  	v4 =	vld [tilespmem:s20+$0xE180];
	[tilespmem:s17+$0x6180] =	vst v3  }
0x49e: {  	v3 =	vld [tilespmem:s20+$0x6180];
	_ =	sdelay $0x4  }
0x49f: {  	s21 =	simm.s32 $0x0;
	v3 =	vadd.f32 v4, v3  }
0x4a0: {  	s18 =	sand.u32 $0x70, s21;
	s17 =	sand.u32 $0x1C00, s21  }
0x4a1: {  	s17 =	sor.u32 s17, s18;
	[tilespmem:s20+$0x6180] =	vst v3  }
0x4a2: {  	v3 =	vld [tilespmem:s17+$0xE200]  }
0x4a3: {  	v4 =	vld [tilespmem:s17+$0x6200];
	_ =	sdelay $0x3  }
0x4a4: {  	s22 =	simm.s32 $0x10;
	s19 =	simm.s32 $0x80  }
0x4a5: {  	s23 =	sand.u32 $0x1C00, s19;
	s18 =	sand.u32 $0x70, s22;
	v3 =	vadd.f32 v3, v4  }
0x4a6: {  	s21 =	simm.s32 $0x20;
	s22 =	sor.u32 s23, s18;
	s20 =	smov.u32 s17  }
.LBB2_118:
0x4a7: {  	p0 =	sne.s32 s21, $0x3F0;
	v4 =	vld [tilespmem:s22+$0xE200];
	[tilespmem:s20+$0x6200] =	vst v3;
	s20 =	smov.u32 s22  }
0x4a8: {  	v3 =	vld [tilespmem:s20+$0x6200];
	_ =	sdelay $0x1  }
.Ltmp58:
0x4a9: {  	(pc) =	sbr.rel @p0 .LBB2_118-.Ltmp58, $4  }
0x4aa: {  	_ = 	snop  }
0x4ab: {  	s19 =	sadd.s32 $0x80, s19  }
0x4ac: {  	s22 =	sand.u32 $0x70, s21;
	s23 =	sand.u32 $0x1C00, s19;
	v3 =	vadd.f32 v4, v3  }
0x4ad: {  	s21 =	sadd.s32 $0x10, s21;
	s22 =	sor.u32 s23, s22  }
0x4ae: {  	v4 =	vld [tilespmem:s22+$0xE200];
	[tilespmem:s20+$0x6200] =	vst v3  }
0x4af: {  	v3 =	vld [tilespmem:s22+$0x6200];
	_ =	sdelay $0x4  }
0x4b0: {  	v3 =	vadd.f32 v4, v3;
	_ =	sdelay $0x1  }
0x4b1: {  	[tilespmem:s22+$0x6200] =	vst v3  }
0x4b2: {  	v3 =	vld [tilespmem:s17+$0xE280]  }
0x4b3: {  	v4 =	vld [tilespmem:s17+$0x6280];
	_ =	sdelay $0x3  }
0x4b4: {  	s19 =	simm.s32 $0x80  }
0x4b5: {  	s23 =	sand.u32 $0x1C00, s19;
	v3 =	vadd.f32 v3, v4  }
0x4b6: {  	s20 =	sor.u32 s23, s18;
	s18 =	simm.s32 $0x20  }
.LBB2_120:
0x4b7: {  	p0 =	sne.s32 s18, $0x3F0;
	v4 =	vld [tilespmem:s20+$0xE280];
	[tilespmem:s17+$0x6280] =	vst v3;
	s17 =	smov.u32 s20  }
0x4b8: {  	v3 =	vld [tilespmem:s17+$0x6280];
	_ =	sdelay $0x1  }
.Ltmp59:
0x4b9: {  	(pc) =	sbr.rel @p0 .LBB2_120-.Ltmp59, $4  }
0x4ba: {  	_ = 	snop  }
0x4bb: {  	s19 =	sadd.s32 $0x80, s19  }
0x4bc: {  	s20 =	sand.u32 $0x70, s18;
	s21 =	sand.u32 $0x1C00, s19;
	v3 =	vadd.f32 v4, v3  }
0x4bd: {  	s18 =	sadd.s32 $0x10, s18;
	s20 =	sor.u32 s21, s20  }
0x4be: {  	v4 =	vld [tilespmem:s20+$0xE280];
	[tilespmem:s17+$0x6280] =	vst v3  }
0x4bf: {  	v3 =	vld [tilespmem:s20+$0x6280];
	_ =	sdelay $0x4  }
0x4c0: {  	s21 =	simm.s32 $0x0;
	v3 =	vadd.f32 v4, v3  }
0x4c1: {  	s18 =	sand.u32 $0x70, s21;
	s17 =	sand.u32 $0x1C00, s21  }
0x4c2: {  	s17 =	sor.u32 s17, s18;
	[tilespmem:s20+$0x6280] =	vst v3  }
0x4c3: {  	v3 =	vld [tilespmem:s17+$0xE300]  }
0x4c4: {  	v4 =	vld [tilespmem:s17+$0x6300];
	_ =	sdelay $0x3  }
0x4c5: {  	s22 =	simm.s32 $0x10;
	s19 =	simm.s32 $0x80  }
0x4c6: {  	s23 =	sand.u32 $0x1C00, s19;
	s18 =	sand.u32 $0x70, s22;
	v3 =	vadd.f32 v3, v4  }
0x4c7: {  	s21 =	simm.s32 $0x20;
	s22 =	sor.u32 s23, s18;
	s20 =	smov.u32 s17  }
.LBB2_122:
0x4c8: {  	p0 =	sne.s32 s21, $0x3F0;
	v4 =	vld [tilespmem:s22+$0xE300];
	[tilespmem:s20+$0x6300] =	vst v3;
	s20 =	smov.u32 s22  }
0x4c9: {  	v3 =	vld [tilespmem:s20+$0x6300];
	_ =	sdelay $0x1  }
.Ltmp60:
0x4ca: {  	(pc) =	sbr.rel @p0 .LBB2_122-.Ltmp60, $4  }
0x4cb: {  	_ = 	snop  }
0x4cc: {  	s19 =	sadd.s32 $0x80, s19  }
0x4cd: {  	s22 =	sand.u32 $0x70, s21;
	s23 =	sand.u32 $0x1C00, s19;
	v3 =	vadd.f32 v4, v3  }
0x4ce: {  	s21 =	sadd.s32 $0x10, s21;
	s22 =	sor.u32 s23, s22  }
0x4cf: {  	v4 =	vld [tilespmem:s22+$0xE300];
	[tilespmem:s20+$0x6300] =	vst v3  }
0x4d0: {  	v3 =	vld [tilespmem:s22+$0x6300];
	_ =	sdelay $0x4  }
0x4d1: {  	v3 =	vadd.f32 v4, v3;
	_ =	sdelay $0x1  }
0x4d2: {  	[tilespmem:s22+$0x6300] =	vst v3  }
0x4d3: {  	v3 =	vld [tilespmem:s17+$0xE380]  }
0x4d4: {  	v4 =	vld [tilespmem:s17+$0x6380];
	_ =	sdelay $0x3  }
0x4d5: {  	s19 =	simm.s32 $0x80  }
0x4d6: {  	s23 =	sand.u32 $0x1C00, s19;
	v3 =	vadd.f32 v3, v4  }
0x4d7: {  	s20 =	sor.u32 s23, s18;
	s18 =	simm.s32 $0x20  }
.LBB2_124:
0x4d8: {  	p0 =	sne.s32 s18, $0x3F0;
	v4 =	vld [tilespmem:s20+$0xE380];
	[tilespmem:s17+$0x6380] =	vst v3;
	s17 =	smov.u32 s20  }
0x4d9: {  	v3 =	vld [tilespmem:s17+$0x6380];
	_ =	sdelay $0x1  }
.Ltmp61:
0x4da: {  	(pc) =	sbr.rel @p0 .LBB2_124-.Ltmp61, $4  }
0x4db: {  	_ = 	snop  }
0x4dc: {  	s19 =	sadd.s32 $0x80, s19  }
0x4dd: {  	s20 =	sand.u32 $0x70, s18;
	s21 =	sand.u32 $0x1C00, s19;
	v3 =	vadd.f32 v4, v3  }
0x4de: {  	s18 =	sadd.s32 $0x10, s18;
	s20 =	sor.u32 s21, s20  }
0x4df: {  	v4 =	vld [tilespmem:s20+$0xE380];
	[tilespmem:s17+$0x6380] =	vst v3  }
0x4e0: {  	v3 =	vld [tilespmem:s20+$0x6380];
	_ =	sdelay $0x4  }
0x4e1: {  	s17 =	simm.s32 $0x0;
	v3 =	vadd.f32 v4, v3  }
0x4e2: {  	s18 =	sand.u32 $0x70, s17;
	s19 =	sand.u32 $0x1C00, s17  }
0x4e3: {  	s19 =	sor.u32 s19, s18;
	[tilespmem:s20+$0x6380] =	vst v3  }
0x4e4: {  	v3 =	vld [tilespmem:s19+$0xE400]  }
0x4e5: {  	v4 =	vld [tilespmem:s19+$0x6400];
	_ =	sdelay $0x3  }
0x4e6: {  	s18 =	simm.s32 $0x10;
	s20 =	simm.s32 $0x80  }
0x4e7: {  	s21 =	sand.u32 $0x70, s18;
	s22 =	sand.u32 $0x1C00, s20;
	v3 =	vadd.f32 v3, v4  }
0x4e8: {  	s22 =	sor.u32 s22, s21;
	s21 =	simm.s32 $0x20  }
.LBB2_126:
0x4e9: {  	p0 =	sne.s32 s21, $0x3F0;
	v4 =	vld [tilespmem:s22+$0xE400];
	[tilespmem:s19+$0x6400] =	vst v3;
	s19 =	smov.u32 s22  }
0x4ea: {  	v3 =	vld [tilespmem:s19+$0x6400];
	_ =	sdelay $0x1  }
.Ltmp62:
0x4eb: {  	(pc) =	sbr.rel @p0 .LBB2_126-.Ltmp62, $4  }
0x4ec: {  	_ = 	snop  }
0x4ed: {  	s20 =	sadd.s32 $0x80, s20  }
0x4ee: {  	s22 =	sand.u32 $0x70, s21;
	s23 =	sand.u32 $0x1C00, s20;
	v3 =	vadd.f32 v4, v3  }
0x4ef: {  	s21 =	sadd.s32 $0x10, s21;
	s22 =	sor.u32 s23, s22  }
0x4f0: {  	v4 =	vld [tilespmem:s22+$0xE400];
	[tilespmem:s19+$0x6400] =	vst v3  }
0x4f1: {  	v3 =	vld [tilespmem:s22+$0x6400];
	_ =	sdelay $0x4  }
0x4f2: {  	v3 =	vadd.f32 v4, v3  }
0x4f3: {  	s17 =	sor.u32 s17, s17  }
0x4f4: {  	s17 =	sor.u32 $0x6380, s17;
	[tilespmem:s22+$0x6400] =	vst v3  }
0x4f5: {  	v3 =	vld [tilespmem:s17+$0x8100]  }
0x4f6: {  	v4 =	vld [tilespmem:s17+$0x100];
	_ =	sdelay $0x3  }
0x4f7: {  	s19 =	simm.s32 $0x80  }
0x4f8: {  	s18 =	sor.u32 s19, s18;
	v3 =	vadd.f32 v3, v4  }
0x4f9: {  	s20 =	sor.u32 $0x6380, s18;
	s18 =	simm.s32 $0x20  }
.LBB2_128:
0x4fa: {  	p0 =	sne.s32 s18, $0x3F0;
	v4 =	vld [tilespmem:s20+$0x8100];
	[tilespmem:s17+$0x100] =	vst v3;
	s17 =	smov.u32 s20  }
0x4fb: {  	v3 =	vld [tilespmem:s17+$0x100];
	_ =	sdelay $0x1  }
.Ltmp63:
0x4fc: {  	(pc) =	sbr.rel @p0 .LBB2_128-.Ltmp63, $4  }
0x4fd: {  	_ = 	snop  }
0x4fe: {  	s19 =	sadd.s32 $0x80, s19  }
0x4ff: {  	s20 =	sor.u32 s19, s18;
	v3 =	vadd.f32 v4, v3  }
0x500: {  	s18 =	sadd.s32 $0x10, s18;
	s20 =	sor.u32 $0x6380, s20  }
0x501: {  	v4 =	vld [tilespmem:s20+$0x8100];
	[tilespmem:s17+$0x100] =	vst v3  }
0x502: {  	v3 =	vld [tilespmem:s20+$0x100];
	_ =	sdelay $0x4  }
0x503: {  	s15 =	sadd.s32 $0x1, s15;
	v3 =	vadd.f32 v4, v3  }
0x504: {  	p0 =	sne.s32 s15, s13  }
.Ltmp64:
0x505: {  	[tilespmem:s20+$0x100] =	vst v3;
	(pc) =	sbr.rel @p0 .LBB2_1-.Ltmp64, $4  }
0x506: {  	[hbm4b:s12+s1] =	stream.linear.scatter [tilespmem:s16], [sflag:$0x3], $0x8000, $0x38;
	[tilespmem:$0x10100] =	vst v63  }
0x507: {  	_ =	swait.ge [sflag:s14], $0x8000  }
0x508: {  	[sflag:s14] =	ssyncset.done $0x0  }
0x509: {  	[sflag:s14] =	ssyncadd.s32 $0xFFFF8000  }
0x50a: {  	_ =	sfence.sel $0x180000  }
0x50b: {  	[bflag:$0x0] =	sbarrier.arrive $0xFFFF  }
0x50c: {  	_ =	strace $0x9000004A  }
0x50d: {  	s0 =	stileid.u32;
	[bflag:$0x2] =	sbarrier.arrive $0xFFFF  }
0x50e: {  	p0 =	sne.s32 s0, $0x0;
	s0 =	rddreg [dreg:$0x2]  }
0x50f: {  	s0 =	sadd.s32 @!p0 $0x100000, s0  }
0x510: {  	[sflag:s0] =	ssyncadd.tile.s32 @!p0 $0x1;
	_ =	shalt  }
.Lfunc_end2:
_tile_overlayer_lowered:
.L_overlay_start_2:
0x511: {  	(tag) =	ssettag $0x2  }
0x512: {  	s0 =	rddreg [dreg:$0x0];
	s2 =	stileid.u32  }
0x513: {  	s1 =	rddreg [dreg:$0x1];
	p0 =	sne.s32 s2, $0x0  }
0x514: {  	s3 =	rddreg [dreg:$0x2];
	[bflag:$0x3] =	sbarrier.arrive $0xFFFF;
	s2 =	simm.s32 @!p0 $0x1C03  }
0x515: {  	[timem:s3], [sflag:s2] =	dma.local @!p0 [hbm:s0], s1  }
0x516: {  	s0 =	simm.s32 @!p0 $0x3  }
0x517: {  	_ =	swait.ge @!p0 [sflag:s0], s1  }
0x518: {  	s1 =	ssub.s32 @!p0 $0x0, s1;
	[sflag:s0] =	ssyncset.done @!p0 $0x0  }
0x519: {  	[sflag:s0] =	ssyncadd.s32 @!p0 s1  }
0x51a: {  	[bflag:$0x3] =	sbarrier.arrive $0xFFFF  }
0x51b: {  	_ =	shalt  }

// kernel: kernel.7.cloned.1.call-start
scs
__scs_entry_jumppad:
0x0: {  	(pc) =	sbr.rel $0x88, $3  }
0x1: {  	(tag) =	ssettag $0x0;
	lr =	simm.s32 $0x1  }
0x2: {  	[smem:$0x3F9D] =	sst lr;
	_ =	strace $0xD0000000  }
0x3: {  	_ = 	snop  }
0x4: {  	_ = 	snop  }
0x5: {  	_ = 	snop  }
0x6: {  	_ = 	snop  }
0x7: {  	_ = 	snop  }
__scs_overlays_trampoline_lowered:
0x8: {  	[smem:$0x3FAC] =	sst s0  }
0x9: {  	[smem:$0x3FAD] =	sst s1  }
0xa: {  	[smem:$0x3FAE] =	sst s2  }
0xb: {  	[smem:$0x3FAF] =	sst s3  }
0xc: {  	[smem:$0x3FB0] =	sst s4  }
0xd: {  	[smem:$0x3FB1] =	sst s5  }
0xe: {  	[smem:$0x3FB2] =	sst s6  }
0xf: {  	[smem:$0x3FB3] =	sst s7  }
0x10: {  	[smem:$0x3FB4] =	sst s8  }
0x11: {  	[smem:$0x3FB5] =	sst s9;
	s0 =	simm.s32 @!p0 $0x0  }
0x12: {  	s1 =	sld [smem:$0x3F9B];
	s0 =	simm.s32 @p0 $0x1  }
0x13: {  	[smem:$0x3FB6] =	sst s0;
	s0 =	simm.s32 @!p1 $0x0  }
0x14: {  	s2 =	sld [smem:$0x3F9A];
	s0 =	simm.s32 @p1 $0x1  }
0x15: {  	[smem:$0x3FB7] =	sst s0;
	s0 =	simm.s32 @!p2 $0x0  }
0x16: {  	s3 =	sld [smem:$0x3FDB];
	s0 =	simm.s32 @p2 $0x1  }
0x17: {  	s4 =	simm.s32 $0x1BF5;
	[smem:$0x3FB9] =	sst s0  }
0x18: {  	s0 =	sld [smem:$0x3F9C];
	_ =	swait.ge [sflag:s4], $0x0  }
0x19: {  	s7 =	sld [smem:$0x3F9D]  }
0x1a: {  	s8 =	sadd.s32 $0xFFFFE003, lr  }
0x1b: {  	s9 =	sadd.s32 $0xFFFFFEF7, lr;
	s5 =	simm.s32 $0xFFFFFFFF;
	p2 =	slt.u32 s8, $0xFFFFF086  }
0x1c: {  	p1 =	slt.u32 s9, $0xF7A;
	s5 =	simm.s32 @!p2 $0x0  }
0x1d: {  	s5 =	simm.s32 @p1 $0x1;
	p0 =	seq.s32 s7, s2  }
0x1e: {  	s7 =	smul.u32 @!p0 $0xF7A, s2;
	p2 =	seq.s32 @!p0 s5, $0x0  }
0x1f: {  	s9 =	smul.u32 $0xF7A, s1;
	s8 =	simm.s32 @!p0 $0x1BF5;
	p2 =	por !p2, p0  }
0x20: {  	[sflag:s8] =	ssyncset.s32 @!p0 $0xFFFFF086;
	s6 =	sadd.s32 @!p0 s3, s7;
	s7 =	simm.s32 @!p0 $0x108  }
0x21: {  	s3 =	sadd.s32 s3, s9;
	s6 =	sadd.s32 @!p0 $0x88, s6;
	s7 =	simm.s32 @p2 $0x1082  }
0x22: {  	[simem:s7], [sflag:s8] =	dma.local @!p0 [hbm:s6], $0xF7A  }
0x23: {  	s9 =	sor.u32 $0xD0000000, s2;
	s6 =	simm.s32 $0x108;
	_ =	swait.ge @!p0 [sflag:s8], $0x0  }
0x24: {  	s3 =	sadd.s32 $0x88, s3;
	s6 =	simm.s32 @!p1 $0x1082;
	[sflag:s4] =	ssyncset.s32 $0xFFFFF086  }
0x25: {  	[simem:s6], [sflag:s4] =	dma.local [hbm:s3], $0xF7A  }
0x26: {  	[smem:$0x3F9D] =	sst s1;
	(tag) =	ssettag s2;
	_ =	strace s9  }
0x27: {  	s1 =	sld [smem:$0x3FAD]  }
0x28: {  	s2 =	sld [smem:$0x3FAE]  }
0x29: {  	s4 =	sld [smem:$0x3FB0]  }
0x2a: {  	p0 =	seq.s32 s5, $0x0;
	s5 =	sld [smem:$0x3FB1]  }
0x2b: {  	s6 =	sld [smem:$0x3FB2]  }
0x2c: {  	s7 =	sld [smem:$0x3FB3]  }
0x2d: {  	s3 =	simm.s32 $0x108;
	s8 =	sld [smem:$0x3FB4]  }
0x2e: {  	s3 =	simm.s32 @!p0 $0x1082;
	s9 =	sld [smem:$0x3FB5]  }
0x2f: {  	lr =	sadd.s32 s0, s3;
	s0 =	sld [smem:$0x3FAC]  }
0x30: {  	s3 =	sld [smem:$0x3FAF]  }
0x31: {  	[smem:$0x3FB8] =	sst s10  }
0x32: {  	s10 =	sld [smem:$0x3FB6];
	_ =	sdelay $0x3  }
0x33: {  	p0 =	seq.s32 s10, $0x1;
	s10 =	sld [smem:$0x3FB8];
	_ =	sdelay $0x3  }
0x34: {  	[smem:$0x3FB8] =	sst s10  }
0x35: {  	s10 =	sld [smem:$0x3FB7];
	_ =	sdelay $0x3  }
0x36: {  	p1 =	seq.s32 s10, $0x1;
	s10 =	sld [smem:$0x3FB8];
	_ =	sdelay $0x3  }
0x37: {  	[smem:$0x3FB8] =	sst s10  }
0x38: {  	s10 =	sld [smem:$0x3FB9]  }
0x39: {  	_ = 	snop;
	(pc) =	sbr.ind lr, $3  }
0x3a: {  	_ = 	snop  }
0x3b: {  	_ = 	snop  }
0x3c: {  	p2 =	seq.s32 s10, $0x1;
	s10 =	sld [smem:$0x3FB8]  }
0x3d: {  	_ =	shalt  }
0x3e: {  	_ =	shalt  }
0x3f: {  	_ =	shalt  }
0x40: {  	_ =	shalt  }
0x41: {  	_ =	shalt  }
0x42: {  	_ =	shalt  }
0x43: {  	_ =	shalt  }
0x44: {  	_ =	shalt  }
0x45: {  	_ =	shalt  }
0x46: {  	_ =	shalt  }
0x47: {  	_ =	shalt  }
0x48: {  	_ =	shalt  }
0x49: {  	_ =	shalt  }
0x4a: {  	_ =	shalt  }
0x4b: {  	_ =	shalt  }
0x4c: {  	_ =	shalt  }
0x4d: {  	_ =	shalt  }
0x4e: {  	_ =	shalt  }
0x4f: {  	_ =	shalt  }
0x50: {  	_ =	shalt  }
0x51: {  	_ =	shalt  }
0x52: {  	_ =	shalt  }
0x53: {  	_ =	shalt  }
0x54: {  	_ =	shalt  }
0x55: {  	_ =	shalt  }
0x56: {  	_ =	shalt  }
0x57: {  	_ =	shalt  }
0x58: {  	_ =	shalt  }
0x59: {  	_ =	shalt  }
0x5a: {  	_ =	shalt  }
0x5b: {  	_ =	shalt  }
0x5c: {  	_ =	shalt  }
0x5d: {  	_ =	shalt  }
0x5e: {  	_ =	shalt  }
0x5f: {  	_ =	shalt  }
0x60: {  	_ =	shalt  }
0x61: {  	_ =	shalt  }
0x62: {  	_ =	shalt  }
0x63: {  	_ =	shalt  }
0x64: {  	_ =	shalt  }
0x65: {  	_ =	shalt  }
0x66: {  	_ =	shalt  }
0x67: {  	_ =	shalt  }
0x68: {  	_ =	shalt  }
0x69: {  	_ =	shalt  }
0x6a: {  	_ =	shalt  }
0x6b: {  	_ =	shalt  }
0x6c: {  	_ =	shalt  }
0x6d: {  	_ =	shalt  }
0x6e: {  	_ =	shalt  }
0x6f: {  	_ =	shalt  }
0x70: {  	_ =	shalt  }
0x71: {  	_ =	shalt  }
0x72: {  	_ =	shalt  }
0x73: {  	_ =	shalt  }
0x74: {  	_ =	shalt  }
0x75: {  	_ =	shalt  }
0x76: {  	_ =	shalt  }
0x77: {  	_ =	shalt  }
0x78: {  	_ =	shalt  }
0x79: {  	_ =	shalt  }
0x7a: {  	_ =	shalt  }
0x7b: {  	_ =	shalt  }
0x7c: {  	_ =	shalt  }
0x7d: {  	_ =	shalt  }
0x7e: {  	_ =	shalt  }
0x7f: {  	_ =	shalt  }
0x80: {  	_ =	shalt  }
0x81: {  	_ =	shalt  }
0x82: {  	_ =	shalt  }
0x83: {  	_ =	shalt  }
0x84: {  	_ =	shalt  }
0x85: {  	_ =	shalt  }
0x86: {  	_ =	shalt  }
0x87: {  	_ =	shalt  }
.Lfunc_end0:
.L_simem_size_0:
called_computation_lowered:
.L_overlay_start_0:
0x88: {  	s2 =	sld [smem:$0x3FD9]  }
0x89: {  	s3 =	sld [smem:$0x3FFE];
	_ =	sdelay $0x1  }
0x8a: {  	s1 =	srdreg.scid  }
0x8b: {  	s0 =	sand.u32 $0x1, s1  }
0x8c: {  	s17 =	sshll.u32 s0, $0xA;
	s2 =	sadd.s32 s3, s2  }
0x8d: {  	s2 =	sadd.s32 s2, s17  }
0x8e: {  	[smem:$0x3FC4] =	sst s2  }
0x8f: {  	_ = 	snop  }
0x90: {  	s2 =	sld [smem:$0x3FC9]  }
0x91: {  	s18 =	sld [smem:$0x3FD0];
	(tm) =	ssettm $0x1  }
0x92: {  	s4 =	sld [smem:$0x3FFB];
	_ =	sdelay $0x3  }
0x93: {  	_ =	strace s4  }
0x94: {  	s4 =	sld [smem:$0x3FFC];
	_ =	sdelay $0x3  }
0x95: {  	_ =	strace s4  }
0x96: {  	s4 =	sld [smem:$0x3FFD];
	_ =	sdelay $0x3  }
0x97: {  	_ =	strace s4  }
0x98: {  	_ =	strace $0x8FFFFFFF  }
0x99: {  	s19 =	sld [smem:$0x3FDB];
	_ =	sdelay $0x1  }
0x9a: {  	s5 =	simm.s32 $_scs_section_size  }
0x9b: {  	s6 =	simm.s32 $_size__tile_overlayer_lowered;
	s7 =	simm.s32 $_tile_overlayer_lowered  }
0x9c: {  	s22 =	simm.s32 $0x1BFF;
	s21 =	sshll.u32 s7, $0x1;
	s4 =	sadd.s32 s5, s19  }
0x9d: {  	s8 =	simm.s32 $0x0;
	s20 =	sshll.u32 s6, $0x1;
	s6 =	sadd.s32 s21, s4  }
0x9e: {  	[timem:s8], [sflag:s22] =	dma.local [hbm:s6], s20  }
0x9f: {  	_ =	swait.ge [sflag:s22], s20  }
0xa0: {  	s5 =	ssub.s32 $0x0, s20;
	[sflag:s22] =	ssyncset.done $0x0  }
0xa1: {  	[sflag:s22] =	ssyncadd.s32 s5;
	_ =	sdelay $0x1  }
0xa2: {  	s23 =	simm.s32 $0x1B8B  }
0xa3: {  	_ =	swait.ge [sflag:s23], $0x1  }
0xa4: {  	[sflag:s23] =	ssyncset.done $0x0  }
0xa5: {  	s25 =	simm.s32 $0x1B8E;
	s24 =	sld [smem:$0x3FFE];
	[sflag:s23] =	ssyncadd.s32 $0xFFFFFFFF  }
0xa6: {  	s26 =	simm.s32 $execute0_lowered;
	[smem:$0x3FD2] =	sst s25  }
0xa7: {  	s6 =	sshll.u32 s26, $0x1;
	_ =	strace $0x80000046;
	[dreg:$0x1] =	wrdreg $0xFFFFFFFF  }
0xa8: {  	s28 =	simm.s32 $_size_execute0_lowered;
	s4 =	sadd.s32 s4, s6;
	[dreg:$0x0] =	wrdreg $0x0  }
0xa9: {  	s6 =	sshll.u32 s28, $0x1;
	[dreg:$0x2] =	wrdreg s4  }
0xaa: {  	[dreg:$0x3] =	wrdreg s6  }
0xab: {  	[dreg:$0x4] =	wrdreg $0xC0  }
0xac: {  	_ =	task [dreg:s8], $0x5FFFF  }
0xad: {  	[dreg:$0x1] =	wrdreg $0xFFFFFFFF  }
0xae: {  	[dreg:$0x0] =	wrdreg $0x60  }
0xaf: {  	[dreg:$0x2] =	wrdreg s18  }
0xb0: {  	[dreg:$0x3] =	wrdreg s2  }
0xb1: {  	[dreg:$0x4] =	wrdreg s24  }
0xb2: {  	[dreg:$0x5] =	wrdreg $0x9  }
0xb3: {  	_ =	task.clear_ibuf [dreg:s8], $0x6FFFF;
	_ =	strace $0x90000046  }
0xb4: {  	s29 =	simm.s32 $0x9;
	_ =	strace $0x80000048  }
0xb5: {  	_ =	swait.ge [sflag:s29], $0x1  }
0xb6: {  	[sflag:s29] =	ssyncadd.s32 $0xFFFFFFFF  }
0xb7: {  	_ =	strace $0x90000048  }
0xb8: {  	_ =	sfence  }
0xb9: {  	s30 =	sld [smem:$0x0];
	_ =	sdelay $0x2  }
0xba: {  	s31 =	sshll.u32 s1, $0xD;
	s1 =	sshrl.u32 s1, $0x2  }
0xbb: {  	s3 =	sand.u32 $0x4000, s31;
	s1 =	sadd.s32 s1, s30  }
0xbc: {  	s0 =	sor.u32 s3, s0;
	s1 =	sshll.u32 s1, $0x11  }
0xbd: {  	s0 =	sor.u32 s1, s0  }
0xbe: {  	s0 =	sadd.s32 $0x8F2B, s0  }
0xbf: {  	[sflag:s0] =	ssyncadd.remote.s32 $0x1  }
0xc0: {  	_ =	sfence.sel $0xFFFF  }
0xc1: {  	[dreg:$0x0] =	wrdreg $0xFFFFFFFF;
	(pc) =	sbr.abs _section_cstart, $3  }
0xc2: {  	[dreg:$0x1] =	wrdreg $0xFFFFFFFF  }
0xc3: {  	_ =	task.clear_ibuf [dreg:s8], $0x2FFFF;
	_ =	strace $0x9FFFFFFF  }
0xc4: {  	(tm) =	ssettm $0x7FFFFFFF  }
0xc5: {  	_ =	shalt  }
tec
execute0_lowered:
.L_overlay_start_1:
0x0: {  	(tag) =	ssettag $0x1  }
0x1: {  	s0 =	rddreg [dreg:$0x0]  }
0x2: {  	s2 =	rddreg [dreg:$0x1];
	s1 =	srdreg.scid  }
0x3: {  	s3 =	stileid.u32;
	s4 =	rddreg [dreg:$0x2];
	s28 =	simm.s32 $0x2900  }
0x4: {  	s29 =	simm.s32 $0x3100;
	s30 =	simm.s32 $0x3900;
	s31 =	simm.s32 $0x4100  }
0x5: {  	s1 =	sand.u32 $0x1, s1;
	s5 =	sshll.u32 s3, $0x1;
	s3 =	simm.s32 $0x0  }
0x6: {  	s7 =	sadd.s32 $0x800, s4;
	s5 =	sor.u32 s1, s5;
	s1 =	ssub.s32 $0x2, s1  }
0x7: {  	[smem:$0x7FF] =	sst s3;
	s6 =	smul.u32 $0xC0, s5;
	s10 =	sshrl.u32 s1, $0x1  }
0x8: {  	_ =	strace $0x80000047;
	s5 =	smul.u32 $0x6000, s5;
	s1 =	ssub.s32 s1, s10  }
0x9: {  	s10 =	simm.s32 $0x5900;
	s11 =	sshrl.u32 s6, $0x3;
	s8 =	sor.u32 $0x20, s6  }
0xa: {  	s13 =	sadd.s32 s7, s5;
	s14 =	sadd.s32 $0x40, s6;
	s16 =	sadd.s32 $0x60, s6  }
0xb: {  	s20 =	sadd.s32 $0x80, s6;
	s6 =	sadd.s32 $0xA0, s6;
	s4 =	sadd.s32 s0, s11  }
0xc: {  	s9 =	sshrl.u32 s8, $0x3;
	[dreg:$0x6] =	wrdreg s13;
	s15 =	sshrl.u32 s14, $0x3  }
0xd: {  	s8 =	sshll.u32 s8, $0x7;
	s18 =	sshrl.u32 s16, $0x3;
	s5 =	sshll.u32 s14, $0x7  }
0xe: {  	s21 =	sshrl.u32 s20, $0x3;
	s23 =	sshrl.u32 s6, $0x3;
	s24 =	sshll.u32 s20, $0x7  }
0xf: {  	s6 =	sshll.u32 s6, $0x7;
	s20 =	simm.s32 $0x2;
	s11 =	simm.s32 $0x6100  }
0x10: {  	s13 =	simm.s32 $0x7100;
	s14 =	simm.s32 $0x7900;
	[dreg:$0x4] =	wrdreg s4  }
0x11: {  	s12 =	sadd.s32 s0, s9;
	s4 =	sadd.s32 s0, s15;
	s17 =	sadd.s32 s7, s8  }
0x12: {  	s19 =	sadd.s32 s0, s18;
	s5 =	sadd.s32 s7, s5;
	s9 =	sshll.u32 s16, $0x7  }
0x13: {  	s25 =	sadd.s32 s7, s24;
	s26 =	sadd.s32 s7, s6;
	[dreg:$0x5] =	wrdreg s12  }
0x14: {  	s6 =	sadd.s32 $0x300, s2;
	s8 =	simm.s32 $0x3;
	[dreg:$0x7] =	wrdreg s4  }
0x15: {  	s24 =	simm.s32 $0x1900;
	s15 =	simm.s32 $0x80;
	[dreg:$0x8] =	wrdreg s17  }
0x16: {  	s16 =	simm.s32 $0x8900;
	s18 =	simm.s32 $0x9900;
	[dreg:$0x9] =	wrdreg s19  }
0x17: {  	s4 =	sadd.s32 $0x100, s2;
	[dreg:$0xa] =	wrdreg s5;
	s5 =	sadd.s32 s0, s21  }
0x18: {  	s22 =	sadd.s32 s7, s9;
	s0 =	sadd.s32 s0, s23;
	[dreg:$0xe] =	wrdreg s25  }
0x19: {  	[dreg:$0xf] =	wrdreg s26;
	s7 =	smax.u32 s1, $0x1;
	s19 =	simm.s32 $0x1  }
0x1a: {  	s26 =	simm.s32 $0x100;
	s23 =	simm.s32 $0x1100;
	[dreg:$0xb] =	wrdreg s5  }
0x1b: {  	v2 =	vlaneseq.u32;
	s25 =	simm.s32 $0x2100;
	s9 =	simm.s32 $0x5100;
	[dreg:$0xc] =	wrdreg s22  }
0x1c: {  	vm0 =	vmmov $0xffff;
	v1 =	vshrl.u32 v2, $0x3;
	s12 =	simm.s32 $0x6900;
	s17 =	simm.s32 $0x9100;
	[dreg:$0xd] =	wrdreg s0  }
0x1d: {  	v0 =	vand.u32 $0x7, v2;
	v2 =	vor.u32 $0x8, v2;
	v1 =	vmul.u32 $0x8, v1;
	s5 =	sadd.s32 $0x200, s2;
	s22 =	simm.s32 $0x900;
	s0 =	simm.s32 $0x8100  }
.LBB2_1:
0x1e: {  	s21 =	rddreg [dreg:$0x4]  }
0x1f: {  	[tilespmem:s3], [sflag:$0x3] =	stream.linear.gather [hbm4b:s21+s3], $0x20, $0x38;
	[tilespmem:$0x10100] =	vst v63  }
0x20: {  	_ =	swait.ge [sflag:s8], $0x20  }
0x21: {  	[sflag:s8] =	ssyncset.done $0x0  }
0x22: {  	[sflag:s8] =	ssyncadd.s32 $0xFFFFFFE0  }
0x23: {  	v3 =	vld [tilespmem:$0x0];
	_ =	sdelay $0x4  }
0x24: {  	v4 =	vshll.u32 v3, $0x3  }
0x25: {  	v3 =	vand.u32 $0x7, v3;
	v4 =	vand.u32 $0xFFFFFFC0, v4  }
0x26: {  	v3 =	vor.u32 v3, v4  }
0x27: {  	v4 =	vperm.xlane v3, v0;
	_ =	sdelay $0x1  }
0x28: {  	v4 =	vadd.s32 v1, v4;
	_ =	sdelay $0x4  }
0x29: {  	[tilespmem:s26], [sflag:$0x1] =	stream.indirect_vreg.gather [hbm4b:s2+s3], $0x80, v4, vm0, $0xb8;
	[tilespmem:$0x10100] =	vst v63  }
0x2a: {  	v3 =	vperm.xlane v3, v2  }
0x2b: {  	[tilespmem:s22], [sflag:$0x1] =	stream.indirect_vreg.gather [hbm4b:s4+s3], $0x80, v4, vm0, $0xb8;
	[tilespmem:$0x10100] =	vst v63  }
0x2c: {  	v3 =	vadd.s32 v1, v3  }
0x2d: {  	[tilespmem:s23], [sflag:$0x1] =	stream.indirect_vreg.gather [hbm4b:s5+s3], $0x80, v4, vm0, $0xb8;
	[tilespmem:$0x10100] =	vst v63  }
0x2e: {  	_ = 	snop  }
0x2f: {  	[tilespmem:s24], [sflag:$0x1] =	stream.indirect_vreg.gather [hbm4b:s6+s3], $0x80, v4, vm0, $0xb8;
	[tilespmem:$0x10100] =	vst v63  }
0x30: {  	_ = 	snop  }
0x31: {  	[tilespmem:s25], [sflag:$0x1] =	stream.indirect_vreg.gather [hbm4b:s2+s3], $0x80, v3, vm0, $0xb8;
	[tilespmem:$0x10100] =	vst v63  }
0x32: {  	_ = 	snop  }
0x33: {  	[tilespmem:s28], [sflag:$0x1] =	stream.indirect_vreg.gather [hbm4b:s4+s3], $0x80, v3, vm0, $0xb8;
	[tilespmem:$0x10100] =	vst v63  }
0x34: {  	_ = 	snop  }
0x35: {  	[tilespmem:s29], [sflag:$0x1] =	stream.indirect_vreg.gather [hbm4b:s5+s3], $0x80, v3, vm0, $0xb8;
	[tilespmem:$0x10100] =	vst v63  }
0x36: {  	_ = 	snop  }
0x37: {  	[tilespmem:s30], [sflag:$0x1] =	stream.indirect_vreg.gather [hbm4b:s6+s3], $0x80, v3, vm0, $0xb8;
	[tilespmem:$0x10100] =	vst v63  }
0x38: {  	v3 =	vld [tilespmem:$0x10];
	_ =	sdelay $0x4  }
0x39: {  	v53 =	vshll.u32 v3, $0x3  }
0x3a: {  	v3 =	vand.u32 $0x7, v3;
	v4 =	vand.u32 $0xFFFFFFC0, v53  }
0x3b: {  	v3 =	vor.u32 v3, v4  }
0x3c: {  	v4 =	vperm.xlane v3, v0;
	_ =	sdelay $0x1  }
0x3d: {  	v4 =	vadd.s32 v1, v4;
	_ =	sdelay $0x4  }
0x3e: {  	[tilespmem:s31], [sflag:$0x1] =	stream.indirect_vreg.gather [hbm4b:s2+s3], $0x80, v4, vm0, $0xb8;
	[tilespmem:$0x10100] =	vst v63  }
0x3f: {  	s1 =	simm.s32 $0x4900;
	v3 =	vperm.xlane v3, v2  }
0x40: {  	[tilespmem:s1], [sflag:$0x1] =	stream.indirect_vreg.gather [hbm4b:s4+s3], $0x80, v4, vm0, $0xb8;
	[tilespmem:$0x10100] =	vst v63  }
0x41: {  	v3 =	vadd.s32 v1, v3  }
0x42: {  	[tilespmem:s9], [sflag:$0x1] =	stream.indirect_vreg.gather [hbm4b:s5+s3], $0x80, v4, vm0, $0xb8;
	[tilespmem:$0x10100] =	vst v63  }
0x43: {  	_ = 	snop  }
0x44: {  	[tilespmem:s10], [sflag:$0x1] =	stream.indirect_vreg.gather [hbm4b:s6+s3], $0x80, v4, vm0, $0xb8;
	[tilespmem:$0x10100] =	vst v63  }
0x45: {  	_ = 	snop  }
0x46: {  	[tilespmem:s11], [sflag:$0x1] =	stream.indirect_vreg.gather [hbm4b:s2+s3], $0x80, v3, vm0, $0xb8;
	[tilespmem:$0x10100] =	vst v63  }
0x47: {  	_ = 	snop  }
0x48: {  	[tilespmem:s12], [sflag:$0x1] =	stream.indirect_vreg.gather [hbm4b:s4+s3], $0x80, v3, vm0, $0xb8;
	[tilespmem:$0x10100] =	vst v63  }
0x49: {  	_ = 	snop  }
0x4a: {  	[tilespmem:s13], [sflag:$0x1] =	stream.indirect_vreg.gather [hbm4b:s5+s3], $0x80, v3, vm0, $0xb8;
	[tilespmem:$0x10100] =	vst v63  }
0x4b: {  	_ = 	snop  }
0x4c: {  	[tilespmem:s14], [sflag:$0x1] =	stream.indirect_vreg.gather [hbm4b:s6+s3], $0x80, v3, vm0, $0xb8;
	[tilespmem:$0x10100] =	vst v63  }
0x4d: {  	s21 =	rddreg [dreg:$0x5]  }
0x4e: {  	[tilespmem:s15], [sflag:$0x3] =	stream.linear.gather [hbm4b:s21+s3], $0x20, $0x38;
	[tilespmem:$0x10100] =	vst v63  }
0x4f: {  	_ =	swait.ge [sflag:s8], $0x20  }
0x50: {  	[sflag:s8] =	ssyncset.done $0x0  }
0x51: {  	[sflag:s8] =	ssyncadd.s32 $0xFFFFFFE0  }
0x52: {  	v3 =	vld [tilespmem:$0x80];
	_ =	sdelay $0x4  }
0x53: {  	v54 =	vshll.u32 v3, $0x3  }
0x54: {  	v3 =	vand.u32 $0x7, v3;
	v4 =	vand.u32 $0xFFFFFFC0, v54  }
0x55: {  	v3 =	vor.u32 v3, v4  }
0x56: {  	v4 =	vperm.xlane v3, v0;
	_ =	sdelay $0x1  }
0x57: {  	v4 =	vadd.s32 v1, v4;
	_ =	sdelay $0x4  }
0x58: {  	[tilespmem:s0], [sflag:$0x2] =	stream.indirect_vreg.gather [hbm4b:s2+s3], $0x80, v4, vm0, $0xb8;
	[tilespmem:$0x10100] =	vst v63  }
0x59: {  	v3 =	vperm.xlane v3, v2  }
0x5a: {  	[tilespmem:s16], [sflag:$0x2] =	stream.indirect_vreg.gather [hbm4b:s4+s3], $0x80, v4, vm0, $0xb8;
	[tilespmem:$0x10100] =	vst v63  }
0x5b: {  	v3 =	vadd.s32 v1, v3  }
0x5c: {  	[tilespmem:s17], [sflag:$0x2] =	stream.indirect_vreg.gather [hbm4b:s5+s3], $0x80, v4, vm0, $0xb8;
	[tilespmem:$0x10100] =	vst v63  }
0x5d: {  	_ = 	snop  }
0x5e: {  	[tilespmem:s18], [sflag:$0x2] =	stream.indirect_vreg.gather [hbm4b:s6+s3], $0x80, v4, vm0, $0xb8;
	[tilespmem:$0x10100] =	vst v63  }
0x5f: {  	s21 =	simm.s32 $0xA100  }
0x60: {  	[tilespmem:s21], [sflag:$0x2] =	stream.indirect_vreg.gather [hbm4b:s2+s3], $0x80, v3, vm0, $0xb8;
	[tilespmem:$0x10100] =	vst v63  }
0x61: {  	s21 =	simm.s32 $0xA900  }
0x62: {  	[tilespmem:s21], [sflag:$0x2] =	stream.indirect_vreg.gather [hbm4b:s4+s3], $0x80, v3, vm0, $0xb8;
	[tilespmem:$0x10100] =	vst v63  }
0x63: {  	s21 =	simm.s32 $0xB100  }
0x64: {  	[tilespmem:s21], [sflag:$0x2] =	stream.indirect_vreg.gather [hbm4b:s5+s3], $0x80, v3, vm0, $0xb8;
	[tilespmem:$0x10100] =	vst v63  }
0x65: {  	s21 =	simm.s32 $0xB900  }
0x66: {  	[tilespmem:s21], [sflag:$0x2] =	stream.indirect_vreg.gather [hbm4b:s6+s3], $0x80, v3, vm0, $0xb8;
	[tilespmem:$0x10100] =	vst v63  }
0x67: {  	v3 =	vld [tilespmem:$0x90];
	_ =	sdelay $0x4  }
0x68: {  	v55 =	vshll.u32 v3, $0x3  }
0x69: {  	v3 =	vand.u32 $0x7, v3;
	v4 =	vand.u32 $0xFFFFFFC0, v55  }
0x6a: {  	v3 =	vor.u32 v3, v4  }
0x6b: {  	v4 =	vperm.xlane v3, v0;
	_ =	sdelay $0x1  }
0x6c: {  	v4 =	vadd.s32 v1, v4;
	_ =	sdelay $0x3  }
0x6d: {  	s21 =	simm.s32 $0xC100  }
0x6e: {  	[tilespmem:s21], [sflag:$0x2] =	stream.indirect_vreg.gather [hbm4b:s2+s3], $0x80, v4, vm0, $0xb8;
	[tilespmem:$0x10100] =	vst v63  }
0x6f: {  	v3 =	vperm.xlane v3, v2;
	s21 =	simm.s32 $0xC900  }
0x70: {  	[tilespmem:s21], [sflag:$0x2] =	stream.indirect_vreg.gather [hbm4b:s4+s3], $0x80, v4, vm0, $0xb8;
	[tilespmem:$0x10100] =	vst v63  }
0x71: {  	v3 =	vadd.s32 v1, v3;
	s21 =	simm.s32 $0xD100  }
0x72: {  	[tilespmem:s21], [sflag:$0x2] =	stream.indirect_vreg.gather [hbm4b:s5+s3], $0x80, v4, vm0, $0xb8;
	[tilespmem:$0x10100] =	vst v63  }
0x73: {  	s21 =	simm.s32 $0xD900  }
0x74: {  	[tilespmem:s21], [sflag:$0x2] =	stream.indirect_vreg.gather [hbm4b:s6+s3], $0x80, v4, vm0, $0xb8;
	[tilespmem:$0x10100] =	vst v63  }
0x75: {  	s21 =	simm.s32 $0xE100  }
0x76: {  	[tilespmem:s21], [sflag:$0x2] =	stream.indirect_vreg.gather [hbm4b:s2+s3], $0x80, v3, vm0, $0xb8;
	[tilespmem:$0x10100] =	vst v63  }
0x77: {  	s21 =	simm.s32 $0xE900  }
0x78: {  	[tilespmem:s21], [sflag:$0x2] =	stream.indirect_vreg.gather [hbm4b:s4+s3], $0x80, v3, vm0, $0xb8;
	[tilespmem:$0x10100] =	vst v63  }
0x79: {  	s21 =	simm.s32 $0xF100  }
0x7a: {  	[tilespmem:s21], [sflag:$0x2] =	stream.indirect_vreg.gather [hbm4b:s5+s3], $0x80, v3, vm0, $0xb8;
	[tilespmem:$0x10100] =	vst v63  }
0x7b: {  	s21 =	simm.s32 $0xF900  }
0x7c: {  	[tilespmem:s21], [sflag:$0x2] =	stream.indirect_vreg.gather [hbm4b:s6+s3], $0x80, v3, vm0, $0xb8;
	[tilespmem:$0x10100] =	vst v63  }
0x7d: {  	_ =	swait.ge [sflag:s19], $0x8000  }
0x7e: {  	[sflag:s19] =	ssyncset.done $0x0  }
0x7f: {  	s21 =	rddreg [dreg:$0x6];
	[sflag:s19] =	ssyncadd.s32 $0xFFFF8000  }
0x80: {  	[hbm4b:s21+s3] =	stream.linear.scatter [tilespmem:s26], [sflag:$0x3], $0x8000, $0x38;
	[tilespmem:$0x10100] =	vst v63  }
0x81: {  	_ =	swait.ge [sflag:s8], $0x8000  }
0x82: {  	[sflag:s8] =	ssyncset.done $0x0  }
0x83: {  	s21 =	rddreg [dreg:$0x7];
	[sflag:s8] =	ssyncadd.s32 $0xFFFF8000  }
0x84: {  	[tilespmem:s3], [sflag:$0x3] =	stream.linear.gather [hbm4b:s21+s3], $0x20, $0x38;
	[tilespmem:$0x10100] =	vst v63  }
0x85: {  	_ =	swait.ge [sflag:s8], $0x20  }
0x86: {  	[sflag:s8] =	ssyncset.done $0x0  }
0x87: {  	[sflag:s8] =	ssyncadd.s32 $0xFFFFFFE0  }
0x88: {  	v3 =	vld [tilespmem:$0x0];
	_ =	sdelay $0x4  }
0x89: {  	v56 =	vshll.u32 v3, $0x3  }
0x8a: {  	v3 =	vand.u32 $0x7, v3;
	v4 =	vand.u32 $0xFFFFFFC0, v56  }
0x8b: {  	v3 =	vor.u32 v3, v4  }
0x8c: {  	v4 =	vperm.xlane v3, v0;
	_ =	sdelay $0x1  }
0x8d: {  	v4 =	vadd.s32 v1, v4;
	_ =	sdelay $0x4  }
0x8e: {  	[tilespmem:s26], [sflag:$0x1] =	stream.indirect_vreg.gather [hbm4b:s2+s3], $0x80, v4, vm0, $0xb8;
	[tilespmem:$0x10100] =	vst v63  }
0x8f: {  	v3 =	vperm.xlane v3, v2  }
0x90: {  	[tilespmem:s22], [sflag:$0x1] =	stream.indirect_vreg.gather [hbm4b:s4+s3], $0x80, v4, vm0, $0xb8;
	[tilespmem:$0x10100] =	vst v63  }
0x91: {  	v3 =	vadd.s32 v1, v3  }
0x92: {  	[tilespmem:s23], [sflag:$0x1] =	stream.indirect_vreg.gather [hbm4b:s5+s3], $0x80, v4, vm0, $0xb8;
	[tilespmem:$0x10100] =	vst v63  }
0x93: {  	_ = 	snop  }
0x94: {  	[tilespmem:s24], [sflag:$0x1] =	stream.indirect_vreg.gather [hbm4b:s6+s3], $0x80, v4, vm0, $0xb8;
	[tilespmem:$0x10100] =	vst v63  }
0x95: {  	_ = 	snop  }
0x96: {  	[tilespmem:s25], [sflag:$0x1] =	stream.indirect_vreg.gather [hbm4b:s2+s3], $0x80, v3, vm0, $0xb8;
	[tilespmem:$0x10100] =	vst v63  }
0x97: {  	_ = 	snop  }
0x98: {  	[tilespmem:s28], [sflag:$0x1] =	stream.indirect_vreg.gather [hbm4b:s4+s3], $0x80, v3, vm0, $0xb8;
	[tilespmem:$0x10100] =	vst v63  }
0x99: {  	_ = 	snop  }
0x9a: {  	[tilespmem:s29], [sflag:$0x1] =	stream.indirect_vreg.gather [hbm4b:s5+s3], $0x80, v3, vm0, $0xb8;
	[tilespmem:$0x10100] =	vst v63  }
0x9b: {  	_ = 	snop  }
0x9c: {  	[tilespmem:s30], [sflag:$0x1] =	stream.indirect_vreg.gather [hbm4b:s6+s3], $0x80, v3, vm0, $0xb8;
	[tilespmem:$0x10100] =	vst v63  }
0x9d: {  	v3 =	vld [tilespmem:$0x10];
	_ =	sdelay $0x4  }
0x9e: {  	v57 =	vshll.u32 v3, $0x3  }
0x9f: {  	v3 =	vand.u32 $0x7, v3;
	v4 =	vand.u32 $0xFFFFFFC0, v57  }
0xa0: {  	v3 =	vor.u32 v3, v4  }
0xa1: {  	v4 =	vperm.xlane v3, v0;
	_ =	sdelay $0x1  }
0xa2: {  	v4 =	vadd.s32 v1, v4;
	_ =	sdelay $0x4  }
0xa3: {  	[tilespmem:s31], [sflag:$0x1] =	stream.indirect_vreg.gather [hbm4b:s2+s3], $0x80, v4, vm0, $0xb8;
	[tilespmem:$0x10100] =	vst v63  }
0xa4: {  	v3 =	vperm.xlane v3, v2  }
0xa5: {  	[tilespmem:s1], [sflag:$0x1] =	stream.indirect_vreg.gather [hbm4b:s4+s3], $0x80, v4, vm0, $0xb8;
	[tilespmem:$0x10100] =	vst v63  }
0xa6: {  	v3 =	vadd.s32 v1, v3  }
0xa7: {  	[tilespmem:s9], [sflag:$0x1] =	stream.indirect_vreg.gather [hbm4b:s5+s3], $0x80, v4, vm0, $0xb8;
	[tilespmem:$0x10100] =	vst v63  }
0xa8: {  	_ = 	snop  }
0xa9: {  	[tilespmem:s10], [sflag:$0x1] =	stream.indirect_vreg.gather [hbm4b:s6+s3], $0x80, v4, vm0, $0xb8;
	[tilespmem:$0x10100] =	vst v63  }
0xaa: {  	_ = 	snop  }
0xab: {  	[tilespmem:s11], [sflag:$0x1] =	stream.indirect_vreg.gather [hbm4b:s2+s3], $0x80, v3, vm0, $0xb8;
	[tilespmem:$0x10100] =	vst v63  }
0xac: {  	_ = 	snop  }
0xad: {  	[tilespmem:s12], [sflag:$0x1] =	stream.indirect_vreg.gather [hbm4b:s4+s3], $0x80, v3, vm0, $0xb8;
	[tilespmem:$0x10100] =	vst v63  }
0xae: {  	_ = 	snop  }
0xaf: {  	[tilespmem:s13], [sflag:$0x1] =	stream.indirect_vreg.gather [hbm4b:s5+s3], $0x80, v3, vm0, $0xb8;
	[tilespmem:$0x10100] =	vst v63  }
0xb0: {  	_ = 	snop  }
0xb1: {  	[tilespmem:s14], [sflag:$0x1] =	stream.indirect_vreg.gather [hbm4b:s6+s3], $0x80, v3, vm0, $0xb8;
	[tilespmem:$0x10100] =	vst v63  }
0xb2: {  	_ =	swait.ge [sflag:s20], $0x8000  }
0xb3: {  	[sflag:s20] =	ssyncset.done $0x0  }
0xb4: {  	s21 =	rddreg [dreg:$0x8];
	[sflag:s20] =	ssyncadd.s32 $0xFFFF8000  }
0xb5: {  	[hbm4b:s21+s3] =	stream.linear.scatter [tilespmem:s0], [sflag:$0x3], $0x8000, $0x38;
	[tilespmem:$0x10100] =	vst v63  }
0xb6: {  	_ =	swait.ge [sflag:s8], $0x8000  }
0xb7: {  	[sflag:s8] =	ssyncset.done $0x0  }
0xb8: {  	s21 =	rddreg [dreg:$0x9];
	[sflag:s8] =	ssyncadd.s32 $0xFFFF8000  }
0xb9: {  	[tilespmem:s15], [sflag:$0x3] =	stream.linear.gather [hbm4b:s21+s3], $0x20, $0x38;
	[tilespmem:$0x10100] =	vst v63  }
0xba: {  	_ =	swait.ge [sflag:s8], $0x20  }
0xbb: {  	[sflag:s8] =	ssyncset.done $0x0  }
0xbc: {  	[sflag:s8] =	ssyncadd.s32 $0xFFFFFFE0  }
0xbd: {  	v3 =	vld [tilespmem:$0x80];
	_ =	sdelay $0x4  }
0xbe: {  	v58 =	vshll.u32 v3, $0x3  }
0xbf: {  	v3 =	vand.u32 $0x7, v3;
	v4 =	vand.u32 $0xFFFFFFC0, v58  }
0xc0: {  	v3 =	vor.u32 v3, v4  }
0xc1: {  	v4 =	vperm.xlane v3, v0;
	_ =	sdelay $0x1  }
0xc2: {  	v4 =	vadd.s32 v1, v4;
	_ =	sdelay $0x4  }
0xc3: {  	[tilespmem:s0], [sflag:$0x2] =	stream.indirect_vreg.gather [hbm4b:s2+s3], $0x80, v4, vm0, $0xb8;
	[tilespmem:$0x10100] =	vst v63  }
0xc4: {  	v3 =	vperm.xlane v3, v2  }
0xc5: {  	[tilespmem:s16], [sflag:$0x2] =	stream.indirect_vreg.gather [hbm4b:s4+s3], $0x80, v4, vm0, $0xb8;
	[tilespmem:$0x10100] =	vst v63  }
0xc6: {  	v3 =	vadd.s32 v1, v3  }
0xc7: {  	[tilespmem:s17], [sflag:$0x2] =	stream.indirect_vreg.gather [hbm4b:s5+s3], $0x80, v4, vm0, $0xb8;
	[tilespmem:$0x10100] =	vst v63  }
0xc8: {  	_ = 	snop  }
0xc9: {  	[tilespmem:s18], [sflag:$0x2] =	stream.indirect_vreg.gather [hbm4b:s6+s3], $0x80, v4, vm0, $0xb8;
	[tilespmem:$0x10100] =	vst v63  }
0xca: {  	s21 =	simm.s32 $0xA100  }
0xcb: {  	[tilespmem:s21], [sflag:$0x2] =	stream.indirect_vreg.gather [hbm4b:s2+s3], $0x80, v3, vm0, $0xb8;
	[tilespmem:$0x10100] =	vst v63  }
0xcc: {  	s21 =	simm.s32 $0xA900  }
0xcd: {  	[tilespmem:s21], [sflag:$0x2] =	stream.indirect_vreg.gather [hbm4b:s4+s3], $0x80, v3, vm0, $0xb8;
	[tilespmem:$0x10100] =	vst v63  }
0xce: {  	s21 =	simm.s32 $0xB100  }
0xcf: {  	[tilespmem:s21], [sflag:$0x2] =	stream.indirect_vreg.gather [hbm4b:s5+s3], $0x80, v3, vm0, $0xb8;
	[tilespmem:$0x10100] =	vst v63  }
0xd0: {  	s21 =	simm.s32 $0xB900  }
0xd1: {  	[tilespmem:s21], [sflag:$0x2] =	stream.indirect_vreg.gather [hbm4b:s6+s3], $0x80, v3, vm0, $0xb8;
	[tilespmem:$0x10100] =	vst v63  }
0xd2: {  	v3 =	vld [tilespmem:$0x90];
	_ =	sdelay $0x4  }
0xd3: {  	v59 =	vshll.u32 v3, $0x3  }
0xd4: {  	v3 =	vand.u32 $0x7, v3;
	v4 =	vand.u32 $0xFFFFFFC0, v59  }
0xd5: {  	v3 =	vor.u32 v3, v4  }
0xd6: {  	v4 =	vperm.xlane v3, v0;
	_ =	sdelay $0x1  }
0xd7: {  	v4 =	vadd.s32 v1, v4;
	_ =	sdelay $0x3  }
0xd8: {  	s21 =	simm.s32 $0xC100  }
0xd9: {  	[tilespmem:s21], [sflag:$0x2] =	stream.indirect_vreg.gather [hbm4b:s2+s3], $0x80, v4, vm0, $0xb8;
	[tilespmem:$0x10100] =	vst v63  }
0xda: {  	v3 =	vperm.xlane v3, v2;
	s21 =	simm.s32 $0xC900  }
0xdb: {  	[tilespmem:s21], [sflag:$0x2] =	stream.indirect_vreg.gather [hbm4b:s4+s3], $0x80, v4, vm0, $0xb8;
	[tilespmem:$0x10100] =	vst v63  }
0xdc: {  	v3 =	vadd.s32 v1, v3;
	s21 =	simm.s32 $0xD100  }
0xdd: {  	[tilespmem:s21], [sflag:$0x2] =	stream.indirect_vreg.gather [hbm4b:s5+s3], $0x80, v4, vm0, $0xb8;
	[tilespmem:$0x10100] =	vst v63  }
0xde: {  	s21 =	simm.s32 $0xD900  }
0xdf: {  	[tilespmem:s21], [sflag:$0x2] =	stream.indirect_vreg.gather [hbm4b:s6+s3], $0x80, v4, vm0, $0xb8;
	[tilespmem:$0x10100] =	vst v63  }
0xe0: {  	s21 =	simm.s32 $0xE100  }
0xe1: {  	[tilespmem:s21], [sflag:$0x2] =	stream.indirect_vreg.gather [hbm4b:s2+s3], $0x80, v3, vm0, $0xb8;
	[tilespmem:$0x10100] =	vst v63  }
0xe2: {  	s21 =	simm.s32 $0xE900  }
0xe3: {  	[tilespmem:s21], [sflag:$0x2] =	stream.indirect_vreg.gather [hbm4b:s4+s3], $0x80, v3, vm0, $0xb8;
	[tilespmem:$0x10100] =	vst v63  }
0xe4: {  	s21 =	simm.s32 $0xF100  }
0xe5: {  	[tilespmem:s21], [sflag:$0x2] =	stream.indirect_vreg.gather [hbm4b:s5+s3], $0x80, v3, vm0, $0xb8;
	[tilespmem:$0x10100] =	vst v63  }
0xe6: {  	s21 =	simm.s32 $0xF900  }
0xe7: {  	[tilespmem:s21], [sflag:$0x2] =	stream.indirect_vreg.gather [hbm4b:s6+s3], $0x80, v3, vm0, $0xb8;
	[tilespmem:$0x10100] =	vst v63  }
0xe8: {  	_ =	swait.ge [sflag:s19], $0x8000  }
0xe9: {  	[sflag:s19] =	ssyncset.done $0x0  }
0xea: {  	s21 =	rddreg [dreg:$0xa];
	[sflag:s19] =	ssyncadd.s32 $0xFFFF8000  }
0xeb: {  	[hbm4b:s21+s3] =	stream.linear.scatter [tilespmem:s26], [sflag:$0x3], $0x8000, $0x38;
	[tilespmem:$0x10100] =	vst v63  }
0xec: {  	_ =	swait.ge [sflag:s8], $0x8000  }
0xed: {  	[sflag:s8] =	ssyncset.done $0x0  }
0xee: {  	s21 =	rddreg [dreg:$0xb];
	[sflag:s8] =	ssyncadd.s32 $0xFFFF8000  }
0xef: {  	[tilespmem:s3], [sflag:$0x3] =	stream.linear.gather [hbm4b:s21+s3], $0x20, $0x38;
	[tilespmem:$0x10100] =	vst v63  }
0xf0: {  	_ =	swait.ge [sflag:s8], $0x20  }
0xf1: {  	[sflag:s8] =	ssyncset.done $0x0  }
0xf2: {  	[sflag:s8] =	ssyncadd.s32 $0xFFFFFFE0  }
0xf3: {  	v3 =	vld [tilespmem:$0x0];
	_ =	sdelay $0x4  }
0xf4: {  	v60 =	vshll.u32 v3, $0x3  }
0xf5: {  	v3 =	vand.u32 $0x7, v3;
	v4 =	vand.u32 $0xFFFFFFC0, v60  }
0xf6: {  	v3 =	vor.u32 v3, v4  }
0xf7: {  	v4 =	vperm.xlane v3, v0;
	_ =	sdelay $0x1  }
0xf8: {  	v4 =	vadd.s32 v1, v4;
	_ =	sdelay $0x4  }
0xf9: {  	[tilespmem:s26], [sflag:$0x1] =	stream.indirect_vreg.gather [hbm4b:s2+s3], $0x80, v4, vm0, $0xb8;
	[tilespmem:$0x10100] =	vst v63  }
0xfa: {  	v3 =	vperm.xlane v3, v2  }
0xfb: {  	[tilespmem:s22], [sflag:$0x1] =	stream.indirect_vreg.gather [hbm4b:s4+s3], $0x80, v4, vm0, $0xb8;
	[tilespmem:$0x10100] =	vst v63  }
0xfc: {  	v3 =	vadd.s32 v1, v3  }
0xfd: {  	[tilespmem:s23], [sflag:$0x1] =	stream.indirect_vreg.gather [hbm4b:s5+s3], $0x80, v4, vm0, $0xb8;
	[tilespmem:$0x10100] =	vst v63  }
0xfe: {  	_ = 	snop  }
0xff: {  	[tilespmem:s24], [sflag:$0x1] =	stream.indirect_vreg.gather [hbm4b:s6+s3], $0x80, v4, vm0, $0xb8;
	[tilespmem:$0x10100] =	vst v63  }
0x100: {  	_ = 	snop  }
0x101: {  	[tilespmem:s25], [sflag:$0x1] =	stream.indirect_vreg.gather [hbm4b:s2+s3], $0x80, v3, vm0, $0xb8;
	[tilespmem:$0x10100] =	vst v63  }
0x102: {  	_ = 	snop  }
0x103: {  	[tilespmem:s28], [sflag:$0x1] =	stream.indirect_vreg.gather [hbm4b:s4+s3], $0x80, v3, vm0, $0xb8;
	[tilespmem:$0x10100] =	vst v63  }
0x104: {  	_ = 	snop  }
0x105: {  	[tilespmem:s29], [sflag:$0x1] =	stream.indirect_vreg.gather [hbm4b:s5+s3], $0x80, v3, vm0, $0xb8;
	[tilespmem:$0x10100] =	vst v63  }
0x106: {  	_ = 	snop  }
0x107: {  	[tilespmem:s30], [sflag:$0x1] =	stream.indirect_vreg.gather [hbm4b:s6+s3], $0x80, v3, vm0, $0xb8;
	[tilespmem:$0x10100] =	vst v63  }
0x108: {  	v3 =	vld [tilespmem:$0x10];
	_ =	sdelay $0x4  }
0x109: {  	v61 =	vshll.u32 v3, $0x3  }
0x10a: {  	v3 =	vand.u32 $0x7, v3;
	v4 =	vand.u32 $0xFFFFFFC0, v61  }
0x10b: {  	v3 =	vor.u32 v3, v4  }
0x10c: {  	v4 =	vperm.xlane v3, v0;
	_ =	sdelay $0x1  }
0x10d: {  	v4 =	vadd.s32 v1, v4;
	_ =	sdelay $0x4  }
0x10e: {  	[tilespmem:s31], [sflag:$0x1] =	stream.indirect_vreg.gather [hbm4b:s2+s3], $0x80, v4, vm0, $0xb8;
	[tilespmem:$0x10100] =	vst v63  }
0x10f: {  	v3 =	vperm.xlane v3, v2  }
0x110: {  	[tilespmem:s1], [sflag:$0x1] =	stream.indirect_vreg.gather [hbm4b:s4+s3], $0x80, v4, vm0, $0xb8;
	[tilespmem:$0x10100] =	vst v63  }
0x111: {  	v3 =	vadd.s32 v1, v3  }
0x112: {  	[tilespmem:s9], [sflag:$0x1] =	stream.indirect_vreg.gather [hbm4b:s5+s3], $0x80, v4, vm0, $0xb8;
	[tilespmem:$0x10100] =	vst v63  }
0x113: {  	_ = 	snop  }
0x114: {  	[tilespmem:s10], [sflag:$0x1] =	stream.indirect_vreg.gather [hbm4b:s6+s3], $0x80, v4, vm0, $0xb8;
	[tilespmem:$0x10100] =	vst v63  }
0x115: {  	_ = 	snop  }
0x116: {  	[tilespmem:s11], [sflag:$0x1] =	stream.indirect_vreg.gather [hbm4b:s2+s3], $0x80, v3, vm0, $0xb8;
	[tilespmem:$0x10100] =	vst v63  }
0x117: {  	_ = 	snop  }
0x118: {  	[tilespmem:s12], [sflag:$0x1] =	stream.indirect_vreg.gather [hbm4b:s4+s3], $0x80, v3, vm0, $0xb8;
	[tilespmem:$0x10100] =	vst v63  }
0x119: {  	_ = 	snop  }
0x11a: {  	[tilespmem:s13], [sflag:$0x1] =	stream.indirect_vreg.gather [hbm4b:s5+s3], $0x80, v3, vm0, $0xb8;
	[tilespmem:$0x10100] =	vst v63  }
0x11b: {  	_ = 	snop  }
0x11c: {  	[tilespmem:s14], [sflag:$0x1] =	stream.indirect_vreg.gather [hbm4b:s6+s3], $0x80, v3, vm0, $0xb8;
	[tilespmem:$0x10100] =	vst v63  }
0x11d: {  	_ =	swait.ge [sflag:s20], $0x8000  }
0x11e: {  	[sflag:s20] =	ssyncset.done $0x0  }
0x11f: {  	s1 =	rddreg [dreg:$0xc];
	[sflag:s20] =	ssyncadd.s32 $0xFFFF8000  }
0x120: {  	[hbm4b:s1+s3] =	stream.linear.scatter [tilespmem:s0], [sflag:$0x3], $0x8000, $0x38;
	[tilespmem:$0x10100] =	vst v63  }
0x121: {  	_ =	swait.ge [sflag:s8], $0x8000  }
0x122: {  	[sflag:s8] =	ssyncset.done $0x0  }
0x123: {  	s1 =	rddreg [dreg:$0xd];
	[sflag:s8] =	ssyncadd.s32 $0xFFFF8000  }
0x124: {  	[tilespmem:s15], [sflag:$0x3] =	stream.linear.gather [hbm4b:s1+s3], $0x20, $0x38;
	[tilespmem:$0x10100] =	vst v63  }
0x125: {  	_ =	swait.ge [sflag:s8], $0x20  }
0x126: {  	[sflag:s8] =	ssyncset.done $0x0  }
0x127: {  	[sflag:s8] =	ssyncadd.s32 $0xFFFFFFE0  }
0x128: {  	v3 =	vld [tilespmem:$0x80];
	_ =	sdelay $0x4  }
0x129: {  	v62 =	vshll.u32 v3, $0x3  }
0x12a: {  	v3 =	vand.u32 $0x7, v3;
	v4 =	vand.u32 $0xFFFFFFC0, v62  }
0x12b: {  	v3 =	vor.u32 v3, v4  }
0x12c: {  	v4 =	vperm.xlane v3, v0;
	_ =	sdelay $0x1  }
0x12d: {  	v4 =	vadd.s32 v1, v4;
	_ =	sdelay $0x4  }
0x12e: {  	[tilespmem:s0], [sflag:$0x2] =	stream.indirect_vreg.gather [hbm4b:s2+s3], $0x80, v4, vm0, $0xb8;
	[tilespmem:$0x10100] =	vst v63  }
0x12f: {  	v3 =	vperm.xlane v3, v2  }
0x130: {  	[tilespmem:s16], [sflag:$0x2] =	stream.indirect_vreg.gather [hbm4b:s4+s3], $0x80, v4, vm0, $0xb8;
	[tilespmem:$0x10100] =	vst v63  }
0x131: {  	v3 =	vadd.s32 v1, v3  }
0x132: {  	[tilespmem:s17], [sflag:$0x2] =	stream.indirect_vreg.gather [hbm4b:s5+s3], $0x80, v4, vm0, $0xb8;
	[tilespmem:$0x10100] =	vst v63  }
0x133: {  	_ = 	snop  }
0x134: {  	[tilespmem:s18], [sflag:$0x2] =	stream.indirect_vreg.gather [hbm4b:s6+s3], $0x80, v4, vm0, $0xb8;
	[tilespmem:$0x10100] =	vst v63  }
0x135: {  	s21 =	simm.s32 $0xA100  }
0x136: {  	[tilespmem:s21], [sflag:$0x2] =	stream.indirect_vreg.gather [hbm4b:s2+s3], $0x80, v3, vm0, $0xb8;
	[tilespmem:$0x10100] =	vst v63  }
0x137: {  	s21 =	simm.s32 $0xA900  }
0x138: {  	[tilespmem:s21], [sflag:$0x2] =	stream.indirect_vreg.gather [hbm4b:s4+s3], $0x80, v3, vm0, $0xb8;
	[tilespmem:$0x10100] =	vst v63  }
0x139: {  	s21 =	simm.s32 $0xB100  }
0x13a: {  	[tilespmem:s21], [sflag:$0x2] =	stream.indirect_vreg.gather [hbm4b:s5+s3], $0x80, v3, vm0, $0xb8;
	[tilespmem:$0x10100] =	vst v63  }
0x13b: {  	s21 =	simm.s32 $0xB900  }
0x13c: {  	[tilespmem:s21], [sflag:$0x2] =	stream.indirect_vreg.gather [hbm4b:s6+s3], $0x80, v3, vm0, $0xb8;
	[tilespmem:$0x10100] =	vst v63  }
0x13d: {  	v3 =	vld [tilespmem:$0x90];
	_ =	sdelay $0x4  }
0x13e: {  	v63 =	vshll.u32 v3, $0x3  }
0x13f: {  	v3 =	vand.u32 $0x7, v3;
	v4 =	vand.u32 $0xFFFFFFC0, v63  }
0x140: {  	v3 =	vor.u32 v3, v4  }
0x141: {  	v4 =	vperm.xlane v3, v0;
	_ =	sdelay $0x1  }
0x142: {  	v4 =	vadd.s32 v1, v4;
	_ =	sdelay $0x3  }
0x143: {  	s21 =	simm.s32 $0xC100  }
0x144: {  	[tilespmem:s21], [sflag:$0x2] =	stream.indirect_vreg.gather [hbm4b:s2+s3], $0x80, v4, vm0, $0xb8;
	[tilespmem:$0x10100] =	vst v63  }
0x145: {  	v3 =	vperm.xlane v3, v2;
	s21 =	simm.s32 $0xC900  }
0x146: {  	[tilespmem:s21], [sflag:$0x2] =	stream.indirect_vreg.gather [hbm4b:s4+s3], $0x80, v4, vm0, $0xb8;
	[tilespmem:$0x10100] =	vst v63  }
0x147: {  	v3 =	vadd.s32 v1, v3;
	s21 =	simm.s32 $0xD100  }
0x148: {  	[tilespmem:s21], [sflag:$0x2] =	stream.indirect_vreg.gather [hbm4b:s5+s3], $0x80, v4, vm0, $0xb8;
	[tilespmem:$0x10100] =	vst v63  }
0x149: {  	s21 =	simm.s32 $0xD900  }
0x14a: {  	[tilespmem:s21], [sflag:$0x2] =	stream.indirect_vreg.gather [hbm4b:s6+s3], $0x80, v4, vm0, $0xb8;
	[tilespmem:$0x10100] =	vst v63  }
0x14b: {  	s21 =	simm.s32 $0xE100  }
0x14c: {  	[tilespmem:s21], [sflag:$0x2] =	stream.indirect_vreg.gather [hbm4b:s2+s3], $0x80, v3, vm0, $0xb8;
	[tilespmem:$0x10100] =	vst v63  }
0x14d: {  	s21 =	simm.s32 $0xE900  }
0x14e: {  	[tilespmem:s21], [sflag:$0x2] =	stream.indirect_vreg.gather [hbm4b:s4+s3], $0x80, v3, vm0, $0xb8;
	[tilespmem:$0x10100] =	vst v63  }
0x14f: {  	s21 =	simm.s32 $0xF100  }
0x150: {  	[tilespmem:s21], [sflag:$0x2] =	stream.indirect_vreg.gather [hbm4b:s5+s3], $0x80, v3, vm0, $0xb8;
	[tilespmem:$0x10100] =	vst v63  }
0x151: {  	s21 =	simm.s32 $0xF900  }
0x152: {  	[tilespmem:s21], [sflag:$0x2] =	stream.indirect_vreg.gather [hbm4b:s6+s3], $0x80, v3, vm0, $0xb8;
	[tilespmem:$0x10100] =	vst v63  }
0x153: {  	_ =	swait.ge [sflag:s19], $0x8000  }
0x154: {  	[sflag:s19] =	ssyncset.done $0x0  }
0x155: {  	s1 =	rddreg [dreg:$0xe];
	[sflag:s19] =	ssyncadd.s32 $0xFFFF8000  }
0x156: {  	[hbm4b:s1+s3] =	stream.linear.scatter [tilespmem:s26], [sflag:$0x3], $0x8000, $0x38;
	[tilespmem:$0x10100] =	vst v63  }
0x157: {  	_ =	swait.ge [sflag:s8], $0x8000  }
0x158: {  	[sflag:s8] =	ssyncset.done $0x0  }
0x159: {  	[sflag:s8] =	ssyncadd.s32 $0xFFFF8000  }
0x15a: {  	_ =	swait.ge [sflag:s20], $0x8000  }
0x15b: {  	p0 =	sne.s32 s7, $0x1;
	[sflag:s20] =	ssyncset.done $0x0  }
.Ltmp0:
0x15c: {  	s1 =	rddreg [dreg:$0xf];
	[sflag:s20] =	ssyncadd.s32 $0xFFFF8000;
	(pc) =	sbr.rel @p0 .LBB2_1-.Ltmp0, $4  }
0x15d: {  	[hbm4b:s1+s3] =	stream.linear.scatter [tilespmem:s0], [sflag:$0x3], $0x8000, $0x38;
	[tilespmem:$0x10100] =	vst v63  }
0x15e: {  	_ =	swait.ge [sflag:s8], $0x8000  }
0x15f: {  	[sflag:s8] =	ssyncset.done $0x0  }
0x160: {  	s7 =	sadd.s32 $0xFFFFFFFF, s7;
	[sflag:s8] =	ssyncadd.s32 $0xFFFF8000  }
0x161: {  	_ =	sfence.sel $0x180000  }
0x162: {  	[bflag:$0x0] =	sbarrier.arrive $0xFFFF  }
0x163: {  	_ =	strace $0x90000047  }
0x164: {  	s0 =	stileid.u32;
	[bflag:$0x2] =	sbarrier.arrive $0xFFFF  }
0x165: {  	p0 =	sne.s32 s0, $0x0;
	s0 =	rddreg [dreg:$0x3]  }
0x166: {  	s0 =	sadd.s32 @!p0 $0x100000, s0  }
0x167: {  	[sflag:s0] =	ssyncadd.tile.s32 @!p0 $0x1;
	_ =	shalt  }
.Lfunc_end2:
_tile_overlayer_lowered:
.L_overlay_start_2:
0x168: {  	(tag) =	ssettag $0x2  }
0x169: {  	s0 =	rddreg [dreg:$0x0];
	s2 =	stileid.u32  }
0x16a: {  	s1 =	rddreg [dreg:$0x1];
	p0 =	sne.s32 s2, $0x0  }
0x16b: {  	s3 =	rddreg [dreg:$0x2];
	[bflag:$0x3] =	sbarrier.arrive $0xFFFF;
	s2 =	simm.s32 @!p0 $0x1C03  }
0x16c: {  	[timem:s3], [sflag:s2] =	dma.local @!p0 [hbm:s0], s1  }
0x16d: {  	s0 =	simm.s32 @!p0 $0x3  }
0x16e: {  	_ =	swait.ge @!p0 [sflag:s0], s1  }
0x16f: {  	s1 =	ssub.s32 @!p0 $0x0, s1;
	[sflag:s0] =	ssyncset.done @!p0 $0x0  }
0x170: {  	[sflag:s0] =	ssyncadd.s32 @!p0 s1  }
0x171: {  	[bflag:$0x3] =	sbarrier.arrive $0xFFFF  }
0x172: {  	_ =	shalt  }

</sc_bundles>
